<compile_context>
chip_gen: v7x
topology: tpu7x:2x2x1
jax: 0.10.2.dev20260603
libtpu: 0.0.44.dev20260713+nightly
codegen_flags: <defaults>
</compile_context>

<pallas_src>
import numpy as np
import jax
import jax.numpy as jnp
from jax import lax
from jax.experimental import pallas as pl
from jax.experimental.pallas import tpu as pltpu
from jax.experimental.pallas import tpu_sc as plsc

N_NODES = 10000
N_EDGES = 320000
N_HEADS = 8
CH = 32
D = 128
DW = D + 16
B = 40
NCHUNK = N_EDGES // B
NC = 2
NS = 16
N_TILES = NC * NS
NPAD = 10240
ROWS_PER_TILE = NPAD // NS
ST = 40

_K1_ENDS = [(0, 11), (1, 7), (2, 3), (2, 15), (3, 11), (4, 7), (5, 3), (5, 15)]
_V1_SPLIT = [(12, 0, 1), (8, 1, 2), (4, 2, 3), (12, 4, 5), (8, 5, 6), (4, 6, 7)]


def _sc_body(k0_hbm, k1_hbm, v0_hbm, v1_hbm, q_hbm, dst_hbm, z_hbm, rows_hbm,
             accp_hbm, idx_v, qg, kbuf0, kbuf1, vbuf0, vbuf1, msg, acc_sh,
             sem, semq, semk0, semk1, semv0, semv1):
    cid = lax.axis_index("c")
    sid = lax.axis_index("s")
    wid = sid * NC + cid
    r0 = sid * ROWS_PER_TILE
    n_st = ROWS_PER_TILE // ST

    def wrow(j):
        return pl.ds(r0 + ST * j, ST)

    pltpu.sync_copy(z_hbm, msg)
    for j in range(n_st):
        pltpu.sync_copy(rows_hbm.at[wrow(j)], idx_v)
        pltpu.sync_copy(msg, acc_sh.at[idx_v])
    plsc.subcore_barrier()

    lanes = lax.iota(jnp.int32, 16)
    head_mask = lanes < N_HEADS

    n_iter = NCHUNK // N_TILES

    def chunk_body(i, carry):
        cidx = pltpu.async_copy(dst_hbm.at[wid, i, np.int32(0)], idx_v, sem)
        ck0 = pltpu.async_copy(k0_hbm.at[wid, i], kbuf0, semk0)
        ck1 = pltpu.async_copy(k1_hbm.at[wid, i], kbuf1, semk1)
        cv0 = pltpu.async_copy(v0_hbm.at[wid, i], vbuf0, semv0)
        cv1 = pltpu.async_copy(v1_hbm.at[wid, i], vbuf1, semv1)
        cidx.wait()
        cq = pltpu.async_copy(q_hbm.at[idx_v], qg, semq)
        ck0.wait()
        ck1.wait()
        cv0.wait()
        cv1.wait()
        cq.wait()

        def edge_body(e, carry2):
            s = []
            for j in range(2):
                p = kbuf0[e, pl.ds(16 * j, 16)] * qg[e, pl.ds(16 * j, 16)]
                cs = jnp.cumsum(p)
                prev = np.float32(0.0)
                for l in (3, 7, 11, 15):
                    s.append(cs[l] - prev)
                    prev = cs[l]
            cs1 = []
            for j in range(6):
                p = kbuf1[e, pl.ds(16 * j, 16)] * qg[e, pl.ds(32 + 16 * j, 16)]
                cs1.append(jnp.cumsum(p))
            carry_tot = [np.float32(0.0)]
            for j in range(5):
                carry_tot.append(carry_tot[j] + cs1[j][15])
            prev = np.float32(0.0)
            for h, (j, l) in enumerate(_K1_ENDS):
                b = carry_tot[j] + cs1[j][l]
                s[h] = s[h] + (b - prev)
                prev = b
            acc = jnp.zeros((16,), jnp.float32)
            for h in range(N_HEADS):
                acc = jnp.where(lanes == h, s[h], acc)
            w = jnp.where(head_mask, jnp.exp(acc), 0.0)
            for j in range(2):
                m = jnp.where(lanes < 4, w[4 * j],
                              jnp.where(lanes < 8, w[4 * j + 1],
                                        jnp.where(lanes < 12, w[4 * j + 2],
                                                  w[4 * j + 3])))
                msg[e, pl.ds(16 * j, 16)] = vbuf0[e, pl.ds(16 * j, 16)] * m
            for j, (split, ha, hb) in enumerate(_V1_SPLIT):
                m = jnp.where(lanes < split, w[ha], w[hb])
                msg[e, pl.ds(32 + 16 * j, 16)] = \
                    vbuf1[e, pl.ds(16 * j, 16)] * m
            msg[e, pl.ds(D, 16)] = w
            return carry2

        lax.fori_loop(np.int32(0), np.int32(B), edge_body, np.int32(0),
                      unroll=4)

        pltpu.sync_copy(msg, acc_sh.at[idx_v], add=True)
        return carry

    lax.fori_loop(np.int32(0), np.int32(n_iter), chunk_body, np.int32(0))

    plsc.subcore_barrier()
    for j in range(n_st):
        pltpu.sync_copy(rows_hbm.at[wrow(j)], idx_v)
        pltpu.async_copy(acc_sh.at[idx_v], msg, sem).wait()
        pltpu.sync_copy(msg, accp_hbm.at[cid, wrow(j)])


def _sc_edge_pass(k0f, k1f, v0f, v1f, q_f, dst4):
    mesh = plsc.VectorSubcoreMesh(core_axis_name="c", subcore_axis_name="s",
                                  num_cores=NC, num_subcores=NS)
    f = pl.kernel(
        _sc_body,
        out_type=jax.ShapeDtypeStruct((NC, NPAD, DW), jnp.float32),
        mesh=mesh,
        scratch_types=[
            pltpu.VMEM((B,), jnp.int32),
            pltpu.VMEM((B, D), jnp.float32),
            pltpu.VMEM((B, 32), jnp.float32),
            pltpu.VMEM((B, 96), jnp.float32),
            pltpu.VMEM((B, 32), jnp.float32),
            pltpu.VMEM((B, 96), jnp.float32),
            pltpu.VMEM((B, DW), jnp.float32),
            pltpu.VMEM_SHARED((NPAD, DW), jnp.float32),
            pltpu.SemaphoreType.DMA,
            pltpu.SemaphoreType.DMA,
            pltpu.SemaphoreType.DMA,
            pltpu.SemaphoreType.DMA,
            pltpu.SemaphoreType.DMA,
            pltpu.SemaphoreType.DMA,
        ],
        compiler_params=pltpu.CompilerParams(needs_layout_passes=False,
                                             use_tc_tiling_on_sc=False),
    )
    return f(k0f, k1f, v0f, v1f, q_f, dst4,
             jnp.zeros((ST, DW), jnp.float32),
             jnp.arange(NPAD, dtype=jnp.int32))


def _tc_combine(acc, sel):
    BN = 1280

    def body(a_ref, sel_ref, o_ref):
        p = a_ref[0, :, :D] + a_ref[1, :, :D]
        d = a_ref[0, :, D:] + a_ref[1, :, D:]
        d128 = jnp.dot(d, sel_ref[...], preferred_element_type=jnp.float32)
        o_ref[...] = jnp.where(d128 > 0, p / d128, 0.0)

    return pl.pallas_call(
        body,
        grid=(NPAD // BN,),
        in_specs=[
            pl.BlockSpec((NC, BN, DW), lambda i: (np.int32(0), i, np.int32(0))),
            pl.BlockSpec((16, D), lambda i: (np.int32(0), np.int32(0))),
        ],
        out_specs=pl.BlockSpec((BN, D), lambda i: (i, np.int32(0))),
        out_shape=jax.ShapeDtypeStruct((NPAD, D), jnp.float32),
    )(acc, sel)


_SEL = np.zeros((16, D), np.float32)
for _c in range(D):
    _SEL[_c // 4 if _c < 32 else (_c - 32) // 12, _c] = 1.0


def kernel(v0, v1, k0, k1, q0, q1, edge_index):
    E, N, H = N_EDGES, N_NODES, N_HEADS
    npt = NCHUNK // N_TILES
    dst = edge_index[1].astype(jnp.int32).reshape(N_TILES, npt, 1, B)
    k0f = k0.astype(jnp.float32).reshape(N_TILES, npt, B, 32)
    k1f = k1.astype(jnp.float32).reshape(N_TILES, npt, B, 96)
    v0f = v0.astype(jnp.float32).reshape(N_TILES, npt, B, 32)
    v1f = v1.astype(jnp.float32).reshape(N_TILES, npt, B, 96)
    Q = (jnp.concatenate([q0.reshape(N, 32), q1.reshape(N, 96)], axis=-1)
         .astype(jnp.float32) * np.float32(1.0 / np.sqrt(128.0)))

    acc = _sc_edge_pass(k0f, k1f, v0f, v1f, Q, dst)
    out128 = _tc_combine(acc, jnp.asarray(_SEL))

    out0 = out128[:N, :32].reshape(N, CH, 1).astype(jnp.float64)
    out1 = out128[:N, 32:].reshape(N, CH, 3).astype(jnp.float64)
    return out0, out1

# --- scband reference (transcript-rebuilt; emitter-appended) ---
"""Pipeline reference for scband-gmabse3-59407987638998 (READ-ONLY COPY).

The authoritative reference and input builder live on the scoring server;
editing this copy changes nothing except your own understanding.
"""

import jax
jax.config.update('jax_enable_x64', True)
import jax.numpy as jnp
import numpy as np

N_NODES = 10000
N_EDGES = 320000
N_HEADS = 8
CH = 32
N_FEAT_KEY = CH * 1 + CH * 3  # f_key.n_features = 128


def setup_inputs(seed: int = 0) -> dict:
    key = jax.random.key(seed)
    ks = jax.random.split(key, 7)
    v0 = jax.random.normal(ks[0], (N_EDGES, CH, 1), dtype=jnp.float32)
    v1 = jax.random.normal(ks[1], (N_EDGES, CH, 3), dtype=jnp.float32)
    k0 = jax.random.normal(ks[2], (N_EDGES, CH, 1), dtype=jnp.float32)
    k1 = jax.random.normal(ks[3], (N_EDGES, CH, 3), dtype=jnp.float32)
    q0 = jax.random.normal(ks[4], (N_NODES, CH, 1), dtype=jnp.float32)
    q1 = jax.random.normal(ks[5], (N_NODES, CH, 3), dtype=jnp.float32)
    edge_index = jax.random.randint(ks[6], (2, N_EDGES), 0, N_NODES, dtype=jnp.int64)
    return {'v0': v0, 'v1': v1, 'k0': k0, 'k1': k1, 'q0': q0, 'q1': q1, 'edge_index': edge_index}


def _fiber2head_squeeze(tensors, h):
    # fiber2head with squeeze=True: reshape each degree to [*, h, -1] and cat on last dim
    parts = [t.reshape(t.shape[0], h, -1) for t in tensors]
    return jnp.concatenate(parts, axis=-1)


def reference(v0, v1, k0, k1, q0, q1, edge_index):
    src = edge_index[0]
    dst = edge_index[1]
    h = N_HEADS
    # edge keys and node queries flattened per head
    k_head = _fiber2head_squeeze([k0, k1], h)   # [E, h, 16]
    q_head = _fiber2head_squeeze([q0, q1], h)   # [N, h, 16]
    # fn.e_dot_v('k','q','e'): per-edge dot of edge key with dst-node query
    e = jnp.sum(k_head * q_head[dst], axis=-1)  # [E, h]
    e = e / np.sqrt(N_FEAT_KEY)
    # edge_softmax over incoming edges of each dst node, per head
    emax = jax.ops.segment_max(e, dst, num_segments=N_NODES)
    emax = jnp.where(jnp.isfinite(emax), emax, 0.0)
    e_exp = jnp.exp(e - emax[dst])
    denom = jax.ops.segment_sum(e_exp, dst, num_segments=N_NODES)
    a = e_exp / denom[dst]  # [E, h]
    # udf_u_mul_e + fn.sum: attention-weighted message aggregation per degree
    outs = []
    for v, d in ((v0, 0), (v1, 1)):
        vh = v.reshape(-1, h, CH // h, 2 * d + 1)           # [E, h, m/h, 2d+1]
        msg = a[:, :, None, None] * vh                      # [E, h, m/h, 2d+1]
        o = jax.ops.segment_sum(msg, dst, num_segments=N_NODES)
        outs.append(o.reshape(N_NODES, CH, 2 * d + 1))
    return tuple(outs)

if __name__ == "__main__":
    import jax
    _d = setup_inputs()
    print(jax.jit(kernel)(*tuple(_d.values())))

</pallas_src>

<mosaic_0001>
#map = affine_map<(d0, d1) -> (0, 0, 0, 0)>
#map1 = affine_map<(d0, d1) -> (0, 0)>
#map2 = affine_map<(d0, d1) -> (0)>
#map3 = affine_map<(d0, d1) -> (0, 0, 0)>
module attributes {stable_mosaic.version = 14 : i64} {
  func.func @_sc_body(%arg0: i32, %arg1: i32, %arg2: memref<32x250x40x32xf32, #tpu.memory_space<hbm>>, %arg3: memref<32x250x40x96xf32, #tpu.memory_space<hbm>>, %arg4: memref<32x250x40x32xf32, #tpu.memory_space<hbm>>, %arg5: memref<32x250x40x96xf32, #tpu.memory_space<hbm>>, %arg6: memref<10000x128xf32, #tpu.memory_space<hbm>>, %arg7: memref<32x250x1x40xi32, #tpu.memory_space<hbm>>, %arg8: memref<40x144xf32, #tpu.memory_space<hbm>>, %arg9: memref<10240xi32, #tpu.memory_space<hbm>>, %arg10: memref<2x10240x144xf32, #tpu.memory_space<hbm>>, %arg11: memref<40xi32, #tpu.memory_space<vmem>>, %arg12: memref<40x128xf32, #tpu.memory_space<vmem>>, %arg13: memref<40x32xf32, #tpu.memory_space<vmem>>, %arg14: memref<40x96xf32, #tpu.memory_space<vmem>>, %arg15: memref<40x32xf32, #tpu.memory_space<vmem>>, %arg16: memref<40x96xf32, #tpu.memory_space<vmem>>, %arg17: memref<40x144xf32, #tpu.memory_space<vmem>>, %arg18: memref<10240x144xf32, #tpu.memory_space<vmem_shared>>, %arg19: memref<!tpu.dma_semaphore, #tpu.memory_space<semaphore_mem>>, %arg20: memref<!tpu.dma_semaphore, #tpu.memory_space<semaphore_mem>>, %arg21: memref<!tpu.dma_semaphore, #tpu.memory_space<semaphore_mem>>, %arg22: memref<!tpu.dma_semaphore, #tpu.memory_space<semaphore_mem>>, %arg23: memref<!tpu.dma_semaphore, #tpu.memory_space<semaphore_mem>>, %arg24: memref<!tpu.dma_semaphore, #tpu.memory_space<semaphore_mem>>) attributes {dimension_semantics = [#tpu.dimension_semantics<core_parallel>, #tpu.dimension_semantics<subcore_parallel>], iteration_bounds = array<i64: 2, 16>, scalar_prefetch = 0 : i64, scratch_operands = 14 : i64, tpu.core_type = #tpu.core_type<sc_vector_subcore>, window_params = [{transform_indices = #map}, {transform_indices = #map}, {transform_indices = #map}, {transform_indices = #map}, {transform_indices = #map1}, {transform_indices = #map}, {transform_indices = #map1}, {transform_indices = #map2}, {transform_indices = #map3}]} {
    %mul3A = arith.constant 2 : i32
    %mul3A_0 = arith.muli %arg1, %mul3A : i32
    %add3A = arith.addi %mul3A_0, %arg0 : i32
    %mul3A_1 = arith.constant 640 : i32
    %mul3A_2 = arith.muli %arg1, %mul3A_1 : i32
    "tpu.region"() ({
      %run_scoped3A = tpu.sem_alloc : memref<!tpu.dma_semaphore, #tpu.memory_space<semaphore_mem>>
      tpu.enqueue_dma source(%arg8 : memref<40x144xf32, #tpu.memory_space<hbm>>) target(%arg17 : memref<40x144xf32, #tpu.memory_space<vmem>>) target_semaphore(%run_scoped3A : memref<!tpu.dma_semaphore, #tpu.memory_space<semaphore_mem>>)
      tpu.wait_dma2 semaphore(%run_scoped3A : memref<!tpu.dma_semaphore, #tpu.memory_space<semaphore_mem>>) src(%arg8 : memref<40x144xf32, #tpu.memory_space<hbm>>) dst(%arg17 : memref<40x144xf32, #tpu.memory_space<vmem>>)
      tpu.yield
    }) : () -> ()
    %add3A_3 = arith.constant 0 : i32
    %add3A_4 = arith.addi %mul3A_2, %add3A_3 : i32
    "tpu.region"() ({
      %run_scoped3A = tpu.sem_alloc : memref<!tpu.dma_semaphore, #tpu.memory_space<semaphore_mem>>
      %dma_start3A_201 = tpu.memref_slice %arg9[%add3A_4] : memref<10240xi32, #tpu.memory_space<hbm>> -> memref<40xi32, #tpu.memory_space<hbm>>
      %dma_start3A_202 = tpu.memref_slice %arg9[%add3A_4] : memref<10240xi32, #tpu.memory_space<hbm>> -> memref<40xi32, #tpu.memory_space<hbm>>
      tpu.enqueue_dma source(%dma_start3A_202 : memref<40xi32, #tpu.memory_space<hbm>>) target(%arg11 : memref<40xi32, #tpu.memory_space<vmem>>) target_semaphore(%run_scoped3A : memref<!tpu.dma_semaphore, #tpu.memory_space<semaphore_mem>>)
      %dma_wait3A_203 = tpu.memref_slice %arg9[%add3A_4] : memref<10240xi32, #tpu.memory_space<hbm>> -> memref<40xi32, #tpu.memory_space<hbm>>
      %dma_wait3A_204 = tpu.memref_slice %arg9[%add3A_4] : memref<10240xi32, #tpu.memory_space<hbm>> -> memref<40xi32, #tpu.memory_space<hbm>>
      tpu.wait_dma2 semaphore(%run_scoped3A : memref<!tpu.dma_semaphore, #tpu.memory_space<semaphore_mem>>) src(%dma_wait3A_204 : memref<40xi32, #tpu.memory_space<hbm>>) dst(%arg11 : memref<40xi32, #tpu.memory_space<vmem>>)
      tpu.yield
    }) : () -> ()
    "tpu.region"() ({
      %run_scoped3A = tpu.sem_alloc : memref<!tpu.dma_semaphore, #tpu.memory_space<semaphore_mem>>
      %dma_start3A_201 = arith.constant 0 : i32
      %dma_start3A_202 = arith.constant 0 : i32
      %dma_start3A_203 = tpu.memref_slice %arg18[%dma_start3A_201, %dma_start3A_202] : memref<10240x144xf32, #tpu.memory_space<vmem_shared>> -> memref<10240x144xf32, #tpu.memory_space<vmem_shared>>
      tpu.enqueue_indirect_dma source(%arg17 : memref<40x144xf32, #tpu.memory_space<vmem>>) target(%dma_start3A_203 : memref<10240x144xf32, #tpu.memory_space<vmem_shared>>) offsets(%arg11 : memref<40xi32, #tpu.memory_space<vmem>>) semaphore(%run_scoped3A : memref<!tpu.dma_semaphore, #tpu.memory_space<semaphore_mem>>)
      %dma_wait3A_204 = arith.constant 0 : i32
      %dma_wait3A_205 = arith.constant 0 : i32
      %dma_wait3A_206 = tpu.memref_slice %arg18[%dma_wait3A_204, %dma_wait3A_205] : memref<10240x144xf32, #tpu.memory_space<vmem_shared>> -> memref<10240x144xf32, #tpu.memory_space<vmem_shared>>
      tpu.wait_indirect_dma semaphore(%run_scoped3A : memref<!tpu.dma_semaphore, #tpu.memory_space<semaphore_mem>>) src(%arg17 : memref<40x144xf32, #tpu.memory_space<vmem>>) dst(%dma_wait3A_206 : memref<10240x144xf32, #tpu.memory_space<vmem_shared>>)
      tpu.yield
    }) : () -> ()
    %add3A_5 = arith.constant 40 : i32
    %add3A_6 = arith.addi %mul3A_2, %add3A_5 : i32
    "tpu.region"() ({
      %run_scoped3A = tpu.sem_alloc : memref<!tpu.dma_semaphore, #tpu.memory_space<semaphore_mem>>
      %dma_start3A_201 = tpu.memref_slice %arg9[%add3A_6] : memref<10240xi32, #tpu.memory_space<hbm>> -> memref<40xi32, #tpu.memory_space<hbm>>
      %dma_start3A_202 = tpu.memref_slice %arg9[%add3A_6] : memref<10240xi32, #tpu.memory_space<hbm>> -> memref<40xi32, #tpu.memory_space<hbm>>
      tpu.enqueue_dma source(%dma_start3A_202 : memref<40xi32, #tpu.memory_space<hbm>>) target(%arg11 : memref<40xi32, #tpu.memory_space<vmem>>) target_semaphore(%run_scoped3A : memref<!tpu.dma_semaphore, #tpu.memory_space<semaphore_mem>>)
      %dma_wait3A_203 = tpu.memref_slice %arg9[%add3A_6] : memref<10240xi32, #tpu.memory_space<hbm>> -> memref<40xi32, #tpu.memory_space<hbm>>
      %dma_wait3A_204 = tpu.memref_slice %arg9[%add3A_6] : memref<10240xi32, #tpu.memory_space<hbm>> -> memref<40xi32, #tpu.memory_space<hbm>>
      tpu.wait_dma2 semaphore(%run_scoped3A : memref<!tpu.dma_semaphore, #tpu.memory_space<semaphore_mem>>) src(%dma_wait3A_204 : memref<40xi32, #tpu.memory_space<hbm>>) dst(%arg11 : memref<40xi32, #tpu.memory_space<vmem>>)
      tpu.yield
    }) : () -> ()
    "tpu.region"() ({
      %run_scoped3A = tpu.sem_alloc : memref<!tpu.dma_semaphore, #tpu.memory_space<semaphore_mem>>
      %dma_start3A_201 = arith.constant 0 : i32
      %dma_start3A_202 = arith.constant 0 : i32
      %dma_start3A_203 = tpu.memref_slice %arg18[%dma_start3A_201, %dma_start3A_202] : memref<10240x144xf32, #tpu.memory_space<vmem_shared>> -> memref<10240x144xf32, #tpu.memory_space<vmem_shared>>
      tpu.enqueue_indirect_dma source(%arg17 : memref<40x144xf32, #tpu.memory_space<vmem>>) target(%dma_start3A_203 : memref<10240x144xf32, #tpu.memory_space<vmem_shared>>) offsets(%arg11 : memref<40xi32, #tpu.memory_space<vmem>>) semaphore(%run_scoped3A : memref<!tpu.dma_semaphore, #tpu.memory_space<semaphore_mem>>)
      %dma_wait3A_204 = arith.constant 0 : i32
      %dma_wait3A_205 = arith.constant 0 : i32
      %dma_wait3A_206 = tpu.memref_slice %arg18[%dma_wait3A_204, %dma_wait3A_205] : memref<10240x144xf32, #tpu.memory_space<vmem_shared>> -> memref<10240x144xf32, #tpu.memory_space<vmem_shared>>
      tpu.wait_indirect_dma semaphore(%run_scoped3A : memref<!tpu.dma_semaphore, #tpu.memory_space<semaphore_mem>>) src(%arg17 : memref<40x144xf32, #tpu.memory_space<vmem>>) dst(%dma_wait3A_206 : memref<10240x144xf32, #tpu.memory_space<vmem_shared>>)
      tpu.yield
    }) : () -> ()
    %add3A_7 = arith.constant 80 : i32
    %add3A_8 = arith.addi %mul3A_2, %add3A_7 : i32
    "tpu.region"() ({
      %run_scoped3A = tpu.sem_alloc : memref<!tpu.dma_semaphore, #tpu.memory_space<semaphore_mem>>
      %dma_start3A_201 = tpu.memref_slice %arg9[%add3A_8] : memref<10240xi32, #tpu.memory_space<hbm>> -> memref<40xi32, #tpu.memory_space<hbm>>
      %dma_start3A_202 = tpu.memref_slice %arg9[%add3A_8] : memref<10240xi32, #tpu.memory_space<hbm>> -> memref<40xi32, #tpu.memory_space<hbm>>
      tpu.enqueue_dma source(%dma_start3A_202 : memref<40xi32, #tpu.memory_space<hbm>>) target(%arg11 : memref<40xi32, #tpu.memory_space<vmem>>) target_semaphore(%run_scoped3A : memref<!tpu.dma_semaphore, #tpu.memory_space<semaphore_mem>>)
      %dma_wait3A_203 = tpu.memref_slice %arg9[%add3A_8] : memref<10240xi32, #tpu.memory_space<hbm>> -> memref<40xi32, #tpu.memory_space<hbm>>
      %dma_wait3A_204 = tpu.memref_slice %arg9[%add3A_8] : memref<10240xi32, #tpu.memory_space<hbm>> -> memref<40xi32, #tpu.memory_space<hbm>>
      tpu.wait_dma2 semaphore(%run_scoped3A : memref<!tpu.dma_semaphore, #tpu.memory_space<semaphore_mem>>) src(%dma_wait3A_204 : memref<40xi32, #tpu.memory_space<hbm>>) dst(%arg11 : memref<40xi32, #tpu.memory_space<vmem>>)
      tpu.yield
    }) : () -> ()
    "tpu.region"() ({
      %run_scoped3A = tpu.sem_alloc : memref<!tpu.dma_semaphore, #tpu.memory_space<semaphore_mem>>
      %dma_start3A_201 = arith.constant 0 : i32
      %dma_start3A_202 = arith.constant 0 : i32
      %dma_start3A_203 = tpu.memref_slice %arg18[%dma_start3A_201, %dma_start3A_202] : memref<10240x144xf32, #tpu.memory_space<vmem_shared>> -> memref<10240x144xf32, #tpu.memory_space<vmem_shared>>
      tpu.enqueue_indirect_dma source(%arg17 : memref<40x144xf32, #tpu.memory_space<vmem>>) target(%dma_start3A_203 : memref<10240x144xf32, #tpu.memory_space<vmem_shared>>) offsets(%arg11 : memref<40xi32, #tpu.memory_space<vmem>>) semaphore(%run_scoped3A : memref<!tpu.dma_semaphore, #tpu.memory_space<semaphore_mem>>)
      %dma_wait3A_204 = arith.constant 0 : i32
      %dma_wait3A_205 = arith.constant 0 : i32
      %dma_wait3A_206 = tpu.memref_slice %arg18[%dma_wait3A_204, %dma_wait3A_205] : memref<10240x144xf32, #tpu.memory_space<vmem_shared>> -> memref<10240x144xf32, #tpu.memory_space<vmem_shared>>
      tpu.wait_indirect_dma semaphore(%run_scoped3A : memref<!tpu.dma_semaphore, #tpu.memory_space<semaphore_mem>>) src(%arg17 : memref<40x144xf32, #tpu.memory_space<vmem>>) dst(%dma_wait3A_206 : memref<10240x144xf32, #tpu.memory_space<vmem_shared>>)
      tpu.yield
    }) : () -> ()
    %add3A_9 = arith.constant 120 : i32
    %add3A_10 = arith.addi %mul3A_2, %add3A_9 : i32
    "tpu.region"() ({
      %run_scoped3A = tpu.sem_alloc : memref<!tpu.dma_semaphore, #tpu.memory_space<semaphore_mem>>
      %dma_start3A_201 = tpu.memref_slice %arg9[%add3A_10] : memref<10240xi32, #tpu.memory_space<hbm>> -> memref<40xi32, #tpu.memory_space<hbm>>
      %dma_start3A_202 = tpu.memref_slice %arg9[%add3A_10] : memref<10240xi32, #tpu.memory_space<hbm>> -> memref<40xi32, #tpu.memory_space<hbm>>
      tpu.enqueue_dma source(%dma_start3A_202 : memref<40xi32, #tpu.memory_space<hbm>>) target(%arg11 : memref<40xi32, #tpu.memory_space<vmem>>) target_semaphore(%run_scoped3A : memref<!tpu.dma_semaphore, #tpu.memory_space<semaphore_mem>>)
      %dma_wait3A_203 = tpu.memref_slice %arg9[%add3A_10] : memref<10240xi32, #tpu.memory_space<hbm>> -> memref<40xi32, #tpu.memory_space<hbm>>
      %dma_wait3A_204 = tpu.memref_slice %arg9[%add3A_10] : memref<10240xi32, #tpu.memory_space<hbm>> -> memref<40xi32, #tpu.memory_space<hbm>>
      tpu.wait_dma2 semaphore(%run_scoped3A : memref<!tpu.dma_semaphore, #tpu.memory_space<semaphore_mem>>) src(%dma_wait3A_204 : memref<40xi32, #tpu.memory_space<hbm>>) dst(%arg11 : memref<40xi32, #tpu.memory_space<vmem>>)
      tpu.yield
    }) : () -> ()
    "tpu.region"() ({
      %run_scoped3A = tpu.sem_alloc : memref<!tpu.dma_semaphore, #tpu.memory_space<semaphore_mem>>
      %dma_start3A_201 = arith.constant 0 : i32
      %dma_start3A_202 = arith.constant 0 : i32
      %dma_start3A_203 = tpu.memref_slice %arg18[%dma_start3A_201, %dma_start3A_202] : memref<10240x144xf32, #tpu.memory_space<vmem_shared>> -> memref<10240x144xf32, #tpu.memory_space<vmem_shared>>
      tpu.enqueue_indirect_dma source(%arg17 : memref<40x144xf32, #tpu.memory_space<vmem>>) target(%dma_start3A_203 : memref<10240x144xf32, #tpu.memory_space<vmem_shared>>) offsets(%arg11 : memref<40xi32, #tpu.memory_space<vmem>>) semaphore(%run_scoped3A : memref<!tpu.dma_semaphore, #tpu.memory_space<semaphore_mem>>)
      %dma_wait3A_204 = arith.constant 0 : i32
      %dma_wait3A_205 = arith.constant 0 : i32
      %dma_wait3A_206 = tpu.memref_slice %arg18[%dma_wait3A_204, %dma_wait3A_205] : memref<10240x144xf32, #tpu.memory_space<vmem_shared>> -> memref<10240x144xf32, #tpu.memory_space<vmem_shared>>
      tpu.wait_indirect_dma semaphore(%run_scoped3A : memref<!tpu.dma_semaphore, #tpu.memory_space<semaphore_mem>>) src(%arg17 : memref<40x144xf32, #tpu.memory_space<vmem>>) dst(%dma_wait3A_206 : memref<10240x144xf32, #tpu.memory_space<vmem_shared>>)
      tpu.yield
    }) : () -> ()
    %add3A_11 = arith.constant 160 : i32
    %add3A_12 = arith.addi %mul3A_2, %add3A_11 : i32
    "tpu.region"() ({
      %run_scoped3A = tpu.sem_alloc : memref<!tpu.dma_semaphore, #tpu.memory_space<semaphore_mem>>
      %dma_start3A_201 = tpu.memref_slice %arg9[%add3A_12] : memref<10240xi32, #tpu.memory_space<hbm>> -> memref<40xi32, #tpu.memory_space<hbm>>
      %dma_start3A_202 = tpu.memref_slice %arg9[%add3A_12] : memref<10240xi32, #tpu.memory_space<hbm>> -> memref<40xi32, #tpu.memory_space<hbm>>
      tpu.enqueue_dma source(%dma_start3A_202 : memref<40xi32, #tpu.memory_space<hbm>>) target(%arg11 : memref<40xi32, #tpu.memory_space<vmem>>) target_semaphore(%run_scoped3A : memref<!tpu.dma_semaphore, #tpu.memory_space<semaphore_mem>>)
      %dma_wait3A_203 = tpu.memref_slice %arg9[%add3A_12] : memref<10240xi32, #tpu.memory_space<hbm>> -> memref<40xi32, #tpu.memory_space<hbm>>
      %dma_wait3A_204 = tpu.memref_slice %arg9[%add3A_12] : memref<10240xi32, #tpu.memory_space<hbm>> -> memref<40xi32, #tpu.memory_space<hbm>>
      tpu.wait_dma2 semaphore(%run_scoped3A : memref<!tpu.dma_semaphore, #tpu.memory_space<semaphore_mem>>) src(%dma_wait3A_204 : memref<40xi32, #tpu.memory_space<hbm>>) dst(%arg11 : memref<40xi32, #tpu.memory_space<vmem>>)
      tpu.yield
    }) : () -> ()
    "tpu.region"() ({
      %run_scoped3A = tpu.sem_alloc : memref<!tpu.dma_semaphore, #tpu.memory_space<semaphore_mem>>
      %dma_start3A_201 = arith.constant 0 : i32
      %dma_start3A_202 = arith.constant 0 : i32
      %dma_start3A_203 = tpu.memref_slice %arg18[%dma_start3A_201, %dma_start3A_202] : memref<10240x144xf32, #tpu.memory_space<vmem_shared>> -> memref<10240x144xf32, #tpu.memory_space<vmem_shared>>
      tpu.enqueue_indirect_dma source(%arg17 : memref<40x144xf32, #tpu.memory_space<vmem>>) target(%dma_start3A_203 : memref<10240x144xf32, #tpu.memory_space<vmem_shared>>) offsets(%arg11 : memref<40xi32, #tpu.memory_space<vmem>>) semaphore(%run_scoped3A : memref<!tpu.dma_semaphore, #tpu.memory_space<semaphore_mem>>)
      %dma_wait3A_204 = arith.constant 0 : i32
      %dma_wait3A_205 = arith.constant 0 : i32
      %dma_wait3A_206 = tpu.memref_slice %arg18[%dma_wait3A_204, %dma_wait3A_205] : memref<10240x144xf32, #tpu.memory_space<vmem_shared>> -> memref<10240x144xf32, #tpu.memory_space<vmem_shared>>
      tpu.wait_indirect_dma semaphore(%run_scoped3A : memref<!tpu.dma_semaphore, #tpu.memory_space<semaphore_mem>>) src(%arg17 : memref<40x144xf32, #tpu.memory_space<vmem>>) dst(%dma_wait3A_206 : memref<10240x144xf32, #tpu.memory_space<vmem_shared>>)
      tpu.yield
    }) : () -> ()
    %add3A_13 = arith.constant 200 : i32
    %add3A_14 = arith.addi %mul3A_2, %add3A_13 : i32
    "tpu.region"() ({
      %run_scoped3A = tpu.sem_alloc : memref<!tpu.dma_semaphore, #tpu.memory_space<semaphore_mem>>
      %dma_start3A_201 = tpu.memref_slice %arg9[%add3A_14] : memref<10240xi32, #tpu.memory_space<hbm>> -> memref<40xi32, #tpu.memory_space<hbm>>
      %dma_start3A_202 = tpu.memref_slice %arg9[%add3A_14] : memref<10240xi32, #tpu.memory_space<hbm>> -> memref<40xi32, #tpu.memory_space<hbm>>
      tpu.enqueue_dma source(%dma_start3A_202 : memref<40xi32, #tpu.memory_space<hbm>>) target(%arg11 : memref<40xi32, #tpu.memory_space<vmem>>) target_semaphore(%run_scoped3A : memref<!tpu.dma_semaphore, #tpu.memory_space<semaphore_mem>>)
      %dma_wait3A_203 = tpu.memref_slice %arg9[%add3A_14] : memref<10240xi32, #tpu.memory_space<hbm>> -> memref<40xi32, #tpu.memory_space<hbm>>
      %dma_wait3A_204 = tpu.memref_slice %arg9[%add3A_14] : memref<10240xi32, #tpu.memory_space<hbm>> -> memref<40xi32, #tpu.memory_space<hbm>>
      tpu.wait_dma2 semaphore(%run_scoped3A : memref<!tpu.dma_semaphore, #tpu.memory_space<semaphore_mem>>) src(%dma_wait3A_204 : memref<40xi32, #tpu.memory_space<hbm>>) dst(%arg11 : memref<40xi32, #tpu.memory_space<vmem>>)
      tpu.yield
    }) : () -> ()
    "tpu.region"() ({
      %run_scoped3A = tpu.sem_alloc : memref<!tpu.dma_semaphore, #tpu.memory_space<semaphore_mem>>
      %dma_start3A_201 = arith.constant 0 : i32
      %dma_start3A_202 = arith.constant 0 : i32
      %dma_start3A_203 = tpu.memref_slice %arg18[%dma_start3A_201, %dma_start3A_202] : memref<10240x144xf32, #tpu.memory_space<vmem_shared>> -> memref<10240x144xf32, #tpu.memory_space<vmem_shared>>
      tpu.enqueue_indirect_dma source(%arg17 : memref<40x144xf32, #tpu.memory_space<vmem>>) target(%dma_start3A_203 : memref<10240x144xf32, #tpu.memory_space<vmem_shared>>) offsets(%arg11 : memref<40xi32, #tpu.memory_space<vmem>>) semaphore(%run_scoped3A : memref<!tpu.dma_semaphore, #tpu.memory_space<semaphore_mem>>)
      %dma_wait3A_204 = arith.constant 0 : i32
      %dma_wait3A_205 = arith.constant 0 : i32
      %dma_wait3A_206 = tpu.memref_slice %arg18[%dma_wait3A_204, %dma_wait3A_205] : memref<10240x144xf32, #tpu.memory_space<vmem_shared>> -> memref<10240x144xf32, #tpu.memory_space<vmem_shared>>
      tpu.wait_indirect_dma semaphore(%run_scoped3A : memref<!tpu.dma_semaphore, #tpu.memory_space<semaphore_mem>>) src(%arg17 : memref<40x144xf32, #tpu.memory_space<vmem>>) dst(%dma_wait3A_206 : memref<10240x144xf32, #tpu.memory_space<vmem_shared>>)
      tpu.yield
    }) : () -> ()
    %add3A_15 = arith.constant 240 : i32
    %add3A_16 = arith.addi %mul3A_2, %add3A_15 : i32
    "tpu.region"() ({
      %run_scoped3A = tpu.sem_alloc : memref<!tpu.dma_semaphore, #tpu.memory_space<semaphore_mem>>
      %dma_start3A_201 = tpu.memref_slice %arg9[%add3A_16] : memref<10240xi32, #tpu.memory_space<hbm>> -> memref<40xi32, #tpu.memory_space<hbm>>
      %dma_start3A_202 = tpu.memref_slice %arg9[%add3A_16] : memref<10240xi32, #tpu.memory_space<hbm>> -> memref<40xi32, #tpu.memory_space<hbm>>
      tpu.enqueue_dma source(%dma_start3A_202 : memref<40xi32, #tpu.memory_space<hbm>>) target(%arg11 : memref<40xi32, #tpu.memory_space<vmem>>) target_semaphore(%run_scoped3A : memref<!tpu.dma_semaphore, #tpu.memory_space<semaphore_mem>>)
      %dma_wait3A_203 = tpu.memref_slice %arg9[%add3A_16] : memref<10240xi32, #tpu.memory_space<hbm>> -> memref<40xi32, #tpu.memory_space<hbm>>
      %dma_wait3A_204 = tpu.memref_slice %arg9[%add3A_16] : memref<10240xi32, #tpu.memory_space<hbm>> -> memref<40xi32, #tpu.memory_space<hbm>>
      tpu.wait_dma2 semaphore(%run_scoped3A : memref<!tpu.dma_semaphore, #tpu.memory_space<semaphore_mem>>) src(%dma_wait3A_204 : memref<40xi32, #tpu.memory_space<hbm>>) dst(%arg11 : memref<40xi32, #tpu.memory_space<vmem>>)
      tpu.yield
    }) : () -> ()
    "tpu.region"() ({
      %run_scoped3A = tpu.sem_alloc : memref<!tpu.dma_semaphore, #tpu.memory_space<semaphore_mem>>
      %dma_start3A_201 = arith.constant 0 : i32
      %dma_start3A_202 = arith.constant 0 : i32
      %dma_start3A_203 = tpu.memref_slice %arg18[%dma_start3A_201, %dma_start3A_202] : memref<10240x144xf32, #tpu.memory_space<vmem_shared>> -> memref<10240x144xf32, #tpu.memory_space<vmem_shared>>
      tpu.enqueue_indirect_dma source(%arg17 : memref<40x144xf32, #tpu.memory_space<vmem>>) target(%dma_start3A_203 : memref<10240x144xf32, #tpu.memory_space<vmem_shared>>) offsets(%arg11 : memref<40xi32, #tpu.memory_space<vmem>>) semaphore(%run_scoped3A : memref<!tpu.dma_semaphore, #tpu.memory_space<semaphore_mem>>)
      %dma_wait3A_204 = arith.constant 0 : i32
      %dma_wait3A_205 = arith.constant 0 : i32
      %dma_wait3A_206 = tpu.memref_slice %arg18[%dma_wait3A_204, %dma_wait3A_205] : memref<10240x144xf32, #tpu.memory_space<vmem_shared>> -> memref<10240x144xf32, #tpu.memory_space<vmem_shared>>
      tpu.wait_indirect_dma semaphore(%run_scoped3A : memref<!tpu.dma_semaphore, #tpu.memory_space<semaphore_mem>>) src(%arg17 : memref<40x144xf32, #tpu.memory_space<vmem>>) dst(%dma_wait3A_206 : memref<10240x144xf32, #tpu.memory_space<vmem_shared>>)
      tpu.yield
    }) : () -> ()
    %add3A_17 = arith.constant 280 : i32
    %add3A_18 = arith.addi %mul3A_2, %add3A_17 : i32
    "tpu.region"() ({
      %run_scoped3A = tpu.sem_alloc : memref<!tpu.dma_semaphore, #tpu.memory_space<semaphore_mem>>
      %dma_start3A_201 = tpu.memref_slice %arg9[%add3A_18] : memref<10240xi32, #tpu.memory_space<hbm>> -> memref<40xi32, #tpu.memory_space<hbm>>
      %dma_start3A_202 = tpu.memref_slice %arg9[%add3A_18] : memref<10240xi32, #tpu.memory_space<hbm>> -> memref<40xi32, #tpu.memory_space<hbm>>
      tpu.enqueue_dma source(%dma_start3A_202 : memref<40xi32, #tpu.memory_space<hbm>>) target(%arg11 : memref<40xi32, #tpu.memory_space<vmem>>) target_semaphore(%run_scoped3A : memref<!tpu.dma_semaphore, #tpu.memory_space<semaphore_mem>>)
      %dma_wait3A_203 = tpu.memref_slice %arg9[%add3A_18] : memref<10240xi32, #tpu.memory_space<hbm>> -> memref<40xi32, #tpu.memory_space<hbm>>
      %dma_wait3A_204 = tpu.memref_slice %arg9[%add3A_18] : memref<10240xi32, #tpu.memory_space<hbm>> -> memref<40xi32, #tpu.memory_space<hbm>>
      tpu.wait_dma2 semaphore(%run_scoped3A : memref<!tpu.dma_semaphore, #tpu.memory_space<semaphore_mem>>) src(%dma_wait3A_204 : memref<40xi32, #tpu.memory_space<hbm>>) dst(%arg11 : memref<40xi32, #tpu.memory_space<vmem>>)
      tpu.yield
    }) : () -> ()
    "tpu.region"() ({
      %run_scoped3A = tpu.sem_alloc : memref<!tpu.dma_semaphore, #tpu.memory_space<semaphore_mem>>
      %dma_start3A_201 = arith.constant 0 : i32
      %dma_start3A_202 = arith.constant 0 : i32
      %dma_start3A_203 = tpu.memref_slice %arg18[%dma_start3A_201, %dma_start3A_202] : memref<10240x144xf32, #tpu.memory_space<vmem_shared>> -> memref<10240x144xf32, #tpu.memory_space<vmem_shared>>
      tpu.enqueue_indirect_dma source(%arg17 : memref<40x144xf32, #tpu.memory_space<vmem>>) target(%dma_start3A_203 : memref<10240x144xf32, #tpu.memory_space<vmem_shared>>) offsets(%arg11 : memref<40xi32, #tpu.memory_space<vmem>>) semaphore(%run_scoped3A : memref<!tpu.dma_semaphore, #tpu.memory_space<semaphore_mem>>)
      %dma_wait3A_204 = arith.constant 0 : i32
      %dma_wait3A_205 = arith.constant 0 : i32
      %dma_wait3A_206 = tpu.memref_slice %arg18[%dma_wait3A_204, %dma_wait3A_205] : memref<10240x144xf32, #tpu.memory_space<vmem_shared>> -> memref<10240x144xf32, #tpu.memory_space<vmem_shared>>
      tpu.wait_indirect_dma semaphore(%run_scoped3A : memref<!tpu.dma_semaphore, #tpu.memory_space<semaphore_mem>>) src(%arg17 : memref<40x144xf32, #tpu.memory_space<vmem>>) dst(%dma_wait3A_206 : memref<10240x144xf32, #tpu.memory_space<vmem_shared>>)
      tpu.yield
    }) : () -> ()
    %add3A_19 = arith.constant 320 : i32
    %add3A_20 = arith.addi %mul3A_2, %add3A_19 : i32
    "tpu.region"() ({
      %run_scoped3A = tpu.sem_alloc : memref<!tpu.dma_semaphore, #tpu.memory_space<semaphore_mem>>
      %dma_start3A_201 = tpu.memref_slice %arg9[%add3A_20] : memref<10240xi32, #tpu.memory_space<hbm>> -> memref<40xi32, #tpu.memory_space<hbm>>
      %dma_start3A_202 = tpu.memref_slice %arg9[%add3A_20] : memref<10240xi32, #tpu.memory_space<hbm>> -> memref<40xi32, #tpu.memory_space<hbm>>
      tpu.enqueue_dma source(%dma_start3A_202 : memref<40xi32, #tpu.memory_space<hbm>>) target(%arg11 : memref<40xi32, #tpu.memory_space<vmem>>) target_semaphore(%run_scoped3A : memref<!tpu.dma_semaphore, #tpu.memory_space<semaphore_mem>>)
      %dma_wait3A_203 = tpu.memref_slice %arg9[%add3A_20] : memref<10240xi32, #tpu.memory_space<hbm>> -> memref<40xi32, #tpu.memory_space<hbm>>
      %dma_wait3A_204 = tpu.memref_slice %arg9[%add3A_20] : memref<10240xi32, #tpu.memory_space<hbm>> -> memref<40xi32, #tpu.memory_space<hbm>>
      tpu.wait_dma2 semaphore(%run_scoped3A : memref<!tpu.dma_semaphore, #tpu.memory_space<semaphore_mem>>) src(%dma_wait3A_204 : memref<40xi32, #tpu.memory_space<hbm>>) dst(%arg11 : memref<40xi32, #tpu.memory_space<vmem>>)
      tpu.yield
    }) : () -> ()
    "tpu.region"() ({
      %run_scoped3A = tpu.sem_alloc : memref<!tpu.dma_semaphore, #tpu.memory_space<semaphore_mem>>
      %dma_start3A_201 = arith.constant 0 : i32
      %dma_start3A_202 = arith.constant 0 : i32
      %dma_start3A_203 = tpu.memref_slice %arg18[%dma_start3A_201, %dma_start3A_202] : memref<10240x144xf32, #tpu.memory_space<vmem_shared>> -> memref<10240x144xf32, #tpu.memory_space<vmem_shared>>
      tpu.enqueue_indirect_dma source(%arg17 : memref<40x144xf32, #tpu.memory_space<vmem>>) target(%dma_start3A_203 : memref<10240x144xf32, #tpu.memory_space<vmem_shared>>) offsets(%arg11 : memref<40xi32, #tpu.memory_space<vmem>>) semaphore(%run_scoped3A : memref<!tpu.dma_semaphore, #tpu.memory_space<semaphore_mem>>)
      %dma_wait3A_204 = arith.constant 0 : i32
      %dma_wait3A_205 = arith.constant 0 : i32
      %dma_wait3A_206 = tpu.memref_slice %arg18[%dma_wait3A_204, %dma_wait3A_205] : memref<10240x144xf32, #tpu.memory_space<vmem_shared>> -> memref<10240x144xf32, #tpu.memory_space<vmem_shared>>
      tpu.wait_indirect_dma semaphore(%run_scoped3A : memref<!tpu.dma_semaphore, #tpu.memory_space<semaphore_mem>>) src(%arg17 : memref<40x144xf32, #tpu.memory_space<vmem>>) dst(%dma_wait3A_206 : memref<10240x144xf32, #tpu.memory_space<vmem_shared>>)
      tpu.yield
    }) : () -> ()
    %add3A_21 = arith.constant 360 : i32
    %add3A_22 = arith.addi %mul3A_2, %add3A_21 : i32
    "tpu.region"() ({
      %run_scoped3A = tpu.sem_alloc : memref<!tpu.dma_semaphore, #tpu.memory_space<semaphore_mem>>
      %dma_start3A_201 = tpu.memref_slice %arg9[%add3A_22] : memref<10240xi32, #tpu.memory_space<hbm>> -> memref<40xi32, #tpu.memory_space<hbm>>
      %dma_start3A_202 = tpu.memref_slice %arg9[%add3A_22] : memref<10240xi32, #tpu.memory_space<hbm>> -> memref<40xi32, #tpu.memory_space<hbm>>
      tpu.enqueue_dma source(%dma_start3A_202 : memref<40xi32, #tpu.memory_space<hbm>>) target(%arg11 : memref<40xi32, #tpu.memory_space<vmem>>) target_semaphore(%run_scoped3A : memref<!tpu.dma_semaphore, #tpu.memory_space<semaphore_mem>>)
      %dma_wait3A_203 = tpu.memref_slice %arg9[%add3A_22] : memref<10240xi32, #tpu.memory_space<hbm>> -> memref<40xi32, #tpu.memory_space<hbm>>
      %dma_wait3A_204 = tpu.memref_slice %arg9[%add3A_22] : memref<10240xi32, #tpu.memory_space<hbm>> -> memref<40xi32, #tpu.memory_space<hbm>>
      tpu.wait_dma2 semaphore(%run_scoped3A : memref<!tpu.dma_semaphore, #tpu.memory_space<semaphore_mem>>) src(%dma_wait3A_204 : memref<40xi32, #tpu.memory_space<hbm>>) dst(%arg11 : memref<40xi32, #tpu.memory_space<vmem>>)
      tpu.yield
    }) : () -> ()
    "tpu.region"() ({
      %run_scoped3A = tpu.sem_alloc : memref<!tpu.dma_semaphore, #tpu.memory_space<semaphore_mem>>
      %dma_start3A_201 = arith.constant 0 : i32
      %dma_start3A_202 = arith.constant 0 : i32
      %dma_start3A_203 = tpu.memref_slice %arg18[%dma_start3A_201, %dma_start3A_202] : memref<10240x144xf32, #tpu.memory_space<vmem_shared>> -> memref<10240x144xf32, #tpu.memory_space<vmem_shared>>
      tpu.enqueue_indirect_dma source(%arg17 : memref<40x144xf32, #tpu.memory_space<vmem>>) target(%dma_start3A_203 : memref<10240x144xf32, #tpu.memory_space<vmem_shared>>) offsets(%arg11 : memref<40xi32, #tpu.memory_space<vmem>>) semaphore(%run_scoped3A : memref<!tpu.dma_semaphore, #tpu.memory_space<semaphore_mem>>)
      %dma_wait3A_204 = arith.constant 0 : i32
      %dma_wait3A_205 = arith.constant 0 : i32
      %dma_wait3A_206 = tpu.memref_slice %arg18[%dma_wait3A_204, %dma_wait3A_205] : memref<10240x144xf32, #tpu.memory_space<vmem_shared>> -> memref<10240x144xf32, #tpu.memory_space<vmem_shared>>
      tpu.wait_indirect_dma semaphore(%run_scoped3A : memref<!tpu.dma_semaphore, #tpu.memory_space<semaphore_mem>>) src(%arg17 : memref<40x144xf32, #tpu.memory_space<vmem>>) dst(%dma_wait3A_206 : memref<10240x144xf32, #tpu.memory_space<vmem_shared>>)
      tpu.yield
    }) : () -> ()
    %add3A_23 = arith.constant 400 : i32
    %add3A_24 = arith.addi %mul3A_2, %add3A_23 : i32
    "tpu.region"() ({
      %run_scoped3A = tpu.sem_alloc : memref<!tpu.dma_semaphore, #tpu.memory_space<semaphore_mem>>
      %dma_start3A_201 = tpu.memref_slice %arg9[%add3A_24] : memref<10240xi32, #tpu.memory_space<hbm>> -> memref<40xi32, #tpu.memory_space<hbm>>
      %dma_start3A_202 = tpu.memref_slice %arg9[%add3A_24] : memref<10240xi32, #tpu.memory_space<hbm>> -> memref<40xi32, #tpu.memory_space<hbm>>
      tpu.enqueue_dma source(%dma_start3A_202 : memref<40xi32, #tpu.memory_space<hbm>>) target(%arg11 : memref<40xi32, #tpu.memory_space<vmem>>) target_semaphore(%run_scoped3A : memref<!tpu.dma_semaphore, #tpu.memory_space<semaphore_mem>>)
      %dma_wait3A_203 = tpu.memref_slice %arg9[%add3A_24] : memref<10240xi32, #tpu.memory_space<hbm>> -> memref<40xi32, #tpu.memory_space<hbm>>
      %dma_wait3A_204 = tpu.memref_slice %arg9[%add3A_24] : memref<10240xi32, #tpu.memory_space<hbm>> -> memref<40xi32, #tpu.memory_space<hbm>>
      tpu.wait_dma2 semaphore(%run_scoped3A : memref<!tpu.dma_semaphore, #tpu.memory_space<semaphore_mem>>) src(%dma_wait3A_204 : memref<40xi32, #tpu.memory_space<hbm>>) dst(%arg11 : memref<40xi32, #tpu.memory_space<vmem>>)
      tpu.yield
    }) : () -> ()
    "tpu.region"() ({
      %run_scoped3A = tpu.sem_alloc : memref<!tpu.dma_semaphore, #tpu.memory_space<semaphore_mem>>
      %dma_start3A_201 = arith.constant 0 : i32
      %dma_start3A_202 = arith.constant 0 : i32
      %dma_start3A_203 = tpu.memref_slice %arg18[%dma_start3A_201, %dma_start3A_202] : memref<10240x144xf32, #tpu.memory_space<vmem_shared>> -> memref<10240x144xf32, #tpu.memory_space<vmem_shared>>
      tpu.enqueue_indirect_dma source(%arg17 : memref<40x144xf32, #tpu.memory_space<vmem>>) target(%dma_start3A_203 : memref<10240x144xf32, #tpu.memory_space<vmem_shared>>) offsets(%arg11 : memref<40xi32, #tpu.memory_space<vmem>>) semaphore(%run_scoped3A : memref<!tpu.dma_semaphore, #tpu.memory_space<semaphore_mem>>)
      %dma_wait3A_204 = arith.constant 0 : i32
      %dma_wait3A_205 = arith.constant 0 : i32
      %dma_wait3A_206 = tpu.memref_slice %arg18[%dma_wait3A_204, %dma_wait3A_205] : memref<10240x144xf32, #tpu.memory_space<vmem_shared>> -> memref<10240x144xf32, #tpu.memory_space<vmem_shared>>
      tpu.wait_indirect_dma semaphore(%run_scoped3A : memref<!tpu.dma_semaphore, #tpu.memory_space<semaphore_mem>>) src(%arg17 : memref<40x144xf32, #tpu.memory_space<vmem>>) dst(%dma_wait3A_206 : memref<10240x144xf32, #tpu.memory_space<vmem_shared>>)
      tpu.yield
    }) : () -> ()
    %add3A_25 = arith.constant 440 : i32
    %add3A_26 = arith.addi %mul3A_2, %add3A_25 : i32
    "tpu.region"() ({
      %run_scoped3A = tpu.sem_alloc : memref<!tpu.dma_semaphore, #tpu.memory_space<semaphore_mem>>
      %dma_start3A_201 = tpu.memref_slice %arg9[%add3A_26] : memref<10240xi32, #tpu.memory_space<hbm>> -> memref<40xi32, #tpu.memory_space<hbm>>
      %dma_start3A_202 = tpu.memref_slice %arg9[%add3A_26] : memref<10240xi32, #tpu.memory_space<hbm>> -> memref<40xi32, #tpu.memory_space<hbm>>
      tpu.enqueue_dma source(%dma_start3A_202 : memref<40xi32, #tpu.memory_space<hbm>>) target(%arg11 : memref<40xi32, #tpu.memory_space<vmem>>) target_semaphore(%run_scoped3A : memref<!tpu.dma_semaphore, #tpu.memory_space<semaphore_mem>>)
      %dma_wait3A_203 = tpu.memref_slice %arg9[%add3A_26] : memref<10240xi32, #tpu.memory_space<hbm>> -> memref<40xi32, #tpu.memory_space<hbm>>
      %dma_wait3A_204 = tpu.memref_slice %arg9[%add3A_26] : memref<10240xi32, #tpu.memory_space<hbm>> -> memref<40xi32, #tpu.memory_space<hbm>>
      tpu.wait_dma2 semaphore(%run_scoped3A : memref<!tpu.dma_semaphore, #tpu.memory_space<semaphore_mem>>) src(%dma_wait3A_204 : memref<40xi32, #tpu.memory_space<hbm>>) dst(%arg11 : memref<40xi32, #tpu.memory_space<vmem>>)
      tpu.yield
    }) : () -> ()
    "tpu.region"() ({
      %run_scoped3A = tpu.sem_alloc : memref<!tpu.dma_semaphore, #tpu.memory_space<semaphore_mem>>
      %dma_start3A_201 = arith.constant 0 : i32
      %dma_start3A_202 = arith.constant 0 : i32
      %dma_start3A_203 = tpu.memref_slice %arg18[%dma_start3A_201, %dma_start3A_202] : memref<10240x144xf32, #tpu.memory_space<vmem_shared>> -> memref<10240x144xf32, #tpu.memory_space<vmem_shared>>
      tpu.enqueue_indirect_dma source(%arg17 : memref<40x144xf32, #tpu.memory_space<vmem>>) target(%dma_start3A_203 : memref<10240x144xf32, #tpu.memory_space<vmem_shared>>) offsets(%arg11 : memref<40xi32, #tpu.memory_space<vmem>>) semaphore(%run_scoped3A : memref<!tpu.dma_semaphore, #tpu.memory_space<semaphore_mem>>)
      %dma_wait3A_204 = arith.constant 0 : i32
      %dma_wait3A_205 = arith.constant 0 : i32
      %dma_wait3A_206 = tpu.memref_slice %arg18[%dma_wait3A_204, %dma_wait3A_205] : memref<10240x144xf32, #tpu.memory_space<vmem_shared>> -> memref<10240x144xf32, #tpu.memory_space<vmem_shared>>
      tpu.wait_indirect_dma semaphore(%run_scoped3A : memref<!tpu.dma_semaphore, #tpu.memory_space<semaphore_mem>>) src(%arg17 : memref<40x144xf32, #tpu.memory_space<vmem>>) dst(%dma_wait3A_206 : memref<10240x144xf32, #tpu.memory_space<vmem_shared>>)
      tpu.yield
    }) : () -> ()
    %add3A_27 = arith.constant 480 : i32
    %add3A_28 = arith.addi %mul3A_2, %add3A_27 : i32
    "tpu.region"() ({
      %run_scoped3A = tpu.sem_alloc : memref<!tpu.dma_semaphore, #tpu.memory_space<semaphore_mem>>
      %dma_start3A_201 = tpu.memref_slice %arg9[%add3A_28] : memref<10240xi32, #tpu.memory_space<hbm>> -> memref<40xi32, #tpu.memory_space<hbm>>
      %dma_start3A_202 = tpu.memref_slice %arg9[%add3A_28] : memref<10240xi32, #tpu.memory_space<hbm>> -> memref<40xi32, #tpu.memory_space<hbm>>
      tpu.enqueue_dma source(%dma_start3A_202 : memref<40xi32, #tpu.memory_space<hbm>>) target(%arg11 : memref<40xi32, #tpu.memory_space<vmem>>) target_semaphore(%run_scoped3A : memref<!tpu.dma_semaphore, #tpu.memory_space<semaphore_mem>>)
      %dma_wait3A_203 = tpu.memref_slice %arg9[%add3A_28] : memref<10240xi32, #tpu.memory_space<hbm>> -> memref<40xi32, #tpu.memory_space<hbm>>
      %dma_wait3A_204 = tpu.memref_slice %arg9[%add3A_28] : memref<10240xi32, #tpu.memory_space<hbm>> -> memref<40xi32, #tpu.memory_space<hbm>>
      tpu.wait_dma2 semaphore(%run_scoped3A : memref<!tpu.dma_semaphore, #tpu.memory_space<semaphore_mem>>) src(%dma_wait3A_204 : memref<40xi32, #tpu.memory_space<hbm>>) dst(%arg11 : memref<40xi32, #tpu.memory_space<vmem>>)
      tpu.yield
    }) : () -> ()
    "tpu.region"() ({
      %run_scoped3A = tpu.sem_alloc : memref<!tpu.dma_semaphore, #tpu.memory_space<semaphore_mem>>
      %dma_start3A_201 = arith.constant 0 : i32
      %dma_start3A_202 = arith.constant 0 : i32
      %dma_start3A_203 = tpu.memref_slice %arg18[%dma_start3A_201, %dma_start3A_202] : memref<10240x144xf32, #tpu.memory_space<vmem_shared>> -> memref<10240x144xf32, #tpu.memory_space<vmem_shared>>
      tpu.enqueue_indirect_dma source(%arg17 : memref<40x144xf32, #tpu.memory_space<vmem>>) target(%dma_start3A_203 : memref<10240x144xf32, #tpu.memory_space<vmem_shared>>) offsets(%arg11 : memref<40xi32, #tpu.memory_space<vmem>>) semaphore(%run_scoped3A : memref<!tpu.dma_semaphore, #tpu.memory_space<semaphore_mem>>)
      %dma_wait3A_204 = arith.constant 0 : i32
      %dma_wait3A_205 = arith.constant 0 : i32
      %dma_wait3A_206 = tpu.memref_slice %arg18[%dma_wait3A_204, %dma_wait3A_205] : memref<10240x144xf32, #tpu.memory_space<vmem_shared>> -> memref<10240x144xf32, #tpu.memory_space<vmem_shared>>
      tpu.wait_indirect_dma semaphore(%run_scoped3A : memref<!tpu.dma_semaphore, #tpu.memory_space<semaphore_mem>>) src(%arg17 : memref<40x144xf32, #tpu.memory_space<vmem>>) dst(%dma_wait3A_206 : memref<10240x144xf32, #tpu.memory_space<vmem_shared>>)
      tpu.yield
    }) : () -> ()
    %add3A_29 = arith.constant 520 : i32
    %add3A_30 = arith.addi %mul3A_2, %add3A_29 : i32
    "tpu.region"() ({
      %run_scoped3A = tpu.sem_alloc : memref<!tpu.dma_semaphore, #tpu.memory_space<semaphore_mem>>
      %dma_start3A_201 = tpu.memref_slice %arg9[%add3A_30] : memref<10240xi32, #tpu.memory_space<hbm>> -> memref<40xi32, #tpu.memory_space<hbm>>
      %dma_start3A_202 = tpu.memref_slice %arg9[%add3A_30] : memref<10240xi32, #tpu.memory_space<hbm>> -> memref<40xi32, #tpu.memory_space<hbm>>
      tpu.enqueue_dma source(%dma_start3A_202 : memref<40xi32, #tpu.memory_space<hbm>>) target(%arg11 : memref<40xi32, #tpu.memory_space<vmem>>) target_semaphore(%run_scoped3A : memref<!tpu.dma_semaphore, #tpu.memory_space<semaphore_mem>>)
      %dma_wait3A_203 = tpu.memref_slice %arg9[%add3A_30] : memref<10240xi32, #tpu.memory_space<hbm>> -> memref<40xi32, #tpu.memory_space<hbm>>
      %dma_wait3A_204 = tpu.memref_slice %arg9[%add3A_30] : memref<10240xi32, #tpu.memory_space<hbm>> -> memref<40xi32, #tpu.memory_space<hbm>>
      tpu.wait_dma2 semaphore(%run_scoped3A : memref<!tpu.dma_semaphore, #tpu.memory_space<semaphore_mem>>) src(%dma_wait3A_204 : memref<40xi32, #tpu.memory_space<hbm>>) dst(%arg11 : memref<40xi32, #tpu.memory_space<vmem>>)
      tpu.yield
    }) : () -> ()
    "tpu.region"() ({
      %run_scoped3A = tpu.sem_alloc : memref<!tpu.dma_semaphore, #tpu.memory_space<semaphore_mem>>
      %dma_start3A_201 = arith.constant 0 : i32
      %dma_start3A_202 = arith.constant 0 : i32
      %dma_start3A_203 = tpu.memref_slice %arg18[%dma_start3A_201, %dma_start3A_202] : memref<10240x144xf32, #tpu.memory_space<vmem_shared>> -> memref<10240x144xf32, #tpu.memory_space<vmem_shared>>
      tpu.enqueue_indirect_dma source(%arg17 : memref<40x144xf32, #tpu.memory_space<vmem>>) target(%dma_start3A_203 : memref<10240x144xf32, #tpu.memory_space<vmem_shared>>) offsets(%arg11 : memref<40xi32, #tpu.memory_space<vmem>>) semaphore(%run_scoped3A : memref<!tpu.dma_semaphore, #tpu.memory_space<semaphore_mem>>)
      %dma_wait3A_204 = arith.constant 0 : i32
      %dma_wait3A_205 = arith.constant 0 : i32
      %dma_wait3A_206 = tpu.memref_slice %arg18[%dma_wait3A_204, %dma_wait3A_205] : memref<10240x144xf32, #tpu.memory_space<vmem_shared>> -> memref<10240x144xf32, #tpu.memory_space<vmem_shared>>
      tpu.wait_indirect_dma semaphore(%run_scoped3A : memref<!tpu.dma_semaphore, #tpu.memory_space<semaphore_mem>>) src(%arg17 : memref<40x144xf32, #tpu.memory_space<vmem>>) dst(%dma_wait3A_206 : memref<10240x144xf32, #tpu.memory_space<vmem_shared>>)
      tpu.yield
    }) : () -> ()
    %add3A_31 = arith.constant 560 : i32
    %add3A_32 = arith.addi %mul3A_2, %add3A_31 : i32
    "tpu.region"() ({
      %run_scoped3A = tpu.sem_alloc : memref<!tpu.dma_semaphore, #tpu.memory_space<semaphore_mem>>
      %dma_start3A_201 = tpu.memref_slice %arg9[%add3A_32] : memref<10240xi32, #tpu.memory_space<hbm>> -> memref<40xi32, #tpu.memory_space<hbm>>
      %dma_start3A_202 = tpu.memref_slice %arg9[%add3A_32] : memref<10240xi32, #tpu.memory_space<hbm>> -> memref<40xi32, #tpu.memory_space<hbm>>
      tpu.enqueue_dma source(%dma_start3A_202 : memref<40xi32, #tpu.memory_space<hbm>>) target(%arg11 : memref<40xi32, #tpu.memory_space<vmem>>) target_semaphore(%run_scoped3A : memref<!tpu.dma_semaphore, #tpu.memory_space<semaphore_mem>>)
      %dma_wait3A_203 = tpu.memref_slice %arg9[%add3A_32] : memref<10240xi32, #tpu.memory_space<hbm>> -> memref<40xi32, #tpu.memory_space<hbm>>
      %dma_wait3A_204 = tpu.memref_slice %arg9[%add3A_32] : memref<10240xi32, #tpu.memory_space<hbm>> -> memref<40xi32, #tpu.memory_space<hbm>>
      tpu.wait_dma2 semaphore(%run_scoped3A : memref<!tpu.dma_semaphore, #tpu.memory_space<semaphore_mem>>) src(%dma_wait3A_204 : memref<40xi32, #tpu.memory_space<hbm>>) dst(%arg11 : memref<40xi32, #tpu.memory_space<vmem>>)
      tpu.yield
    }) : () -> ()
    "tpu.region"() ({
      %run_scoped3A = tpu.sem_alloc : memref<!tpu.dma_semaphore, #tpu.memory_space<semaphore_mem>>
      %dma_start3A_201 = arith.constant 0 : i32
      %dma_start3A_202 = arith.constant 0 : i32
      %dma_start3A_203 = tpu.memref_slice %arg18[%dma_start3A_201, %dma_start3A_202] : memref<10240x144xf32, #tpu.memory_space<vmem_shared>> -> memref<10240x144xf32, #tpu.memory_space<vmem_shared>>
      tpu.enqueue_indirect_dma source(%arg17 : memref<40x144xf32, #tpu.memory_space<vmem>>) target(%dma_start3A_203 : memref<10240x144xf32, #tpu.memory_space<vmem_shared>>) offsets(%arg11 : memref<40xi32, #tpu.memory_space<vmem>>) semaphore(%run_scoped3A : memref<!tpu.dma_semaphore, #tpu.memory_space<semaphore_mem>>)
      %dma_wait3A_204 = arith.constant 0 : i32
      %dma_wait3A_205 = arith.constant 0 : i32
      %dma_wait3A_206 = tpu.memref_slice %arg18[%dma_wait3A_204, %dma_wait3A_205] : memref<10240x144xf32, #tpu.memory_space<vmem_shared>> -> memref<10240x144xf32, #tpu.memory_space<vmem_shared>>
      tpu.wait_indirect_dma semaphore(%run_scoped3A : memref<!tpu.dma_semaphore, #tpu.memory_space<semaphore_mem>>) src(%arg17 : memref<40x144xf32, #tpu.memory_space<vmem>>) dst(%dma_wait3A_206 : memref<10240x144xf32, #tpu.memory_space<vmem_shared>>)
      tpu.yield
    }) : () -> ()
    %add3A_33 = arith.constant 600 : i32
    %add3A_34 = arith.addi %mul3A_2, %add3A_33 : i32
    "tpu.region"() ({
      %run_scoped3A = tpu.sem_alloc : memref<!tpu.dma_semaphore, #tpu.memory_space<semaphore_mem>>
      %dma_start3A_201 = tpu.memref_slice %arg9[%add3A_34] : memref<10240xi32, #tpu.memory_space<hbm>> -> memref<40xi32, #tpu.memory_space<hbm>>
      %dma_start3A_202 = tpu.memref_slice %arg9[%add3A_34] : memref<10240xi32, #tpu.memory_space<hbm>> -> memref<40xi32, #tpu.memory_space<hbm>>
      tpu.enqueue_dma source(%dma_start3A_202 : memref<40xi32, #tpu.memory_space<hbm>>) target(%arg11 : memref<40xi32, #tpu.memory_space<vmem>>) target_semaphore(%run_scoped3A : memref<!tpu.dma_semaphore, #tpu.memory_space<semaphore_mem>>)
      %dma_wait3A_203 = tpu.memref_slice %arg9[%add3A_34] : memref<10240xi32, #tpu.memory_space<hbm>> -> memref<40xi32, #tpu.memory_space<hbm>>
      %dma_wait3A_204 = tpu.memref_slice %arg9[%add3A_34] : memref<10240xi32, #tpu.memory_space<hbm>> -> memref<40xi32, #tpu.memory_space<hbm>>
      tpu.wait_dma2 semaphore(%run_scoped3A : memref<!tpu.dma_semaphore, #tpu.memory_space<semaphore_mem>>) src(%dma_wait3A_204 : memref<40xi32, #tpu.memory_space<hbm>>) dst(%arg11 : memref<40xi32, #tpu.memory_space<vmem>>)
      tpu.yield
    }) : () -> ()
    "tpu.region"() ({
      %run_scoped3A = tpu.sem_alloc : memref<!tpu.dma_semaphore, #tpu.memory_space<semaphore_mem>>
      %dma_start3A_201 = arith.constant 0 : i32
      %dma_start3A_202 = arith.constant 0 : i32
      %dma_start3A_203 = tpu.memref_slice %arg18[%dma_start3A_201, %dma_start3A_202] : memref<10240x144xf32, #tpu.memory_space<vmem_shared>> -> memref<10240x144xf32, #tpu.memory_space<vmem_shared>>
      tpu.enqueue_indirect_dma source(%arg17 : memref<40x144xf32, #tpu.memory_space<vmem>>) target(%dma_start3A_203 : memref<10240x144xf32, #tpu.memory_space<vmem_shared>>) offsets(%arg11 : memref<40xi32, #tpu.memory_space<vmem>>) semaphore(%run_scoped3A : memref<!tpu.dma_semaphore, #tpu.memory_space<semaphore_mem>>)
      %dma_wait3A_204 = arith.constant 0 : i32
      %dma_wait3A_205 = arith.constant 0 : i32
      %dma_wait3A_206 = tpu.memref_slice %arg18[%dma_wait3A_204, %dma_wait3A_205] : memref<10240x144xf32, #tpu.memory_space<vmem_shared>> -> memref<10240x144xf32, #tpu.memory_space<vmem_shared>>
      tpu.wait_indirect_dma semaphore(%run_scoped3A : memref<!tpu.dma_semaphore, #tpu.memory_space<semaphore_mem>>) src(%arg17 : memref<40x144xf32, #tpu.memory_space<vmem>>) dst(%dma_wait3A_206 : memref<10240x144xf32, #tpu.memory_space<vmem_shared>>)
      tpu.yield
    }) : () -> ()
    %barrier3A = arith.constant 0 : index
    tpu.barrier barrier_id(%barrier3A)
    %iota3A = tpu.iota {dimensions = array<i32: 0>} : vector<16xi32>
    %lt3A = arith.constant 8 : i32
    %lt3A_35 = vector.broadcast %lt3A : i32 to vector<16xi32>
    %lt3A_36 = arith.cmpi slt, %iota3A, %lt3A_35 : vector<16xi32>
    %scan3A = arith.constant 0 : i32
    %scan3A_37 = arith.constant 0 : i32
    %scan3A_38 = arith.constant 250 : i32
    %scan3A_39 = arith.addi %scan3A_37, %scan3A_38 : i32
    %scan3A_40 = arith.constant 1 : i32
    scf.for %scan3A_201 = %scan3A_37 to %scan3A_39 step %scan3A_40  : i32 {
      %dma_start3A_202 = arith.constant 0 : i32
      %dma_start3A_203 = arith.constant 0 : i32
      %dma_start3A_204 = tpu.memref_slice %arg7[%add3A, %scan3A_201, %dma_start3A_202, %dma_start3A_203] : memref<32x250x1x40xi32, #tpu.memory_space<hbm>> -> memref<1x1x1x40xi32, #tpu.memory_space<hbm>>
      %dma_start3A_205 = tpu.memref_squeeze %dma_start3A_204 : memref<1x1x1x40xi32, #tpu.memory_space<hbm>> -> memref<40xi32, #tpu.memory_space<hbm>>
      %dma_start3A_206 = arith.constant 0 : i32
      %dma_start3A_207 = tpu.memref_slice %arg7[%add3A, %scan3A_201, %dma_start3A_202, %dma_start3A_206] : memref<32x250x1x40xi32, #tpu.memory_space<hbm>> -> memref<1x1x1x40xi32, #tpu.memory_space<hbm>>
      %dma_start3A_208 = tpu.memref_squeeze %dma_start3A_207 : memref<1x1x1x40xi32, #tpu.memory_space<hbm>> -> memref<40xi32, #tpu.memory_space<hbm>>
      tpu.enqueue_dma source(%dma_start3A_208 : memref<40xi32, #tpu.memory_space<hbm>>) target(%arg11 : memref<40xi32, #tpu.memory_space<vmem>>) target_semaphore(%arg19 : memref<!tpu.dma_semaphore, #tpu.memory_space<semaphore_mem>>)
      %dma_start3A_209 = arith.constant 0 : i32
      %dma_start3A_210 = arith.constant 0 : i32
      %dma_start3A_211 = tpu.memref_slice %arg2[%add3A, %scan3A_201, %dma_start3A_209, %dma_start3A_210] : memref<32x250x40x32xf32, #tpu.memory_space<hbm>> -> memref<1x1x40x32xf32, #tpu.memory_space<hbm>>
      %dma_start3A_212 = tpu.memref_squeeze %dma_start3A_211 : memref<1x1x40x32xf32, #tpu.memory_space<hbm>> -> memref<40x32xf32, #tpu.memory_space<hbm>>
      %dma_start3A_213 = arith.constant 0 : i32
      %dma_start3A_214 = arith.constant 0 : i32
      %dma_start3A_215 = tpu.memref_slice %arg2[%add3A, %scan3A_201, %dma_start3A_213, %dma_start3A_214] : memref<32x250x40x32xf32, #tpu.memory_space<hbm>> -> memref<1x1x40x32xf32, #tpu.memory_space<hbm>>
      %dma_start3A_216 = tpu.memref_squeeze %dma_start3A_215 : memref<1x1x40x32xf32, #tpu.memory_space<hbm>> -> memref<40x32xf32, #tpu.memory_space<hbm>>
      tpu.enqueue_dma source(%dma_start3A_216 : memref<40x32xf32, #tpu.memory_space<hbm>>) target(%arg13 : memref<40x32xf32, #tpu.memory_space<vmem>>) target_semaphore(%arg21 : memref<!tpu.dma_semaphore, #tpu.memory_space<semaphore_mem>>)
      %dma_start3A_217 = arith.constant 0 : i32
      %dma_start3A_218 = arith.constant 0 : i32
      %dma_start3A_219 = tpu.memref_slice %arg3[%add3A, %scan3A_201, %dma_start3A_217, %dma_start3A_218] : memref<32x250x40x96xf32, #tpu.memory_space<hbm>> -> memref<1x1x40x96xf32, #tpu.memory_space<hbm>>
      %dma_start3A_220 = tpu.memref_squeeze %dma_start3A_219 : memref<1x1x40x96xf32, #tpu.memory_space<hbm>> -> memref<40x96xf32, #tpu.memory_space<hbm>>
      %dma_start3A_221 = arith.constant 0 : i32
      %dma_start3A_222 = arith.constant 0 : i32
      %dma_start3A_223 = tpu.memref_slice %arg3[%add3A, %scan3A_201, %dma_start3A_221, %dma_start3A_222] : memref<32x250x40x96xf32, #tpu.memory_space<hbm>> -> memref<1x1x40x96xf32, #tpu.memory_space<hbm>>
      %dma_start3A_224 = tpu.memref_squeeze %dma_start3A_223 : memref<1x1x40x96xf32, #tpu.memory_space<hbm>> -> memref<40x96xf32, #tpu.memory_space<hbm>>
      tpu.enqueue_dma source(%dma_start3A_224 : memref<40x96xf32, #tpu.memory_space<hbm>>) target(%arg14 : memref<40x96xf32, #tpu.memory_space<vmem>>) target_semaphore(%arg22 : memref<!tpu.dma_semaphore, #tpu.memory_space<semaphore_mem>>)
      %dma_start3A_225 = arith.constant 0 : i32
      %dma_start3A_226 = arith.constant 0 : i32
      %dma_start3A_227 = tpu.memref_slice %arg4[%add3A, %scan3A_201, %dma_start3A_225, %dma_start3A_226] : memref<32x250x40x32xf32, #tpu.memory_space<hbm>> -> memref<1x1x40x32xf32, #tpu.memory_space<hbm>>
      %dma_start3A_228 = tpu.memref_squeeze %dma_start3A_227 : memref<1x1x40x32xf32, #tpu.memory_space<hbm>> -> memref<40x32xf32, #tpu.memory_space<hbm>>
      %dma_start3A_229 = arith.constant 0 : i32
      %dma_start3A_230 = arith.constant 0 : i32
      %dma_start3A_231 = tpu.memref_slice %arg4[%add3A, %scan3A_201, %dma_start3A_229, %dma_start3A_230] : memref<32x250x40x32xf32, #tpu.memory_space<hbm>> -> memref<1x1x40x32xf32, #tpu.memory_space<hbm>>
      %dma_start3A_232 = tpu.memref_squeeze %dma_start3A_231 : memref<1x1x40x32xf32, #tpu.memory_space<hbm>> -> memref<40x32xf32, #tpu.memory_space<hbm>>
      tpu.enqueue_dma source(%dma_start3A_232 : memref<40x32xf32, #tpu.memory_space<hbm>>) target(%arg15 : memref<40x32xf32, #tpu.memory_space<vmem>>) target_semaphore(%arg23 : memref<!tpu.dma_semaphore, #tpu.memory_space<semaphore_mem>>)
      %dma_start3A_233 = arith.constant 0 : i32
      %dma_start3A_234 = arith.constant 0 : i32
      %dma_start3A_235 = tpu.memref_slice %arg5[%add3A, %scan3A_201, %dma_start3A_233, %dma_start3A_234] : memref<32x250x40x96xf32, #tpu.memory_space<hbm>> -> memref<1x1x40x96xf32, #tpu.memory_space<hbm>>
      %dma_start3A_236 = tpu.memref_squeeze %dma_start3A_235 : memref<1x1x40x96xf32, #tpu.memory_space<hbm>> -> memref<40x96xf32, #tpu.memory_space<hbm>>
      %dma_start3A_237 = arith.constant 0 : i32
      %dma_start3A_238 = arith.constant 0 : i32
      %dma_start3A_239 = tpu.memref_slice %arg5[%add3A, %scan3A_201, %dma_start3A_237, %dma_start3A_238] : memref<32x250x40x96xf32, #tpu.memory_space<hbm>> -> memref<1x1x40x96xf32, #tpu.memory_space<hbm>>
      %dma_start3A_240 = tpu.memref_squeeze %dma_start3A_239 : memref<1x1x40x96xf32, #tpu.memory_space<hbm>> -> memref<40x96xf32, #tpu.memory_space<hbm>>
      tpu.enqueue_dma source(%dma_start3A_240 : memref<40x96xf32, #tpu.memory_space<hbm>>) target(%arg16 : memref<40x96xf32, #tpu.memory_space<vmem>>) target_semaphore(%arg24 : memref<!tpu.dma_semaphore, #tpu.memory_space<semaphore_mem>>)
      %dma_wait3A_241 = arith.constant 0 : i32
      %dma_wait3A_242 = arith.constant 0 : i32
      %dma_wait3A_243 = tpu.memref_slice %arg7[%add3A, %scan3A_201, %dma_wait3A_241, %dma_wait3A_242] : memref<32x250x1x40xi32, #tpu.memory_space<hbm>> -> memref<1x1x1x40xi32, #tpu.memory_space<hbm>>
      %dma_wait3A_244 = tpu.memref_squeeze %dma_wait3A_243 : memref<1x1x1x40xi32, #tpu.memory_space<hbm>> -> memref<40xi32, #tpu.memory_space<hbm>>
      %dma_wait3A_245 = arith.constant 0 : i32
      %dma_wait3A_246 = tpu.memref_slice %arg7[%add3A, %scan3A_201, %dma_wait3A_241, %dma_wait3A_245] : memref<32x250x1x40xi32, #tpu.memory_space<hbm>> -> memref<1x1x1x40xi32, #tpu.memory_space<hbm>>
      %dma_wait3A_247 = tpu.memref_squeeze %dma_wait3A_246 : memref<1x1x1x40xi32, #tpu.memory_space<hbm>> -> memref<40xi32, #tpu.memory_space<hbm>>
      tpu.wait_dma2 semaphore(%arg19 : memref<!tpu.dma_semaphore, #tpu.memory_space<semaphore_mem>>) src(%dma_wait3A_247 : memref<40xi32, #tpu.memory_space<hbm>>) dst(%arg11 : memref<40xi32, #tpu.memory_space<vmem>>)
      %dma_start3A_248 = arith.constant 0 : i32
      %dma_start3A_249 = arith.constant 0 : i32
      %dma_start3A_250 = tpu.memref_slice %arg6[%dma_start3A_248, %dma_start3A_249] : memref<10000x128xf32, #tpu.memory_space<hbm>> -> memref<10000x128xf32, #tpu.memory_space<hbm>>
      tpu.enqueue_indirect_dma source(%dma_start3A_250 : memref<10000x128xf32, #tpu.memory_space<hbm>>) target(%arg12 : memref<40x128xf32, #tpu.memory_space<vmem>>) offsets(%arg11 : memref<40xi32, #tpu.memory_space<vmem>>) semaphore(%arg20 : memref<!tpu.dma_semaphore, #tpu.memory_space<semaphore_mem>>)
      %dma_wait3A_251 = arith.constant 0 : i32
      %dma_wait3A_252 = arith.constant 0 : i32
      %dma_wait3A_253 = tpu.memref_slice %arg2[%add3A, %scan3A_201, %dma_wait3A_251, %dma_wait3A_252] : memref<32x250x40x32xf32, #tpu.memory_space<hbm>> -> memref<1x1x40x32xf32, #tpu.memory_space<hbm>>
      %dma_wait3A_254 = tpu.memref_squeeze %dma_wait3A_253 : memref<1x1x40x32xf32, #tpu.memory_space<hbm>> -> memref<40x32xf32, #tpu.memory_space<hbm>>
      %dma_wait3A_255 = arith.constant 0 : i32
      %dma_wait3A_256 = arith.constant 0 : i32
      %dma_wait3A_257 = tpu.memref_slice %arg2[%add3A, %scan3A_201, %dma_wait3A_255, %dma_wait3A_256] : memref<32x250x40x32xf32, #tpu.memory_space<hbm>> -> memref<1x1x40x32xf32, #tpu.memory_space<hbm>>
      %dma_wait3A_258 = tpu.memref_squeeze %dma_wait3A_257 : memref<1x1x40x32xf32, #tpu.memory_space<hbm>> -> memref<40x32xf32, #tpu.memory_space<hbm>>
      tpu.wait_dma2 semaphore(%arg21 : memref<!tpu.dma_semaphore, #tpu.memory_space<semaphore_mem>>) src(%dma_wait3A_258 : memref<40x32xf32, #tpu.memory_space<hbm>>) dst(%arg13 : memref<40x32xf32, #tpu.memory_space<vmem>>)
      %dma_wait3A_259 = arith.constant 0 : i32
      %dma_wait3A_260 = arith.constant 0 : i32
      %dma_wait3A_261 = tpu.memref_slice %arg3[%add3A, %scan3A_201, %dma_wait3A_259, %dma_wait3A_260] : memref<32x250x40x96xf32, #tpu.memory_space<hbm>> -> memref<1x1x40x96xf32, #tpu.memory_space<hbm>>
      %dma_wait3A_262 = tpu.memref_squeeze %dma_wait3A_261 : memref<1x1x40x96xf32, #tpu.memory_space<hbm>> -> memref<40x96xf32, #tpu.memory_space<hbm>>
      %dma_wait3A_263 = arith.constant 0 : i32
      %dma_wait3A_264 = arith.constant 0 : i32
      %dma_wait3A_265 = tpu.memref_slice %arg3[%add3A, %scan3A_201, %dma_wait3A_263, %dma_wait3A_264] : memref<32x250x40x96xf32, #tpu.memory_space<hbm>> -> memref<1x1x40x96xf32, #tpu.memory_space<hbm>>
      %dma_wait3A_266 = tpu.memref_squeeze %dma_wait3A_265 : memref<1x1x40x96xf32, #tpu.memory_space<hbm>> -> memref<40x96xf32, #tpu.memory_space<hbm>>
      tpu.wait_dma2 semaphore(%arg22 : memref<!tpu.dma_semaphore, #tpu.memory_space<semaphore_mem>>) src(%dma_wait3A_266 : memref<40x96xf32, #tpu.memory_space<hbm>>) dst(%arg14 : memref<40x96xf32, #tpu.memory_space<vmem>>)
      %dma_wait3A_267 = arith.constant 0 : i32
      %dma_wait3A_268 = arith.constant 0 : i32
      %dma_wait3A_269 = tpu.memref_slice %arg4[%add3A, %scan3A_201, %dma_wait3A_267, %dma_wait3A_268] : memref<32x250x40x32xf32, #tpu.memory_space<hbm>> -> memref<1x1x40x32xf32, #tpu.memory_space<hbm>>
      %dma_wait3A_270 = tpu.memref_squeeze %dma_wait3A_269 : memref<1x1x40x32xf32, #tpu.memory_space<hbm>> -> memref<40x32xf32, #tpu.memory_space<hbm>>
      %dma_wait3A_271 = arith.constant 0 : i32
      %dma_wait3A_272 = arith.constant 0 : i32
      %dma_wait3A_273 = tpu.memref_slice %arg4[%add3A, %scan3A_201, %dma_wait3A_271, %dma_wait3A_272] : memref<32x250x40x32xf32, #tpu.memory_space<hbm>> -> memref<1x1x40x32xf32, #tpu.memory_space<hbm>>
      %dma_wait3A_274 = tpu.memref_squeeze %dma_wait3A_273 : memref<1x1x40x32xf32, #tpu.memory_space<hbm>> -> memref<40x32xf32, #tpu.memory_space<hbm>>
      tpu.wait_dma2 semaphore(%arg23 : memref<!tpu.dma_semaphore, #tpu.memory_space<semaphore_mem>>) src(%dma_wait3A_274 : memref<40x32xf32, #tpu.memory_space<hbm>>) dst(%arg15 : memref<40x32xf32, #tpu.memory_space<vmem>>)
      %dma_wait3A_275 = arith.constant 0 : i32
      %dma_wait3A_276 = arith.constant 0 : i32
      %dma_wait3A_277 = tpu.memref_slice %arg5[%add3A, %scan3A_201, %dma_wait3A_275, %dma_wait3A_276] : memref<32x250x40x96xf32, #tpu.memory_space<hbm>> -> memref<1x1x40x96xf32, #tpu.memory_space<hbm>>
      %dma_wait3A_278 = tpu.memref_squeeze %dma_wait3A_277 : memref<1x1x40x96xf32, #tpu.memory_space<hbm>> -> memref<40x96xf32, #tpu.memory_space<hbm>>
      %dma_wait3A_279 = arith.constant 0 : i32
      %dma_wait3A_280 = arith.constant 0 : i32
      %dma_wait3A_281 = tpu.memref_slice %arg5[%add3A, %scan3A_201, %dma_wait3A_279, %dma_wait3A_280] : memref<32x250x40x96xf32, #tpu.memory_space<hbm>> -> memref<1x1x40x96xf32, #tpu.memory_space<hbm>>
      %dma_wait3A_282 = tpu.memref_squeeze %dma_wait3A_281 : memref<1x1x40x96xf32, #tpu.memory_space<hbm>> -> memref<40x96xf32, #tpu.memory_space<hbm>>
      tpu.wait_dma2 semaphore(%arg24 : memref<!tpu.dma_semaphore, #tpu.memory_space<semaphore_mem>>) src(%dma_wait3A_282 : memref<40x96xf32, #tpu.memory_space<hbm>>) dst(%arg16 : memref<40x96xf32, #tpu.memory_space<vmem>>)
      %dma_wait3A_283 = arith.constant 0 : i32
      %dma_wait3A_284 = arith.constant 0 : i32
      %dma_wait3A_285 = tpu.memref_slice %arg6[%dma_wait3A_283, %dma_wait3A_284] : memref<10000x128xf32, #tpu.memory_space<hbm>> -> memref<10000x128xf32, #tpu.memory_space<hbm>>
      tpu.wait_indirect_dma semaphore(%arg20 : memref<!tpu.dma_semaphore, #tpu.memory_space<semaphore_mem>>) src(%dma_wait3A_285 : memref<10000x128xf32, #tpu.memory_space<hbm>>) dst(%arg12 : memref<40x128xf32, #tpu.memory_space<vmem>>)
      %scan3A_286 = arith.constant 0 : i32
      %scan3A_287 = arith.constant 0 : i32
      %scan3A_288 = arith.constant 40 : i32
      %scan3A_289 = arith.addi %scan3A_287, %scan3A_288 : i32
      %scan3A_290 = arith.constant 4 : i32
      scf.for %scan3A_292 = %scan3A_287 to %scan3A_289 step %scan3A_290  : i32 {
        %get3A = arith.index_cast %scan3A_292 : i32 to index
        %get3A_293 = arith.constant 0 : index
        %get3A_294 = tpu.vector_load %arg13[%get3A, %get3A_293] {strides = array<i32>} : memref<40x32xf32, #tpu.memory_space<vmem>>, vector<16xf32>,
        %get3A_295 = arith.index_cast %scan3A_292 : i32 to index
        %get3A_296 = arith.constant 0 : index
        %get3A_297 = tpu.vector_load %arg12[%get3A_295, %get3A_296] {strides = array<i32>} : memref<40x128xf32, #tpu.memory_space<vmem>>, vector<16xf32>,
        %mul3A_298 = arith.mulf %get3A_294, %get3A_297 : vector<16xf32>
        %cumsum3A = arith.constant true
        %cumsum3A_299 = vector.broadcast %cumsum3A : i1 to vector<16xi1>
        %cumsum3A_300 = tpu.scan <sum>, %mul3A_298 masked %cumsum3A_299 : vector<16xf32>, vector<16xi1> -> vector<16xf32>
        %slice3A = vector.extract_strided_slice %cumsum3A_300 {offsets = [3], sizes = [1], strides = [1]} : vector<16xf32> to vector<1xf32>
        %squeeze3A = vector.extract %slice3A[0] : f32 from vector<1xf32>
        %sub3A = arith.constant 0.000000e+00 : f32
        %sub3A_301 = arith.subf %squeeze3A, %sub3A : f32
        %slice3A_302 = vector.extract_strided_slice %cumsum3A_300 {offsets = [3], sizes = [1], strides = [1]} : vector<16xf32> to vector<1xf32>
        %squeeze3A_303 = vector.extract %slice3A_302[0] : f32 from vector<1xf32>
        %slice3A_304 = vector.extract_strided_slice %cumsum3A_300 {offsets = [7], sizes = [1], strides = [1]} : vector<16xf32> to vector<1xf32>
        %squeeze3A_305 = vector.extract %slice3A_304[0] : f32 from vector<1xf32>
        %sub3A_306 = arith.subf %squeeze3A_305, %squeeze3A_303 : f32
        %slice3A_307 = vector.extract_strided_slice %cumsum3A_300 {offsets = [7], sizes = [1], strides = [1]} : vector<16xf32> to vector<1xf32>
        %squeeze3A_308 = vector.extract %slice3A_307[0] : f32 from vector<1xf32>
        %slice3A_309 = vector.extract_strided_slice %cumsum3A_300 {offsets = [11], sizes = [1], strides = [1]} : vector<16xf32> to vector<1xf32>
        %squeeze3A_310 = vector.extract %slice3A_309[0] : f32 from vector<1xf32>
        %sub3A_311 = arith.subf %squeeze3A_310, %squeeze3A_308 : f32
        %slice3A_312 = vector.extract_strided_slice %cumsum3A_300 {offsets = [11], sizes = [1], strides = [1]} : vector<16xf32> to vector<1xf32>
        %squeeze3A_313 = vector.extract %slice3A_312[0] : f32 from vector<1xf32>
        %slice3A_314 = vector.extract_strided_slice %cumsum3A_300 {offsets = [15], sizes = [1], strides = [1]} : vector<16xf32> to vector<1xf32>
        %squeeze3A_315 = vector.extract %slice3A_314[0] : f32 from vector<1xf32>
        %sub3A_316 = arith.subf %squeeze3A_315, %squeeze3A_313 : f32
        %slice3A_317 = vector.extract_strided_slice %cumsum3A_300 {offsets = [15], sizes = [1], strides = [1]} : vector<16xf32> to vector<1xf32>
        %squeeze3A_318 = vector.extract %slice3A_317[0] : f32 from vector<1xf32>
        %get3A_319 = arith.index_cast %scan3A_292 : i32 to index
        %get3A_320 = arith.constant 16 : index
        %get3A_321 = tpu.vector_load %arg13[%get3A_319, %get3A_320] {strides = array<i32>} : memref<40x32xf32, #tpu.memory_space<vmem>>, vector<16xf32>,
        %get3A_322 = arith.index_cast %scan3A_292 : i32 to index
        %get3A_323 = arith.constant 16 : index
        %get3A_324 = tpu.vector_load %arg12[%get3A_322, %get3A_323] {strides = array<i32>} : memref<40x128xf32, #tpu.memory_space<vmem>>, vector<16xf32>,
        %mul3A_325 = arith.mulf %get3A_321, %get3A_324 : vector<16xf32>
        %cumsum3A_326 = arith.constant true
        %cumsum3A_327 = vector.broadcast %cumsum3A_326 : i1 to vector<16xi1>
        %cumsum3A_328 = tpu.scan <sum>, %mul3A_325 masked %cumsum3A_327 : vector<16xf32>, vector<16xi1> -> vector<16xf32>
        %slice3A_329 = vector.extract_strided_slice %cumsum3A_328 {offsets = [3], sizes = [1], strides = [1]} : vector<16xf32> to vector<1xf32>
        %squeeze3A_330 = vector.extract %slice3A_329[0] : f32 from vector<1xf32>
        %sub3A_331 = arith.constant 0.000000e+00 : f32
        %sub3A_332 = arith.subf %squeeze3A_330, %sub3A_331 : f32
        %slice3A_333 = vector.extract_strided_slice %cumsum3A_328 {offsets = [3], sizes = [1], strides = [1]} : vector<16xf32> to vector<1xf32>
        %squeeze3A_334 = vector.extract %slice3A_333[0] : f32 from vector<1xf32>
        %slice3A_335 = vector.extract_strided_slice %cumsum3A_328 {offsets = [7], sizes = [1], strides = [1]} : vector<16xf32> to vector<1xf32>
        %squeeze3A_336 = vector.extract %slice3A_335[0] : f32 from vector<1xf32>
        %sub3A_337 = arith.subf %squeeze3A_336, %squeeze3A_334 : f32
        %slice3A_338 = vector.extract_strided_slice %cumsum3A_328 {offsets = [7], sizes = [1], strides = [1]} : vector<16xf32> to vector<1xf32>
        %squeeze3A_339 = vector.extract %slice3A_338[0] : f32 from vector<1xf32>
        %slice3A_340 = vector.extract_strided_slice %cumsum3A_328 {offsets = [11], sizes = [1], strides = [1]} : vector<16xf32> to vector<1xf32>
        %squeeze3A_341 = vector.extract %slice3A_340[0] : f32 from vector<1xf32>
        %sub3A_342 = arith.subf %squeeze3A_341, %squeeze3A_339 : f32
        %slice3A_343 = vector.extract_strided_slice %cumsum3A_328 {offsets = [11], sizes = [1], strides = [1]} : vector<16xf32> to vector<1xf32>
        %squeeze3A_344 = vector.extract %slice3A_343[0] : f32 from vector<1xf32>
        %slice3A_345 = vector.extract_strided_slice %cumsum3A_328 {offsets = [15], sizes = [1], strides = [1]} : vector<16xf32> to vector<1xf32>
        %squeeze3A_346 = vector.extract %slice3A_345[0] : f32 from vector<1xf32>
        %sub3A_347 = arith.subf %squeeze3A_346, %squeeze3A_344 : f32
        %slice3A_348 = vector.extract_strided_slice %cumsum3A_328 {offsets = [15], sizes = [1], strides = [1]} : vector<16xf32> to vector<1xf32>
        %squeeze3A_349 = vector.extract %slice3A_348[0] : f32 from vector<1xf32>
        %get3A_350 = arith.index_cast %scan3A_292 : i32 to index
        %get3A_351 = arith.constant 0 : index
        %get3A_352 = tpu.vector_load %arg14[%get3A_350, %get3A_351] {strides = array<i32>} : memref<40x96xf32, #tpu.memory_space<vmem>>, vector<16xf32>,
        %get3A_353 = arith.index_cast %scan3A_292 : i32 to index
        %get3A_354 = arith.constant 32 : index
        %get3A_355 = tpu.vector_load %arg12[%get3A_353, %get3A_354] {strides = array<i32>} : memref<40x128xf32, #tpu.memory_space<vmem>>, vector<16xf32>,
        %mul3A_356 = arith.mulf %get3A_352, %get3A_355 : vector<16xf32>
        %cumsum3A_357 = arith.constant true
        %cumsum3A_358 = vector.broadcast %cumsum3A_357 : i1 to vector<16xi1>
        %cumsum3A_359 = tpu.scan <sum>, %mul3A_356 masked %cumsum3A_358 : vector<16xf32>, vector<16xi1> -> vector<16xf32>
        %get3A_360 = arith.index_cast %scan3A_292 : i32 to index
        %get3A_361 = arith.constant 16 : index
        %get3A_362 = tpu.vector_load %arg14[%get3A_360, %get3A_361] {strides = array<i32>} : memref<40x96xf32, #tpu.memory_space<vmem>>, vector<16xf32>,
        %get3A_363 = arith.index_cast %scan3A_292 : i32 to index
        %get3A_364 = arith.constant 48 : index
        %get3A_365 = tpu.vector_load %arg12[%get3A_363, %get3A_364] {strides = array<i32>} : memref<40x128xf32, #tpu.memory_space<vmem>>, vector<16xf32>,
        %mul3A_366 = arith.mulf %get3A_362, %get3A_365 : vector<16xf32>
        %cumsum3A_367 = arith.constant true
        %cumsum3A_368 = vector.broadcast %cumsum3A_367 : i1 to vector<16xi1>
        %cumsum3A_369 = tpu.scan <sum>, %mul3A_366 masked %cumsum3A_368 : vector<16xf32>, vector<16xi1> -> vector<16xf32>
        %get3A_370 = arith.index_cast %scan3A_292 : i32 to index
        %get3A_371 = arith.constant 32 : index
        %get3A_372 = tpu.vector_load %arg14[%get3A_370, %get3A_371] {strides = array<i32>} : memref<40x96xf32, #tpu.memory_space<vmem>>, vector<16xf32>,
        %get3A_373 = arith.index_cast %scan3A_292 : i32 to index
        %get3A_374 = arith.constant 64 : index
        %get3A_375 = tpu.vector_load %arg12[%get3A_373, %get3A_374] {strides = array<i32>} : memref<40x128xf32, #tpu.memory_space<vmem>>, vector<16xf32>,
        %mul3A_376 = arith.mulf %get3A_372, %get3A_375 : vector<16xf32>
        %cumsum3A_377 = arith.constant true
        %cumsum3A_378 = vector.broadcast %cumsum3A_377 : i1 to vector<16xi1>
        %cumsum3A_379 = tpu.scan <sum>, %mul3A_376 masked %cumsum3A_378 : vector<16xf32>, vector<16xi1> -> vector<16xf32>
        %get3A_380 = arith.index_cast %scan3A_292 : i32 to index
        %get3A_381 = arith.constant 48 : index
        %get3A_382 = tpu.vector_load %arg14[%get3A_380, %get3A_381] {strides = array<i32>} : memref<40x96xf32, #tpu.memory_space<vmem>>, vector<16xf32>,
        %get3A_383 = arith.index_cast %scan3A_292 : i32 to index
        %get3A_384 = arith.constant 80 : index
        %get3A_385 = tpu.vector_load %arg12[%get3A_383, %get3A_384] {strides = array<i32>} : memref<40x128xf32, #tpu.memory_space<vmem>>, vector<16xf32>,
        %mul3A_386 = arith.mulf %get3A_382, %get3A_385 : vector<16xf32>
        %cumsum3A_387 = arith.constant true
        %cumsum3A_388 = vector.broadcast %cumsum3A_387 : i1 to vector<16xi1>
        %cumsum3A_389 = tpu.scan <sum>, %mul3A_386 masked %cumsum3A_388 : vector<16xf32>, vector<16xi1> -> vector<16xf32>
        %get3A_390 = arith.index_cast %scan3A_292 : i32 to index
        %get3A_391 = arith.constant 64 : index
        %get3A_392 = tpu.vector_load %arg14[%get3A_390, %get3A_391] {strides = array<i32>} : memref<40x96xf32, #tpu.memory_space<vmem>>, vector<16xf32>,
        %get3A_393 = arith.index_cast %scan3A_292 : i32 to index
        %get3A_394 = arith.constant 96 : index
        %get3A_395 = tpu.vector_load %arg12[%get3A_393, %get3A_394] {strides = array<i32>} : memref<40x128xf32, #tpu.memory_space<vmem>>, vector<16xf32>,
        %mul3A_396 = arith.mulf %get3A_392, %get3A_395 : vector<16xf32>
        %cumsum3A_397 = arith.constant true
        %cumsum3A_398 = vector.broadcast %cumsum3A_397 : i1 to vector<16xi1>
        %cumsum3A_399 = tpu.scan <sum>, %mul3A_396 masked %cumsum3A_398 : vector<16xf32>, vector<16xi1> -> vector<16xf32>
        %get3A_400 = arith.index_cast %scan3A_292 : i32 to index
        %get3A_401 = arith.constant 80 : index
        %get3A_402 = tpu.vector_load %arg14[%get3A_400, %get3A_401] {strides = array<i32>} : memref<40x96xf32, #tpu.memory_space<vmem>>, vector<16xf32>,
        %get3A_403 = arith.index_cast %scan3A_292 : i32 to index
        %get3A_404 = arith.constant 112 : index
        %get3A_405 = tpu.vector_load %arg12[%get3A_403, %get3A_404] {strides = array<i32>} : memref<40x128xf32, #tpu.memory_space<vmem>>, vector<16xf32>,
        %mul3A_406 = arith.mulf %get3A_402, %get3A_405 : vector<16xf32>
        %cumsum3A_407 = arith.constant true
        %cumsum3A_408 = vector.broadcast %cumsum3A_407 : i1 to vector<16xi1>
        %cumsum3A_409 = tpu.scan <sum>, %mul3A_406 masked %cumsum3A_408 : vector<16xf32>, vector<16xi1> -> vector<16xf32>
        %slice3A_410 = vector.extract_strided_slice %cumsum3A_359 {offsets = [15], sizes = [1], strides = [1]} : vector<16xf32> to vector<1xf32>
        %squeeze3A_411 = vector.extract %slice3A_410[0] : f32 from vector<1xf32>
        %add3A_412 = arith.constant 0.000000e+00 : f32
        %add3A_413 = arith.addf %add3A_412, %squeeze3A_411 : f32
        %slice3A_414 = vector.extract_strided_slice %cumsum3A_369 {offsets = [15], sizes = [1], strides = [1]} : vector<16xf32> to vector<1xf32>
        %squeeze3A_415 = vector.extract %slice3A_414[0] : f32 from vector<1xf32>
        %add3A_416 = arith.addf %add3A_413, %squeeze3A_415 : f32
        %slice3A_417 = vector.extract_strided_slice %cumsum3A_379 {offsets = [15], sizes = [1], strides = [1]} : vector<16xf32> to vector<1xf32>
        %squeeze3A_418 = vector.extract %slice3A_417[0] : f32 from vector<1xf32>
        %add3A_419 = arith.addf %add3A_416, %squeeze3A_418 : f32
        %slice3A_420 = vector.extract_strided_slice %cumsum3A_389 {offsets = [15], sizes = [1], strides = [1]} : vector<16xf32> to vector<1xf32>
        %squeeze3A_421 = vector.extract %slice3A_420[0] : f32 from vector<1xf32>
        %add3A_422 = arith.addf %add3A_419, %squeeze3A_421 : f32
        %slice3A_423 = vector.extract_strided_slice %cumsum3A_399 {offsets = [15], sizes = [1], strides = [1]} : vector<16xf32> to vector<1xf32>
        %squeeze3A_424 = vector.extract %slice3A_423[0] : f32 from vector<1xf32>
        %add3A_425 = arith.addf %add3A_422, %squeeze3A_424 : f32
        %slice3A_426 = vector.extract_strided_slice %cumsum3A_359 {offsets = [11], sizes = [1], strides = [1]} : vector<16xf32> to vector<1xf32>
        %squeeze3A_427 = vector.extract %slice3A_426[0] : f32 from vector<1xf32>
        %add3A_428 = arith.constant 0.000000e+00 : f32
        %add3A_429 = arith.addf %add3A_428, %squeeze3A_427 : f32
        %sub3A_430 = arith.constant 0.000000e+00 : f32
        %sub3A_431 = arith.subf %add3A_429, %sub3A_430 : f32
        %add3A_432 = arith.addf %sub3A_301, %sub3A_431 : f32
        %slice3A_433 = vector.extract_strided_slice %cumsum3A_369 {offsets = [7], sizes = [1], strides = [1]} : vector<16xf32> to vector<1xf32>
        %squeeze3A_434 = vector.extract %slice3A_433[0] : f32 from vector<1xf32>
        %add3A_435 = arith.addf %add3A_413, %squeeze3A_434 : f32
        %sub3A_436 = arith.subf %add3A_435, %add3A_429 : f32
        %add3A_437 = arith.addf %sub3A_306, %sub3A_436 : f32
        %slice3A_438 = vector.extract_strided_slice %cumsum3A_379 {offsets = [3], sizes = [1], strides = [1]} : vector<16xf32> to vector<1xf32>
        %squeeze3A_439 = vector.extract %slice3A_438[0] : f32 from vector<1xf32>
        %add3A_440 = arith.addf %add3A_416, %squeeze3A_439 : f32
        %sub3A_441 = arith.subf %add3A_440, %add3A_435 : f32
        %add3A_442 = arith.addf %sub3A_311, %sub3A_441 : f32
        %slice3A_443 = vector.extract_strided_slice %cumsum3A_379 {offsets = [15], sizes = [1], strides = [1]} : vector<16xf32> to vector<1xf32>
        %squeeze3A_444 = vector.extract %slice3A_443[0] : f32 from vector<1xf32>
        %add3A_445 = arith.addf %add3A_416, %squeeze3A_444 : f32
        %sub3A_446 = arith.subf %add3A_445, %add3A_440 : f32
        %add3A_447 = arith.addf %sub3A_316, %sub3A_446 : f32
        %slice3A_448 = vector.extract_strided_slice %cumsum3A_389 {offsets = [11], sizes = [1], strides = [1]} : vector<16xf32> to vector<1xf32>
        %squeeze3A_449 = vector.extract %slice3A_448[0] : f32 from vector<1xf32>
        %add3A_450 = arith.addf %add3A_419, %squeeze3A_449 : f32
        %sub3A_451 = arith.subf %add3A_450, %add3A_445 : f32
        %add3A_452 = arith.addf %sub3A_332, %sub3A_451 : f32
        %slice3A_453 = vector.extract_strided_slice %cumsum3A_399 {offsets = [7], sizes = [1], strides = [1]} : vector<16xf32> to vector<1xf32>
        %squeeze3A_454 = vector.extract %slice3A_453[0] : f32 from vector<1xf32>
        %add3A_455 = arith.addf %add3A_422, %squeeze3A_454 : f32
        %sub3A_456 = arith.subf %add3A_455, %add3A_450 : f32
        %add3A_457 = arith.addf %sub3A_337, %sub3A_456 : f32
        %slice3A_458 = vector.extract_strided_slice %cumsum3A_409 {offsets = [3], sizes = [1], strides = [1]} : vector<16xf32> to vector<1xf32>
        %squeeze3A_459 = vector.extract %slice3A_458[0] : f32 from vector<1xf32>
        %add3A_460 = arith.addf %add3A_425, %squeeze3A_459 : f32
        %sub3A_461 = arith.subf %add3A_460, %add3A_455 : f32
        %add3A_462 = arith.addf %sub3A_342, %sub3A_461 : f32
        %slice3A_463 = vector.extract_strided_slice %cumsum3A_409 {offsets = [15], sizes = [1], strides = [1]} : vector<16xf32> to vector<1xf32>
        %squeeze3A_464 = vector.extract %slice3A_463[0] : f32 from vector<1xf32>
        %add3A_465 = arith.addf %add3A_425, %squeeze3A_464 : f32
        %sub3A_466 = arith.subf %add3A_465, %add3A_460 : f32
        %add3A_467 = arith.addf %sub3A_347, %sub3A_466 : f32
        %broadcast_in_dim3A = arith.constant 0.000000e+00 : f32
        %broadcast_in_dim3A_468 = vector.broadcast %broadcast_in_dim3A : f32 to vector<16xf32>
        %eq3A = arith.constant 0 : i32
        %eq3A_469 = vector.broadcast %eq3A : i32 to vector<16xi32>
        %eq3A_470 = arith.cmpi eq, %iota3A, %eq3A_469 : vector<16xi32>
        %broadcast_in_dim3A_471 = vector.broadcast %add3A_432 : f32 to vector<16xf32>
        %select_n3A = arith.select %eq3A_470, %broadcast_in_dim3A_471, %broadcast_in_dim3A_468 : vector<16xi1>, vector<16xf32>
        %eq3A_472 = arith.constant 1 : i32
        %eq3A_473 = vector.broadcast %eq3A_472 : i32 to vector<16xi32>
        %eq3A_474 = arith.cmpi eq, %iota3A, %eq3A_473 : vector<16xi32>
        %broadcast_in_dim3A_475 = vector.broadcast %add3A_437 : f32 to vector<16xf32>
        %select_n3A_476 = arith.select %eq3A_474, %broadcast_in_dim3A_475, %select_n3A : vector<16xi1>, vector<16xf32>
        %eq3A_477 = arith.constant 2 : i32
        %eq3A_478 = vector.broadcast %eq3A_477 : i32 to vector<16xi32>
        %eq3A_479 = arith.cmpi eq, %iota3A, %eq3A_478 : vector<16xi32>
        %broadcast_in_dim3A_480 = vector.broadcast %add3A_442 : f32 to vector<16xf32>
        %select_n3A_481 = arith.select %eq3A_479, %broadcast_in_dim3A_480, %select_n3A_476 : vector<16xi1>, vector<16xf32>
        %eq3A_482 = arith.constant 3 : i32
        %eq3A_483 = vector.broadcast %eq3A_482 : i32 to vector<16xi32>
        %eq3A_484 = arith.cmpi eq, %iota3A, %eq3A_483 : vector<16xi32>
        %broadcast_in_dim3A_485 = vector.broadcast %add3A_447 : f32 to vector<16xf32>
        %select_n3A_486 = arith.select %eq3A_484, %broadcast_in_dim3A_485, %select_n3A_481 : vector<16xi1>, vector<16xf32>
        %eq3A_487 = arith.constant 4 : i32
        %eq3A_488 = vector.broadcast %eq3A_487 : i32 to vector<16xi32>
        %eq3A_489 = arith.cmpi eq, %iota3A, %eq3A_488 : vector<16xi32>
        %broadcast_in_dim3A_490 = vector.broadcast %add3A_452 : f32 to vector<16xf32>
        %select_n3A_491 = arith.select %eq3A_489, %broadcast_in_dim3A_490, %select_n3A_486 : vector<16xi1>, vector<16xf32>
        %eq3A_492 = arith.constant 5 : i32
        %eq3A_493 = vector.broadcast %eq3A_492 : i32 to vector<16xi32>
        %eq3A_494 = arith.cmpi eq, %iota3A, %eq3A_493 : vector<16xi32>
        %broadcast_in_dim3A_495 = vector.broadcast %add3A_457 : f32 to vector<16xf32>
        %select_n3A_496 = arith.select %eq3A_494, %broadcast_in_dim3A_495, %select_n3A_491 : vector<16xi1>, vector<16xf32>
        %eq3A_497 = arith.constant 6 : i32
        %eq3A_498 = vector.broadcast %eq3A_497 : i32 to vector<16xi32>
        %eq3A_499 = arith.cmpi eq, %iota3A, %eq3A_498 : vector<16xi32>
        %broadcast_in_dim3A_500 = vector.broadcast %add3A_462 : f32 to vector<16xf32>
        %select_n3A_501 = arith.select %eq3A_499, %broadcast_in_dim3A_500, %select_n3A_496 : vector<16xi1>, vector<16xf32>
        %eq3A_502 = arith.constant 7 : i32
        %eq3A_503 = vector.broadcast %eq3A_502 : i32 to vector<16xi32>
        %eq3A_504 = arith.cmpi eq, %iota3A, %eq3A_503 : vector<16xi32>
        %broadcast_in_dim3A_505 = vector.broadcast %add3A_467 : f32 to vector<16xf32>
        %select_n3A_506 = arith.select %eq3A_504, %broadcast_in_dim3A_505, %select_n3A_501 : vector<16xi1>, vector<16xf32>
        %exp3A = math.exp %select_n3A_506 : vector<16xf32>
        %jit3A = arith.constant 0.000000e+00 : f64
        %convert_element_type3A = arith.truncf %jit3A : f64 to f32
        %broadcast_in_dim3A_507 = vector.broadcast %convert_element_type3A : f32 to vector<16xf32>
        %select_n3A_508 = arith.select %lt3A_36, %exp3A, %broadcast_in_dim3A_507 : vector<16xi1>, vector<16xf32>
        %lt3A_509 = arith.constant 4 : i32
        %lt3A_510 = vector.broadcast %lt3A_509 : i32 to vector<16xi32>
        %lt3A_511 = arith.cmpi slt, %iota3A, %lt3A_510 : vector<16xi32>
        %slice3A_512 = vector.extract_strided_slice %select_n3A_508 {offsets = [0], sizes = [1], strides = [1]} : vector<16xf32> to vector<1xf32>
        %squeeze3A_513 = vector.extract %slice3A_512[0] : f32 from vector<1xf32>
        %lt3A_514 = arith.constant 8 : i32
        %lt3A_515 = vector.broadcast %lt3A_514 : i32 to vector<16xi32>
        %lt3A_516 = arith.cmpi slt, %iota3A, %lt3A_515 : vector<16xi32>
        %slice3A_517 = vector.extract_strided_slice %select_n3A_508 {offsets = [1], sizes = [1], strides = [1]} : vector<16xf32> to vector<1xf32>
        %squeeze3A_518 = vector.extract %slice3A_517[0] : f32 from vector<1xf32>
        %lt3A_519 = arith.constant 12 : i32
        %lt3A_520 = vector.broadcast %lt3A_519 : i32 to vector<16xi32>
        %lt3A_521 = arith.cmpi slt, %iota3A, %lt3A_520 : vector<16xi32>
        %slice3A_522 = vector.extract_strided_slice %select_n3A_508 {offsets = [2], sizes = [1], strides = [1]} : vector<16xf32> to vector<1xf32>
        %squeeze3A_523 = vector.extract %slice3A_522[0] : f32 from vector<1xf32>
        %slice3A_524 = vector.extract_strided_slice %select_n3A_508 {offsets = [3], sizes = [1], strides = [1]} : vector<16xf32> to vector<1xf32>
        %squeeze3A_525 = vector.extract %slice3A_524[0] : f32 from vector<1xf32>
        %broadcast_in_dim3A_526 = vector.broadcast %squeeze3A_523 : f32 to vector<16xf32>
        %broadcast_in_dim3A_527 = vector.broadcast %squeeze3A_525 : f32 to vector<16xf32>
        %select_n3A_528 = arith.select %lt3A_521, %broadcast_in_dim3A_526, %broadcast_in_dim3A_527 : vector<16xi1>, vector<16xf32>
        %broadcast_in_dim3A_529 = vector.broadcast %squeeze3A_518 : f32 to vector<16xf32>
        %select_n3A_530 = arith.select %lt3A_516, %broadcast_in_dim3A_529, %select_n3A_528 : vector<16xi1>, vector<16xf32>
        %broadcast_in_dim3A_531 = vector.broadcast %squeeze3A_513 : f32 to vector<16xf32>
        %select_n3A_532 = arith.select %lt3A_511, %broadcast_in_dim3A_531, %select_n3A_530 : vector<16xi1>, vector<16xf32>
        %get3A_533 = arith.index_cast %scan3A_292 : i32 to index
        %get3A_534 = arith.constant 0 : index
        %get3A_535 = tpu.vector_load %arg15[%get3A_533, %get3A_534] {strides = array<i32>} : memref<40x32xf32, #tpu.memory_space<vmem>>, vector<16xf32>,
        %mul3A_536 = arith.mulf %get3A_535, %select_n3A_532 : vector<16xf32>
        %swap3A = arith.index_cast %scan3A_292 : i32 to index
        %swap3A_537 = arith.constant 0 : index
        %swap3A_538 = tpu.vector_load %arg17[%swap3A, %swap3A_537] {strides = array<i32>} : memref<40x144xf32, #tpu.memory_space<vmem>>, vector<16xf32>,
        tpu.vector_store %arg17[%swap3A, %swap3A_537], %mul3A_536 {strides = array<i32>} : memref<40x144xf32, #tpu.memory_space<vmem>>, vector<16xf32>,
        %lt3A_539 = arith.constant 4 : i32
        %lt3A_540 = vector.broadcast %lt3A_539 : i32 to vector<16xi32>
        %lt3A_541 = arith.cmpi slt, %iota3A, %lt3A_540 : vector<16xi32>
        %slice3A_542 = vector.extract_strided_slice %select_n3A_508 {offsets = [4], sizes = [1], strides = [1]} : vector<16xf32> to vector<1xf32>
        %squeeze3A_543 = vector.extract %slice3A_542[0] : f32 from vector<1xf32>
        %lt3A_544 = arith.constant 8 : i32
        %lt3A_545 = vector.broadcast %lt3A_544 : i32 to vector<16xi32>
        %lt3A_546 = arith.cmpi slt, %iota3A, %lt3A_545 : vector<16xi32>
        %slice3A_547 = vector.extract_strided_slice %select_n3A_508 {offsets = [5], sizes = [1], strides = [1]} : vector<16xf32> to vector<1xf32>
        %squeeze3A_548 = vector.extract %slice3A_547[0] : f32 from vector<1xf32>
        %lt3A_549 = arith.constant 12 : i32
        %lt3A_550 = vector.broadcast %lt3A_549 : i32 to vector<16xi32>
        %lt3A_551 = arith.cmpi slt, %iota3A, %lt3A_550 : vector<16xi32>
        %slice3A_552 = vector.extract_strided_slice %select_n3A_508 {offsets = [6], sizes = [1], strides = [1]} : vector<16xf32> to vector<1xf32>
        %squeeze3A_553 = vector.extract %slice3A_552[0] : f32 from vector<1xf32>
        %slice3A_554 = vector.extract_strided_slice %select_n3A_508 {offsets = [7], sizes = [1], strides = [1]} : vector<16xf32> to vector<1xf32>
        %squeeze3A_555 = vector.extract %slice3A_554[0] : f32 from vector<1xf32>
        %broadcast_in_dim3A_556 = vector.broadcast %squeeze3A_553 : f32 to vector<16xf32>
        %broadcast_in_dim3A_557 = vector.broadcast %squeeze3A_555 : f32 to vector<16xf32>
        %select_n3A_558 = arith.select %lt3A_551, %broadcast_in_dim3A_556, %broadcast_in_dim3A_557 : vector<16xi1>, vector<16xf32>
        %broadcast_in_dim3A_559 = vector.broadcast %squeeze3A_548 : f32 to vector<16xf32>
        %select_n3A_560 = arith.select %lt3A_546, %broadcast_in_dim3A_559, %select_n3A_558 : vector<16xi1>, vector<16xf32>
        %broadcast_in_dim3A_561 = vector.broadcast %squeeze3A_543 : f32 to vector<16xf32>
        %select_n3A_562 = arith.select %lt3A_541, %broadcast_in_dim3A_561, %select_n3A_560 : vector<16xi1>, vector<16xf32>
        %get3A_563 = arith.index_cast %scan3A_292 : i32 to index
        %get3A_564 = arith.constant 16 : index
        %get3A_565 = tpu.vector_load %arg15[%get3A_563, %get3A_564] {strides = array<i32>} : memref<40x32xf32, #tpu.memory_space<vmem>>, vector<16xf32>,
        %mul3A_566 = arith.mulf %get3A_565, %select_n3A_562 : vector<16xf32>
        %swap3A_567 = arith.index_cast %scan3A_292 : i32 to index
        %swap3A_568 = arith.constant 16 : index
        %swap3A_569 = tpu.vector_load %arg17[%swap3A_567, %swap3A_568] {strides = array<i32>} : memref<40x144xf32, #tpu.memory_space<vmem>>, vector<16xf32>,
        tpu.vector_store %arg17[%swap3A_567, %swap3A_568], %mul3A_566 {strides = array<i32>} : memref<40x144xf32, #tpu.memory_space<vmem>>, vector<16xf32>,
        %lt3A_570 = arith.constant 12 : i32
        %lt3A_571 = vector.broadcast %lt3A_570 : i32 to vector<16xi32>
        %lt3A_572 = arith.cmpi slt, %iota3A, %lt3A_571 : vector<16xi32>
        %slice3A_573 = vector.extract_strided_slice %select_n3A_508 {offsets = [0], sizes = [1], strides = [1]} : vector<16xf32> to vector<1xf32>
        %squeeze3A_574 = vector.extract %slice3A_573[0] : f32 from vector<1xf32>
        %slice3A_575 = vector.extract_strided_slice %select_n3A_508 {offsets = [1], sizes = [1], strides = [1]} : vector<16xf32> to vector<1xf32>
        %squeeze3A_576 = vector.extract %slice3A_575[0] : f32 from vector<1xf32>
        %broadcast_in_dim3A_577 = vector.broadcast %squeeze3A_574 : f32 to vector<16xf32>
        %broadcast_in_dim3A_578 = vector.broadcast %squeeze3A_576 : f32 to vector<16xf32>
        %select_n3A_579 = arith.select %lt3A_572, %broadcast_in_dim3A_577, %broadcast_in_dim3A_578 : vector<16xi1>, vector<16xf32>
        %get3A_580 = arith.index_cast %scan3A_292 : i32 to index
        %get3A_581 = arith.constant 0 : index
        %get3A_582 = tpu.vector_load %arg16[%get3A_580, %get3A_581] {strides = array<i32>} : memref<40x96xf32, #tpu.memory_space<vmem>>, vector<16xf32>,
        %mul3A_583 = arith.mulf %get3A_582, %select_n3A_579 : vector<16xf32>
        %swap3A_584 = arith.index_cast %scan3A_292 : i32 to index
        %swap3A_585 = arith.constant 32 : index
        %swap3A_586 = tpu.vector_load %arg17[%swap3A_584, %swap3A_585] {strides = array<i32>} : memref<40x144xf32, #tpu.memory_space<vmem>>, vector<16xf32>,
        tpu.vector_store %arg17[%swap3A_584, %swap3A_585], %mul3A_583 {strides = array<i32>} : memref<40x144xf32, #tpu.memory_space<vmem>>, vector<16xf32>,
        %lt3A_587 = arith.constant 8 : i32
        %lt3A_588 = vector.broadcast %lt3A_587 : i32 to vector<16xi32>
        %lt3A_589 = arith.cmpi slt, %iota3A, %lt3A_588 : vector<16xi32>
        %slice3A_590 = vector.extract_strided_slice %select_n3A_508 {offsets = [1], sizes = [1], strides = [1]} : vector<16xf32> to vector<1xf32>
        %squeeze3A_591 = vector.extract %slice3A_590[0] : f32 from vector<1xf32>
        %slice3A_592 = vector.extract_strided_slice %select_n3A_508 {offsets = [2], sizes = [1], strides = [1]} : vector<16xf32> to vector<1xf32>
        %squeeze3A_593 = vector.extract %slice3A_592[0] : f32 from vector<1xf32>
        %broadcast_in_dim3A_594 = vector.broadcast %squeeze3A_591 : f32 to vector<16xf32>
        %broadcast_in_dim3A_595 = vector.broadcast %squeeze3A_593 : f32 to vector<16xf32>
        %select_n3A_596 = arith.select %lt3A_589, %broadcast_in_dim3A_594, %broadcast_in_dim3A_595 : vector<16xi1>, vector<16xf32>
        %get3A_597 = arith.index_cast %scan3A_292 : i32 to index
        %get3A_598 = arith.constant 16 : index
        %get3A_599 = tpu.vector_load %arg16[%get3A_597, %get3A_598] {strides = array<i32>} : memref<40x96xf32, #tpu.memory_space<vmem>>, vector<16xf32>,
        %mul3A_600 = arith.mulf %get3A_599, %select_n3A_596 : vector<16xf32>
        %swap3A_601 = arith.index_cast %scan3A_292 : i32 to index
        %swap3A_602 = arith.constant 48 : index
        %swap3A_603 = tpu.vector_load %arg17[%swap3A_601, %swap3A_602] {strides = array<i32>} : memref<40x144xf32, #tpu.memory_space<vmem>>, vector<16xf32>,
        tpu.vector_store %arg17[%swap3A_601, %swap3A_602], %mul3A_600 {strides = array<i32>} : memref<40x144xf32, #tpu.memory_space<vmem>>, vector<16xf32>,
        %lt3A_604 = arith.constant 4 : i32
        %lt3A_605 = vector.broadcast %lt3A_604 : i32 to vector<16xi32>
        %lt3A_606 = arith.cmpi slt, %iota3A, %lt3A_605 : vector<16xi32>
        %slice3A_607 = vector.extract_strided_slice %select_n3A_508 {offsets = [2], sizes = [1], strides = [1]} : vector<16xf32> to vector<1xf32>
        %squeeze3A_608 = vector.extract %slice3A_607[0] : f32 from vector<1xf32>
        %slice3A_609 = vector.extract_strided_slice %select_n3A_508 {offsets = [3], sizes = [1], strides = [1]} : vector<16xf32> to vector<1xf32>
        %squeeze3A_610 = vector.extract %slice3A_609[0] : f32 from vector<1xf32>
        %broadcast_in_dim3A_611 = vector.broadcast %squeeze3A_608 : f32 to vector<16xf32>
        %broadcast_in_dim3A_612 = vector.broadcast %squeeze3A_610 : f32 to vector<16xf32>
        %select_n3A_613 = arith.select %lt3A_606, %broadcast_in_dim3A_611, %broadcast_in_dim3A_612 : vector<16xi1>, vector<16xf32>
        %get3A_614 = arith.index_cast %scan3A_292 : i32 to index
        %get3A_615 = arith.constant 32 : index
        %get3A_616 = tpu.vector_load %arg16[%get3A_614, %get3A_615] {strides = array<i32>} : memref<40x96xf32, #tpu.memory_space<vmem>>, vector<16xf32>,
        %mul3A_617 = arith.mulf %get3A_616, %select_n3A_613 : vector<16xf32>
        %swap3A_618 = arith.index_cast %scan3A_292 : i32 to index
        %swap3A_619 = arith.constant 64 : index
        %swap3A_620 = tpu.vector_load %arg17[%swap3A_618, %swap3A_619] {strides = array<i32>} : memref<40x144xf32, #tpu.memory_space<vmem>>, vector<16xf32>,
        tpu.vector_store %arg17[%swap3A_618, %swap3A_619], %mul3A_617 {strides = array<i32>} : memref<40x144xf32, #tpu.memory_space<vmem>>, vector<16xf32>,
        %lt3A_621 = arith.constant 12 : i32
        %lt3A_622 = vector.broadcast %lt3A_621 : i32 to vector<16xi32>
        %lt3A_623 = arith.cmpi slt, %iota3A, %lt3A_622 : vector<16xi32>
        %slice3A_624 = vector.extract_strided_slice %select_n3A_508 {offsets = [4], sizes = [1], strides = [1]} : vector<16xf32> to vector<1xf32>
        %squeeze3A_625 = vector.extract %slice3A_624[0] : f32 from vector<1xf32>
        %slice3A_626 = vector.extract_strided_slice %select_n3A_508 {offsets = [5], sizes = [1], strides = [1]} : vector<16xf32> to vector<1xf32>
        %squeeze3A_627 = vector.extract %slice3A_626[0] : f32 from vector<1xf32>
        %broadcast_in_dim3A_628 = vector.broadcast %squeeze3A_625 : f32 to vector<16xf32>
        %broadcast_in_dim3A_629 = vector.broadcast %squeeze3A_627 : f32 to vector<16xf32>
        %select_n3A_630 = arith.select %lt3A_623, %broadcast_in_dim3A_628, %broadcast_in_dim3A_629 : vector<16xi1>, vector<16xf32>
        %get3A_631 = arith.index_cast %scan3A_292 : i32 to index
        %get3A_632 = arith.constant 48 : index
        %get3A_633 = tpu.vector_load %arg16[%get3A_631, %get3A_632] {strides = array<i32>} : memref<40x96xf32, #tpu.memory_space<vmem>>, vector<16xf32>,
        %mul3A_634 = arith.mulf %get3A_633, %select_n3A_630 : vector<16xf32>
        %swap3A_635 = arith.index_cast %scan3A_292 : i32 to index
        %swap3A_636 = arith.constant 80 : index
        %swap3A_637 = tpu.vector_load %arg17[%swap3A_635, %swap3A_636] {strides = array<i32>} : memref<40x144xf32, #tpu.memory_space<vmem>>, vector<16xf32>,
        tpu.vector_store %arg17[%swap3A_635, %swap3A_636], %mul3A_634 {strides = array<i32>} : memref<40x144xf32, #tpu.memory_space<vmem>>, vector<16xf32>,
        %lt3A_638 = arith.constant 8 : i32
        %lt3A_639 = vector.broadcast %lt3A_638 : i32 to vector<16xi32>
        %lt3A_640 = arith.cmpi slt, %iota3A, %lt3A_639 : vector<16xi32>
        %slice3A_641 = vector.extract_strided_slice %select_n3A_508 {offsets = [5], sizes = [1], strides = [1]} : vector<16xf32> to vector<1xf32>
        %squeeze3A_642 = vector.extract %slice3A_641[0] : f32 from vector<1xf32>
        %slice3A_643 = vector.extract_strided_slice %select_n3A_508 {offsets = [6], sizes = [1], strides = [1]} : vector<16xf32> to vector<1xf32>
        %squeeze3A_644 = vector.extract %slice3A_643[0] : f32 from vector<1xf32>
        %broadcast_in_dim3A_645 = vector.broadcast %squeeze3A_642 : f32 to vector<16xf32>
        %broadcast_in_dim3A_646 = vector.broadcast %squeeze3A_644 : f32 to vector<16xf32>
        %select_n3A_647 = arith.select %lt3A_640, %broadcast_in_dim3A_645, %broadcast_in_dim3A_646 : vector<16xi1>, vector<16xf32>
        %get3A_648 = arith.index_cast %scan3A_292 : i32 to index
        %get3A_649 = arith.constant 64 : index
        %get3A_650 = tpu.vector_load %arg16[%get3A_648, %get3A_649] {strides = array<i32>} : memref<40x96xf32, #tpu.memory_space<vmem>>, vector<16xf32>,
        %mul3A_651 = arith.mulf %get3A_650, %select_n3A_647 : vector<16xf32>
        %swap3A_652 = arith.index_cast %scan3A_292 : i32 to index
        %swap3A_653 = arith.constant 96 : index
        %swap3A_654 = tpu.vector_load %arg17[%swap3A_652, %swap3A_653] {strides = array<i32>} : memref<40x144xf32, #tpu.memory_space<vmem>>, vector<16xf32>,
        tpu.vector_store %arg17[%swap3A_652, %swap3A_653], %mul3A_651 {strides = array<i32>} : memref<40x144xf32, #tpu.memory_space<vmem>>, vector<16xf32>,
        %lt3A_655 = arith.constant 4 : i32
        %lt3A_656 = vector.broadcast %lt3A_655 : i32 to vector<16xi32>
        %lt3A_657 = arith.cmpi slt, %iota3A, %lt3A_656 : vector<16xi32>
        %slice3A_658 = vector.extract_strided_slice %select_n3A_508 {offsets = [6], sizes = [1], strides = [1]} : vector<16xf32> to vector<1xf32>
        %squeeze3A_659 = vector.extract %slice3A_658[0] : f32 from vector<1xf32>
        %slice3A_660 = vector.extract_strided_slice %select_n3A_508 {offsets = [7], sizes = [1], strides = [1]} : vector<16xf32> to vector<1xf32>
        %squeeze3A_661 = vector.extract %slice3A_660[0] : f32 from vector<1xf32>
        %broadcast_in_dim3A_662 = vector.broadcast %squeeze3A_659 : f32 to vector<16xf32>
        %broadcast_in_dim3A_663 = vector.broadcast %squeeze3A_661 : f32 to vector<16xf32>
        %select_n3A_664 = arith.select %lt3A_657, %broadcast_in_dim3A_662, %broadcast_in_dim3A_663 : vector<16xi1>, vector<16xf32>
        %get3A_665 = arith.index_cast %scan3A_292 : i32 to index
        %get3A_666 = arith.constant 80 : index
        %get3A_667 = tpu.vector_load %arg16[%get3A_665, %get3A_666] {strides = array<i32>} : memref<40x96xf32, #tpu.memory_space<vmem>>, vector<16xf32>,
        %mul3A_668 = arith.mulf %get3A_667, %select_n3A_664 : vector<16xf32>
        %swap3A_669 = arith.index_cast %scan3A_292 : i32 to index
        %swap3A_670 = arith.constant 112 : index
        %swap3A_671 = tpu.vector_load %arg17[%swap3A_669, %swap3A_670] {strides = array<i32>} : memref<40x144xf32, #tpu.memory_space<vmem>>, vector<16xf32>,
        tpu.vector_store %arg17[%swap3A_669, %swap3A_670], %mul3A_668 {strides = array<i32>} : memref<40x144xf32, #tpu.memory_space<vmem>>, vector<16xf32>,
        %swap3A_672 = arith.index_cast %scan3A_292 : i32 to index
        %swap3A_673 = arith.constant 128 : index
        %swap3A_674 = tpu.vector_load %arg17[%swap3A_672, %swap3A_673] {strides = array<i32>} : memref<40x144xf32, #tpu.memory_space<vmem>>, vector<16xf32>,
        tpu.vector_store %arg17[%swap3A_672, %swap3A_673], %select_n3A_508 {strides = array<i32>} : memref<40x144xf32, #tpu.memory_space<vmem>>, vector<16xf32>,
        %scan3A_675 = arith.constant 1 : i32
        %scan3A_676 = arith.addi %scan3A_292, %scan3A_675 : i32
        %get3A_677 = arith.index_cast %scan3A_676 : i32 to index
        %get3A_678 = arith.constant 0 : index
        %get3A_679 = tpu.vector_load %arg13[%get3A_677, %get3A_678] {strides = array<i32>} : memref<40x32xf32, #tpu.memory_space<vmem>>, vector<16xf32>,
        %get3A_680 = arith.index_cast %scan3A_676 : i32 to index
        %get3A_681 = arith.constant 0 : index
        %get3A_682 = tpu.vector_load %arg12[%get3A_680, %get3A_681] {strides = array<i32>} : memref<40x128xf32, #tpu.memory_space<vmem>>, vector<16xf32>,
        %mul3A_683 = arith.mulf %get3A_679, %get3A_682 : vector<16xf32>
        %cumsum3A_684 = arith.constant true
        %cumsum3A_685 = vector.broadcast %cumsum3A_684 : i1 to vector<16xi1>
        %cumsum3A_686 = tpu.scan <sum>, %mul3A_683 masked %cumsum3A_685 : vector<16xf32>, vector<16xi1> -> vector<16xf32>
        %slice3A_687 = vector.extract_strided_slice %cumsum3A_686 {offsets = [3], sizes = [1], strides = [1]} : vector<16xf32> to vector<1xf32>
        %squeeze3A_688 = vector.extract %slice3A_687[0] : f32 from vector<1xf32>
        %sub3A_689 = arith.constant 0.000000e+00 : f32
        %sub3A_690 = arith.subf %squeeze3A_688, %sub3A_689 : f32
        %slice3A_691 = vector.extract_strided_slice %cumsum3A_686 {offsets = [3], sizes = [1], strides = [1]} : vector<16xf32> to vector<1xf32>
        %squeeze3A_692 = vector.extract %slice3A_691[0] : f32 from vector<1xf32>
        %slice3A_693 = vector.extract_strided_slice %cumsum3A_686 {offsets = [7], sizes = [1], strides = [1]} : vector<16xf32> to vector<1xf32>
        %squeeze3A_694 = vector.extract %slice3A_693[0] : f32 from vector<1xf32>
        %sub3A_695 = arith.subf %squeeze3A_694, %squeeze3A_692 : f32
        %slice3A_696 = vector.extract_strided_slice %cumsum3A_686 {offsets = [7], sizes = [1], strides = [1]} : vector<16xf32> to vector<1xf32>
        %squeeze3A_697 = vector.extract %slice3A_696[0] : f32 from vector<1xf32>
        %slice3A_698 = vector.extract_strided_slice %cumsum3A_686 {offsets = [11], sizes = [1], strides = [1]} : vector<16xf32> to vector<1xf32>
        %squeeze3A_699 = vector.extract %slice3A_698[0] : f32 from vector<1xf32>
        %sub3A_700 = arith.subf %squeeze3A_699, %squeeze3A_697 : f32
        %slice3A_701 = vector.extract_strided_slice %cumsum3A_686 {offsets = [11], sizes = [1], strides = [1]} : vector<16xf32> to vector<1xf32>
        %squeeze3A_702 = vector.extract %slice3A_701[0] : f32 from vector<1xf32>
        %slice3A_703 = vector.extract_strided_slice %cumsum3A_686 {offsets = [15], sizes = [1], strides = [1]} : vector<16xf32> to vector<1xf32>
        %squeeze3A_704 = vector.extract %slice3A_703[0] : f32 from vector<1xf32>
        %sub3A_705 = arith.subf %squeeze3A_704, %squeeze3A_702 : f32
        %slice3A_706 = vector.extract_strided_slice %cumsum3A_686 {offsets = [15], sizes = [1], strides = [1]} : vector<16xf32> to vector<1xf32>
        %squeeze3A_707 = vector.extract %slice3A_706[0] : f32 from vector<1xf32>
        %get3A_708 = arith.index_cast %scan3A_676 : i32 to index
        %get3A_709 = arith.constant 16 : index
        %get3A_710 = tpu.vector_load %arg13[%get3A_708, %get3A_709] {strides = array<i32>} : memref<40x32xf32, #tpu.memory_space<vmem>>, vector<16xf32>,
        %get3A_711 = arith.index_cast %scan3A_676 : i32 to index
        %get3A_712 = arith.constant 16 : index
        %get3A_713 = tpu.vector_load %arg12[%get3A_711, %get3A_712] {strides = array<i32>} : memref<40x128xf32, #tpu.memory_space<vmem>>, vector<16xf32>,
        %mul3A_714 = arith.mulf %get3A_710, %get3A_713 : vector<16xf32>
        %cumsum3A_715 = arith.constant true
        %cumsum3A_716 = vector.broadcast %cumsum3A_715 : i1 to vector<16xi1>
        %cumsum3A_717 = tpu.scan <sum>, %mul3A_714 masked %cumsum3A_716 : vector<16xf32>, vector<16xi1> -> vector<16xf32>
        %slice3A_718 = vector.extract_strided_slice %cumsum3A_717 {offsets = [3], sizes = [1], strides = [1]} : vector<16xf32> to vector<1xf32>
        %squeeze3A_719 = vector.extract %slice3A_718[0] : f32 from vector<1xf32>
        %sub3A_720 = arith.constant 0.000000e+00 : f32
        %sub3A_721 = arith.subf %squeeze3A_719, %sub3A_720 : f32
        %slice3A_722 = vector.extract_strided_slice %cumsum3A_717 {offsets = [3], sizes = [1], strides = [1]} : vector<16xf32> to vector<1xf32>
        %squeeze3A_723 = vector.extract %slice3A_722[0] : f32 from vector<1xf32>
        %slice3A_724 = vector.extract_strided_slice %cumsum3A_717 {offsets = [7], sizes = [1], strides = [1]} : vector<16xf32> to vector<1xf32>
        %squeeze3A_725 = vector.extract %slice3A_724[0] : f32 from vector<1xf32>
        %sub3A_726 = arith.subf %squeeze3A_725, %squeeze3A_723 : f32
        %slice3A_727 = vector.extract_strided_slice %cumsum3A_717 {offsets = [7], sizes = [1], strides = [1]} : vector<16xf32> to vector<1xf32>
        %squeeze3A_728 = vector.extract %slice3A_727[0] : f32 from vector<1xf32>
        %slice3A_729 = vector.extract_strided_slice %cumsum3A_717 {offsets = [11], sizes = [1], strides = [1]} : vector<16xf32> to vector<1xf32>
        %squeeze3A_730 = vector.extract %slice3A_729[0] : f32 from vector<1xf32>
        %sub3A_731 = arith.subf %squeeze3A_730, %squeeze3A_728 : f32
        %slice3A_732 = vector.extract_strided_slice %cumsum3A_717 {offsets = [11], sizes = [1], strides = [1]} : vector<16xf32> to vector<1xf32>
        %squeeze3A_733 = vector.extract %slice3A_732[0] : f32 from vector<1xf32>
        %slice3A_734 = vector.extract_strided_slice %cumsum3A_717 {offsets = [15], sizes = [1], strides = [1]} : vector<16xf32> to vector<1xf32>
        %squeeze3A_735 = vector.extract %slice3A_734[0] : f32 from vector<1xf32>
        %sub3A_736 = arith.subf %squeeze3A_735, %squeeze3A_733 : f32
        %slice3A_737 = vector.extract_strided_slice %cumsum3A_717 {offsets = [15], sizes = [1], strides = [1]} : vector<16xf32> to vector<1xf32>
        %squeeze3A_738 = vector.extract %slice3A_737[0] : f32 from vector<1xf32>
        %get3A_739 = arith.index_cast %scan3A_676 : i32 to index
        %get3A_740 = arith.constant 0 : index
        %get3A_741 = tpu.vector_load %arg14[%get3A_739, %get3A_740] {strides = array<i32>} : memref<40x96xf32, #tpu.memory_space<vmem>>, vector<16xf32>,
        %get3A_742 = arith.index_cast %scan3A_676 : i32 to index
        %get3A_743 = arith.constant 32 : index
        %get3A_744 = tpu.vector_load %arg12[%get3A_742, %get3A_743] {strides = array<i32>} : memref<40x128xf32, #tpu.memory_space<vmem>>, vector<16xf32>,
        %mul3A_745 = arith.mulf %get3A_741, %get3A_744 : vector<16xf32>
        %cumsum3A_746 = arith.constant true
        %cumsum3A_747 = vector.broadcast %cumsum3A_746 : i1 to vector<16xi1>
        %cumsum3A_748 = tpu.scan <sum>, %mul3A_745 masked %cumsum3A_747 : vector<16xf32>, vector<16xi1> -> vector<16xf32>
        %get3A_749 = arith.index_cast %scan3A_676 : i32 to index
        %get3A_750 = arith.constant 16 : index
        %get3A_751 = tpu.vector_load %arg14[%get3A_749, %get3A_750] {strides = array<i32>} : memref<40x96xf32, #tpu.memory_space<vmem>>, vector<16xf32>,
        %get3A_752 = arith.index_cast %scan3A_676 : i32 to index
        %get3A_753 = arith.constant 48 : index
        %get3A_754 = tpu.vector_load %arg12[%get3A_752, %get3A_753] {strides = array<i32>} : memref<40x128xf32, #tpu.memory_space<vmem>>, vector<16xf32>,
        %mul3A_755 = arith.mulf %get3A_751, %get3A_754 : vector<16xf32>
        %cumsum3A_756 = arith.constant true
        %cumsum3A_757 = vector.broadcast %cumsum3A_756 : i1 to vector<16xi1>
        %cumsum3A_758 = tpu.scan <sum>, %mul3A_755 masked %cumsum3A_757 : vector<16xf32>, vector<16xi1> -> vector<16xf32>
        %get3A_759 = arith.index_cast %scan3A_676 : i32 to index
        %get3A_760 = arith.constant 32 : index
        %get3A_761 = tpu.vector_load %arg14[%get3A_759, %get3A_760] {strides = array<i32>} : memref<40x96xf32, #tpu.memory_space<vmem>>, vector<16xf32>,
        %get3A_762 = arith.index_cast %scan3A_676 : i32 to index
        %get3A_763 = arith.constant 64 : index
        %get3A_764 = tpu.vector_load %arg12[%get3A_762, %get3A_763] {strides = array<i32>} : memref<40x128xf32, #tpu.memory_space<vmem>>, vector<16xf32>,
        %mul3A_765 = arith.mulf %get3A_761, %get3A_764 : vector<16xf32>
        %cumsum3A_766 = arith.constant true
        %cumsum3A_767 = vector.broadcast %cumsum3A_766 : i1 to vector<16xi1>
        %cumsum3A_768 = tpu.scan <sum>, %mul3A_765 masked %cumsum3A_767 : vector<16xf32>, vector<16xi1> -> vector<16xf32>
        %get3A_769 = arith.index_cast %scan3A_676 : i32 to index
        %get3A_770 = arith.constant 48 : index
        %get3A_771 = tpu.vector_load %arg14[%get3A_769, %get3A_770] {strides = array<i32>} : memref<40x96xf32, #tpu.memory_space<vmem>>, vector<16xf32>,
        %get3A_772 = arith.index_cast %scan3A_676 : i32 to index
        %get3A_773 = arith.constant 80 : index
        %get3A_774 = tpu.vector_load %arg12[%get3A_772, %get3A_773] {strides = array<i32>} : memref<40x128xf32, #tpu.memory_space<vmem>>, vector<16xf32>,
        %mul3A_775 = arith.mulf %get3A_771, %get3A_774 : vector<16xf32>
        %cumsum3A_776 = arith.constant true
        %cumsum3A_777 = vector.broadcast %cumsum3A_776 : i1 to vector<16xi1>
        %cumsum3A_778 = tpu.scan <sum>, %mul3A_775 masked %cumsum3A_777 : vector<16xf32>, vector<16xi1> -> vector<16xf32>
        %get3A_779 = arith.index_cast %scan3A_676 : i32 to index
        %get3A_780 = arith.constant 64 : index
        %get3A_781 = tpu.vector_load %arg14[%get3A_779, %get3A_780] {strides = array<i32>} : memref<40x96xf32, #tpu.memory_space<vmem>>, vector<16xf32>,
        %get3A_782 = arith.index_cast %scan3A_676 : i32 to index
        %get3A_783 = arith.constant 96 : index
        %get3A_784 = tpu.vector_load %arg12[%get3A_782, %get3A_783] {strides = array<i32>} : memref<40x128xf32, #tpu.memory_space<vmem>>, vector<16xf32>,
        %mul3A_785 = arith.mulf %get3A_781, %get3A_784 : vector<16xf32>
        %cumsum3A_786 = arith.constant true
        %cumsum3A_787 = vector.broadcast %cumsum3A_786 : i1 to vector<16xi1>
        %cumsum3A_788 = tpu.scan <sum>, %mul3A_785 masked %cumsum3A_787 : vector<16xf32>, vector<16xi1> -> vector<16xf32>
        %get3A_789 = arith.index_cast %scan3A_676 : i32 to index
        %get3A_790 = arith.constant 80 : index
        %get3A_791 = tpu.vector_load %arg14[%get3A_789, %get3A_790] {strides = array<i32>} : memref<40x96xf32, #tpu.memory_space<vmem>>, vector<16xf32>,
        %get3A_792 = arith.index_cast %scan3A_676 : i32 to index
        %get3A_793 = arith.constant 112 : index
        %get3A_794 = tpu.vector_load %arg12[%get3A_792, %get3A_793] {strides = array<i32>} : memref<40x128xf32, #tpu.memory_space<vmem>>, vector<16xf32>,
        %mul3A_795 = arith.mulf %get3A_791, %get3A_794 : vector<16xf32>
        %cumsum3A_796 = arith.constant true
        %cumsum3A_797 = vector.broadcast %cumsum3A_796 : i1 to vector<16xi1>
        %cumsum3A_798 = tpu.scan <sum>, %mul3A_795 masked %cumsum3A_797 : vector<16xf32>, vector<16xi1> -> vector<16xf32>
        %slice3A_799 = vector.extract_strided_slice %cumsum3A_748 {offsets = [15], sizes = [1], strides = [1]} : vector<16xf32> to vector<1xf32>
        %squeeze3A_800 = vector.extract %slice3A_799[0] : f32 from vector<1xf32>
        %add3A_801 = arith.constant 0.000000e+00 : f32
        %add3A_802 = arith.addf %add3A_801, %squeeze3A_800 : f32
        %slice3A_803 = vector.extract_strided_slice %cumsum3A_758 {offsets = [15], sizes = [1], strides = [1]} : vector<16xf32> to vector<1xf32>
        %squeeze3A_804 = vector.extract %slice3A_803[0] : f32 from vector<1xf32>
        %add3A_805 = arith.addf %add3A_802, %squeeze3A_804 : f32
        %slice3A_806 = vector.extract_strided_slice %cumsum3A_768 {offsets = [15], sizes = [1], strides = [1]} : vector<16xf32> to vector<1xf32>
        %squeeze3A_807 = vector.extract %slice3A_806[0] : f32 from vector<1xf32>
        %add3A_808 = arith.addf %add3A_805, %squeeze3A_807 : f32
        %slice3A_809 = vector.extract_strided_slice %cumsum3A_778 {offsets = [15], sizes = [1], strides = [1]} : vector<16xf32> to vector<1xf32>
        %squeeze3A_810 = vector.extract %slice3A_809[0] : f32 from vector<1xf32>
        %add3A_811 = arith.addf %add3A_808, %squeeze3A_810 : f32
        %slice3A_812 = vector.extract_strided_slice %cumsum3A_788 {offsets = [15], sizes = [1], strides = [1]} : vector<16xf32> to vector<1xf32>
        %squeeze3A_813 = vector.extract %slice3A_812[0] : f32 from vector<1xf32>
        %add3A_814 = arith.addf %add3A_811, %squeeze3A_813 : f32
        %slice3A_815 = vector.extract_strided_slice %cumsum3A_748 {offsets = [11], sizes = [1], strides = [1]} : vector<16xf32> to vector<1xf32>
        %squeeze3A_816 = vector.extract %slice3A_815[0] : f32 from vector<1xf32>
        %add3A_817 = arith.constant 0.000000e+00 : f32
        %add3A_818 = arith.addf %add3A_817, %squeeze3A_816 : f32
        %sub3A_819 = arith.constant 0.000000e+00 : f32
        %sub3A_820 = arith.subf %add3A_818, %sub3A_819 : f32
        %add3A_821 = arith.addf %sub3A_690, %sub3A_820 : f32
        %slice3A_822 = vector.extract_strided_slice %cumsum3A_758 {offsets = [7], sizes = [1], strides = [1]} : vector<16xf32> to vector<1xf32>
        %squeeze3A_823 = vector.extract %slice3A_822[0] : f32 from vector<1xf32>
        %add3A_824 = arith.addf %add3A_802, %squeeze3A_823 : f32
        %sub3A_825 = arith.subf %add3A_824, %add3A_818 : f32
        %add3A_826 = arith.addf %sub3A_695, %sub3A_825 : f32
        %slice3A_827 = vector.extract_strided_slice %cumsum3A_768 {offsets = [3], sizes = [1], strides = [1]} : vector<16xf32> to vector<1xf32>
        %squeeze3A_828 = vector.extract %slice3A_827[0] : f32 from vector<1xf32>
        %add3A_829 = arith.addf %add3A_805, %squeeze3A_828 : f32
        %sub3A_830 = arith.subf %add3A_829, %add3A_824 : f32
        %add3A_831 = arith.addf %sub3A_700, %sub3A_830 : f32
        %slice3A_832 = vector.extract_strided_slice %cumsum3A_768 {offsets = [15], sizes = [1], strides = [1]} : vector<16xf32> to vector<1xf32>
        %squeeze3A_833 = vector.extract %slice3A_832[0] : f32 from vector<1xf32>
        %add3A_834 = arith.addf %add3A_805, %squeeze3A_833 : f32
        %sub3A_835 = arith.subf %add3A_834, %add3A_829 : f32
        %add3A_836 = arith.addf %sub3A_705, %sub3A_835 : f32
        %slice3A_837 = vector.extract_strided_slice %cumsum3A_778 {offsets = [11], sizes = [1], strides = [1]} : vector<16xf32> to vector<1xf32>
        %squeeze3A_838 = vector.extract %slice3A_837[0] : f32 from vector<1xf32>
        %add3A_839 = arith.addf %add3A_808, %squeeze3A_838 : f32
        %sub3A_840 = arith.subf %add3A_839, %add3A_834 : f32
        %add3A_841 = arith.addf %sub3A_721, %sub3A_840 : f32
        %slice3A_842 = vector.extract_strided_slice %cumsum3A_788 {offsets = [7], sizes = [1], strides = [1]} : vector<16xf32> to vector<1xf32>
        %squeeze3A_843 = vector.extract %slice3A_842[0] : f32 from vector<1xf32>
        %add3A_844 = arith.addf %add3A_811, %squeeze3A_843 : f32
        %sub3A_845 = arith.subf %add3A_844, %add3A_839 : f32
        %add3A_846 = arith.addf %sub3A_726, %sub3A_845 : f32
        %slice3A_847 = vector.extract_strided_slice %cumsum3A_798 {offsets = [3], sizes = [1], strides = [1]} : vector<16xf32> to vector<1xf32>
        %squeeze3A_848 = vector.extract %slice3A_847[0] : f32 from vector<1xf32>
        %add3A_849 = arith.addf %add3A_814, %squeeze3A_848 : f32
        %sub3A_850 = arith.subf %add3A_849, %add3A_844 : f32
        %add3A_851 = arith.addf %sub3A_731, %sub3A_850 : f32
        %slice3A_852 = vector.extract_strided_slice %cumsum3A_798 {offsets = [15], sizes = [1], strides = [1]} : vector<16xf32> to vector<1xf32>
        %squeeze3A_853 = vector.extract %slice3A_852[0] : f32 from vector<1xf32>
        %add3A_854 = arith.addf %add3A_814, %squeeze3A_853 : f32
        %sub3A_855 = arith.subf %add3A_854, %add3A_849 : f32
        %add3A_856 = arith.addf %sub3A_736, %sub3A_855 : f32
        %broadcast_in_dim3A_857 = arith.constant 0.000000e+00 : f32
        %broadcast_in_dim3A_858 = vector.broadcast %broadcast_in_dim3A_857 : f32 to vector<16xf32>
        %eq3A_859 = arith.constant 0 : i32
        %eq3A_860 = vector.broadcast %eq3A_859 : i32 to vector<16xi32>
        %eq3A_861 = arith.cmpi eq, %iota3A, %eq3A_860 : vector<16xi32>
        %broadcast_in_dim3A_862 = vector.broadcast %add3A_821 : f32 to vector<16xf32>
        %select_n3A_863 = arith.select %eq3A_861, %broadcast_in_dim3A_862, %broadcast_in_dim3A_858 : vector<16xi1>, vector<16xf32>
        %eq3A_864 = arith.constant 1 : i32
        %eq3A_865 = vector.broadcast %eq3A_864 : i32 to vector<16xi32>
        %eq3A_866 = arith.cmpi eq, %iota3A, %eq3A_865 : vector<16xi32>
        %broadcast_in_dim3A_867 = vector.broadcast %add3A_826 : f32 to vector<16xf32>
        %select_n3A_868 = arith.select %eq3A_866, %broadcast_in_dim3A_867, %select_n3A_863 : vector<16xi1>, vector<16xf32>
        %eq3A_869 = arith.constant 2 : i32
        %eq3A_870 = vector.broadcast %eq3A_869 : i32 to vector<16xi32>
        %eq3A_871 = arith.cmpi eq, %iota3A, %eq3A_870 : vector<16xi32>
        %broadcast_in_dim3A_872 = vector.broadcast %add3A_831 : f32 to vector<16xf32>
        %select_n3A_873 = arith.select %eq3A_871, %broadcast_in_dim3A_872, %select_n3A_868 : vector<16xi1>, vector<16xf32>
        %eq3A_874 = arith.constant 3 : i32
        %eq3A_875 = vector.broadcast %eq3A_874 : i32 to vector<16xi32>
        %eq3A_876 = arith.cmpi eq, %iota3A, %eq3A_875 : vector<16xi32>
        %broadcast_in_dim3A_877 = vector.broadcast %add3A_836 : f32 to vector<16xf32>
        %select_n3A_878 = arith.select %eq3A_876, %broadcast_in_dim3A_877, %select_n3A_873 : vector<16xi1>, vector<16xf32>
        %eq3A_879 = arith.constant 4 : i32
        %eq3A_880 = vector.broadcast %eq3A_879 : i32 to vector<16xi32>
        %eq3A_881 = arith.cmpi eq, %iota3A, %eq3A_880 : vector<16xi32>
        %broadcast_in_dim3A_882 = vector.broadcast %add3A_841 : f32 to vector<16xf32>
        %select_n3A_883 = arith.select %eq3A_881, %broadcast_in_dim3A_882, %select_n3A_878 : vector<16xi1>, vector<16xf32>
        %eq3A_884 = arith.constant 5 : i32
        %eq3A_885 = vector.broadcast %eq3A_884 : i32 to vector<16xi32>
        %eq3A_886 = arith.cmpi eq, %iota3A, %eq3A_885 : vector<16xi32>
        %broadcast_in_dim3A_887 = vector.broadcast %add3A_846 : f32 to vector<16xf32>
        %select_n3A_888 = arith.select %eq3A_886, %broadcast_in_dim3A_887, %select_n3A_883 : vector<16xi1>, vector<16xf32>
        %eq3A_889 = arith.constant 6 : i32
        %eq3A_890 = vector.broadcast %eq3A_889 : i32 to vector<16xi32>
        %eq3A_891 = arith.cmpi eq, %iota3A, %eq3A_890 : vector<16xi32>
        %broadcast_in_dim3A_892 = vector.broadcast %add3A_851 : f32 to vector<16xf32>
        %select_n3A_893 = arith.select %eq3A_891, %broadcast_in_dim3A_892, %select_n3A_888 : vector<16xi1>, vector<16xf32>
        %eq3A_894 = arith.constant 7 : i32
        %eq3A_895 = vector.broadcast %eq3A_894 : i32 to vector<16xi32>
        %eq3A_896 = arith.cmpi eq, %iota3A, %eq3A_895 : vector<16xi32>
        %broadcast_in_dim3A_897 = vector.broadcast %add3A_856 : f32 to vector<16xf32>
        %select_n3A_898 = arith.select %eq3A_896, %broadcast_in_dim3A_897, %select_n3A_893 : vector<16xi1>, vector<16xf32>
        %exp3A_899 = math.exp %select_n3A_898 : vector<16xf32>
        %jit3A_900 = arith.constant 0.000000e+00 : f64
        %convert_element_type3A_901 = arith.truncf %jit3A_900 : f64 to f32
        %broadcast_in_dim3A_902 = vector.broadcast %convert_element_type3A_901 : f32 to vector<16xf32>
        %select_n3A_903 = arith.select %lt3A_36, %exp3A_899, %broadcast_in_dim3A_902 : vector<16xi1>, vector<16xf32>
        %lt3A_904 = arith.constant 4 : i32
        %lt3A_905 = vector.broadcast %lt3A_904 : i32 to vector<16xi32>
        %lt3A_906 = arith.cmpi slt, %iota3A, %lt3A_905 : vector<16xi32>
        %slice3A_907 = vector.extract_strided_slice %select_n3A_903 {offsets = [0], sizes = [1], strides = [1]} : vector<16xf32> to vector<1xf32>
        %squeeze3A_908 = vector.extract %slice3A_907[0] : f32 from vector<1xf32>
        %lt3A_909 = arith.constant 8 : i32
        %lt3A_910 = vector.broadcast %lt3A_909 : i32 to vector<16xi32>
        %lt3A_911 = arith.cmpi slt, %iota3A, %lt3A_910 : vector<16xi32>
        %slice3A_912 = vector.extract_strided_slice %select_n3A_903 {offsets = [1], sizes = [1], strides = [1]} : vector<16xf32> to vector<1xf32>
        %squeeze3A_913 = vector.extract %slice3A_912[0] : f32 from vector<1xf32>
        %lt3A_914 = arith.constant 12 : i32
        %lt3A_915 = vector.broadcast %lt3A_914 : i32 to vector<16xi32>
        %lt3A_916 = arith.cmpi slt, %iota3A, %lt3A_915 : vector<16xi32>
        %slice3A_917 = vector.extract_strided_slice %select_n3A_903 {offsets = [2], sizes = [1], strides = [1]} : vector<16xf32> to vector<1xf32>
        %squeeze3A_918 = vector.extract %slice3A_917[0] : f32 from vector<1xf32>
        %slice3A_919 = vector.extract_strided_slice %select_n3A_903 {offsets = [3], sizes = [1], strides = [1]} : vector<16xf32> to vector<1xf32>
        %squeeze3A_920 = vector.extract %slice3A_919[0] : f32 from vector<1xf32>
        %broadcast_in_dim3A_921 = vector.broadcast %squeeze3A_918 : f32 to vector<16xf32>
        %broadcast_in_dim3A_922 = vector.broadcast %squeeze3A_920 : f32 to vector<16xf32>
        %select_n3A_923 = arith.select %lt3A_916, %broadcast_in_dim3A_921, %broadcast_in_dim3A_922 : vector<16xi1>, vector<16xf32>
        %broadcast_in_dim3A_924 = vector.broadcast %squeeze3A_913 : f32 to vector<16xf32>
        %select_n3A_925 = arith.select %lt3A_911, %broadcast_in_dim3A_924, %select_n3A_923 : vector<16xi1>, vector<16xf32>
        %broadcast_in_dim3A_926 = vector.broadcast %squeeze3A_908 : f32 to vector<16xf32>
        %select_n3A_927 = arith.select %lt3A_906, %broadcast_in_dim3A_926, %select_n3A_925 : vector<16xi1>, vector<16xf32>
        %get3A_928 = arith.index_cast %scan3A_676 : i32 to index
        %get3A_929 = arith.constant 0 : index
        %get3A_930 = tpu.vector_load %arg15[%get3A_928, %get3A_929] {strides = array<i32>} : memref<40x32xf32, #tpu.memory_space<vmem>>, vector<16xf32>,
        %mul3A_931 = arith.mulf %get3A_930, %select_n3A_927 : vector<16xf32>
        %swap3A_932 = arith.index_cast %scan3A_676 : i32 to index
        %swap3A_933 = arith.constant 0 : index
        %swap3A_934 = tpu.vector_load %arg17[%swap3A_932, %swap3A_933] {strides = array<i32>} : memref<40x144xf32, #tpu.memory_space<vmem>>, vector<16xf32>,
        tpu.vector_store %arg17[%swap3A_932, %swap3A_933], %mul3A_931 {strides = array<i32>} : memref<40x144xf32, #tpu.memory_space<vmem>>, vector<16xf32>,
        %lt3A_935 = arith.constant 4 : i32
        %lt3A_936 = vector.broadcast %lt3A_935 : i32 to vector<16xi32>
        %lt3A_937 = arith.cmpi slt, %iota3A, %lt3A_936 : vector<16xi32>
        %slice3A_938 = vector.extract_strided_slice %select_n3A_903 {offsets = [4], sizes = [1], strides = [1]} : vector<16xf32> to vector<1xf32>
        %squeeze3A_939 = vector.extract %slice3A_938[0] : f32 from vector<1xf32>
        %lt3A_940 = arith.constant 8 : i32
        %lt3A_941 = vector.broadcast %lt3A_940 : i32 to vector<16xi32>
        %lt3A_942 = arith.cmpi slt, %iota3A, %lt3A_941 : vector<16xi32>
        %slice3A_943 = vector.extract_strided_slice %select_n3A_903 {offsets = [5], sizes = [1], strides = [1]} : vector<16xf32> to vector<1xf32>
        %squeeze3A_944 = vector.extract %slice3A_943[0] : f32 from vector<1xf32>
        %lt3A_945 = arith.constant 12 : i32
        %lt3A_946 = vector.broadcast %lt3A_945 : i32 to vector<16xi32>
        %lt3A_947 = arith.cmpi slt, %iota3A, %lt3A_946 : vector<16xi32>
        %slice3A_948 = vector.extract_strided_slice %select_n3A_903 {offsets = [6], sizes = [1], strides = [1]} : vector<16xf32> to vector<1xf32>
        %squeeze3A_949 = vector.extract %slice3A_948[0] : f32 from vector<1xf32>
        %slice3A_950 = vector.extract_strided_slice %select_n3A_903 {offsets = [7], sizes = [1], strides = [1]} : vector<16xf32> to vector<1xf32>
        %squeeze3A_951 = vector.extract %slice3A_950[0] : f32 from vector<1xf32>
        %broadcast_in_dim3A_952 = vector.broadcast %squeeze3A_949 : f32 to vector<16xf32>
        %broadcast_in_dim3A_953 = vector.broadcast %squeeze3A_951 : f32 to vector<16xf32>
        %select_n3A_954 = arith.select %lt3A_947, %broadcast_in_dim3A_952, %broadcast_in_dim3A_953 : vector<16xi1>, vector<16xf32>
        %broadcast_in_dim3A_955 = vector.broadcast %squeeze3A_944 : f32 to vector<16xf32>
        %select_n3A_956 = arith.select %lt3A_942, %broadcast_in_dim3A_955, %select_n3A_954 : vector<16xi1>, vector<16xf32>
        %broadcast_in_dim3A_957 = vector.broadcast %squeeze3A_939 : f32 to vector<16xf32>
        %select_n3A_958 = arith.select %lt3A_937, %broadcast_in_dim3A_957, %select_n3A_956 : vector<16xi1>, vector<16xf32>
        %get3A_959 = arith.index_cast %scan3A_676 : i32 to index
        %get3A_960 = arith.constant 16 : index
        %get3A_961 = tpu.vector_load %arg15[%get3A_959, %get3A_960] {strides = array<i32>} : memref<40x32xf32, #tpu.memory_space<vmem>>, vector<16xf32>,
        %mul3A_962 = arith.mulf %get3A_961, %select_n3A_958 : vector<16xf32>
        %swap3A_963 = arith.index_cast %scan3A_676 : i32 to index
        %swap3A_964 = arith.constant 16 : index
        %swap3A_965 = tpu.vector_load %arg17[%swap3A_963, %swap3A_964] {strides = array<i32>} : memref<40x144xf32, #tpu.memory_space<vmem>>, vector<16xf32>,
        tpu.vector_store %arg17[%swap3A_963, %swap3A_964], %mul3A_962 {strides = array<i32>} : memref<40x144xf32, #tpu.memory_space<vmem>>, vector<16xf32>,
        %lt3A_966 = arith.constant 12 : i32
        %lt3A_967 = vector.broadcast %lt3A_966 : i32 to vector<16xi32>
        %lt3A_968 = arith.cmpi slt, %iota3A, %lt3A_967 : vector<16xi32>
        %slice3A_969 = vector.extract_strided_slice %select_n3A_903 {offsets = [0], sizes = [1], strides = [1]} : vector<16xf32> to vector<1xf32>
        %squeeze3A_970 = vector.extract %slice3A_969[0] : f32 from vector<1xf32>
        %slice3A_971 = vector.extract_strided_slice %select_n3A_903 {offsets = [1], sizes = [1], strides = [1]} : vector<16xf32> to vector<1xf32>
        %squeeze3A_972 = vector.extract %slice3A_971[0] : f32 from vector<1xf32>
        %broadcast_in_dim3A_973 = vector.broadcast %squeeze3A_970 : f32 to vector<16xf32>
        %broadcast_in_dim3A_974 = vector.broadcast %squeeze3A_972 : f32 to vector<16xf32>
        %select_n3A_975 = arith.select %lt3A_968, %broadcast_in_dim3A_973, %broadcast_in_dim3A_974 : vector<16xi1>, vector<16xf32>
        %get3A_976 = arith.index_cast %scan3A_676 : i32 to index
        %get3A_977 = arith.constant 0 : index
        %get3A_978 = tpu.vector_load %arg16[%get3A_976, %get3A_977] {strides = array<i32>} : memref<40x96xf32, #tpu.memory_space<vmem>>, vector<16xf32>,
        %mul3A_979 = arith.mulf %get3A_978, %select_n3A_975 : vector<16xf32>
        %swap3A_980 = arith.index_cast %scan3A_676 : i32 to index
        %swap3A_981 = arith.constant 32 : index
        %swap3A_982 = tpu.vector_load %arg17[%swap3A_980, %swap3A_981] {strides = array<i32>} : memref<40x144xf32, #tpu.memory_space<vmem>>, vector<16xf32>,
        tpu.vector_store %arg17[%swap3A_980, %swap3A_981], %mul3A_979 {strides = array<i32>} : memref<40x144xf32, #tpu.memory_space<vmem>>, vector<16xf32>,
        %lt3A_983 = arith.constant 8 : i32
        %lt3A_984 = vector.broadcast %lt3A_983 : i32 to vector<16xi32>
        %lt3A_985 = arith.cmpi slt, %iota3A, %lt3A_984 : vector<16xi32>
        %slice3A_986 = vector.extract_strided_slice %select_n3A_903 {offsets = [1], sizes = [1], strides = [1]} : vector<16xf32> to vector<1xf32>
        %squeeze3A_987 = vector.extract %slice3A_986[0] : f32 from vector<1xf32>
        %slice3A_988 = vector.extract_strided_slice %select_n3A_903 {offsets = [2], sizes = [1], strides = [1]} : vector<16xf32> to vector<1xf32>
        %squeeze3A_989 = vector.extract %slice3A_988[0] : f32 from vector<1xf32>
        %broadcast_in_dim3A_990 = vector.broadcast %squeeze3A_987 : f32 to vector<16xf32>
        %broadcast_in_dim3A_991 = vector.broadcast %squeeze3A_989 : f32 to vector<16xf32>
        %select_n3A_992 = arith.select %lt3A_985, %broadcast_in_dim3A_990, %broadcast_in_dim3A_991 : vector<16xi1>, vector<16xf32>
        %get3A_993 = arith.index_cast %scan3A_676 : i32 to index
        %get3A_994 = arith.constant 16 : index
        %get3A_995 = tpu.vector_load %arg16[%get3A_993, %get3A_994] {strides = array<i32>} : memref<40x96xf32, #tpu.memory_space<vmem>>, vector<16xf32>,
        %mul3A_996 = arith.mulf %get3A_995, %select_n3A_992 : vector<16xf32>
        %swap3A_997 = arith.index_cast %scan3A_676 : i32 to index
        %swap3A_998 = arith.constant 48 : index
        %swap3A_999 = tpu.vector_load %arg17[%swap3A_997, %swap3A_998] {strides = array<i32>} : memref<40x144xf32, #tpu.memory_space<vmem>>, vector<16xf32>,
        tpu.vector_store %arg17[%swap3A_997, %swap3A_998], %mul3A_996 {strides = array<i32>} : memref<40x144xf32, #tpu.memory_space<vmem>>, vector<16xf32>,
        %lt3A_1000 = arith.constant 4 : i32
        %lt3A_1001 = vector.broadcast %lt3A_1000 : i32 to vector<16xi32>
        %lt3A_1002 = arith.cmpi slt, %iota3A, %lt3A_1001 : vector<16xi32>
        %slice3A_1003 = vector.extract_strided_slice %select_n3A_903 {offsets = [2], sizes = [1], strides = [1]} : vector<16xf32> to vector<1xf32>
        %squeeze3A_1004 = vector.extract %slice3A_1003[0] : f32 from vector<1xf32>
        %slice3A_1005 = vector.extract_strided_slice %select_n3A_903 {offsets = [3], sizes = [1], strides = [1]} : vector<16xf32> to vector<1xf32>
        %squeeze3A_1006 = vector.extract %slice3A_1005[0] : f32 from vector<1xf32>
        %broadcast_in_dim3A_1007 = vector.broadcast %squeeze3A_1004 : f32 to vector<16xf32>
        %broadcast_in_dim3A_1008 = vector.broadcast %squeeze3A_1006 : f32 to vector<16xf32>
        %select_n3A_1009 = arith.select %lt3A_1002, %broadcast_in_dim3A_1007, %broadcast_in_dim3A_1008 : vector<16xi1>, vector<16xf32>
        %get3A_1010 = arith.index_cast %scan3A_676 : i32 to index
        %get3A_1011 = arith.constant 32 : index
        %get3A_1012 = tpu.vector_load %arg16[%get3A_1010, %get3A_1011] {strides = array<i32>} : memref<40x96xf32, #tpu.memory_space<vmem>>, vector<16xf32>,
        %mul3A_1013 = arith.mulf %get3A_1012, %select_n3A_1009 : vector<16xf32>
        %swap3A_1014 = arith.index_cast %scan3A_676 : i32 to index
        %swap3A_1015 = arith.constant 64 : index
        %swap3A_1016 = tpu.vector_load %arg17[%swap3A_1014, %swap3A_1015] {strides = array<i32>} : memref<40x144xf32, #tpu.memory_space<vmem>>, vector<16xf32>,
        tpu.vector_store %arg17[%swap3A_1014, %swap3A_1015], %mul3A_1013 {strides = array<i32>} : memref<40x144xf32, #tpu.memory_space<vmem>>, vector<16xf32>,
        %lt3A_1017 = arith.constant 12 : i32
        %lt3A_1018 = vector.broadcast %lt3A_1017 : i32 to vector<16xi32>
        %lt3A_1019 = arith.cmpi slt, %iota3A, %lt3A_1018 : vector<16xi32>
        %slice3A_1020 = vector.extract_strided_slice %select_n3A_903 {offsets = [4], sizes = [1], strides = [1]} : vector<16xf32> to vector<1xf32>
        %squeeze3A_1021 = vector.extract %slice3A_1020[0] : f32 from vector<1xf32>
        %slice3A_1022 = vector.extract_strided_slice %select_n3A_903 {offsets = [5], sizes = [1], strides = [1]} : vector<16xf32> to vector<1xf32>
        %squeeze3A_1023 = vector.extract %slice3A_1022[0] : f32 from vector<1xf32>
        %broadcast_in_dim3A_1024 = vector.broadcast %squeeze3A_1021 : f32 to vector<16xf32>
        %broadcast_in_dim3A_1025 = vector.broadcast %squeeze3A_1023 : f32 to vector<16xf32>
        %select_n3A_1026 = arith.select %lt3A_1019, %broadcast_in_dim3A_1024, %broadcast_in_dim3A_1025 : vector<16xi1>, vector<16xf32>
        %get3A_1027 = arith.index_cast %scan3A_676 : i32 to index
        %get3A_1028 = arith.constant 48 : index
        %get3A_1029 = tpu.vector_load %arg16[%get3A_1027, %get3A_1028] {strides = array<i32>} : memref<40x96xf32, #tpu.memory_space<vmem>>, vector<16xf32>,
        %mul3A_1030 = arith.mulf %get3A_1029, %select_n3A_1026 : vector<16xf32>
        %swap3A_1031 = arith.index_cast %scan3A_676 : i32 to index
        %swap3A_1032 = arith.constant 80 : index
        %swap3A_1033 = tpu.vector_load %arg17[%swap3A_1031, %swap3A_1032] {strides = array<i32>} : memref<40x144xf32, #tpu.memory_space<vmem>>, vector<16xf32>,
        tpu.vector_store %arg17[%swap3A_1031, %swap3A_1032], %mul3A_1030 {strides = array<i32>} : memref<40x144xf32, #tpu.memory_space<vmem>>, vector<16xf32>,
        %lt3A_1034 = arith.constant 8 : i32
        %lt3A_1035 = vector.broadcast %lt3A_1034 : i32 to vector<16xi32>
        %lt3A_1036 = arith.cmpi slt, %iota3A, %lt3A_1035 : vector<16xi32>
        %slice3A_1037 = vector.extract_strided_slice %select_n3A_903 {offsets = [5], sizes = [1], strides = [1]} : vector<16xf32> to vector<1xf32>
        %squeeze3A_1038 = vector.extract %slice3A_1037[0] : f32 from vector<1xf32>
        %slice3A_1039 = vector.extract_strided_slice %select_n3A_903 {offsets = [6], sizes = [1], strides = [1]} : vector<16xf32> to vector<1xf32>
        %squeeze3A_1040 = vector.extract %slice3A_1039[0] : f32 from vector<1xf32>
        %broadcast_in_dim3A_1041 = vector.broadcast %squeeze3A_1038 : f32 to vector<16xf32>
        %broadcast_in_dim3A_1042 = vector.broadcast %squeeze3A_1040 : f32 to vector<16xf32>
        %select_n3A_1043 = arith.select %lt3A_1036, %broadcast_in_dim3A_1041, %broadcast_in_dim3A_1042 : vector<16xi1>, vector<16xf32>
        %get3A_1044 = arith.index_cast %scan3A_676 : i32 to index
        %get3A_1045 = arith.constant 64 : index
        %get3A_1046 = tpu.vector_load %arg16[%get3A_1044, %get3A_1045] {strides = array<i32>} : memref<40x96xf32, #tpu.memory_space<vmem>>, vector<16xf32>,
        %mul3A_1047 = arith.mulf %get3A_1046, %select_n3A_1043 : vector<16xf32>
        %swap3A_1048 = arith.index_cast %scan3A_676 : i32 to index
        %swap3A_1049 = arith.constant 96 : index
        %swap3A_1050 = tpu.vector_load %arg17[%swap3A_1048, %swap3A_1049] {strides = array<i32>} : memref<40x144xf32, #tpu.memory_space<vmem>>, vector<16xf32>,
        tpu.vector_store %arg17[%swap3A_1048, %swap3A_1049], %mul3A_1047 {strides = array<i32>} : memref<40x144xf32, #tpu.memory_space<vmem>>, vector<16xf32>,
        %lt3A_1051 = arith.constant 4 : i32
        %lt3A_1052 = vector.broadcast %lt3A_1051 : i32 to vector<16xi32>
        %lt3A_1053 = arith.cmpi slt, %iota3A, %lt3A_1052 : vector<16xi32>
        %slice3A_1054 = vector.extract_strided_slice %select_n3A_903 {offsets = [6], sizes = [1], strides = [1]} : vector<16xf32> to vector<1xf32>
        %squeeze3A_1055 = vector.extract %slice3A_1054[0] : f32 from vector<1xf32>
        %slice3A_1056 = vector.extract_strided_slice %select_n3A_903 {offsets = [7], sizes = [1], strides = [1]} : vector<16xf32> to vector<1xf32>
        %squeeze3A_1057 = vector.extract %slice3A_1056[0] : f32 from vector<1xf32>
        %broadcast_in_dim3A_1058 = vector.broadcast %squeeze3A_1055 : f32 to vector<16xf32>
        %broadcast_in_dim3A_1059 = vector.broadcast %squeeze3A_1057 : f32 to vector<16xf32>
        %select_n3A_1060 = arith.select %lt3A_1053, %broadcast_in_dim3A_1058, %broadcast_in_dim3A_1059 : vector<16xi1>, vector<16xf32>
        %get3A_1061 = arith.index_cast %scan3A_676 : i32 to index
        %get3A_1062 = arith.constant 80 : index
        %get3A_1063 = tpu.vector_load %arg16[%get3A_1061, %get3A_1062] {strides = array<i32>} : memref<40x96xf32, #tpu.memory_space<vmem>>, vector<16xf32>,
        %mul3A_1064 = arith.mulf %get3A_1063, %select_n3A_1060 : vector<16xf32>
        %swap3A_1065 = arith.index_cast %scan3A_676 : i32 to index
        %swap3A_1066 = arith.constant 112 : index
        %swap3A_1067 = tpu.vector_load %arg17[%swap3A_1065, %swap3A_1066] {strides = array<i32>} : memref<40x144xf32, #tpu.memory_space<vmem>>, vector<16xf32>,
        tpu.vector_store %arg17[%swap3A_1065, %swap3A_1066], %mul3A_1064 {strides = array<i32>} : memref<40x144xf32, #tpu.memory_space<vmem>>, vector<16xf32>,
        %swap3A_1068 = arith.index_cast %scan3A_676 : i32 to index
        %swap3A_1069 = arith.constant 128 : index
        %swap3A_1070 = tpu.vector_load %arg17[%swap3A_1068, %swap3A_1069] {strides = array<i32>} : memref<40x144xf32, #tpu.memory_space<vmem>>, vector<16xf32>,
        tpu.vector_store %arg17[%swap3A_1068, %swap3A_1069], %select_n3A_903 {strides = array<i32>} : memref<40x144xf32, #tpu.memory_space<vmem>>, vector<16xf32>,
        %scan3A_1071 = arith.constant 2 : i32
        %scan3A_1072 = arith.addi %scan3A_292, %scan3A_1071 : i32
        %get3A_1073 = arith.index_cast %scan3A_1072 : i32 to index
        %get3A_1074 = arith.constant 0 : index
        %get3A_1075 = tpu.vector_load %arg13[%get3A_1073, %get3A_1074] {strides = array<i32>} : memref<40x32xf32, #tpu.memory_space<vmem>>, vector<16xf32>,
        %get3A_1076 = arith.index_cast %scan3A_1072 : i32 to index
        %get3A_1077 = arith.constant 0 : index
        %get3A_1078 = tpu.vector_load %arg12[%get3A_1076, %get3A_1077] {strides = array<i32>} : memref<40x128xf32, #tpu.memory_space<vmem>>, vector<16xf32>,
        %mul3A_1079 = arith.mulf %get3A_1075, %get3A_1078 : vector<16xf32>
        %cumsum3A_1080 = arith.constant true
        %cumsum3A_1081 = vector.broadcast %cumsum3A_1080 : i1 to vector<16xi1>
        %cumsum3A_1082 = tpu.scan <sum>, %mul3A_1079 masked %cumsum3A_1081 : vector<16xf32>, vector<16xi1> -> vector<16xf32>
        %slice3A_1083 = vector.extract_strided_slice %cumsum3A_1082 {offsets = [3], sizes = [1], strides = [1]} : vector<16xf32> to vector<1xf32>
        %squeeze3A_1084 = vector.extract %slice3A_1083[0] : f32 from vector<1xf32>
        %sub3A_1085 = arith.constant 0.000000e+00 : f32
        %sub3A_1086 = arith.subf %squeeze3A_1084, %sub3A_1085 : f32
        %slice3A_1087 = vector.extract_strided_slice %cumsum3A_1082 {offsets = [3], sizes = [1], strides = [1]} : vector<16xf32> to vector<1xf32>
        %squeeze3A_1088 = vector.extract %slice3A_1087[0] : f32 from vector<1xf32>
        %slice3A_1089 = vector.extract_strided_slice %cumsum3A_1082 {offsets = [7], sizes = [1], strides = [1]} : vector<16xf32> to vector<1xf32>
        %squeeze3A_1090 = vector.extract %slice3A_1089[0] : f32 from vector<1xf32>
        %sub3A_1091 = arith.subf %squeeze3A_1090, %squeeze3A_1088 : f32
        %slice3A_1092 = vector.extract_strided_slice %cumsum3A_1082 {offsets = [7], sizes = [1], strides = [1]} : vector<16xf32> to vector<1xf32>
        %squeeze3A_1093 = vector.extract %slice3A_1092[0] : f32 from vector<1xf32>
        %slice3A_1094 = vector.extract_strided_slice %cumsum3A_1082 {offsets = [11], sizes = [1], strides = [1]} : vector<16xf32> to vector<1xf32>
        %squeeze3A_1095 = vector.extract %slice3A_1094[0] : f32 from vector<1xf32>
        %sub3A_1096 = arith.subf %squeeze3A_1095, %squeeze3A_1093 : f32
        %slice3A_1097 = vector.extract_strided_slice %cumsum3A_1082 {offsets = [11], sizes = [1], strides = [1]} : vector<16xf32> to vector<1xf32>
        %squeeze3A_1098 = vector.extract %slice3A_1097[0] : f32 from vector<1xf32>
        %slice3A_1099 = vector.extract_strided_slice %cumsum3A_1082 {offsets = [15], sizes = [1], strides = [1]} : vector<16xf32> to vector<1xf32>
        %squeeze3A_1100 = vector.extract %slice3A_1099[0] : f32 from vector<1xf32>
        %sub3A_1101 = arith.subf %squeeze3A_1100, %squeeze3A_1098 : f32
        %slice3A_1102 = vector.extract_strided_slice %cumsum3A_1082 {offsets = [15], sizes = [1], strides = [1]} : vector<16xf32> to vector<1xf32>
        %squeeze3A_1103 = vector.extract %slice3A_1102[0] : f32 from vector<1xf32>
        %get3A_1104 = arith.index_cast %scan3A_1072 : i32 to index
        %get3A_1105 = arith.constant 16 : index
        %get3A_1106 = tpu.vector_load %arg13[%get3A_1104, %get3A_1105] {strides = array<i32>} : memref<40x32xf32, #tpu.memory_space<vmem>>, vector<16xf32>,
        %get3A_1107 = arith.index_cast %scan3A_1072 : i32 to index
        %get3A_1108 = arith.constant 16 : index
        %get3A_1109 = tpu.vector_load %arg12[%get3A_1107, %get3A_1108] {strides = array<i32>} : memref<40x128xf32, #tpu.memory_space<vmem>>, vector<16xf32>,
        %mul3A_1110 = arith.mulf %get3A_1106, %get3A_1109 : vector<16xf32>
        %cumsum3A_1111 = arith.constant true
        %cumsum3A_1112 = vector.broadcast %cumsum3A_1111 : i1 to vector<16xi1>
        %cumsum3A_1113 = tpu.scan <sum>, %mul3A_1110 masked %cumsum3A_1112 : vector<16xf32>, vector<16xi1> -> vector<16xf32>
        %slice3A_1114 = vector.extract_strided_slice %cumsum3A_1113 {offsets = [3], sizes = [1], strides = [1]} : vector<16xf32> to vector<1xf32>
        %squeeze3A_1115 = vector.extract %slice3A_1114[0] : f32 from vector<1xf32>
        %sub3A_1116 = arith.constant 0.000000e+00 : f32
        %sub3A_1117 = arith.subf %squeeze3A_1115, %sub3A_1116 : f32
        %slice3A_1118 = vector.extract_strided_slice %cumsum3A_1113 {offsets = [3], sizes = [1], strides = [1]} : vector<16xf32> to vector<1xf32>
        %squeeze3A_1119 = vector.extract %slice3A_1118[0] : f32 from vector<1xf32>
        %slice3A_1120 = vector.extract_strided_slice %cumsum3A_1113 {offsets = [7], sizes = [1], strides = [1]} : vector<16xf32> to vector<1xf32>
        %squeeze3A_1121 = vector.extract %slice3A_1120[0] : f32 from vector<1xf32>
        %sub3A_1122 = arith.subf %squeeze3A_1121, %squeeze3A_1119 : f32
        %slice3A_1123 = vector.extract_strided_slice %cumsum3A_1113 {offsets = [7], sizes = [1], strides = [1]} : vector<16xf32> to vector<1xf32>
        %squeeze3A_1124 = vector.extract %slice3A_1123[0] : f32 from vector<1xf32>
        %slice3A_1125 = vector.extract_strided_slice %cumsum3A_1113 {offsets = [11], sizes = [1], strides = [1]} : vector<16xf32> to vector<1xf32>
        %squeeze3A_1126 = vector.extract %slice3A_1125[0] : f32 from vector<1xf32>
        %sub3A_1127 = arith.subf %squeeze3A_1126, %squeeze3A_1124 : f32
        %slice3A_1128 = vector.extract_strided_slice %cumsum3A_1113 {offsets = [11], sizes = [1], strides = [1]} : vector<16xf32> to vector<1xf32>
        %squeeze3A_1129 = vector.extract %slice3A_1128[0] : f32 from vector<1xf32>
        %slice3A_1130 = vector.extract_strided_slice %cumsum3A_1113 {offsets = [15], sizes = [1], strides = [1]} : vector<16xf32> to vector<1xf32>
        %squeeze3A_1131 = vector.extract %slice3A_1130[0] : f32 from vector<1xf32>
        %sub3A_1132 = arith.subf %squeeze3A_1131, %squeeze3A_1129 : f32
        %slice3A_1133 = vector.extract_strided_slice %cumsum3A_1113 {offsets = [15], sizes = [1], strides = [1]} : vector<16xf32> to vector<1xf32>
        %squeeze3A_1134 = vector.extract %slice3A_1133[0] : f32 from vector<1xf32>
        %get3A_1135 = arith.index_cast %scan3A_1072 : i32 to index
        %get3A_1136 = arith.constant 0 : index
        %get3A_1137 = tpu.vector_load %arg14[%get3A_1135, %get3A_1136] {strides = array<i32>} : memref<40x96xf32, #tpu.memory_space<vmem>>, vector<16xf32>,
        %get3A_1138 = arith.index_cast %scan3A_1072 : i32 to index
        %get3A_1139 = arith.constant 32 : index
        %get3A_1140 = tpu.vector_load %arg12[%get3A_1138, %get3A_1139] {strides = array<i32>} : memref<40x128xf32, #tpu.memory_space<vmem>>, vector<16xf32>,
        %mul3A_1141 = arith.mulf %get3A_1137, %get3A_1140 : vector<16xf32>
        %cumsum3A_1142 = arith.constant true
        %cumsum3A_1143 = vector.broadcast %cumsum3A_1142 : i1 to vector<16xi1>
        %cumsum3A_1144 = tpu.scan <sum>, %mul3A_1141 masked %cumsum3A_1143 : vector<16xf32>, vector<16xi1> -> vector<16xf32>
        %get3A_1145 = arith.index_cast %scan3A_1072 : i32 to index
        %get3A_1146 = arith.constant 16 : index
        %get3A_1147 = tpu.vector_load %arg14[%get3A_1145, %get3A_1146] {strides = array<i32>} : memref<40x96xf32, #tpu.memory_space<vmem>>, vector<16xf32>,
        %get3A_1148 = arith.index_cast %scan3A_1072 : i32 to index
        %get3A_1149 = arith.constant 48 : index
        %get3A_1150 = tpu.vector_load %arg12[%get3A_1148, %get3A_1149] {strides = array<i32>} : memref<40x128xf32, #tpu.memory_space<vmem>>, vector<16xf32>,
        %mul3A_1151 = arith.mulf %get3A_1147, %get3A_1150 : vector<16xf32>
        %cumsum3A_1152 = arith.constant true
        %cumsum3A_1153 = vector.broadcast %cumsum3A_1152 : i1 to vector<16xi1>
        %cumsum3A_1154 = tpu.scan <sum>, %mul3A_1151 masked %cumsum3A_1153 : vector<16xf32>, vector<16xi1> -> vector<16xf32>
        %get3A_1155 = arith.index_cast %scan3A_1072 : i32 to index
        %get3A_1156 = arith.constant 32 : index
        %get3A_1157 = tpu.vector_load %arg14[%get3A_1155, %get3A_1156] {strides = array<i32>} : memref<40x96xf32, #tpu.memory_space<vmem>>, vector<16xf32>,
        %get3A_1158 = arith.index_cast %scan3A_1072 : i32 to index
        %get3A_1159 = arith.constant 64 : index
        %get3A_1160 = tpu.vector_load %arg12[%get3A_1158, %get3A_1159] {strides = array<i32>} : memref<40x128xf32, #tpu.memory_space<vmem>>, vector<16xf32>,
        %mul3A_1161 = arith.mulf %get3A_1157, %get3A_1160 : vector<16xf32>
        %cumsum3A_1162 = arith.constant true
        %cumsum3A_1163 = vector.broadcast %cumsum3A_1162 : i1 to vector<16xi1>
        %cumsum3A_1164 = tpu.scan <sum>, %mul3A_1161 masked %cumsum3A_1163 : vector<16xf32>, vector<16xi1> -> vector<16xf32>
        %get3A_1165 = arith.index_cast %scan3A_1072 : i32 to index
        %get3A_1166 = arith.constant 48 : index
        %get3A_1167 = tpu.vector_load %arg14[%get3A_1165, %get3A_1166] {strides = array<i32>} : memref<40x96xf32, #tpu.memory_space<vmem>>, vector<16xf32>,
        %get3A_1168 = arith.index_cast %scan3A_1072 : i32 to index
        %get3A_1169 = arith.constant 80 : index
        %get3A_1170 = tpu.vector_load %arg12[%get3A_1168, %get3A_1169] {strides = array<i32>} : memref<40x128xf32, #tpu.memory_space<vmem>>, vector<16xf32>,
        %mul3A_1171 = arith.mulf %get3A_1167, %get3A_1170 : vector<16xf32>
        %cumsum3A_1172 = arith.constant true
        %cumsum3A_1173 = vector.broadcast %cumsum3A_1172 : i1 to vector<16xi1>
        %cumsum3A_1174 = tpu.scan <sum>, %mul3A_1171 masked %cumsum3A_1173 : vector<16xf32>, vector<16xi1> -> vector<16xf32>
        %get3A_1175 = arith.index_cast %scan3A_1072 : i32 to index
        %get3A_1176 = arith.constant 64 : index
        %get3A_1177 = tpu.vector_load %arg14[%get3A_1175, %get3A_1176] {strides = array<i32>} : memref<40x96xf32, #tpu.memory_space<vmem>>, vector<16xf32>,
        %get3A_1178 = arith.index_cast %scan3A_1072 : i32 to index
        %get3A_1179 = arith.constant 96 : index
        %get3A_1180 = tpu.vector_load %arg12[%get3A_1178, %get3A_1179] {strides = array<i32>} : memref<40x128xf32, #tpu.memory_space<vmem>>, vector<16xf32>,
        %mul3A_1181 = arith.mulf %get3A_1177, %get3A_1180 : vector<16xf32>
        %cumsum3A_1182 = arith.constant true
        %cumsum3A_1183 = vector.broadcast %cumsum3A_1182 : i1 to vector<16xi1>
        %cumsum3A_1184 = tpu.scan <sum>, %mul3A_1181 masked %cumsum3A_1183 : vector<16xf32>, vector<16xi1> -> vector<16xf32>
        %get3A_1185 = arith.index_cast %scan3A_1072 : i32 to index
        %get3A_1186 = arith.constant 80 : index
        %get3A_1187 = tpu.vector_load %arg14[%get3A_1185, %get3A_1186] {strides = array<i32>} : memref<40x96xf32, #tpu.memory_space<vmem>>, vector<16xf32>,
        %get3A_1188 = arith.index_cast %scan3A_1072 : i32 to index
        %get3A_1189 = arith.constant 112 : index
        %get3A_1190 = tpu.vector_load %arg12[%get3A_1188, %get3A_1189] {strides = array<i32>} : memref<40x128xf32, #tpu.memory_space<vmem>>, vector<16xf32>,
        %mul3A_1191 = arith.mulf %get3A_1187, %get3A_1190 : vector<16xf32>
        %cumsum3A_1192 = arith.constant true
        %cumsum3A_1193 = vector.broadcast %cumsum3A_1192 : i1 to vector<16xi1>
        %cumsum3A_1194 = tpu.scan <sum>, %mul3A_1191 masked %cumsum3A_1193 : vector<16xf32>, vector<16xi1> -> vector<16xf32>
        %slice3A_1195 = vector.extract_strided_slice %cumsum3A_1144 {offsets = [15], sizes = [1], strides = [1]} : vector<16xf32> to vector<1xf32>
        %squeeze3A_1196 = vector.extract %slice3A_1195[0] : f32 from vector<1xf32>
        %add3A_1197 = arith.constant 0.000000e+00 : f32
        %add3A_1198 = arith.addf %add3A_1197, %squeeze3A_1196 : f32
        %slice3A_1199 = vector.extract_strided_slice %cumsum3A_1154 {offsets = [15], sizes = [1], strides = [1]} : vector<16xf32> to vector<1xf32>
        %squeeze3A_1200 = vector.extract %slice3A_1199[0] : f32 from vector<1xf32>
        %add3A_1201 = arith.addf %add3A_1198, %squeeze3A_1200 : f32
        %slice3A_1202 = vector.extract_strided_slice %cumsum3A_1164 {offsets = [15], sizes = [1], strides = [1]} : vector<16xf32> to vector<1xf32>
        %squeeze3A_1203 = vector.extract %slice3A_1202[0] : f32 from vector<1xf32>
        %add3A_1204 = arith.addf %add3A_1201, %squeeze3A_1203 : f32
        %slice3A_1205 = vector.extract_strided_slice %cumsum3A_1174 {offsets = [15], sizes = [1], strides = [1]} : vector<16xf32> to vector<1xf32>
        %squeeze3A_1206 = vector.extract %slice3A_1205[0] : f32 from vector<1xf32>
        %add3A_1207 = arith.addf %add3A_1204, %squeeze3A_1206 : f32
        %slice3A_1208 = vector.extract_strided_slice %cumsum3A_1184 {offsets = [15], sizes = [1], strides = [1]} : vector<16xf32> to vector<1xf32>
        %squeeze3A_1209 = vector.extract %slice3A_1208[0] : f32 from vector<1xf32>
        %add3A_1210 = arith.addf %add3A_1207, %squeeze3A_1209 : f32
        %slice3A_1211 = vector.extract_strided_slice %cumsum3A_1144 {offsets = [11], sizes = [1], strides = [1]} : vector<16xf32> to vector<1xf32>
        %squeeze3A_1212 = vector.extract %slice3A_1211[0] : f32 from vector<1xf32>
        %add3A_1213 = arith.constant 0.000000e+00 : f32
        %add3A_1214 = arith.addf %add3A_1213, %squeeze3A_1212 : f32
        %sub3A_1215 = arith.constant 0.000000e+00 : f32
        %sub3A_1216 = arith.subf %add3A_1214, %sub3A_1215 : f32
        %add3A_1217 = arith.addf %sub3A_1086, %sub3A_1216 : f32
        %slice3A_1218 = vector.extract_strided_slice %cumsum3A_1154 {offsets = [7], sizes = [1], strides = [1]} : vector<16xf32> to vector<1xf32>
        %squeeze3A_1219 = vector.extract %slice3A_1218[0] : f32 from vector<1xf32>
        %add3A_1220 = arith.addf %add3A_1198, %squeeze3A_1219 : f32
        %sub3A_1221 = arith.subf %add3A_1220, %add3A_1214 : f32
        %add3A_1222 = arith.addf %sub3A_1091, %sub3A_1221 : f32
        %slice3A_1223 = vector.extract_strided_slice %cumsum3A_1164 {offsets = [3], sizes = [1], strides = [1]} : vector<16xf32> to vector<1xf32>
        %squeeze3A_1224 = vector.extract %slice3A_1223[0] : f32 from vector<1xf32>
        %add3A_1225 = arith.addf %add3A_1201, %squeeze3A_1224 : f32
        %sub3A_1226 = arith.subf %add3A_1225, %add3A_1220 : f32
        %add3A_1227 = arith.addf %sub3A_1096, %sub3A_1226 : f32
        %slice3A_1228 = vector.extract_strided_slice %cumsum3A_1164 {offsets = [15], sizes = [1], strides = [1]} : vector<16xf32> to vector<1xf32>
        %squeeze3A_1229 = vector.extract %slice3A_1228[0] : f32 from vector<1xf32>
        %add3A_1230 = arith.addf %add3A_1201, %squeeze3A_1229 : f32
        %sub3A_1231 = arith.subf %add3A_1230, %add3A_1225 : f32
        %add3A_1232 = arith.addf %sub3A_1101, %sub3A_1231 : f32
        %slice3A_1233 = vector.extract_strided_slice %cumsum3A_1174 {offsets = [11], sizes = [1], strides = [1]} : vector<16xf32> to vector<1xf32>
        %squeeze3A_1234 = vector.extract %slice3A_1233[0] : f32 from vector<1xf32>
        %add3A_1235 = arith.addf %add3A_1204, %squeeze3A_1234 : f32
        %sub3A_1236 = arith.subf %add3A_1235, %add3A_1230 : f32
        %add3A_1237 = arith.addf %sub3A_1117, %sub3A_1236 : f32
        %slice3A_1238 = vector.extract_strided_slice %cumsum3A_1184 {offsets = [7], sizes = [1], strides = [1]} : vector<16xf32> to vector<1xf32>
        %squeeze3A_1239 = vector.extract %slice3A_1238[0] : f32 from vector<1xf32>
        %add3A_1240 = arith.addf %add3A_1207, %squeeze3A_1239 : f32
        %sub3A_1241 = arith.subf %add3A_1240, %add3A_1235 : f32
        %add3A_1242 = arith.addf %sub3A_1122, %sub3A_1241 : f32
        %slice3A_1243 = vector.extract_strided_slice %cumsum3A_1194 {offsets = [3], sizes = [1], strides = [1]} : vector<16xf32> to vector<1xf32>
        %squeeze3A_1244 = vector.extract %slice3A_1243[0] : f32 from vector<1xf32>
        %add3A_1245 = arith.addf %add3A_1210, %squeeze3A_1244 : f32
        %sub3A_1246 = arith.subf %add3A_1245, %add3A_1240 : f32
        %add3A_1247 = arith.addf %sub3A_1127, %sub3A_1246 : f32
        %slice3A_1248 = vector.extract_strided_slice %cumsum3A_1194 {offsets = [15], sizes = [1], strides = [1]} : vector<16xf32> to vector<1xf32>
        %squeeze3A_1249 = vector.extract %slice3A_1248[0] : f32 from vector<1xf32>
        %add3A_1250 = arith.addf %add3A_1210, %squeeze3A_1249 : f32
        %sub3A_1251 = arith.subf %add3A_1250, %add3A_1245 : f32
        %add3A_1252 = arith.addf %sub3A_1132, %sub3A_1251 : f32
        %broadcast_in_dim3A_1253 = arith.constant 0.000000e+00 : f32
        %broadcast_in_dim3A_1254 = vector.broadcast %broadcast_in_dim3A_1253 : f32 to vector<16xf32>
        %eq3A_1255 = arith.constant 0 : i32
        %eq3A_1256 = vector.broadcast %eq3A_1255 : i32 to vector<16xi32>
        %eq3A_1257 = arith.cmpi eq, %iota3A, %eq3A_1256 : vector<16xi32>
        %broadcast_in_dim3A_1258 = vector.broadcast %add3A_1217 : f32 to vector<16xf32>
        %select_n3A_1259 = arith.select %eq3A_1257, %broadcast_in_dim3A_1258, %broadcast_in_dim3A_1254 : vector<16xi1>, vector<16xf32>
        %eq3A_1260 = arith.constant 1 : i32
        %eq3A_1261 = vector.broadcast %eq3A_1260 : i32 to vector<16xi32>
        %eq3A_1262 = arith.cmpi eq, %iota3A, %eq3A_1261 : vector<16xi32>
        %broadcast_in_dim3A_1263 = vector.broadcast %add3A_1222 : f32 to vector<16xf32>
        %select_n3A_1264 = arith.select %eq3A_1262, %broadcast_in_dim3A_1263, %select_n3A_1259 : vector<16xi1>, vector<16xf32>
        %eq3A_1265 = arith.constant 2 : i32
        %eq3A_1266 = vector.broadcast %eq3A_1265 : i32 to vector<16xi32>
        %eq3A_1267 = arith.cmpi eq, %iota3A, %eq3A_1266 : vector<16xi32>
        %broadcast_in_dim3A_1268 = vector.broadcast %add3A_1227 : f32 to vector<16xf32>
        %select_n3A_1269 = arith.select %eq3A_1267, %broadcast_in_dim3A_1268, %select_n3A_1264 : vector<16xi1>, vector<16xf32>
        %eq3A_1270 = arith.constant 3 : i32
        %eq3A_1271 = vector.broadcast %eq3A_1270 : i32 to vector<16xi32>
        %eq3A_1272 = arith.cmpi eq, %iota3A, %eq3A_1271 : vector<16xi32>
        %broadcast_in_dim3A_1273 = vector.broadcast %add3A_1232 : f32 to vector<16xf32>
        %select_n3A_1274 = arith.select %eq3A_1272, %broadcast_in_dim3A_1273, %select_n3A_1269 : vector<16xi1>, vector<16xf32>
        %eq3A_1275 = arith.constant 4 : i32
        %eq3A_1276 = vector.broadcast %eq3A_1275 : i32 to vector<16xi32>
        %eq3A_1277 = arith.cmpi eq, %iota3A, %eq3A_1276 : vector<16xi32>
        %broadcast_in_dim3A_1278 = vector.broadcast %add3A_1237 : f32 to vector<16xf32>
        %select_n3A_1279 = arith.select %eq3A_1277, %broadcast_in_dim3A_1278, %select_n3A_1274 : vector<16xi1>, vector<16xf32>
        %eq3A_1280 = arith.constant 5 : i32
        %eq3A_1281 = vector.broadcast %eq3A_1280 : i32 to vector<16xi32>
        %eq3A_1282 = arith.cmpi eq, %iota3A, %eq3A_1281 : vector<16xi32>
        %broadcast_in_dim3A_1283 = vector.broadcast %add3A_1242 : f32 to vector<16xf32>
        %select_n3A_1284 = arith.select %eq3A_1282, %broadcast_in_dim3A_1283, %select_n3A_1279 : vector<16xi1>, vector<16xf32>
        %eq3A_1285 = arith.constant 6 : i32
        %eq3A_1286 = vector.broadcast %eq3A_1285 : i32 to vector<16xi32>
        %eq3A_1287 = arith.cmpi eq, %iota3A, %eq3A_1286 : vector<16xi32>
        %broadcast_in_dim3A_1288 = vector.broadcast %add3A_1247 : f32 to vector<16xf32>
        %select_n3A_1289 = arith.select %eq3A_1287, %broadcast_in_dim3A_1288, %select_n3A_1284 : vector<16xi1>, vector<16xf32>
        %eq3A_1290 = arith.constant 7 : i32
        %eq3A_1291 = vector.broadcast %eq3A_1290 : i32 to vector<16xi32>
        %eq3A_1292 = arith.cmpi eq, %iota3A, %eq3A_1291 : vector<16xi32>
        %broadcast_in_dim3A_1293 = vector.broadcast %add3A_1252 : f32 to vector<16xf32>
        %select_n3A_1294 = arith.select %eq3A_1292, %broadcast_in_dim3A_1293, %select_n3A_1289 : vector<16xi1>, vector<16xf32>
        %exp3A_1295 = math.exp %select_n3A_1294 : vector<16xf32>
        %jit3A_1296 = arith.constant 0.000000e+00 : f64
        %convert_element_type3A_1297 = arith.truncf %jit3A_1296 : f64 to f32
        %broadcast_in_dim3A_1298 = vector.broadcast %convert_element_type3A_1297 : f32 to vector<16xf32>
        %select_n3A_1299 = arith.select %lt3A_36, %exp3A_1295, %broadcast_in_dim3A_1298 : vector<16xi1>, vector<16xf32>
        %lt3A_1300 = arith.constant 4 : i32
        %lt3A_1301 = vector.broadcast %lt3A_1300 : i32 to vector<16xi32>
        %lt3A_1302 = arith.cmpi slt, %iota3A, %lt3A_1301 : vector<16xi32>
        %slice3A_1303 = vector.extract_strided_slice %select_n3A_1299 {offsets = [0], sizes = [1], strides = [1]} : vector<16xf32> to vector<1xf32>
        %squeeze3A_1304 = vector.extract %slice3A_1303[0] : f32 from vector<1xf32>
        %lt3A_1305 = arith.constant 8 : i32
        %lt3A_1306 = vector.broadcast %lt3A_1305 : i32 to vector<16xi32>
        %lt3A_1307 = arith.cmpi slt, %iota3A, %lt3A_1306 : vector<16xi32>
        %slice3A_1308 = vector.extract_strided_slice %select_n3A_1299 {offsets = [1], sizes = [1], strides = [1]} : vector<16xf32> to vector<1xf32>
        %squeeze3A_1309 = vector.extract %slice3A_1308[0] : f32 from vector<1xf32>
        %lt3A_1310 = arith.constant 12 : i32
        %lt3A_1311 = vector.broadcast %lt3A_1310 : i32 to vector<16xi32>
        %lt3A_1312 = arith.cmpi slt, %iota3A, %lt3A_1311 : vector<16xi32>
        %slice3A_1313 = vector.extract_strided_slice %select_n3A_1299 {offsets = [2], sizes = [1], strides = [1]} : vector<16xf32> to vector<1xf32>
        %squeeze3A_1314 = vector.extract %slice3A_1313[0] : f32 from vector<1xf32>
        %slice3A_1315 = vector.extract_strided_slice %select_n3A_1299 {offsets = [3], sizes = [1], strides = [1]} : vector<16xf32> to vector<1xf32>
        %squeeze3A_1316 = vector.extract %slice3A_1315[0] : f32 from vector<1xf32>
        %broadcast_in_dim3A_1317 = vector.broadcast %squeeze3A_1314 : f32 to vector<16xf32>
        %broadcast_in_dim3A_1318 = vector.broadcast %squeeze3A_1316 : f32 to vector<16xf32>
        %select_n3A_1319 = arith.select %lt3A_1312, %broadcast_in_dim3A_1317, %broadcast_in_dim3A_1318 : vector<16xi1>, vector<16xf32>
        %broadcast_in_dim3A_1320 = vector.broadcast %squeeze3A_1309 : f32 to vector<16xf32>
        %select_n3A_1321 = arith.select %lt3A_1307, %broadcast_in_dim3A_1320, %select_n3A_1319 : vector<16xi1>, vector<16xf32>
        %broadcast_in_dim3A_1322 = vector.broadcast %squeeze3A_1304 : f32 to vector<16xf32>
        %select_n3A_1323 = arith.select %lt3A_1302, %broadcast_in_dim3A_1322, %select_n3A_1321 : vector<16xi1>, vector<16xf32>
        %get3A_1324 = arith.index_cast %scan3A_1072 : i32 to index
        %get3A_1325 = arith.constant 0 : index
        %get3A_1326 = tpu.vector_load %arg15[%get3A_1324, %get3A_1325] {strides = array<i32>} : memref<40x32xf32, #tpu.memory_space<vmem>>, vector<16xf32>,
        %mul3A_1327 = arith.mulf %get3A_1326, %select_n3A_1323 : vector<16xf32>
        %swap3A_1328 = arith.index_cast %scan3A_1072 : i32 to index
        %swap3A_1329 = arith.constant 0 : index
        %swap3A_1330 = tpu.vector_load %arg17[%swap3A_1328, %swap3A_1329] {strides = array<i32>} : memref<40x144xf32, #tpu.memory_space<vmem>>, vector<16xf32>,
        tpu.vector_store %arg17[%swap3A_1328, %swap3A_1329], %mul3A_1327 {strides = array<i32>} : memref<40x144xf32, #tpu.memory_space<vmem>>, vector<16xf32>,
        %lt3A_1331 = arith.constant 4 : i32
        %lt3A_1332 = vector.broadcast %lt3A_1331 : i32 to vector<16xi32>
        %lt3A_1333 = arith.cmpi slt, %iota3A, %lt3A_1332 : vector<16xi32>
        %slice3A_1334 = vector.extract_strided_slice %select_n3A_1299 {offsets = [4], sizes = [1], strides = [1]} : vector<16xf32> to vector<1xf32>
        %squeeze3A_1335 = vector.extract %slice3A_1334[0] : f32 from vector<1xf32>
        %lt3A_1336 = arith.constant 8 : i32
        %lt3A_1337 = vector.broadcast %lt3A_1336 : i32 to vector<16xi32>
        %lt3A_1338 = arith.cmpi slt, %iota3A, %lt3A_1337 : vector<16xi32>
        %slice3A_1339 = vector.extract_strided_slice %select_n3A_1299 {offsets = [5], sizes = [1], strides = [1]} : vector<16xf32> to vector<1xf32>
        %squeeze3A_1340 = vector.extract %slice3A_1339[0] : f32 from vector<1xf32>
        %lt3A_1341 = arith.constant 12 : i32
        %lt3A_1342 = vector.broadcast %lt3A_1341 : i32 to vector<16xi32>
        %lt3A_1343 = arith.cmpi slt, %iota3A, %lt3A_1342 : vector<16xi32>
        %slice3A_1344 = vector.extract_strided_slice %select_n3A_1299 {offsets = [6], sizes = [1], strides = [1]} : vector<16xf32> to vector<1xf32>
        %squeeze3A_1345 = vector.extract %slice3A_1344[0] : f32 from vector<1xf32>
        %slice3A_1346 = vector.extract_strided_slice %select_n3A_1299 {offsets = [7], sizes = [1], strides = [1]} : vector<16xf32> to vector<1xf32>
        %squeeze3A_1347 = vector.extract %slice3A_1346[0] : f32 from vector<1xf32>
        %broadcast_in_dim3A_1348 = vector.broadcast %squeeze3A_1345 : f32 to vector<16xf32>
        %broadcast_in_dim3A_1349 = vector.broadcast %squeeze3A_1347 : f32 to vector<16xf32>
        %select_n3A_1350 = arith.select %lt3A_1343, %broadcast_in_dim3A_1348, %broadcast_in_dim3A_1349 : vector<16xi1>, vector<16xf32>
        %broadcast_in_dim3A_1351 = vector.broadcast %squeeze3A_1340 : f32 to vector<16xf32>
        %select_n3A_1352 = arith.select %lt3A_1338, %broadcast_in_dim3A_1351, %select_n3A_1350 : vector<16xi1>, vector<16xf32>
        %broadcast_in_dim3A_1353 = vector.broadcast %squeeze3A_1335 : f32 to vector<16xf32>
        %select_n3A_1354 = arith.select %lt3A_1333, %broadcast_in_dim3A_1353, %select_n3A_1352 : vector<16xi1>, vector<16xf32>
        %get3A_1355 = arith.index_cast %scan3A_1072 : i32 to index
        %get3A_1356 = arith.constant 16 : index
        %get3A_1357 = tpu.vector_load %arg15[%get3A_1355, %get3A_1356] {strides = array<i32>} : memref<40x32xf32, #tpu.memory_space<vmem>>, vector<16xf32>,
        %mul3A_1358 = arith.mulf %get3A_1357, %select_n3A_1354 : vector<16xf32>
        %swap3A_1359 = arith.index_cast %scan3A_1072 : i32 to index
        %swap3A_1360 = arith.constant 16 : index
        %swap3A_1361 = tpu.vector_load %arg17[%swap3A_1359, %swap3A_1360] {strides = array<i32>} : memref<40x144xf32, #tpu.memory_space<vmem>>, vector<16xf32>,
        tpu.vector_store %arg17[%swap3A_1359, %swap3A_1360], %mul3A_1358 {strides = array<i32>} : memref<40x144xf32, #tpu.memory_space<vmem>>, vector<16xf32>,
        %lt3A_1362 = arith.constant 12 : i32
        %lt3A_1363 = vector.broadcast %lt3A_1362 : i32 to vector<16xi32>
        %lt3A_1364 = arith.cmpi slt, %iota3A, %lt3A_1363 : vector<16xi32>
        %slice3A_1365 = vector.extract_strided_slice %select_n3A_1299 {offsets = [0], sizes = [1], strides = [1]} : vector<16xf32> to vector<1xf32>
        %squeeze3A_1366 = vector.extract %slice3A_1365[0] : f32 from vector<1xf32>
        %slice3A_1367 = vector.extract_strided_slice %select_n3A_1299 {offsets = [1], sizes = [1], strides = [1]} : vector<16xf32> to vector<1xf32>
        %squeeze3A_1368 = vector.extract %slice3A_1367[0] : f32 from vector<1xf32>
        %broadcast_in_dim3A_1369 = vector.broadcast %squeeze3A_1366 : f32 to vector<16xf32>
        %broadcast_in_dim3A_1370 = vector.broadcast %squeeze3A_1368 : f32 to vector<16xf32>
        %select_n3A_1371 = arith.select %lt3A_1364, %broadcast_in_dim3A_1369, %broadcast_in_dim3A_1370 : vector<16xi1>, vector<16xf32>
        %get3A_1372 = arith.index_cast %scan3A_1072 : i32 to index
        %get3A_1373 = arith.constant 0 : index
        %get3A_1374 = tpu.vector_load %arg16[%get3A_1372, %get3A_1373] {strides = array<i32>} : memref<40x96xf32, #tpu.memory_space<vmem>>, vector<16xf32>,
        %mul3A_1375 = arith.mulf %get3A_1374, %select_n3A_1371 : vector<16xf32>
        %swap3A_1376 = arith.index_cast %scan3A_1072 : i32 to index
        %swap3A_1377 = arith.constant 32 : index
        %swap3A_1378 = tpu.vector_load %arg17[%swap3A_1376, %swap3A_1377] {strides = array<i32>} : memref<40x144xf32, #tpu.memory_space<vmem>>, vector<16xf32>,
        tpu.vector_store %arg17[%swap3A_1376, %swap3A_1377], %mul3A_1375 {strides = array<i32>} : memref<40x144xf32, #tpu.memory_space<vmem>>, vector<16xf32>,
        %lt3A_1379 = arith.constant 8 : i32
        %lt3A_1380 = vector.broadcast %lt3A_1379 : i32 to vector<16xi32>
        %lt3A_1381 = arith.cmpi slt, %iota3A, %lt3A_1380 : vector<16xi32>
        %slice3A_1382 = vector.extract_strided_slice %select_n3A_1299 {offsets = [1], sizes = [1], strides = [1]} : vector<16xf32> to vector<1xf32>
        %squeeze3A_1383 = vector.extract %slice3A_1382[0] : f32 from vector<1xf32>
        %slice3A_1384 = vector.extract_strided_slice %select_n3A_1299 {offsets = [2], sizes = [1], strides = [1]} : vector<16xf32> to vector<1xf32>
        %squeeze3A_1385 = vector.extract %slice3A_1384[0] : f32 from vector<1xf32>
        %broadcast_in_dim3A_1386 = vector.broadcast %squeeze3A_1383 : f32 to vector<16xf32>
        %broadcast_in_dim3A_1387 = vector.broadcast %squeeze3A_1385 : f32 to vector<16xf32>
        %select_n3A_1388 = arith.select %lt3A_1381, %broadcast_in_dim3A_1386, %broadcast_in_dim3A_1387 : vector<16xi1>, vector<16xf32>
        %get3A_1389 = arith.index_cast %scan3A_1072 : i32 to index
        %get3A_1390 = arith.constant 16 : index
        %get3A_1391 = tpu.vector_load %arg16[%get3A_1389, %get3A_1390] {strides = array<i32>} : memref<40x96xf32, #tpu.memory_space<vmem>>, vector<16xf32>,
        %mul3A_1392 = arith.mulf %get3A_1391, %select_n3A_1388 : vector<16xf32>
        %swap3A_1393 = arith.index_cast %scan3A_1072 : i32 to index
        %swap3A_1394 = arith.constant 48 : index
        %swap3A_1395 = tpu.vector_load %arg17[%swap3A_1393, %swap3A_1394] {strides = array<i32>} : memref<40x144xf32, #tpu.memory_space<vmem>>, vector<16xf32>,
        tpu.vector_store %arg17[%swap3A_1393, %swap3A_1394], %mul3A_1392 {strides = array<i32>} : memref<40x144xf32, #tpu.memory_space<vmem>>, vector<16xf32>,
        %lt3A_1396 = arith.constant 4 : i32
        %lt3A_1397 = vector.broadcast %lt3A_1396 : i32 to vector<16xi32>
        %lt3A_1398 = arith.cmpi slt, %iota3A, %lt3A_1397 : vector<16xi32>
        %slice3A_1399 = vector.extract_strided_slice %select_n3A_1299 {offsets = [2], sizes = [1], strides = [1]} : vector<16xf32> to vector<1xf32>
        %squeeze3A_1400 = vector.extract %slice3A_1399[0] : f32 from vector<1xf32>
        %slice3A_1401 = vector.extract_strided_slice %select_n3A_1299 {offsets = [3], sizes = [1], strides = [1]} : vector<16xf32> to vector<1xf32>
        %squeeze3A_1402 = vector.extract %slice3A_1401[0] : f32 from vector<1xf32>
        %broadcast_in_dim3A_1403 = vector.broadcast %squeeze3A_1400 : f32 to vector<16xf32>
        %broadcast_in_dim3A_1404 = vector.broadcast %squeeze3A_1402 : f32 to vector<16xf32>
        %select_n3A_1405 = arith.select %lt3A_1398, %broadcast_in_dim3A_1403, %broadcast_in_dim3A_1404 : vector<16xi1>, vector<16xf32>
        %get3A_1406 = arith.index_cast %scan3A_1072 : i32 to index
        %get3A_1407 = arith.constant 32 : index
        %get3A_1408 = tpu.vector_load %arg16[%get3A_1406, %get3A_1407] {strides = array<i32>} : memref<40x96xf32, #tpu.memory_space<vmem>>, vector<16xf32>,
        %mul3A_1409 = arith.mulf %get3A_1408, %select_n3A_1405 : vector<16xf32>
        %swap3A_1410 = arith.index_cast %scan3A_1072 : i32 to index
        %swap3A_1411 = arith.constant 64 : index
        %swap3A_1412 = tpu.vector_load %arg17[%swap3A_1410, %swap3A_1411] {strides = array<i32>} : memref<40x144xf32, #tpu.memory_space<vmem>>, vector<16xf32>,
        tpu.vector_store %arg17[%swap3A_1410, %swap3A_1411], %mul3A_1409 {strides = array<i32>} : memref<40x144xf32, #tpu.memory_space<vmem>>, vector<16xf32>,
        %lt3A_1413 = arith.constant 12 : i32
        %lt3A_1414 = vector.broadcast %lt3A_1413 : i32 to vector<16xi32>
        %lt3A_1415 = arith.cmpi slt, %iota3A, %lt3A_1414 : vector<16xi32>
        %slice3A_1416 = vector.extract_strided_slice %select_n3A_1299 {offsets = [4], sizes = [1], strides = [1]} : vector<16xf32> to vector<1xf32>
        %squeeze3A_1417 = vector.extract %slice3A_1416[0] : f32 from vector<1xf32>
        %slice3A_1418 = vector.extract_strided_slice %select_n3A_1299 {offsets = [5], sizes = [1], strides = [1]} : vector<16xf32> to vector<1xf32>
        %squeeze3A_1419 = vector.extract %slice3A_1418[0] : f32 from vector<1xf32>
        %broadcast_in_dim3A_1420 = vector.broadcast %squeeze3A_1417 : f32 to vector<16xf32>
        %broadcast_in_dim3A_1421 = vector.broadcast %squeeze3A_1419 : f32 to vector<16xf32>
        %select_n3A_1422 = arith.select %lt3A_1415, %broadcast_in_dim3A_1420, %broadcast_in_dim3A_1421 : vector<16xi1>, vector<16xf32>
        %get3A_1423 = arith.index_cast %scan3A_1072 : i32 to index
        %get3A_1424 = arith.constant 48 : index
        %get3A_1425 = tpu.vector_load %arg16[%get3A_1423, %get3A_1424] {strides = array<i32>} : memref<40x96xf32, #tpu.memory_space<vmem>>, vector<16xf32>,
        %mul3A_1426 = arith.mulf %get3A_1425, %select_n3A_1422 : vector<16xf32>
        %swap3A_1427 = arith.index_cast %scan3A_1072 : i32 to index
        %swap3A_1428 = arith.constant 80 : index
        %swap3A_1429 = tpu.vector_load %arg17[%swap3A_1427, %swap3A_1428] {strides = array<i32>} : memref<40x144xf32, #tpu.memory_space<vmem>>, vector<16xf32>,
        tpu.vector_store %arg17[%swap3A_1427, %swap3A_1428], %mul3A_1426 {strides = array<i32>} : memref<40x144xf32, #tpu.memory_space<vmem>>, vector<16xf32>,
        %lt3A_1430 = arith.constant 8 : i32
        %lt3A_1431 = vector.broadcast %lt3A_1430 : i32 to vector<16xi32>
        %lt3A_1432 = arith.cmpi slt, %iota3A, %lt3A_1431 : vector<16xi32>
        %slice3A_1433 = vector.extract_strided_slice %select_n3A_1299 {offsets = [5], sizes = [1], strides = [1]} : vector<16xf32> to vector<1xf32>
        %squeeze3A_1434 = vector.extract %slice3A_1433[0] : f32 from vector<1xf32>
        %slice3A_1435 = vector.extract_strided_slice %select_n3A_1299 {offsets = [6], sizes = [1], strides = [1]} : vector<16xf32> to vector<1xf32>
        %squeeze3A_1436 = vector.extract %slice3A_1435[0] : f32 from vector<1xf32>
        %broadcast_in_dim3A_1437 = vector.broadcast %squeeze3A_1434 : f32 to vector<16xf32>
        %broadcast_in_dim3A_1438 = vector.broadcast %squeeze3A_1436 : f32 to vector<16xf32>
        %select_n3A_1439 = arith.select %lt3A_1432, %broadcast_in_dim3A_1437, %broadcast_in_dim3A_1438 : vector<16xi1>, vector<16xf32>
        %get3A_1440 = arith.index_cast %scan3A_1072 : i32 to index
        %get3A_1441 = arith.constant 64 : index
        %get3A_1442 = tpu.vector_load %arg16[%get3A_1440, %get3A_1441] {strides = array<i32>} : memref<40x96xf32, #tpu.memory_space<vmem>>, vector<16xf32>,
        %mul3A_1443 = arith.mulf %get3A_1442, %select_n3A_1439 : vector<16xf32>
        %swap3A_1444 = arith.index_cast %scan3A_1072 : i32 to index
        %swap3A_1445 = arith.constant 96 : index
        %swap3A_1446 = tpu.vector_load %arg17[%swap3A_1444, %swap3A_1445] {strides = array<i32>} : memref<40x144xf32, #tpu.memory_space<vmem>>, vector<16xf32>,
        tpu.vector_store %arg17[%swap3A_1444, %swap3A_1445], %mul3A_1443 {strides = array<i32>} : memref<40x144xf32, #tpu.memory_space<vmem>>, vector<16xf32>,
        %lt3A_1447 = arith.constant 4 : i32
        %lt3A_1448 = vector.broadcast %lt3A_1447 : i32 to vector<16xi32>
        %lt3A_1449 = arith.cmpi slt, %iota3A, %lt3A_1448 : vector<16xi32>
        %slice3A_1450 = vector.extract_strided_slice %select_n3A_1299 {offsets = [6], sizes = [1], strides = [1]} : vector<16xf32> to vector<1xf32>
        %squeeze3A_1451 = vector.extract %slice3A_1450[0] : f32 from vector<1xf32>
        %slice3A_1452 = vector.extract_strided_slice %select_n3A_1299 {offsets = [7], sizes = [1], strides = [1]} : vector<16xf32> to vector<1xf32>
        %squeeze3A_1453 = vector.extract %slice3A_1452[0] : f32 from vector<1xf32>
        %broadcast_in_dim3A_1454 = vector.broadcast %squeeze3A_1451 : f32 to vector<16xf32>
        %broadcast_in_dim3A_1455 = vector.broadcast %squeeze3A_1453 : f32 to vector<16xf32>
        %select_n3A_1456 = arith.select %lt3A_1449, %broadcast_in_dim3A_1454, %broadcast_in_dim3A_1455 : vector<16xi1>, vector<16xf32>
        %get3A_1457 = arith.index_cast %scan3A_1072 : i32 to index
        %get3A_1458 = arith.constant 80 : index
        %get3A_1459 = tpu.vector_load %arg16[%get3A_1457, %get3A_1458] {strides = array<i32>} : memref<40x96xf32, #tpu.memory_space<vmem>>, vector<16xf32>,
        %mul3A_1460 = arith.mulf %get3A_1459, %select_n3A_1456 : vector<16xf32>
        %swap3A_1461 = arith.index_cast %scan3A_1072 : i32 to index
        %swap3A_1462 = arith.constant 112 : index
        %swap3A_1463 = tpu.vector_load %arg17[%swap3A_1461, %swap3A_1462] {strides = array<i32>} : memref<40x144xf32, #tpu.memory_space<vmem>>, vector<16xf32>,
        tpu.vector_store %arg17[%swap3A_1461, %swap3A_1462], %mul3A_1460 {strides = array<i32>} : memref<40x144xf32, #tpu.memory_space<vmem>>, vector<16xf32>,
        %swap3A_1464 = arith.index_cast %scan3A_1072 : i32 to index
        %swap3A_1465 = arith.constant 128 : index
        %swap3A_1466 = tpu.vector_load %arg17[%swap3A_1464, %swap3A_1465] {strides = array<i32>} : memref<40x144xf32, #tpu.memory_space<vmem>>, vector<16xf32>,
        tpu.vector_store %arg17[%swap3A_1464, %swap3A_1465], %select_n3A_1299 {strides = array<i32>} : memref<40x144xf32, #tpu.memory_space<vmem>>, vector<16xf32>,
        %scan3A_1467 = arith.constant 3 : i32
        %scan3A_1468 = arith.addi %scan3A_292, %scan3A_1467 : i32
        %get3A_1469 = arith.index_cast %scan3A_1468 : i32 to index
        %get3A_1470 = arith.constant 0 : index
        %get3A_1471 = tpu.vector_load %arg13[%get3A_1469, %get3A_1470] {strides = array<i32>} : memref<40x32xf32, #tpu.memory_space<vmem>>, vector<16xf32>,
        %get3A_1472 = arith.index_cast %scan3A_1468 : i32 to index
        %get3A_1473 = arith.constant 0 : index
        %get3A_1474 = tpu.vector_load %arg12[%get3A_1472, %get3A_1473] {strides = array<i32>} : memref<40x128xf32, #tpu.memory_space<vmem>>, vector<16xf32>,
        %mul3A_1475 = arith.mulf %get3A_1471, %get3A_1474 : vector<16xf32>
        %cumsum3A_1476 = arith.constant true
        %cumsum3A_1477 = vector.broadcast %cumsum3A_1476 : i1 to vector<16xi1>
        %cumsum3A_1478 = tpu.scan <sum>, %mul3A_1475 masked %cumsum3A_1477 : vector<16xf32>, vector<16xi1> -> vector<16xf32>
        %slice3A_1479 = vector.extract_strided_slice %cumsum3A_1478 {offsets = [3], sizes = [1], strides = [1]} : vector<16xf32> to vector<1xf32>
        %squeeze3A_1480 = vector.extract %slice3A_1479[0] : f32 from vector<1xf32>
        %sub3A_1481 = arith.constant 0.000000e+00 : f32
        %sub3A_1482 = arith.subf %squeeze3A_1480, %sub3A_1481 : f32
        %slice3A_1483 = vector.extract_strided_slice %cumsum3A_1478 {offsets = [3], sizes = [1], strides = [1]} : vector<16xf32> to vector<1xf32>
        %squeeze3A_1484 = vector.extract %slice3A_1483[0] : f32 from vector<1xf32>
        %slice3A_1485 = vector.extract_strided_slice %cumsum3A_1478 {offsets = [7], sizes = [1], strides = [1]} : vector<16xf32> to vector<1xf32>
        %squeeze3A_1486 = vector.extract %slice3A_1485[0] : f32 from vector<1xf32>
        %sub3A_1487 = arith.subf %squeeze3A_1486, %squeeze3A_1484 : f32
        %slice3A_1488 = vector.extract_strided_slice %cumsum3A_1478 {offsets = [7], sizes = [1], strides = [1]} : vector<16xf32> to vector<1xf32>
        %squeeze3A_1489 = vector.extract %slice3A_1488[0] : f32 from vector<1xf32>
        %slice3A_1490 = vector.extract_strided_slice %cumsum3A_1478 {offsets = [11], sizes = [1], strides = [1]} : vector<16xf32> to vector<1xf32>
        %squeeze3A_1491 = vector.extract %slice3A_1490[0] : f32 from vector<1xf32>
        %sub3A_1492 = arith.subf %squeeze3A_1491, %squeeze3A_1489 : f32
        %slice3A_1493 = vector.extract_strided_slice %cumsum3A_1478 {offsets = [11], sizes = [1], strides = [1]} : vector<16xf32> to vector<1xf32>
        %squeeze3A_1494 = vector.extract %slice3A_1493[0] : f32 from vector<1xf32>
        %slice3A_1495 = vector.extract_strided_slice %cumsum3A_1478 {offsets = [15], sizes = [1], strides = [1]} : vector<16xf32> to vector<1xf32>
        %squeeze3A_1496 = vector.extract %slice3A_1495[0] : f32 from vector<1xf32>
        %sub3A_1497 = arith.subf %squeeze3A_1496, %squeeze3A_1494 : f32
        %slice3A_1498 = vector.extract_strided_slice %cumsum3A_1478 {offsets = [15], sizes = [1], strides = [1]} : vector<16xf32> to vector<1xf32>
        %squeeze3A_1499 = vector.extract %slice3A_1498[0] : f32 from vector<1xf32>
        %get3A_1500 = arith.index_cast %scan3A_1468 : i32 to index
        %get3A_1501 = arith.constant 16 : index
        %get3A_1502 = tpu.vector_load %arg13[%get3A_1500, %get3A_1501] {strides = array<i32>} : memref<40x32xf32, #tpu.memory_space<vmem>>, vector<16xf32>,
        %get3A_1503 = arith.index_cast %scan3A_1468 : i32 to index
        %get3A_1504 = arith.constant 16 : index
        %get3A_1505 = tpu.vector_load %arg12[%get3A_1503, %get3A_1504] {strides = array<i32>} : memref<40x128xf32, #tpu.memory_space<vmem>>, vector<16xf32>,
        %mul3A_1506 = arith.mulf %get3A_1502, %get3A_1505 : vector<16xf32>
        %cumsum3A_1507 = arith.constant true
        %cumsum3A_1508 = vector.broadcast %cumsum3A_1507 : i1 to vector<16xi1>
        %cumsum3A_1509 = tpu.scan <sum>, %mul3A_1506 masked %cumsum3A_1508 : vector<16xf32>, vector<16xi1> -> vector<16xf32>
        %slice3A_1510 = vector.extract_strided_slice %cumsum3A_1509 {offsets = [3], sizes = [1], strides = [1]} : vector<16xf32> to vector<1xf32>
        %squeeze3A_1511 = vector.extract %slice3A_1510[0] : f32 from vector<1xf32>
        %sub3A_1512 = arith.constant 0.000000e+00 : f32
        %sub3A_1513 = arith.subf %squeeze3A_1511, %sub3A_1512 : f32
        %slice3A_1514 = vector.extract_strided_slice %cumsum3A_1509 {offsets = [3], sizes = [1], strides = [1]} : vector<16xf32> to vector<1xf32>
        %squeeze3A_1515 = vector.extract %slice3A_1514[0] : f32 from vector<1xf32>
        %slice3A_1516 = vector.extract_strided_slice %cumsum3A_1509 {offsets = [7], sizes = [1], strides = [1]} : vector<16xf32> to vector<1xf32>
        %squeeze3A_1517 = vector.extract %slice3A_1516[0] : f32 from vector<1xf32>
        %sub3A_1518 = arith.subf %squeeze3A_1517, %squeeze3A_1515 : f32
        %slice3A_1519 = vector.extract_strided_slice %cumsum3A_1509 {offsets = [7], sizes = [1], strides = [1]} : vector<16xf32> to vector<1xf32>
        %squeeze3A_1520 = vector.extract %slice3A_1519[0] : f32 from vector<1xf32>
        %slice3A_1521 = vector.extract_strided_slice %cumsum3A_1509 {offsets = [11], sizes = [1], strides = [1]} : vector<16xf32> to vector<1xf32>
        %squeeze3A_1522 = vector.extract %slice3A_1521[0] : f32 from vector<1xf32>
        %sub3A_1523 = arith.subf %squeeze3A_1522, %squeeze3A_1520 : f32
        %slice3A_1524 = vector.extract_strided_slice %cumsum3A_1509 {offsets = [11], sizes = [1], strides = [1]} : vector<16xf32> to vector<1xf32>
        %squeeze3A_1525 = vector.extract %slice3A_1524[0] : f32 from vector<1xf32>
        %slice3A_1526 = vector.extract_strided_slice %cumsum3A_1509 {offsets = [15], sizes = [1], strides = [1]} : vector<16xf32> to vector<1xf32>
        %squeeze3A_1527 = vector.extract %slice3A_1526[0] : f32 from vector<1xf32>
        %sub3A_1528 = arith.subf %squeeze3A_1527, %squeeze3A_1525 : f32
        %slice3A_1529 = vector.extract_strided_slice %cumsum3A_1509 {offsets = [15], sizes = [1], strides = [1]} : vector<16xf32> to vector<1xf32>
        %squeeze3A_1530 = vector.extract %slice3A_1529[0] : f32 from vector<1xf32>
        %get3A_1531 = arith.index_cast %scan3A_1468 : i32 to index
        %get3A_1532 = arith.constant 0 : index
        %get3A_1533 = tpu.vector_load %arg14[%get3A_1531, %get3A_1532] {strides = array<i32>} : memref<40x96xf32, #tpu.memory_space<vmem>>, vector<16xf32>,
        %get3A_1534 = arith.index_cast %scan3A_1468 : i32 to index
        %get3A_1535 = arith.constant 32 : index
        %get3A_1536 = tpu.vector_load %arg12[%get3A_1534, %get3A_1535] {strides = array<i32>} : memref<40x128xf32, #tpu.memory_space<vmem>>, vector<16xf32>,
        %mul3A_1537 = arith.mulf %get3A_1533, %get3A_1536 : vector<16xf32>
        %cumsum3A_1538 = arith.constant true
        %cumsum3A_1539 = vector.broadcast %cumsum3A_1538 : i1 to vector<16xi1>
        %cumsum3A_1540 = tpu.scan <sum>, %mul3A_1537 masked %cumsum3A_1539 : vector<16xf32>, vector<16xi1> -> vector<16xf32>
        %get3A_1541 = arith.index_cast %scan3A_1468 : i32 to index
        %get3A_1542 = arith.constant 16 : index
        %get3A_1543 = tpu.vector_load %arg14[%get3A_1541, %get3A_1542] {strides = array<i32>} : memref<40x96xf32, #tpu.memory_space<vmem>>, vector<16xf32>,
        %get3A_1544 = arith.index_cast %scan3A_1468 : i32 to index
        %get3A_1545 = arith.constant 48 : index
        %get3A_1546 = tpu.vector_load %arg12[%get3A_1544, %get3A_1545] {strides = array<i32>} : memref<40x128xf32, #tpu.memory_space<vmem>>, vector<16xf32>,
        %mul3A_1547 = arith.mulf %get3A_1543, %get3A_1546 : vector<16xf32>
        %cumsum3A_1548 = arith.constant true
        %cumsum3A_1549 = vector.broadcast %cumsum3A_1548 : i1 to vector<16xi1>
        %cumsum3A_1550 = tpu.scan <sum>, %mul3A_1547 masked %cumsum3A_1549 : vector<16xf32>, vector<16xi1> -> vector<16xf32>
        %get3A_1551 = arith.index_cast %scan3A_1468 : i32 to index
        %get3A_1552 = arith.constant 32 : index
        %get3A_1553 = tpu.vector_load %arg14[%get3A_1551, %get3A_1552] {strides = array<i32>} : memref<40x96xf32, #tpu.memory_space<vmem>>, vector<16xf32>,
        %get3A_1554 = arith.index_cast %scan3A_1468 : i32 to index
        %get3A_1555 = arith.constant 64 : index
        %get3A_1556 = tpu.vector_load %arg12[%get3A_1554, %get3A_1555] {strides = array<i32>} : memref<40x128xf32, #tpu.memory_space<vmem>>, vector<16xf32>,
        %mul3A_1557 = arith.mulf %get3A_1553, %get3A_1556 : vector<16xf32>
        %cumsum3A_1558 = arith.constant true
        %cumsum3A_1559 = vector.broadcast %cumsum3A_1558 : i1 to vector<16xi1>
        %cumsum3A_1560 = tpu.scan <sum>, %mul3A_1557 masked %cumsum3A_1559 : vector<16xf32>, vector<16xi1> -> vector<16xf32>
        %get3A_1561 = arith.index_cast %scan3A_1468 : i32 to index
        %get3A_1562 = arith.constant 48 : index
        %get3A_1563 = tpu.vector_load %arg14[%get3A_1561, %get3A_1562] {strides = array<i32>} : memref<40x96xf32, #tpu.memory_space<vmem>>, vector<16xf32>,
        %get3A_1564 = arith.index_cast %scan3A_1468 : i32 to index
        %get3A_1565 = arith.constant 80 : index
        %get3A_1566 = tpu.vector_load %arg12[%get3A_1564, %get3A_1565] {strides = array<i32>} : memref<40x128xf32, #tpu.memory_space<vmem>>, vector<16xf32>,
        %mul3A_1567 = arith.mulf %get3A_1563, %get3A_1566 : vector<16xf32>
        %cumsum3A_1568 = arith.constant true
        %cumsum3A_1569 = vector.broadcast %cumsum3A_1568 : i1 to vector<16xi1>
        %cumsum3A_1570 = tpu.scan <sum>, %mul3A_1567 masked %cumsum3A_1569 : vector<16xf32>, vector<16xi1> -> vector<16xf32>
        %get3A_1571 = arith.index_cast %scan3A_1468 : i32 to index
        %get3A_1572 = arith.constant 64 : index
        %get3A_1573 = tpu.vector_load %arg14[%get3A_1571, %get3A_1572] {strides = array<i32>} : memref<40x96xf32, #tpu.memory_space<vmem>>, vector<16xf32>,
        %get3A_1574 = arith.index_cast %scan3A_1468 : i32 to index
        %get3A_1575 = arith.constant 96 : index
        %get3A_1576 = tpu.vector_load %arg12[%get3A_1574, %get3A_1575] {strides = array<i32>} : memref<40x128xf32, #tpu.memory_space<vmem>>, vector<16xf32>,
        %mul3A_1577 = arith.mulf %get3A_1573, %get3A_1576 : vector<16xf32>
        %cumsum3A_1578 = arith.constant true
        %cumsum3A_1579 = vector.broadcast %cumsum3A_1578 : i1 to vector<16xi1>
        %cumsum3A_1580 = tpu.scan <sum>, %mul3A_1577 masked %cumsum3A_1579 : vector<16xf32>, vector<16xi1> -> vector<16xf32>
        %get3A_1581 = arith.index_cast %scan3A_1468 : i32 to index
        %get3A_1582 = arith.constant 80 : index
        %get3A_1583 = tpu.vector_load %arg14[%get3A_1581, %get3A_1582] {strides = array<i32>} : memref<40x96xf32, #tpu.memory_space<vmem>>, vector<16xf32>,
        %get3A_1584 = arith.index_cast %scan3A_1468 : i32 to index
        %get3A_1585 = arith.constant 112 : index
        %get3A_1586 = tpu.vector_load %arg12[%get3A_1584, %get3A_1585] {strides = array<i32>} : memref<40x128xf32, #tpu.memory_space<vmem>>, vector<16xf32>,
        %mul3A_1587 = arith.mulf %get3A_1583, %get3A_1586 : vector<16xf32>
        %cumsum3A_1588 = arith.constant true
        %cumsum3A_1589 = vector.broadcast %cumsum3A_1588 : i1 to vector<16xi1>
        %cumsum3A_1590 = tpu.scan <sum>, %mul3A_1587 masked %cumsum3A_1589 : vector<16xf32>, vector<16xi1> -> vector<16xf32>
        %slice3A_1591 = vector.extract_strided_slice %cumsum3A_1540 {offsets = [15], sizes = [1], strides = [1]} : vector<16xf32> to vector<1xf32>
        %squeeze3A_1592 = vector.extract %slice3A_1591[0] : f32 from vector<1xf32>
        %add3A_1593 = arith.constant 0.000000e+00 : f32
        %add3A_1594 = arith.addf %add3A_1593, %squeeze3A_1592 : f32
        %slice3A_1595 = vector.extract_strided_slice %cumsum3A_1550 {offsets = [15], sizes = [1], strides = [1]} : vector<16xf32> to vector<1xf32>
        %squeeze3A_1596 = vector.extract %slice3A_1595[0] : f32 from vector<1xf32>
        %add3A_1597 = arith.addf %add3A_1594, %squeeze3A_1596 : f32
        %slice3A_1598 = vector.extract_strided_slice %cumsum3A_1560 {offsets = [15], sizes = [1], strides = [1]} : vector<16xf32> to vector<1xf32>
        %squeeze3A_1599 = vector.extract %slice3A_1598[0] : f32 from vector<1xf32>
        %add3A_1600 = arith.addf %add3A_1597, %squeeze3A_1599 : f32
        %slice3A_1601 = vector.extract_strided_slice %cumsum3A_1570 {offsets = [15], sizes = [1], strides = [1]} : vector<16xf32> to vector<1xf32>
        %squeeze3A_1602 = vector.extract %slice3A_1601[0] : f32 from vector<1xf32>
        %add3A_1603 = arith.addf %add3A_1600, %squeeze3A_1602 : f32
        %slice3A_1604 = vector.extract_strided_slice %cumsum3A_1580 {offsets = [15], sizes = [1], strides = [1]} : vector<16xf32> to vector<1xf32>
        %squeeze3A_1605 = vector.extract %slice3A_1604[0] : f32 from vector<1xf32>
        %add3A_1606 = arith.addf %add3A_1603, %squeeze3A_1605 : f32
        %slice3A_1607 = vector.extract_strided_slice %cumsum3A_1540 {offsets = [11], sizes = [1], strides = [1]} : vector<16xf32> to vector<1xf32>
        %squeeze3A_1608 = vector.extract %slice3A_1607[0] : f32 from vector<1xf32>
        %add3A_1609 = arith.constant 0.000000e+00 : f32
        %add3A_1610 = arith.addf %add3A_1609, %squeeze3A_1608 : f32
        %sub3A_1611 = arith.constant 0.000000e+00 : f32
        %sub3A_1612 = arith.subf %add3A_1610, %sub3A_1611 : f32
        %add3A_1613 = arith.addf %sub3A_1482, %sub3A_1612 : f32
        %slice3A_1614 = vector.extract_strided_slice %cumsum3A_1550 {offsets = [7], sizes = [1], strides = [1]} : vector<16xf32> to vector<1xf32>
        %squeeze3A_1615 = vector.extract %slice3A_1614[0] : f32 from vector<1xf32>
        %add3A_1616 = arith.addf %add3A_1594, %squeeze3A_1615 : f32
        %sub3A_1617 = arith.subf %add3A_1616, %add3A_1610 : f32
        %add3A_1618 = arith.addf %sub3A_1487, %sub3A_1617 : f32
        %slice3A_1619 = vector.extract_strided_slice %cumsum3A_1560 {offsets = [3], sizes = [1], strides = [1]} : vector<16xf32> to vector<1xf32>
        %squeeze3A_1620 = vector.extract %slice3A_1619[0] : f32 from vector<1xf32>
        %add3A_1621 = arith.addf %add3A_1597, %squeeze3A_1620 : f32
        %sub3A_1622 = arith.subf %add3A_1621, %add3A_1616 : f32
        %add3A_1623 = arith.addf %sub3A_1492, %sub3A_1622 : f32
        %slice3A_1624 = vector.extract_strided_slice %cumsum3A_1560 {offsets = [15], sizes = [1], strides = [1]} : vector<16xf32> to vector<1xf32>
        %squeeze3A_1625 = vector.extract %slice3A_1624[0] : f32 from vector<1xf32>
        %add3A_1626 = arith.addf %add3A_1597, %squeeze3A_1625 : f32
        %sub3A_1627 = arith.subf %add3A_1626, %add3A_1621 : f32
        %add3A_1628 = arith.addf %sub3A_1497, %sub3A_1627 : f32
        %slice3A_1629 = vector.extract_strided_slice %cumsum3A_1570 {offsets = [11], sizes = [1], strides = [1]} : vector<16xf32> to vector<1xf32>
        %squeeze3A_1630 = vector.extract %slice3A_1629[0] : f32 from vector<1xf32>
        %add3A_1631 = arith.addf %add3A_1600, %squeeze3A_1630 : f32
        %sub3A_1632 = arith.subf %add3A_1631, %add3A_1626 : f32
        %add3A_1633 = arith.addf %sub3A_1513, %sub3A_1632 : f32
        %slice3A_1634 = vector.extract_strided_slice %cumsum3A_1580 {offsets = [7], sizes = [1], strides = [1]} : vector<16xf32> to vector<1xf32>
        %squeeze3A_1635 = vector.extract %slice3A_1634[0] : f32 from vector<1xf32>
        %add3A_1636 = arith.addf %add3A_1603, %squeeze3A_1635 : f32
        %sub3A_1637 = arith.subf %add3A_1636, %add3A_1631 : f32
        %add3A_1638 = arith.addf %sub3A_1518, %sub3A_1637 : f32
        %slice3A_1639 = vector.extract_strided_slice %cumsum3A_1590 {offsets = [3], sizes = [1], strides = [1]} : vector<16xf32> to vector<1xf32>
        %squeeze3A_1640 = vector.extract %slice3A_1639[0] : f32 from vector<1xf32>
        %add3A_1641 = arith.addf %add3A_1606, %squeeze3A_1640 : f32
        %sub3A_1642 = arith.subf %add3A_1641, %add3A_1636 : f32
        %add3A_1643 = arith.addf %sub3A_1523, %sub3A_1642 : f32
        %slice3A_1644 = vector.extract_strided_slice %cumsum3A_1590 {offsets = [15], sizes = [1], strides = [1]} : vector<16xf32> to vector<1xf32>
        %squeeze3A_1645 = vector.extract %slice3A_1644[0] : f32 from vector<1xf32>
        %add3A_1646 = arith.addf %add3A_1606, %squeeze3A_1645 : f32
        %sub3A_1647 = arith.subf %add3A_1646, %add3A_1641 : f32
        %add3A_1648 = arith.addf %sub3A_1528, %sub3A_1647 : f32
        %broadcast_in_dim3A_1649 = arith.constant 0.000000e+00 : f32
        %broadcast_in_dim3A_1650 = vector.broadcast %broadcast_in_dim3A_1649 : f32 to vector<16xf32>
        %eq3A_1651 = arith.constant 0 : i32
        %eq3A_1652 = vector.broadcast %eq3A_1651 : i32 to vector<16xi32>
        %eq3A_1653 = arith.cmpi eq, %iota3A, %eq3A_1652 : vector<16xi32>
        %broadcast_in_dim3A_1654 = vector.broadcast %add3A_1613 : f32 to vector<16xf32>
        %select_n3A_1655 = arith.select %eq3A_1653, %broadcast_in_dim3A_1654, %broadcast_in_dim3A_1650 : vector<16xi1>, vector<16xf32>
        %eq3A_1656 = arith.constant 1 : i32
        %eq3A_1657 = vector.broadcast %eq3A_1656 : i32 to vector<16xi32>
        %eq3A_1658 = arith.cmpi eq, %iota3A, %eq3A_1657 : vector<16xi32>
        %broadcast_in_dim3A_1659 = vector.broadcast %add3A_1618 : f32 to vector<16xf32>
        %select_n3A_1660 = arith.select %eq3A_1658, %broadcast_in_dim3A_1659, %select_n3A_1655 : vector<16xi1>, vector<16xf32>
        %eq3A_1661 = arith.constant 2 : i32
        %eq3A_1662 = vector.broadcast %eq3A_1661 : i32 to vector<16xi32>
        %eq3A_1663 = arith.cmpi eq, %iota3A, %eq3A_1662 : vector<16xi32>
        %broadcast_in_dim3A_1664 = vector.broadcast %add3A_1623 : f32 to vector<16xf32>
        %select_n3A_1665 = arith.select %eq3A_1663, %broadcast_in_dim3A_1664, %select_n3A_1660 : vector<16xi1>, vector<16xf32>
        %eq3A_1666 = arith.constant 3 : i32
        %eq3A_1667 = vector.broadcast %eq3A_1666 : i32 to vector<16xi32>
        %eq3A_1668 = arith.cmpi eq, %iota3A, %eq3A_1667 : vector<16xi32>
        %broadcast_in_dim3A_1669 = vector.broadcast %add3A_1628 : f32 to vector<16xf32>
        %select_n3A_1670 = arith.select %eq3A_1668, %broadcast_in_dim3A_1669, %select_n3A_1665 : vector<16xi1>, vector<16xf32>
        %eq3A_1671 = arith.constant 4 : i32
        %eq3A_1672 = vector.broadcast %eq3A_1671 : i32 to vector<16xi32>
        %eq3A_1673 = arith.cmpi eq, %iota3A, %eq3A_1672 : vector<16xi32>
        %broadcast_in_dim3A_1674 = vector.broadcast %add3A_1633 : f32 to vector<16xf32>
        %select_n3A_1675 = arith.select %eq3A_1673, %broadcast_in_dim3A_1674, %select_n3A_1670 : vector<16xi1>, vector<16xf32>
        %eq3A_1676 = arith.constant 5 : i32
        %eq3A_1677 = vector.broadcast %eq3A_1676 : i32 to vector<16xi32>
        %eq3A_1678 = arith.cmpi eq, %iota3A, %eq3A_1677 : vector<16xi32>
        %broadcast_in_dim3A_1679 = vector.broadcast %add3A_1638 : f32 to vector<16xf32>
        %select_n3A_1680 = arith.select %eq3A_1678, %broadcast_in_dim3A_1679, %select_n3A_1675 : vector<16xi1>, vector<16xf32>
        %eq3A_1681 = arith.constant 6 : i32
        %eq3A_1682 = vector.broadcast %eq3A_1681 : i32 to vector<16xi32>
        %eq3A_1683 = arith.cmpi eq, %iota3A, %eq3A_1682 : vector<16xi32>
        %broadcast_in_dim3A_1684 = vector.broadcast %add3A_1643 : f32 to vector<16xf32>
        %select_n3A_1685 = arith.select %eq3A_1683, %broadcast_in_dim3A_1684, %select_n3A_1680 : vector<16xi1>, vector<16xf32>
        %eq3A_1686 = arith.constant 7 : i32
        %eq3A_1687 = vector.broadcast %eq3A_1686 : i32 to vector<16xi32>
        %eq3A_1688 = arith.cmpi eq, %iota3A, %eq3A_1687 : vector<16xi32>
        %broadcast_in_dim3A_1689 = vector.broadcast %add3A_1648 : f32 to vector<16xf32>
        %select_n3A_1690 = arith.select %eq3A_1688, %broadcast_in_dim3A_1689, %select_n3A_1685 : vector<16xi1>, vector<16xf32>
        %exp3A_1691 = math.exp %select_n3A_1690 : vector<16xf32>
        %jit3A_1692 = arith.constant 0.000000e+00 : f64
        %convert_element_type3A_1693 = arith.truncf %jit3A_1692 : f64 to f32
        %broadcast_in_dim3A_1694 = vector.broadcast %convert_element_type3A_1693 : f32 to vector<16xf32>
        %select_n3A_1695 = arith.select %lt3A_36, %exp3A_1691, %broadcast_in_dim3A_1694 : vector<16xi1>, vector<16xf32>
        %lt3A_1696 = arith.constant 4 : i32
        %lt3A_1697 = vector.broadcast %lt3A_1696 : i32 to vector<16xi32>
        %lt3A_1698 = arith.cmpi slt, %iota3A, %lt3A_1697 : vector<16xi32>
        %slice3A_1699 = vector.extract_strided_slice %select_n3A_1695 {offsets = [0], sizes = [1], strides = [1]} : vector<16xf32> to vector<1xf32>
        %squeeze3A_1700 = vector.extract %slice3A_1699[0] : f32 from vector<1xf32>
        %lt3A_1701 = arith.constant 8 : i32
        %lt3A_1702 = vector.broadcast %lt3A_1701 : i32 to vector<16xi32>
        %lt3A_1703 = arith.cmpi slt, %iota3A, %lt3A_1702 : vector<16xi32>
        %slice3A_1704 = vector.extract_strided_slice %select_n3A_1695 {offsets = [1], sizes = [1], strides = [1]} : vector<16xf32> to vector<1xf32>
        %squeeze3A_1705 = vector.extract %slice3A_1704[0] : f32 from vector<1xf32>
        %lt3A_1706 = arith.constant 12 : i32
        %lt3A_1707 = vector.broadcast %lt3A_1706 : i32 to vector<16xi32>
        %lt3A_1708 = arith.cmpi slt, %iota3A, %lt3A_1707 : vector<16xi32>
        %slice3A_1709 = vector.extract_strided_slice %select_n3A_1695 {offsets = [2], sizes = [1], strides = [1]} : vector<16xf32> to vector<1xf32>
        %squeeze3A_1710 = vector.extract %slice3A_1709[0] : f32 from vector<1xf32>
        %slice3A_1711 = vector.extract_strided_slice %select_n3A_1695 {offsets = [3], sizes = [1], strides = [1]} : vector<16xf32> to vector<1xf32>
        %squeeze3A_1712 = vector.extract %slice3A_1711[0] : f32 from vector<1xf32>
        %broadcast_in_dim3A_1713 = vector.broadcast %squeeze3A_1710 : f32 to vector<16xf32>
        %broadcast_in_dim3A_1714 = vector.broadcast %squeeze3A_1712 : f32 to vector<16xf32>
        %select_n3A_1715 = arith.select %lt3A_1708, %broadcast_in_dim3A_1713, %broadcast_in_dim3A_1714 : vector<16xi1>, vector<16xf32>
        %broadcast_in_dim3A_1716 = vector.broadcast %squeeze3A_1705 : f32 to vector<16xf32>
        %select_n3A_1717 = arith.select %lt3A_1703, %broadcast_in_dim3A_1716, %select_n3A_1715 : vector<16xi1>, vector<16xf32>
        %broadcast_in_dim3A_1718 = vector.broadcast %squeeze3A_1700 : f32 to vector<16xf32>
        %select_n3A_1719 = arith.select %lt3A_1698, %broadcast_in_dim3A_1718, %select_n3A_1717 : vector<16xi1>, vector<16xf32>
        %get3A_1720 = arith.index_cast %scan3A_1468 : i32 to index
        %get3A_1721 = arith.constant 0 : index
        %get3A_1722 = tpu.vector_load %arg15[%get3A_1720, %get3A_1721] {strides = array<i32>} : memref<40x32xf32, #tpu.memory_space<vmem>>, vector<16xf32>,
        %mul3A_1723 = arith.mulf %get3A_1722, %select_n3A_1719 : vector<16xf32>
        %swap3A_1724 = arith.index_cast %scan3A_1468 : i32 to index
        %swap3A_1725 = arith.constant 0 : index
        %swap3A_1726 = tpu.vector_load %arg17[%swap3A_1724, %swap3A_1725] {strides = array<i32>} : memref<40x144xf32, #tpu.memory_space<vmem>>, vector<16xf32>,
        tpu.vector_store %arg17[%swap3A_1724, %swap3A_1725], %mul3A_1723 {strides = array<i32>} : memref<40x144xf32, #tpu.memory_space<vmem>>, vector<16xf32>,
        %lt3A_1727 = arith.constant 4 : i32
        %lt3A_1728 = vector.broadcast %lt3A_1727 : i32 to vector<16xi32>
        %lt3A_1729 = arith.cmpi slt, %iota3A, %lt3A_1728 : vector<16xi32>
        %slice3A_1730 = vector.extract_strided_slice %select_n3A_1695 {offsets = [4], sizes = [1], strides = [1]} : vector<16xf32> to vector<1xf32>
        %squeeze3A_1731 = vector.extract %slice3A_1730[0] : f32 from vector<1xf32>
        %lt3A_1732 = arith.constant 8 : i32
        %lt3A_1733 = vector.broadcast %lt3A_1732 : i32 to vector<16xi32>
        %lt3A_1734 = arith.cmpi slt, %iota3A, %lt3A_1733 : vector<16xi32>
        %slice3A_1735 = vector.extract_strided_slice %select_n3A_1695 {offsets = [5], sizes = [1], strides = [1]} : vector<16xf32> to vector<1xf32>
        %squeeze3A_1736 = vector.extract %slice3A_1735[0] : f32 from vector<1xf32>
        %lt3A_1737 = arith.constant 12 : i32
        %lt3A_1738 = vector.broadcast %lt3A_1737 : i32 to vector<16xi32>
        %lt3A_1739 = arith.cmpi slt, %iota3A, %lt3A_1738 : vector<16xi32>
        %slice3A_1740 = vector.extract_strided_slice %select_n3A_1695 {offsets = [6], sizes = [1], strides = [1]} : vector<16xf32> to vector<1xf32>
        %squeeze3A_1741 = vector.extract %slice3A_1740[0] : f32 from vector<1xf32>
        %slice3A_1742 = vector.extract_strided_slice %select_n3A_1695 {offsets = [7], sizes = [1], strides = [1]} : vector<16xf32> to vector<1xf32>
        %squeeze3A_1743 = vector.extract %slice3A_1742[0] : f32 from vector<1xf32>
        %broadcast_in_dim3A_1744 = vector.broadcast %squeeze3A_1741 : f32 to vector<16xf32>
        %broadcast_in_dim3A_1745 = vector.broadcast %squeeze3A_1743 : f32 to vector<16xf32>
        %select_n3A_1746 = arith.select %lt3A_1739, %broadcast_in_dim3A_1744, %broadcast_in_dim3A_1745 : vector<16xi1>, vector<16xf32>
        %broadcast_in_dim3A_1747 = vector.broadcast %squeeze3A_1736 : f32 to vector<16xf32>
        %select_n3A_1748 = arith.select %lt3A_1734, %broadcast_in_dim3A_1747, %select_n3A_1746 : vector<16xi1>, vector<16xf32>
        %broadcast_in_dim3A_1749 = vector.broadcast %squeeze3A_1731 : f32 to vector<16xf32>
        %select_n3A_1750 = arith.select %lt3A_1729, %broadcast_in_dim3A_1749, %select_n3A_1748 : vector<16xi1>, vector<16xf32>
        %get3A_1751 = arith.index_cast %scan3A_1468 : i32 to index
        %get3A_1752 = arith.constant 16 : index
        %get3A_1753 = tpu.vector_load %arg15[%get3A_1751, %get3A_1752] {strides = array<i32>} : memref<40x32xf32, #tpu.memory_space<vmem>>, vector<16xf32>,
        %mul3A_1754 = arith.mulf %get3A_1753, %select_n3A_1750 : vector<16xf32>
        %swap3A_1755 = arith.index_cast %scan3A_1468 : i32 to index
        %swap3A_1756 = arith.constant 16 : index
        %swap3A_1757 = tpu.vector_load %arg17[%swap3A_1755, %swap3A_1756] {strides = array<i32>} : memref<40x144xf32, #tpu.memory_space<vmem>>, vector<16xf32>,
        tpu.vector_store %arg17[%swap3A_1755, %swap3A_1756], %mul3A_1754 {strides = array<i32>} : memref<40x144xf32, #tpu.memory_space<vmem>>, vector<16xf32>,
        %lt3A_1758 = arith.constant 12 : i32
        %lt3A_1759 = vector.broadcast %lt3A_1758 : i32 to vector<16xi32>
        %lt3A_1760 = arith.cmpi slt, %iota3A, %lt3A_1759 : vector<16xi32>
        %slice3A_1761 = vector.extract_strided_slice %select_n3A_1695 {offsets = [0], sizes = [1], strides = [1]} : vector<16xf32> to vector<1xf32>
        %squeeze3A_1762 = vector.extract %slice3A_1761[0] : f32 from vector<1xf32>
        %slice3A_1763 = vector.extract_strided_slice %select_n3A_1695 {offsets = [1], sizes = [1], strides = [1]} : vector<16xf32> to vector<1xf32>
        %squeeze3A_1764 = vector.extract %slice3A_1763[0] : f32 from vector<1xf32>
        %broadcast_in_dim3A_1765 = vector.broadcast %squeeze3A_1762 : f32 to vector<16xf32>
        %broadcast_in_dim3A_1766 = vector.broadcast %squeeze3A_1764 : f32 to vector<16xf32>
        %select_n3A_1767 = arith.select %lt3A_1760, %broadcast_in_dim3A_1765, %broadcast_in_dim3A_1766 : vector<16xi1>, vector<16xf32>
        %get3A_1768 = arith.index_cast %scan3A_1468 : i32 to index
        %get3A_1769 = arith.constant 0 : index
        %get3A_1770 = tpu.vector_load %arg16[%get3A_1768, %get3A_1769] {strides = array<i32>} : memref<40x96xf32, #tpu.memory_space<vmem>>, vector<16xf32>,
        %mul3A_1771 = arith.mulf %get3A_1770, %select_n3A_1767 : vector<16xf32>
        %swap3A_1772 = arith.index_cast %scan3A_1468 : i32 to index
        %swap3A_1773 = arith.constant 32 : index
        %swap3A_1774 = tpu.vector_load %arg17[%swap3A_1772, %swap3A_1773] {strides = array<i32>} : memref<40x144xf32, #tpu.memory_space<vmem>>, vector<16xf32>,
        tpu.vector_store %arg17[%swap3A_1772, %swap3A_1773], %mul3A_1771 {strides = array<i32>} : memref<40x144xf32, #tpu.memory_space<vmem>>, vector<16xf32>,
        %lt3A_1775 = arith.constant 8 : i32
        %lt3A_1776 = vector.broadcast %lt3A_1775 : i32 to vector<16xi32>
        %lt3A_1777 = arith.cmpi slt, %iota3A, %lt3A_1776 : vector<16xi32>
        %slice3A_1778 = vector.extract_strided_slice %select_n3A_1695 {offsets = [1], sizes = [1], strides = [1]} : vector<16xf32> to vector<1xf32>
        %squeeze3A_1779 = vector.extract %slice3A_1778[0] : f32 from vector<1xf32>
        %slice3A_1780 = vector.extract_strided_slice %select_n3A_1695 {offsets = [2], sizes = [1], strides = [1]} : vector<16xf32> to vector<1xf32>
        %squeeze3A_1781 = vector.extract %slice3A_1780[0] : f32 from vector<1xf32>
        %broadcast_in_dim3A_1782 = vector.broadcast %squeeze3A_1779 : f32 to vector<16xf32>
        %broadcast_in_dim3A_1783 = vector.broadcast %squeeze3A_1781 : f32 to vector<16xf32>
        %select_n3A_1784 = arith.select %lt3A_1777, %broadcast_in_dim3A_1782, %broadcast_in_dim3A_1783 : vector<16xi1>, vector<16xf32>
        %get3A_1785 = arith.index_cast %scan3A_1468 : i32 to index
        %get3A_1786 = arith.constant 16 : index
        %get3A_1787 = tpu.vector_load %arg16[%get3A_1785, %get3A_1786] {strides = array<i32>} : memref<40x96xf32, #tpu.memory_space<vmem>>, vector<16xf32>,
        %mul3A_1788 = arith.mulf %get3A_1787, %select_n3A_1784 : vector<16xf32>
        %swap3A_1789 = arith.index_cast %scan3A_1468 : i32 to index
        %swap3A_1790 = arith.constant 48 : index
        %swap3A_1791 = tpu.vector_load %arg17[%swap3A_1789, %swap3A_1790] {strides = array<i32>} : memref<40x144xf32, #tpu.memory_space<vmem>>, vector<16xf32>,
        tpu.vector_store %arg17[%swap3A_1789, %swap3A_1790], %mul3A_1788 {strides = array<i32>} : memref<40x144xf32, #tpu.memory_space<vmem>>, vector<16xf32>,
        %lt3A_1792 = arith.constant 4 : i32
        %lt3A_1793 = vector.broadcast %lt3A_1792 : i32 to vector<16xi32>
        %lt3A_1794 = arith.cmpi slt, %iota3A, %lt3A_1793 : vector<16xi32>
        %slice3A_1795 = vector.extract_strided_slice %select_n3A_1695 {offsets = [2], sizes = [1], strides = [1]} : vector<16xf32> to vector<1xf32>
        %squeeze3A_1796 = vector.extract %slice3A_1795[0] : f32 from vector<1xf32>
        %slice3A_1797 = vector.extract_strided_slice %select_n3A_1695 {offsets = [3], sizes = [1], strides = [1]} : vector<16xf32> to vector<1xf32>
        %squeeze3A_1798 = vector.extract %slice3A_1797[0] : f32 from vector<1xf32>
        %broadcast_in_dim3A_1799 = vector.broadcast %squeeze3A_1796 : f32 to vector<16xf32>
        %broadcast_in_dim3A_1800 = vector.broadcast %squeeze3A_1798 : f32 to vector<16xf32>
        %select_n3A_1801 = arith.select %lt3A_1794, %broadcast_in_dim3A_1799, %broadcast_in_dim3A_1800 : vector<16xi1>, vector<16xf32>
        %get3A_1802 = arith.index_cast %scan3A_1468 : i32 to index
        %get3A_1803 = arith.constant 32 : index
        %get3A_1804 = tpu.vector_load %arg16[%get3A_1802, %get3A_1803] {strides = array<i32>} : memref<40x96xf32, #tpu.memory_space<vmem>>, vector<16xf32>,
        %mul3A_1805 = arith.mulf %get3A_1804, %select_n3A_1801 : vector<16xf32>
        %swap3A_1806 = arith.index_cast %scan3A_1468 : i32 to index
        %swap3A_1807 = arith.constant 64 : index
        %swap3A_1808 = tpu.vector_load %arg17[%swap3A_1806, %swap3A_1807] {strides = array<i32>} : memref<40x144xf32, #tpu.memory_space<vmem>>, vector<16xf32>,
        tpu.vector_store %arg17[%swap3A_1806, %swap3A_1807], %mul3A_1805 {strides = array<i32>} : memref<40x144xf32, #tpu.memory_space<vmem>>, vector<16xf32>,
        %lt3A_1809 = arith.constant 12 : i32
        %lt3A_1810 = vector.broadcast %lt3A_1809 : i32 to vector<16xi32>
        %lt3A_1811 = arith.cmpi slt, %iota3A, %lt3A_1810 : vector<16xi32>
        %slice3A_1812 = vector.extract_strided_slice %select_n3A_1695 {offsets = [4], sizes = [1], strides = [1]} : vector<16xf32> to vector<1xf32>
        %squeeze3A_1813 = vector.extract %slice3A_1812[0] : f32 from vector<1xf32>
        %slice3A_1814 = vector.extract_strided_slice %select_n3A_1695 {offsets = [5], sizes = [1], strides = [1]} : vector<16xf32> to vector<1xf32>
        %squeeze3A_1815 = vector.extract %slice3A_1814[0] : f32 from vector<1xf32>
        %broadcast_in_dim3A_1816 = vector.broadcast %squeeze3A_1813 : f32 to vector<16xf32>
        %broadcast_in_dim3A_1817 = vector.broadcast %squeeze3A_1815 : f32 to vector<16xf32>
        %select_n3A_1818 = arith.select %lt3A_1811, %broadcast_in_dim3A_1816, %broadcast_in_dim3A_1817 : vector<16xi1>, vector<16xf32>
        %get3A_1819 = arith.index_cast %scan3A_1468 : i32 to index
        %get3A_1820 = arith.constant 48 : index
        %get3A_1821 = tpu.vector_load %arg16[%get3A_1819, %get3A_1820] {strides = array<i32>} : memref<40x96xf32, #tpu.memory_space<vmem>>, vector<16xf32>,
        %mul3A_1822 = arith.mulf %get3A_1821, %select_n3A_1818 : vector<16xf32>
        %swap3A_1823 = arith.index_cast %scan3A_1468 : i32 to index
        %swap3A_1824 = arith.constant 80 : index
        %swap3A_1825 = tpu.vector_load %arg17[%swap3A_1823, %swap3A_1824] {strides = array<i32>} : memref<40x144xf32, #tpu.memory_space<vmem>>, vector<16xf32>,
        tpu.vector_store %arg17[%swap3A_1823, %swap3A_1824], %mul3A_1822 {strides = array<i32>} : memref<40x144xf32, #tpu.memory_space<vmem>>, vector<16xf32>,
        %lt3A_1826 = arith.constant 8 : i32
        %lt3A_1827 = vector.broadcast %lt3A_1826 : i32 to vector<16xi32>
        %lt3A_1828 = arith.cmpi slt, %iota3A, %lt3A_1827 : vector<16xi32>
        %slice3A_1829 = vector.extract_strided_slice %select_n3A_1695 {offsets = [5], sizes = [1], strides = [1]} : vector<16xf32> to vector<1xf32>
        %squeeze3A_1830 = vector.extract %slice3A_1829[0] : f32 from vector<1xf32>
        %slice3A_1831 = vector.extract_strided_slice %select_n3A_1695 {offsets = [6], sizes = [1], strides = [1]} : vector<16xf32> to vector<1xf32>
        %squeeze3A_1832 = vector.extract %slice3A_1831[0] : f32 from vector<1xf32>
        %broadcast_in_dim3A_1833 = vector.broadcast %squeeze3A_1830 : f32 to vector<16xf32>
        %broadcast_in_dim3A_1834 = vector.broadcast %squeeze3A_1832 : f32 to vector<16xf32>
        %select_n3A_1835 = arith.select %lt3A_1828, %broadcast_in_dim3A_1833, %broadcast_in_dim3A_1834 : vector<16xi1>, vector<16xf32>
        %get3A_1836 = arith.index_cast %scan3A_1468 : i32 to index
        %get3A_1837 = arith.constant 64 : index
        %get3A_1838 = tpu.vector_load %arg16[%get3A_1836, %get3A_1837] {strides = array<i32>} : memref<40x96xf32, #tpu.memory_space<vmem>>, vector<16xf32>,
        %mul3A_1839 = arith.mulf %get3A_1838, %select_n3A_1835 : vector<16xf32>
        %swap3A_1840 = arith.index_cast %scan3A_1468 : i32 to index
        %swap3A_1841 = arith.constant 96 : index
        %swap3A_1842 = tpu.vector_load %arg17[%swap3A_1840, %swap3A_1841] {strides = array<i32>} : memref<40x144xf32, #tpu.memory_space<vmem>>, vector<16xf32>,
        tpu.vector_store %arg17[%swap3A_1840, %swap3A_1841], %mul3A_1839 {strides = array<i32>} : memref<40x144xf32, #tpu.memory_space<vmem>>, vector<16xf32>,
        %lt3A_1843 = arith.constant 4 : i32
        %lt3A_1844 = vector.broadcast %lt3A_1843 : i32 to vector<16xi32>
        %lt3A_1845 = arith.cmpi slt, %iota3A, %lt3A_1844 : vector<16xi32>
        %slice3A_1846 = vector.extract_strided_slice %select_n3A_1695 {offsets = [6], sizes = [1], strides = [1]} : vector<16xf32> to vector<1xf32>
        %squeeze3A_1847 = vector.extract %slice3A_1846[0] : f32 from vector<1xf32>
        %slice3A_1848 = vector.extract_strided_slice %select_n3A_1695 {offsets = [7], sizes = [1], strides = [1]} : vector<16xf32> to vector<1xf32>
        %squeeze3A_1849 = vector.extract %slice3A_1848[0] : f32 from vector<1xf32>
        %broadcast_in_dim3A_1850 = vector.broadcast %squeeze3A_1847 : f32 to vector<16xf32>
        %broadcast_in_dim3A_1851 = vector.broadcast %squeeze3A_1849 : f32 to vector<16xf32>
        %select_n3A_1852 = arith.select %lt3A_1845, %broadcast_in_dim3A_1850, %broadcast_in_dim3A_1851 : vector<16xi1>, vector<16xf32>
        %get3A_1853 = arith.index_cast %scan3A_1468 : i32 to index
        %get3A_1854 = arith.constant 80 : index
        %get3A_1855 = tpu.vector_load %arg16[%get3A_1853, %get3A_1854] {strides = array<i32>} : memref<40x96xf32, #tpu.memory_space<vmem>>, vector<16xf32>,
        %mul3A_1856 = arith.mulf %get3A_1855, %select_n3A_1852 : vector<16xf32>
        %swap3A_1857 = arith.index_cast %scan3A_1468 : i32 to index
        %swap3A_1858 = arith.constant 112 : index
        %swap3A_1859 = tpu.vector_load %arg17[%swap3A_1857, %swap3A_1858] {strides = array<i32>} : memref<40x144xf32, #tpu.memory_space<vmem>>, vector<16xf32>,
        tpu.vector_store %arg17[%swap3A_1857, %swap3A_1858], %mul3A_1856 {strides = array<i32>} : memref<40x144xf32, #tpu.memory_space<vmem>>, vector<16xf32>,
        %swap3A_1860 = arith.index_cast %scan3A_1468 : i32 to index
        %swap3A_1861 = arith.constant 128 : index
        %swap3A_1862 = tpu.vector_load %arg17[%swap3A_1860, %swap3A_1861] {strides = array<i32>} : memref<40x144xf32, #tpu.memory_space<vmem>>, vector<16xf32>,
        tpu.vector_store %arg17[%swap3A_1860, %swap3A_1861], %select_n3A_1695 {strides = array<i32>} : memref<40x144xf32, #tpu.memory_space<vmem>>, vector<16xf32>,
      }
      %scan3A_291 = arith.constant 40 : i32
      "tpu.region"() ({
        %run_scoped3A = tpu.sem_alloc : memref<!tpu.dma_semaphore, #tpu.memory_space<semaphore_mem>>
        %dma_start3A_292 = arith.constant 0 : i32
        %dma_start3A_293 = arith.constant 0 : i32
        %dma_start3A_294 = tpu.memref_slice %arg18[%dma_start3A_292, %dma_start3A_293] : memref<10240x144xf32, #tpu.memory_space<vmem_shared>> -> memref<10240x144xf32, #tpu.memory_space<vmem_shared>>
        tpu.enqueue_indirect_dma source(%arg17 : memref<40x144xf32, #tpu.memory_space<vmem>>) target(%dma_start3A_294 : memref<10240x144xf32, #tpu.memory_space<vmem_shared>>) offsets(%arg11 : memref<40xi32, #tpu.memory_space<vmem>>) semaphore(%run_scoped3A : memref<!tpu.dma_semaphore, #tpu.memory_space<semaphore_mem>>) {add = true}
        %dma_wait3A_295 = arith.constant 0 : i32
        %dma_wait3A_296 = arith.constant 0 : i32
        %dma_wait3A_297 = tpu.memref_slice %arg18[%dma_wait3A_295, %dma_wait3A_296] : memref<10240x144xf32, #tpu.memory_space<vmem_shared>> -> memref<10240x144xf32, #tpu.memory_space<vmem_shared>>
        tpu.wait_indirect_dma semaphore(%run_scoped3A : memref<!tpu.dma_semaphore, #tpu.memory_space<semaphore_mem>>) src(%arg17 : memref<40x144xf32, #tpu.memory_space<vmem>>) dst(%dma_wait3A_297 : memref<10240x144xf32, #tpu.memory_space<vmem_shared>>)
        tpu.yield
      }) : () -> ()
    }
    %scan3A_41 = arith.constant 250 : i32
    %barrier3A_42 = arith.constant 0 : index
    tpu.barrier barrier_id(%barrier3A_42)
    %add3A_43 = arith.constant 0 : i32
    %add3A_44 = arith.addi %mul3A_2, %add3A_43 : i32
    "tpu.region"() ({
      %run_scoped3A = tpu.sem_alloc : memref<!tpu.dma_semaphore, #tpu.memory_space<semaphore_mem>>
      %dma_start3A_201 = tpu.memref_slice %arg9[%add3A_44] : memref<10240xi32, #tpu.memory_space<hbm>> -> memref<40xi32, #tpu.memory_space<hbm>>
      %dma_start3A_202 = tpu.memref_slice %arg9[%add3A_44] : memref<10240xi32, #tpu.memory_space<hbm>> -> memref<40xi32, #tpu.memory_space<hbm>>
      tpu.enqueue_dma source(%dma_start3A_202 : memref<40xi32, #tpu.memory_space<hbm>>) target(%arg11 : memref<40xi32, #tpu.memory_space<vmem>>) target_semaphore(%run_scoped3A : memref<!tpu.dma_semaphore, #tpu.memory_space<semaphore_mem>>)
      %dma_wait3A_203 = tpu.memref_slice %arg9[%add3A_44] : memref<10240xi32, #tpu.memory_space<hbm>> -> memref<40xi32, #tpu.memory_space<hbm>>
      %dma_wait3A_204 = tpu.memref_slice %arg9[%add3A_44] : memref<10240xi32, #tpu.memory_space<hbm>> -> memref<40xi32, #tpu.memory_space<hbm>>
      tpu.wait_dma2 semaphore(%run_scoped3A : memref<!tpu.dma_semaphore, #tpu.memory_space<semaphore_mem>>) src(%dma_wait3A_204 : memref<40xi32, #tpu.memory_space<hbm>>) dst(%arg11 : memref<40xi32, #tpu.memory_space<vmem>>)
      tpu.yield
    }) : () -> ()
    %dma_start3A = arith.constant 0 : i32
    %dma_start3A_45 = arith.constant 0 : i32
    %dma_start3A_46 = tpu.memref_slice %arg18[%dma_start3A, %dma_start3A_45] : memref<10240x144xf32, #tpu.memory_space<vmem_shared>> -> memref<10240x144xf32, #tpu.memory_space<vmem_shared>>
    tpu.enqueue_indirect_dma source(%dma_start3A_46 : memref<10240x144xf32, #tpu.memory_space<vmem_shared>>) target(%arg17 : memref<40x144xf32, #tpu.memory_space<vmem>>) offsets(%arg11 : memref<40xi32, #tpu.memory_space<vmem>>) semaphore(%arg19 : memref<!tpu.dma_semaphore, #tpu.memory_space<semaphore_mem>>)
    %dma_wait3A = arith.constant 0 : i32
    %dma_wait3A_47 = arith.constant 0 : i32
    %dma_wait3A_48 = tpu.memref_slice %arg18[%dma_wait3A, %dma_wait3A_47] : memref<10240x144xf32, #tpu.memory_space<vmem_shared>> -> memref<10240x144xf32, #tpu.memory_space<vmem_shared>>
    tpu.wait_indirect_dma semaphore(%arg19 : memref<!tpu.dma_semaphore, #tpu.memory_space<semaphore_mem>>) src(%dma_wait3A_48 : memref<10240x144xf32, #tpu.memory_space<vmem_shared>>) dst(%arg17 : memref<40x144xf32, #tpu.memory_space<vmem>>)
    %add3A_49 = arith.constant 0 : i32
    %add3A_50 = arith.addi %mul3A_2, %add3A_49 : i32
    "tpu.region"() ({
      %run_scoped3A = tpu.sem_alloc : memref<!tpu.dma_semaphore, #tpu.memory_space<semaphore_mem>>
      %dma_start3A_201 = arith.constant 0 : i32
      %dma_start3A_202 = tpu.memref_slice %arg10[%arg0, %add3A_50, %dma_start3A_201] : memref<2x10240x144xf32, #tpu.memory_space<hbm>> -> memref<1x40x144xf32, #tpu.memory_space<hbm>>
      %dma_start3A_203 = tpu.memref_squeeze %dma_start3A_202 : memref<1x40x144xf32, #tpu.memory_space<hbm>> -> memref<40x144xf32, #tpu.memory_space<hbm>>
      %dma_start3A_204 = arith.constant 0 : i32
      %dma_start3A_205 = tpu.memref_slice %arg10[%arg0, %add3A_50, %dma_start3A_204] : memref<2x10240x144xf32, #tpu.memory_space<hbm>> -> memref<1x40x144xf32, #tpu.memory_space<hbm>>
      %dma_start3A_206 = tpu.memref_squeeze %dma_start3A_205 : memref<1x40x144xf32, #tpu.memory_space<hbm>> -> memref<40x144xf32, #tpu.memory_space<hbm>>
      tpu.enqueue_dma source(%arg17 : memref<40x144xf32, #tpu.memory_space<vmem>>) target(%dma_start3A_206 : memref<40x144xf32, #tpu.memory_space<hbm>>) target_semaphore(%run_scoped3A : memref<!tpu.dma_semaphore, #tpu.memory_space<semaphore_mem>>)
      %dma_wait3A_207 = arith.constant 0 : i32
      %dma_wait3A_208 = tpu.memref_slice %arg10[%arg0, %add3A_50, %dma_wait3A_207] : memref<2x10240x144xf32, #tpu.memory_space<hbm>> -> memref<1x40x144xf32, #tpu.memory_space<hbm>>
      %dma_wait3A_209 = tpu.memref_squeeze %dma_wait3A_208 : memref<1x40x144xf32, #tpu.memory_space<hbm>> -> memref<40x144xf32, #tpu.memory_space<hbm>>
      %dma_wait3A_210 = arith.constant 0 : i32
      %dma_wait3A_211 = tpu.memref_slice %arg10[%arg0, %add3A_50, %dma_wait3A_210] : memref<2x10240x144xf32, #tpu.memory_space<hbm>> -> memref<1x40x144xf32, #tpu.memory_space<hbm>>
      %dma_wait3A_212 = tpu.memref_squeeze %dma_wait3A_211 : memref<1x40x144xf32, #tpu.memory_space<hbm>> -> memref<40x144xf32, #tpu.memory_space<hbm>>
      tpu.wait_dma2 semaphore(%run_scoped3A : memref<!tpu.dma_semaphore, #tpu.memory_space<semaphore_mem>>) src(%arg17 : memref<40x144xf32, #tpu.memory_space<vmem>>) dst(%dma_wait3A_212 : memref<40x144xf32, #tpu.memory_space<hbm>>)
      tpu.yield
    }) : () -> ()
    %add3A_51 = arith.constant 40 : i32
    %add3A_52 = arith.addi %mul3A_2, %add3A_51 : i32
    "tpu.region"() ({
      %run_scoped3A = tpu.sem_alloc : memref<!tpu.dma_semaphore, #tpu.memory_space<semaphore_mem>>
      %dma_start3A_201 = tpu.memref_slice %arg9[%add3A_52] : memref<10240xi32, #tpu.memory_space<hbm>> -> memref<40xi32, #tpu.memory_space<hbm>>
      %dma_start3A_202 = tpu.memref_slice %arg9[%add3A_52] : memref<10240xi32, #tpu.memory_space<hbm>> -> memref<40xi32, #tpu.memory_space<hbm>>
      tpu.enqueue_dma source(%dma_start3A_202 : memref<40xi32, #tpu.memory_space<hbm>>) target(%arg11 : memref<40xi32, #tpu.memory_space<vmem>>) target_semaphore(%run_scoped3A : memref<!tpu.dma_semaphore, #tpu.memory_space<semaphore_mem>>)
      %dma_wait3A_203 = tpu.memref_slice %arg9[%add3A_52] : memref<10240xi32, #tpu.memory_space<hbm>> -> memref<40xi32, #tpu.memory_space<hbm>>
      %dma_wait3A_204 = tpu.memref_slice %arg9[%add3A_52] : memref<10240xi32, #tpu.memory_space<hbm>> -> memref<40xi32, #tpu.memory_space<hbm>>
      tpu.wait_dma2 semaphore(%run_scoped3A : memref<!tpu.dma_semaphore, #tpu.memory_space<semaphore_mem>>) src(%dma_wait3A_204 : memref<40xi32, #tpu.memory_space<hbm>>) dst(%arg11 : memref<40xi32, #tpu.memory_space<vmem>>)
      tpu.yield
    }) : () -> ()
    %dma_start3A_53 = arith.constant 0 : i32
    %dma_start3A_54 = arith.constant 0 : i32
    %dma_start3A_55 = tpu.memref_slice %arg18[%dma_start3A_53, %dma_start3A_54] : memref<10240x144xf32, #tpu.memory_space<vmem_shared>> -> memref<10240x144xf32, #tpu.memory_space<vmem_shared>>
    tpu.enqueue_indirect_dma source(%dma_start3A_55 : memref<10240x144xf32, #tpu.memory_space<vmem_shared>>) target(%arg17 : memref<40x144xf32, #tpu.memory_space<vmem>>) offsets(%arg11 : memref<40xi32, #tpu.memory_space<vmem>>) semaphore(%arg19 : memref<!tpu.dma_semaphore, #tpu.memory_space<semaphore_mem>>)
    %dma_wait3A_56 = arith.constant 0 : i32
    %dma_wait3A_57 = arith.constant 0 : i32
    %dma_wait3A_58 = tpu.memref_slice %arg18[%dma_wait3A_56, %dma_wait3A_57] : memref<10240x144xf32, #tpu.memory_space<vmem_shared>> -> memref<10240x144xf32, #tpu.memory_space<vmem_shared>>
    tpu.wait_indirect_dma semaphore(%arg19 : memref<!tpu.dma_semaphore, #tpu.memory_space<semaphore_mem>>) src(%dma_wait3A_58 : memref<10240x144xf32, #tpu.memory_space<vmem_shared>>) dst(%arg17 : memref<40x144xf32, #tpu.memory_space<vmem>>)
    %add3A_59 = arith.constant 40 : i32
    %add3A_60 = arith.addi %mul3A_2, %add3A_59 : i32
    "tpu.region"() ({
      %run_scoped3A = tpu.sem_alloc : memref<!tpu.dma_semaphore, #tpu.memory_space<semaphore_mem>>
      %dma_start3A_201 = arith.constant 0 : i32
      %dma_start3A_202 = tpu.memref_slice %arg10[%arg0, %add3A_60, %dma_start3A_201] : memref<2x10240x144xf32, #tpu.memory_space<hbm>> -> memref<1x40x144xf32, #tpu.memory_space<hbm>>
      %dma_start3A_203 = tpu.memref_squeeze %dma_start3A_202 : memref<1x40x144xf32, #tpu.memory_space<hbm>> -> memref<40x144xf32, #tpu.memory_space<hbm>>
      %dma_start3A_204 = arith.constant 0 : i32
      %dma_start3A_205 = tpu.memref_slice %arg10[%arg0, %add3A_60, %dma_start3A_204] : memref<2x10240x144xf32, #tpu.memory_space<hbm>> -> memref<1x40x144xf32, #tpu.memory_space<hbm>>
      %dma_start3A_206 = tpu.memref_squeeze %dma_start3A_205 : memref<1x40x144xf32, #tpu.memory_space<hbm>> -> memref<40x144xf32, #tpu.memory_space<hbm>>
      tpu.enqueue_dma source(%arg17 : memref<40x144xf32, #tpu.memory_space<vmem>>) target(%dma_start3A_206 : memref<40x144xf32, #tpu.memory_space<hbm>>) target_semaphore(%run_scoped3A : memref<!tpu.dma_semaphore, #tpu.memory_space<semaphore_mem>>)
      %dma_wait3A_207 = arith.constant 0 : i32
      %dma_wait3A_208 = tpu.memref_slice %arg10[%arg0, %add3A_60, %dma_wait3A_207] : memref<2x10240x144xf32, #tpu.memory_space<hbm>> -> memref<1x40x144xf32, #tpu.memory_space<hbm>>
      %dma_wait3A_209 = tpu.memref_squeeze %dma_wait3A_208 : memref<1x40x144xf32, #tpu.memory_space<hbm>> -> memref<40x144xf32, #tpu.memory_space<hbm>>
      %dma_wait3A_210 = arith.constant 0 : i32
      %dma_wait3A_211 = tpu.memref_slice %arg10[%arg0, %add3A_60, %dma_wait3A_210] : memref<2x10240x144xf32, #tpu.memory_space<hbm>> -> memref<1x40x144xf32, #tpu.memory_space<hbm>>
      %dma_wait3A_212 = tpu.memref_squeeze %dma_wait3A_211 : memref<1x40x144xf32, #tpu.memory_space<hbm>> -> memref<40x144xf32, #tpu.memory_space<hbm>>
      tpu.wait_dma2 semaphore(%run_scoped3A : memref<!tpu.dma_semaphore, #tpu.memory_space<semaphore_mem>>) src(%arg17 : memref<40x144xf32, #tpu.memory_space<vmem>>) dst(%dma_wait3A_212 : memref<40x144xf32, #tpu.memory_space<hbm>>)
      tpu.yield
    }) : () -> ()
    %add3A_61 = arith.constant 80 : i32
    %add3A_62 = arith.addi %mul3A_2, %add3A_61 : i32
    "tpu.region"() ({
      %run_scoped3A = tpu.sem_alloc : memref<!tpu.dma_semaphore, #tpu.memory_space<semaphore_mem>>
      %dma_start3A_201 = tpu.memref_slice %arg9[%add3A_62] : memref<10240xi32, #tpu.memory_space<hbm>> -> memref<40xi32, #tpu.memory_space<hbm>>
      %dma_start3A_202 = tpu.memref_slice %arg9[%add3A_62] : memref<10240xi32, #tpu.memory_space<hbm>> -> memref<40xi32, #tpu.memory_space<hbm>>
      tpu.enqueue_dma source(%dma_start3A_202 : memref<40xi32, #tpu.memory_space<hbm>>) target(%arg11 : memref<40xi32, #tpu.memory_space<vmem>>) target_semaphore(%run_scoped3A : memref<!tpu.dma_semaphore, #tpu.memory_space<semaphore_mem>>)
      %dma_wait3A_203 = tpu.memref_slice %arg9[%add3A_62] : memref<10240xi32, #tpu.memory_space<hbm>> -> memref<40xi32, #tpu.memory_space<hbm>>
      %dma_wait3A_204 = tpu.memref_slice %arg9[%add3A_62] : memref<10240xi32, #tpu.memory_space<hbm>> -> memref<40xi32, #tpu.memory_space<hbm>>
      tpu.wait_dma2 semaphore(%run_scoped3A : memref<!tpu.dma_semaphore, #tpu.memory_space<semaphore_mem>>) src(%dma_wait3A_204 : memref<40xi32, #tpu.memory_space<hbm>>) dst(%arg11 : memref<40xi32, #tpu.memory_space<vmem>>)
      tpu.yield
    }) : () -> ()
    %dma_start3A_63 = arith.constant 0 : i32
    %dma_start3A_64 = arith.constant 0 : i32
    %dma_start3A_65 = tpu.memref_slice %arg18[%dma_start3A_63, %dma_start3A_64] : memref<10240x144xf32, #tpu.memory_space<vmem_shared>> -> memref<10240x144xf32, #tpu.memory_space<vmem_shared>>
    tpu.enqueue_indirect_dma source(%dma_start3A_65 : memref<10240x144xf32, #tpu.memory_space<vmem_shared>>) target(%arg17 : memref<40x144xf32, #tpu.memory_space<vmem>>) offsets(%arg11 : memref<40xi32, #tpu.memory_space<vmem>>) semaphore(%arg19 : memref<!tpu.dma_semaphore, #tpu.memory_space<semaphore_mem>>)
    %dma_wait3A_66 = arith.constant 0 : i32
    %dma_wait3A_67 = arith.constant 0 : i32
    %dma_wait3A_68 = tpu.memref_slice %arg18[%dma_wait3A_66, %dma_wait3A_67] : memref<10240x144xf32, #tpu.memory_space<vmem_shared>> -> memref<10240x144xf32, #tpu.memory_space<vmem_shared>>
    tpu.wait_indirect_dma semaphore(%arg19 : memref<!tpu.dma_semaphore, #tpu.memory_space<semaphore_mem>>) src(%dma_wait3A_68 : memref<10240x144xf32, #tpu.memory_space<vmem_shared>>) dst(%arg17 : memref<40x144xf32, #tpu.memory_space<vmem>>)
    %add3A_69 = arith.constant 80 : i32
    %add3A_70 = arith.addi %mul3A_2, %add3A_69 : i32
    "tpu.region"() ({
      %run_scoped3A = tpu.sem_alloc : memref<!tpu.dma_semaphore, #tpu.memory_space<semaphore_mem>>
      %dma_start3A_201 = arith.constant 0 : i32
      %dma_start3A_202 = tpu.memref_slice %arg10[%arg0, %add3A_70, %dma_start3A_201] : memref<2x10240x144xf32, #tpu.memory_space<hbm>> -> memref<1x40x144xf32, #tpu.memory_space<hbm>>
      %dma_start3A_203 = tpu.memref_squeeze %dma_start3A_202 : memref<1x40x144xf32, #tpu.memory_space<hbm>> -> memref<40x144xf32, #tpu.memory_space<hbm>>
      %dma_start3A_204 = arith.constant 0 : i32
      %dma_start3A_205 = tpu.memref_slice %arg10[%arg0, %add3A_70, %dma_start3A_204] : memref<2x10240x144xf32, #tpu.memory_space<hbm>> -> memref<1x40x144xf32, #tpu.memory_space<hbm>>
      %dma_start3A_206 = tpu.memref_squeeze %dma_start3A_205 : memref<1x40x144xf32, #tpu.memory_space<hbm>> -> memref<40x144xf32, #tpu.memory_space<hbm>>
      tpu.enqueue_dma source(%arg17 : memref<40x144xf32, #tpu.memory_space<vmem>>) target(%dma_start3A_206 : memref<40x144xf32, #tpu.memory_space<hbm>>) target_semaphore(%run_scoped3A : memref<!tpu.dma_semaphore, #tpu.memory_space<semaphore_mem>>)
      %dma_wait3A_207 = arith.constant 0 : i32
      %dma_wait3A_208 = tpu.memref_slice %arg10[%arg0, %add3A_70, %dma_wait3A_207] : memref<2x10240x144xf32, #tpu.memory_space<hbm>> -> memref<1x40x144xf32, #tpu.memory_space<hbm>>
      %dma_wait3A_209 = tpu.memref_squeeze %dma_wait3A_208 : memref<1x40x144xf32, #tpu.memory_space<hbm>> -> memref<40x144xf32, #tpu.memory_space<hbm>>
      %dma_wait3A_210 = arith.constant 0 : i32
      %dma_wait3A_211 = tpu.memref_slice %arg10[%arg0, %add3A_70, %dma_wait3A_210] : memref<2x10240x144xf32, #tpu.memory_space<hbm>> -> memref<1x40x144xf32, #tpu.memory_space<hbm>>
      %dma_wait3A_212 = tpu.memref_squeeze %dma_wait3A_211 : memref<1x40x144xf32, #tpu.memory_space<hbm>> -> memref<40x144xf32, #tpu.memory_space<hbm>>
      tpu.wait_dma2 semaphore(%run_scoped3A : memref<!tpu.dma_semaphore, #tpu.memory_space<semaphore_mem>>) src(%arg17 : memref<40x144xf32, #tpu.memory_space<vmem>>) dst(%dma_wait3A_212 : memref<40x144xf32, #tpu.memory_space<hbm>>)
      tpu.yield
    }) : () -> ()
    %add3A_71 = arith.constant 120 : i32
    %add3A_72 = arith.addi %mul3A_2, %add3A_71 : i32
    "tpu.region"() ({
      %run_scoped3A = tpu.sem_alloc : memref<!tpu.dma_semaphore, #tpu.memory_space<semaphore_mem>>
      %dma_start3A_201 = tpu.memref_slice %arg9[%add3A_72] : memref<10240xi32, #tpu.memory_space<hbm>> -> memref<40xi32, #tpu.memory_space<hbm>>
      %dma_start3A_202 = tpu.memref_slice %arg9[%add3A_72] : memref<10240xi32, #tpu.memory_space<hbm>> -> memref<40xi32, #tpu.memory_space<hbm>>
      tpu.enqueue_dma source(%dma_start3A_202 : memref<40xi32, #tpu.memory_space<hbm>>) target(%arg11 : memref<40xi32, #tpu.memory_space<vmem>>) target_semaphore(%run_scoped3A : memref<!tpu.dma_semaphore, #tpu.memory_space<semaphore_mem>>)
      %dma_wait3A_203 = tpu.memref_slice %arg9[%add3A_72] : memref<10240xi32, #tpu.memory_space<hbm>> -> memref<40xi32, #tpu.memory_space<hbm>>
      %dma_wait3A_204 = tpu.memref_slice %arg9[%add3A_72] : memref<10240xi32, #tpu.memory_space<hbm>> -> memref<40xi32, #tpu.memory_space<hbm>>
      tpu.wait_dma2 semaphore(%run_scoped3A : memref<!tpu.dma_semaphore, #tpu.memory_space<semaphore_mem>>) src(%dma_wait3A_204 : memref<40xi32, #tpu.memory_space<hbm>>) dst(%arg11 : memref<40xi32, #tpu.memory_space<vmem>>)
      tpu.yield
    }) : () -> ()
    %dma_start3A_73 = arith.constant 0 : i32
    %dma_start3A_74 = arith.constant 0 : i32
    %dma_start3A_75 = tpu.memref_slice %arg18[%dma_start3A_73, %dma_start3A_74] : memref<10240x144xf32, #tpu.memory_space<vmem_shared>> -> memref<10240x144xf32, #tpu.memory_space<vmem_shared>>
    tpu.enqueue_indirect_dma source(%dma_start3A_75 : memref<10240x144xf32, #tpu.memory_space<vmem_shared>>) target(%arg17 : memref<40x144xf32, #tpu.memory_space<vmem>>) offsets(%arg11 : memref<40xi32, #tpu.memory_space<vmem>>) semaphore(%arg19 : memref<!tpu.dma_semaphore, #tpu.memory_space<semaphore_mem>>)
    %dma_wait3A_76 = arith.constant 0 : i32
    %dma_wait3A_77 = arith.constant 0 : i32
    %dma_wait3A_78 = tpu.memref_slice %arg18[%dma_wait3A_76, %dma_wait3A_77] : memref<10240x144xf32, #tpu.memory_space<vmem_shared>> -> memref<10240x144xf32, #tpu.memory_space<vmem_shared>>
    tpu.wait_indirect_dma semaphore(%arg19 : memref<!tpu.dma_semaphore, #tpu.memory_space<semaphore_mem>>) src(%dma_wait3A_78 : memref<10240x144xf32, #tpu.memory_space<vmem_shared>>) dst(%arg17 : memref<40x144xf32, #tpu.memory_space<vmem>>)
    %add3A_79 = arith.constant 120 : i32
    %add3A_80 = arith.addi %mul3A_2, %add3A_79 : i32
    "tpu.region"() ({
      %run_scoped3A = tpu.sem_alloc : memref<!tpu.dma_semaphore, #tpu.memory_space<semaphore_mem>>
      %dma_start3A_201 = arith.constant 0 : i32
      %dma_start3A_202 = tpu.memref_slice %arg10[%arg0, %add3A_80, %dma_start3A_201] : memref<2x10240x144xf32, #tpu.memory_space<hbm>> -> memref<1x40x144xf32, #tpu.memory_space<hbm>>
      %dma_start3A_203 = tpu.memref_squeeze %dma_start3A_202 : memref<1x40x144xf32, #tpu.memory_space<hbm>> -> memref<40x144xf32, #tpu.memory_space<hbm>>
      %dma_start3A_204 = arith.constant 0 : i32
      %dma_start3A_205 = tpu.memref_slice %arg10[%arg0, %add3A_80, %dma_start3A_204] : memref<2x10240x144xf32, #tpu.memory_space<hbm>> -> memref<1x40x144xf32, #tpu.memory_space<hbm>>
      %dma_start3A_206 = tpu.memref_squeeze %dma_start3A_205 : memref<1x40x144xf32, #tpu.memory_space<hbm>> -> memref<40x144xf32, #tpu.memory_space<hbm>>
      tpu.enqueue_dma source(%arg17 : memref<40x144xf32, #tpu.memory_space<vmem>>) target(%dma_start3A_206 : memref<40x144xf32, #tpu.memory_space<hbm>>) target_semaphore(%run_scoped3A : memref<!tpu.dma_semaphore, #tpu.memory_space<semaphore_mem>>)
      %dma_wait3A_207 = arith.constant 0 : i32
      %dma_wait3A_208 = tpu.memref_slice %arg10[%arg0, %add3A_80, %dma_wait3A_207] : memref<2x10240x144xf32, #tpu.memory_space<hbm>> -> memref<1x40x144xf32, #tpu.memory_space<hbm>>
      %dma_wait3A_209 = tpu.memref_squeeze %dma_wait3A_208 : memref<1x40x144xf32, #tpu.memory_space<hbm>> -> memref<40x144xf32, #tpu.memory_space<hbm>>
      %dma_wait3A_210 = arith.constant 0 : i32
      %dma_wait3A_211 = tpu.memref_slice %arg10[%arg0, %add3A_80, %dma_wait3A_210] : memref<2x10240x144xf32, #tpu.memory_space<hbm>> -> memref<1x40x144xf32, #tpu.memory_space<hbm>>
      %dma_wait3A_212 = tpu.memref_squeeze %dma_wait3A_211 : memref<1x40x144xf32, #tpu.memory_space<hbm>> -> memref<40x144xf32, #tpu.memory_space<hbm>>
      tpu.wait_dma2 semaphore(%run_scoped3A : memref<!tpu.dma_semaphore, #tpu.memory_space<semaphore_mem>>) src(%arg17 : memref<40x144xf32, #tpu.memory_space<vmem>>) dst(%dma_wait3A_212 : memref<40x144xf32, #tpu.memory_space<hbm>>)
      tpu.yield
    }) : () -> ()
    %add3A_81 = arith.constant 160 : i32
    %add3A_82 = arith.addi %mul3A_2, %add3A_81 : i32
    "tpu.region"() ({
      %run_scoped3A = tpu.sem_alloc : memref<!tpu.dma_semaphore, #tpu.memory_space<semaphore_mem>>
      %dma_start3A_201 = tpu.memref_slice %arg9[%add3A_82] : memref<10240xi32, #tpu.memory_space<hbm>> -> memref<40xi32, #tpu.memory_space<hbm>>
      %dma_start3A_202 = tpu.memref_slice %arg9[%add3A_82] : memref<10240xi32, #tpu.memory_space<hbm>> -> memref<40xi32, #tpu.memory_space<hbm>>
      tpu.enqueue_dma source(%dma_start3A_202 : memref<40xi32, #tpu.memory_space<hbm>>) target(%arg11 : memref<40xi32, #tpu.memory_space<vmem>>) target_semaphore(%run_scoped3A : memref<!tpu.dma_semaphore, #tpu.memory_space<semaphore_mem>>)
      %dma_wait3A_203 = tpu.memref_slice %arg9[%add3A_82] : memref<10240xi32, #tpu.memory_space<hbm>> -> memref<40xi32, #tpu.memory_space<hbm>>
      %dma_wait3A_204 = tpu.memref_slice %arg9[%add3A_82] : memref<10240xi32, #tpu.memory_space<hbm>> -> memref<40xi32, #tpu.memory_space<hbm>>
      tpu.wait_dma2 semaphore(%run_scoped3A : memref<!tpu.dma_semaphore, #tpu.memory_space<semaphore_mem>>) src(%dma_wait3A_204 : memref<40xi32, #tpu.memory_space<hbm>>) dst(%arg11 : memref<40xi32, #tpu.memory_space<vmem>>)
      tpu.yield
    }) : () -> ()
    %dma_start3A_83 = arith.constant 0 : i32
    %dma_start3A_84 = arith.constant 0 : i32
    %dma_start3A_85 = tpu.memref_slice %arg18[%dma_start3A_83, %dma_start3A_84] : memref<10240x144xf32, #tpu.memory_space<vmem_shared>> -> memref<10240x144xf32, #tpu.memory_space<vmem_shared>>
    tpu.enqueue_indirect_dma source(%dma_start3A_85 : memref<10240x144xf32, #tpu.memory_space<vmem_shared>>) target(%arg17 : memref<40x144xf32, #tpu.memory_space<vmem>>) offsets(%arg11 : memref<40xi32, #tpu.memory_space<vmem>>) semaphore(%arg19 : memref<!tpu.dma_semaphore, #tpu.memory_space<semaphore_mem>>)
    %dma_wait3A_86 = arith.constant 0 : i32
    %dma_wait3A_87 = arith.constant 0 : i32
    %dma_wait3A_88 = tpu.memref_slice %arg18[%dma_wait3A_86, %dma_wait3A_87] : memref<10240x144xf32, #tpu.memory_space<vmem_shared>> -> memref<10240x144xf32, #tpu.memory_space<vmem_shared>>
    tpu.wait_indirect_dma semaphore(%arg19 : memref<!tpu.dma_semaphore, #tpu.memory_space<semaphore_mem>>) src(%dma_wait3A_88 : memref<10240x144xf32, #tpu.memory_space<vmem_shared>>) dst(%arg17 : memref<40x144xf32, #tpu.memory_space<vmem>>)
    %add3A_89 = arith.constant 160 : i32
    %add3A_90 = arith.addi %mul3A_2, %add3A_89 : i32
    "tpu.region"() ({
      %run_scoped3A = tpu.sem_alloc : memref<!tpu.dma_semaphore, #tpu.memory_space<semaphore_mem>>
      %dma_start3A_201 = arith.constant 0 : i32
      %dma_start3A_202 = tpu.memref_slice %arg10[%arg0, %add3A_90, %dma_start3A_201] : memref<2x10240x144xf32, #tpu.memory_space<hbm>> -> memref<1x40x144xf32, #tpu.memory_space<hbm>>
      %dma_start3A_203 = tpu.memref_squeeze %dma_start3A_202 : memref<1x40x144xf32, #tpu.memory_space<hbm>> -> memref<40x144xf32, #tpu.memory_space<hbm>>
      %dma_start3A_204 = arith.constant 0 : i32
      %dma_start3A_205 = tpu.memref_slice %arg10[%arg0, %add3A_90, %dma_start3A_204] : memref<2x10240x144xf32, #tpu.memory_space<hbm>> -> memref<1x40x144xf32, #tpu.memory_space<hbm>>
      %dma_start3A_206 = tpu.memref_squeeze %dma_start3A_205 : memref<1x40x144xf32, #tpu.memory_space<hbm>> -> memref<40x144xf32, #tpu.memory_space<hbm>>
      tpu.enqueue_dma source(%arg17 : memref<40x144xf32, #tpu.memory_space<vmem>>) target(%dma_start3A_206 : memref<40x144xf32, #tpu.memory_space<hbm>>) target_semaphore(%run_scoped3A : memref<!tpu.dma_semaphore, #tpu.memory_space<semaphore_mem>>)
      %dma_wait3A_207 = arith.constant 0 : i32
      %dma_wait3A_208 = tpu.memref_slice %arg10[%arg0, %add3A_90, %dma_wait3A_207] : memref<2x10240x144xf32, #tpu.memory_space<hbm>> -> memref<1x40x144xf32, #tpu.memory_space<hbm>>
      %dma_wait3A_209 = tpu.memref_squeeze %dma_wait3A_208 : memref<1x40x144xf32, #tpu.memory_space<hbm>> -> memref<40x144xf32, #tpu.memory_space<hbm>>
      %dma_wait3A_210 = arith.constant 0 : i32
      %dma_wait3A_211 = tpu.memref_slice %arg10[%arg0, %add3A_90, %dma_wait3A_210] : memref<2x10240x144xf32, #tpu.memory_space<hbm>> -> memref<1x40x144xf32, #tpu.memory_space<hbm>>
      %dma_wait3A_212 = tpu.memref_squeeze %dma_wait3A_211 : memref<1x40x144xf32, #tpu.memory_space<hbm>> -> memref<40x144xf32, #tpu.memory_space<hbm>>
      tpu.wait_dma2 semaphore(%run_scoped3A : memref<!tpu.dma_semaphore, #tpu.memory_space<semaphore_mem>>) src(%arg17 : memref<40x144xf32, #tpu.memory_space<vmem>>) dst(%dma_wait3A_212 : memref<40x144xf32, #tpu.memory_space<hbm>>)
      tpu.yield
    }) : () -> ()
    %add3A_91 = arith.constant 200 : i32
    %add3A_92 = arith.addi %mul3A_2, %add3A_91 : i32
    "tpu.region"() ({
      %run_scoped3A = tpu.sem_alloc : memref<!tpu.dma_semaphore, #tpu.memory_space<semaphore_mem>>
      %dma_start3A_201 = tpu.memref_slice %arg9[%add3A_92] : memref<10240xi32, #tpu.memory_space<hbm>> -> memref<40xi32, #tpu.memory_space<hbm>>
      %dma_start3A_202 = tpu.memref_slice %arg9[%add3A_92] : memref<10240xi32, #tpu.memory_space<hbm>> -> memref<40xi32, #tpu.memory_space<hbm>>
      tpu.enqueue_dma source(%dma_start3A_202 : memref<40xi32, #tpu.memory_space<hbm>>) target(%arg11 : memref<40xi32, #tpu.memory_space<vmem>>) target_semaphore(%run_scoped3A : memref<!tpu.dma_semaphore, #tpu.memory_space<semaphore_mem>>)
      %dma_wait3A_203 = tpu.memref_slice %arg9[%add3A_92] : memref<10240xi32, #tpu.memory_space<hbm>> -> memref<40xi32, #tpu.memory_space<hbm>>
      %dma_wait3A_204 = tpu.memref_slice %arg9[%add3A_92] : memref<10240xi32, #tpu.memory_space<hbm>> -> memref<40xi32, #tpu.memory_space<hbm>>
      tpu.wait_dma2 semaphore(%run_scoped3A : memref<!tpu.dma_semaphore, #tpu.memory_space<semaphore_mem>>) src(%dma_wait3A_204 : memref<40xi32, #tpu.memory_space<hbm>>) dst(%arg11 : memref<40xi32, #tpu.memory_space<vmem>>)
      tpu.yield
    }) : () -> ()
    %dma_start3A_93 = arith.constant 0 : i32
    %dma_start3A_94 = arith.constant 0 : i32
    %dma_start3A_95 = tpu.memref_slice %arg18[%dma_start3A_93, %dma_start3A_94] : memref<10240x144xf32, #tpu.memory_space<vmem_shared>> -> memref<10240x144xf32, #tpu.memory_space<vmem_shared>>
    tpu.enqueue_indirect_dma source(%dma_start3A_95 : memref<10240x144xf32, #tpu.memory_space<vmem_shared>>) target(%arg17 : memref<40x144xf32, #tpu.memory_space<vmem>>) offsets(%arg11 : memref<40xi32, #tpu.memory_space<vmem>>) semaphore(%arg19 : memref<!tpu.dma_semaphore, #tpu.memory_space<semaphore_mem>>)
    %dma_wait3A_96 = arith.constant 0 : i32
    %dma_wait3A_97 = arith.constant 0 : i32
    %dma_wait3A_98 = tpu.memref_slice %arg18[%dma_wait3A_96, %dma_wait3A_97] : memref<10240x144xf32, #tpu.memory_space<vmem_shared>> -> memref<10240x144xf32, #tpu.memory_space<vmem_shared>>
    tpu.wait_indirect_dma semaphore(%arg19 : memref<!tpu.dma_semaphore, #tpu.memory_space<semaphore_mem>>) src(%dma_wait3A_98 : memref<10240x144xf32, #tpu.memory_space<vmem_shared>>) dst(%arg17 : memref<40x144xf32, #tpu.memory_space<vmem>>)
    %add3A_99 = arith.constant 200 : i32
    %add3A_100 = arith.addi %mul3A_2, %add3A_99 : i32
    "tpu.region"() ({
      %run_scoped3A = tpu.sem_alloc : memref<!tpu.dma_semaphore, #tpu.memory_space<semaphore_mem>>
      %dma_start3A_201 = arith.constant 0 : i32
      %dma_start3A_202 = tpu.memref_slice %arg10[%arg0, %add3A_100, %dma_start3A_201] : memref<2x10240x144xf32, #tpu.memory_space<hbm>> -> memref<1x40x144xf32, #tpu.memory_space<hbm>>
      %dma_start3A_203 = tpu.memref_squeeze %dma_start3A_202 : memref<1x40x144xf32, #tpu.memory_space<hbm>> -> memref<40x144xf32, #tpu.memory_space<hbm>>
      %dma_start3A_204 = arith.constant 0 : i32
      %dma_start3A_205 = tpu.memref_slice %arg10[%arg0, %add3A_100, %dma_start3A_204] : memref<2x10240x144xf32, #tpu.memory_space<hbm>> -> memref<1x40x144xf32, #tpu.memory_space<hbm>>
      %dma_start3A_206 = tpu.memref_squeeze %dma_start3A_205 : memref<1x40x144xf32, #tpu.memory_space<hbm>> -> memref<40x144xf32, #tpu.memory_space<hbm>>
      tpu.enqueue_dma source(%arg17 : memref<40x144xf32, #tpu.memory_space<vmem>>) target(%dma_start3A_206 : memref<40x144xf32, #tpu.memory_space<hbm>>) target_semaphore(%run_scoped3A : memref<!tpu.dma_semaphore, #tpu.memory_space<semaphore_mem>>)
      %dma_wait3A_207 = arith.constant 0 : i32
      %dma_wait3A_208 = tpu.memref_slice %arg10[%arg0, %add3A_100, %dma_wait3A_207] : memref<2x10240x144xf32, #tpu.memory_space<hbm>> -> memref<1x40x144xf32, #tpu.memory_space<hbm>>
      %dma_wait3A_209 = tpu.memref_squeeze %dma_wait3A_208 : memref<1x40x144xf32, #tpu.memory_space<hbm>> -> memref<40x144xf32, #tpu.memory_space<hbm>>
      %dma_wait3A_210 = arith.constant 0 : i32
      %dma_wait3A_211 = tpu.memref_slice %arg10[%arg0, %add3A_100, %dma_wait3A_210] : memref<2x10240x144xf32, #tpu.memory_space<hbm>> -> memref<1x40x144xf32, #tpu.memory_space<hbm>>
      %dma_wait3A_212 = tpu.memref_squeeze %dma_wait3A_211 : memref<1x40x144xf32, #tpu.memory_space<hbm>> -> memref<40x144xf32, #tpu.memory_space<hbm>>
      tpu.wait_dma2 semaphore(%run_scoped3A : memref<!tpu.dma_semaphore, #tpu.memory_space<semaphore_mem>>) src(%arg17 : memref<40x144xf32, #tpu.memory_space<vmem>>) dst(%dma_wait3A_212 : memref<40x144xf32, #tpu.memory_space<hbm>>)
      tpu.yield
    }) : () -> ()
    %add3A_101 = arith.constant 240 : i32
    %add3A_102 = arith.addi %mul3A_2, %add3A_101 : i32
    "tpu.region"() ({
      %run_scoped3A = tpu.sem_alloc : memref<!tpu.dma_semaphore, #tpu.memory_space<semaphore_mem>>
      %dma_start3A_201 = tpu.memref_slice %arg9[%add3A_102] : memref<10240xi32, #tpu.memory_space<hbm>> -> memref<40xi32, #tpu.memory_space<hbm>>
      %dma_start3A_202 = tpu.memref_slice %arg9[%add3A_102] : memref<10240xi32, #tpu.memory_space<hbm>> -> memref<40xi32, #tpu.memory_space<hbm>>
      tpu.enqueue_dma source(%dma_start3A_202 : memref<40xi32, #tpu.memory_space<hbm>>) target(%arg11 : memref<40xi32, #tpu.memory_space<vmem>>) target_semaphore(%run_scoped3A : memref<!tpu.dma_semaphore, #tpu.memory_space<semaphore_mem>>)
      %dma_wait3A_203 = tpu.memref_slice %arg9[%add3A_102] : memref<10240xi32, #tpu.memory_space<hbm>> -> memref<40xi32, #tpu.memory_space<hbm>>
      %dma_wait3A_204 = tpu.memref_slice %arg9[%add3A_102] : memref<10240xi32, #tpu.memory_space<hbm>> -> memref<40xi32, #tpu.memory_space<hbm>>
      tpu.wait_dma2 semaphore(%run_scoped3A : memref<!tpu.dma_semaphore, #tpu.memory_space<semaphore_mem>>) src(%dma_wait3A_204 : memref<40xi32, #tpu.memory_space<hbm>>) dst(%arg11 : memref<40xi32, #tpu.memory_space<vmem>>)
      tpu.yield
    }) : () -> ()
    %dma_start3A_103 = arith.constant 0 : i32
    %dma_start3A_104 = arith.constant 0 : i32
    %dma_start3A_105 = tpu.memref_slice %arg18[%dma_start3A_103, %dma_start3A_104] : memref<10240x144xf32, #tpu.memory_space<vmem_shared>> -> memref<10240x144xf32, #tpu.memory_space<vmem_shared>>
    tpu.enqueue_indirect_dma source(%dma_start3A_105 : memref<10240x144xf32, #tpu.memory_space<vmem_shared>>) target(%arg17 : memref<40x144xf32, #tpu.memory_space<vmem>>) offsets(%arg11 : memref<40xi32, #tpu.memory_space<vmem>>) semaphore(%arg19 : memref<!tpu.dma_semaphore, #tpu.memory_space<semaphore_mem>>)
    %dma_wait3A_106 = arith.constant 0 : i32
    %dma_wait3A_107 = arith.constant 0 : i32
    %dma_wait3A_108 = tpu.memref_slice %arg18[%dma_wait3A_106, %dma_wait3A_107] : memref<10240x144xf32, #tpu.memory_space<vmem_shared>> -> memref<10240x144xf32, #tpu.memory_space<vmem_shared>>
    tpu.wait_indirect_dma semaphore(%arg19 : memref<!tpu.dma_semaphore, #tpu.memory_space<semaphore_mem>>) src(%dma_wait3A_108 : memref<10240x144xf32, #tpu.memory_space<vmem_shared>>) dst(%arg17 : memref<40x144xf32, #tpu.memory_space<vmem>>)
    %add3A_109 = arith.constant 240 : i32
    %add3A_110 = arith.addi %mul3A_2, %add3A_109 : i32
    "tpu.region"() ({
      %run_scoped3A = tpu.sem_alloc : memref<!tpu.dma_semaphore, #tpu.memory_space<semaphore_mem>>
      %dma_start3A_201 = arith.constant 0 : i32
      %dma_start3A_202 = tpu.memref_slice %arg10[%arg0, %add3A_110, %dma_start3A_201] : memref<2x10240x144xf32, #tpu.memory_space<hbm>> -> memref<1x40x144xf32, #tpu.memory_space<hbm>>
      %dma_start3A_203 = tpu.memref_squeeze %dma_start3A_202 : memref<1x40x144xf32, #tpu.memory_space<hbm>> -> memref<40x144xf32, #tpu.memory_space<hbm>>
      %dma_start3A_204 = arith.constant 0 : i32
      %dma_start3A_205 = tpu.memref_slice %arg10[%arg0, %add3A_110, %dma_start3A_204] : memref<2x10240x144xf32, #tpu.memory_space<hbm>> -> memref<1x40x144xf32, #tpu.memory_space<hbm>>
      %dma_start3A_206 = tpu.memref_squeeze %dma_start3A_205 : memref<1x40x144xf32, #tpu.memory_space<hbm>> -> memref<40x144xf32, #tpu.memory_space<hbm>>
      tpu.enqueue_dma source(%arg17 : memref<40x144xf32, #tpu.memory_space<vmem>>) target(%dma_start3A_206 : memref<40x144xf32, #tpu.memory_space<hbm>>) target_semaphore(%run_scoped3A : memref<!tpu.dma_semaphore, #tpu.memory_space<semaphore_mem>>)
      %dma_wait3A_207 = arith.constant 0 : i32
      %dma_wait3A_208 = tpu.memref_slice %arg10[%arg0, %add3A_110, %dma_wait3A_207] : memref<2x10240x144xf32, #tpu.memory_space<hbm>> -> memref<1x40x144xf32, #tpu.memory_space<hbm>>
      %dma_wait3A_209 = tpu.memref_squeeze %dma_wait3A_208 : memref<1x40x144xf32, #tpu.memory_space<hbm>> -> memref<40x144xf32, #tpu.memory_space<hbm>>
      %dma_wait3A_210 = arith.constant 0 : i32
      %dma_wait3A_211 = tpu.memref_slice %arg10[%arg0, %add3A_110, %dma_wait3A_210] : memref<2x10240x144xf32, #tpu.memory_space<hbm>> -> memref<1x40x144xf32, #tpu.memory_space<hbm>>
      %dma_wait3A_212 = tpu.memref_squeeze %dma_wait3A_211 : memref<1x40x144xf32, #tpu.memory_space<hbm>> -> memref<40x144xf32, #tpu.memory_space<hbm>>
      tpu.wait_dma2 semaphore(%run_scoped3A : memref<!tpu.dma_semaphore, #tpu.memory_space<semaphore_mem>>) src(%arg17 : memref<40x144xf32, #tpu.memory_space<vmem>>) dst(%dma_wait3A_212 : memref<40x144xf32, #tpu.memory_space<hbm>>)
      tpu.yield
    }) : () -> ()
    %add3A_111 = arith.constant 280 : i32
    %add3A_112 = arith.addi %mul3A_2, %add3A_111 : i32
    "tpu.region"() ({
      %run_scoped3A = tpu.sem_alloc : memref<!tpu.dma_semaphore, #tpu.memory_space<semaphore_mem>>
      %dma_start3A_201 = tpu.memref_slice %arg9[%add3A_112] : memref<10240xi32, #tpu.memory_space<hbm>> -> memref<40xi32, #tpu.memory_space<hbm>>
      %dma_start3A_202 = tpu.memref_slice %arg9[%add3A_112] : memref<10240xi32, #tpu.memory_space<hbm>> -> memref<40xi32, #tpu.memory_space<hbm>>
      tpu.enqueue_dma source(%dma_start3A_202 : memref<40xi32, #tpu.memory_space<hbm>>) target(%arg11 : memref<40xi32, #tpu.memory_space<vmem>>) target_semaphore(%run_scoped3A : memref<!tpu.dma_semaphore, #tpu.memory_space<semaphore_mem>>)
      %dma_wait3A_203 = tpu.memref_slice %arg9[%add3A_112] : memref<10240xi32, #tpu.memory_space<hbm>> -> memref<40xi32, #tpu.memory_space<hbm>>
      %dma_wait3A_204 = tpu.memref_slice %arg9[%add3A_112] : memref<10240xi32, #tpu.memory_space<hbm>> -> memref<40xi32, #tpu.memory_space<hbm>>
      tpu.wait_dma2 semaphore(%run_scoped3A : memref<!tpu.dma_semaphore, #tpu.memory_space<semaphore_mem>>) src(%dma_wait3A_204 : memref<40xi32, #tpu.memory_space<hbm>>) dst(%arg11 : memref<40xi32, #tpu.memory_space<vmem>>)
      tpu.yield
    }) : () -> ()
    %dma_start3A_113 = arith.constant 0 : i32
    %dma_start3A_114 = arith.constant 0 : i32
    %dma_start3A_115 = tpu.memref_slice %arg18[%dma_start3A_113, %dma_start3A_114] : memref<10240x144xf32, #tpu.memory_space<vmem_shared>> -> memref<10240x144xf32, #tpu.memory_space<vmem_shared>>
    tpu.enqueue_indirect_dma source(%dma_start3A_115 : memref<10240x144xf32, #tpu.memory_space<vmem_shared>>) target(%arg17 : memref<40x144xf32, #tpu.memory_space<vmem>>) offsets(%arg11 : memref<40xi32, #tpu.memory_space<vmem>>) semaphore(%arg19 : memref<!tpu.dma_semaphore, #tpu.memory_space<semaphore_mem>>)
    %dma_wait3A_116 = arith.constant 0 : i32
    %dma_wait3A_117 = arith.constant 0 : i32
    %dma_wait3A_118 = tpu.memref_slice %arg18[%dma_wait3A_116, %dma_wait3A_117] : memref<10240x144xf32, #tpu.memory_space<vmem_shared>> -> memref<10240x144xf32, #tpu.memory_space<vmem_shared>>
    tpu.wait_indirect_dma semaphore(%arg19 : memref<!tpu.dma_semaphore, #tpu.memory_space<semaphore_mem>>) src(%dma_wait3A_118 : memref<10240x144xf32, #tpu.memory_space<vmem_shared>>) dst(%arg17 : memref<40x144xf32, #tpu.memory_space<vmem>>)
    %add3A_119 = arith.constant 280 : i32
    %add3A_120 = arith.addi %mul3A_2, %add3A_119 : i32
    "tpu.region"() ({
      %run_scoped3A = tpu.sem_alloc : memref<!tpu.dma_semaphore, #tpu.memory_space<semaphore_mem>>
      %dma_start3A_201 = arith.constant 0 : i32
      %dma_start3A_202 = tpu.memref_slice %arg10[%arg0, %add3A_120, %dma_start3A_201] : memref<2x10240x144xf32, #tpu.memory_space<hbm>> -> memref<1x40x144xf32, #tpu.memory_space<hbm>>
      %dma_start3A_203 = tpu.memref_squeeze %dma_start3A_202 : memref<1x40x144xf32, #tpu.memory_space<hbm>> -> memref<40x144xf32, #tpu.memory_space<hbm>>
      %dma_start3A_204 = arith.constant 0 : i32
      %dma_start3A_205 = tpu.memref_slice %arg10[%arg0, %add3A_120, %dma_start3A_204] : memref<2x10240x144xf32, #tpu.memory_space<hbm>> -> memref<1x40x144xf32, #tpu.memory_space<hbm>>
      %dma_start3A_206 = tpu.memref_squeeze %dma_start3A_205 : memref<1x40x144xf32, #tpu.memory_space<hbm>> -> memref<40x144xf32, #tpu.memory_space<hbm>>
      tpu.enqueue_dma source(%arg17 : memref<40x144xf32, #tpu.memory_space<vmem>>) target(%dma_start3A_206 : memref<40x144xf32, #tpu.memory_space<hbm>>) target_semaphore(%run_scoped3A : memref<!tpu.dma_semaphore, #tpu.memory_space<semaphore_mem>>)
      %dma_wait3A_207 = arith.constant 0 : i32
      %dma_wait3A_208 = tpu.memref_slice %arg10[%arg0, %add3A_120, %dma_wait3A_207] : memref<2x10240x144xf32, #tpu.memory_space<hbm>> -> memref<1x40x144xf32, #tpu.memory_space<hbm>>
      %dma_wait3A_209 = tpu.memref_squeeze %dma_wait3A_208 : memref<1x40x144xf32, #tpu.memory_space<hbm>> -> memref<40x144xf32, #tpu.memory_space<hbm>>
      %dma_wait3A_210 = arith.constant 0 : i32
      %dma_wait3A_211 = tpu.memref_slice %arg10[%arg0, %add3A_120, %dma_wait3A_210] : memref<2x10240x144xf32, #tpu.memory_space<hbm>> -> memref<1x40x144xf32, #tpu.memory_space<hbm>>
      %dma_wait3A_212 = tpu.memref_squeeze %dma_wait3A_211 : memref<1x40x144xf32, #tpu.memory_space<hbm>> -> memref<40x144xf32, #tpu.memory_space<hbm>>
      tpu.wait_dma2 semaphore(%run_scoped3A : memref<!tpu.dma_semaphore, #tpu.memory_space<semaphore_mem>>) src(%arg17 : memref<40x144xf32, #tpu.memory_space<vmem>>) dst(%dma_wait3A_212 : memref<40x144xf32, #tpu.memory_space<hbm>>)
      tpu.yield
    }) : () -> ()
    %add3A_121 = arith.constant 320 : i32
    %add3A_122 = arith.addi %mul3A_2, %add3A_121 : i32
    "tpu.region"() ({
      %run_scoped3A = tpu.sem_alloc : memref<!tpu.dma_semaphore, #tpu.memory_space<semaphore_mem>>
      %dma_start3A_201 = tpu.memref_slice %arg9[%add3A_122] : memref<10240xi32, #tpu.memory_space<hbm>> -> memref<40xi32, #tpu.memory_space<hbm>>
      %dma_start3A_202 = tpu.memref_slice %arg9[%add3A_122] : memref<10240xi32, #tpu.memory_space<hbm>> -> memref<40xi32, #tpu.memory_space<hbm>>
      tpu.enqueue_dma source(%dma_start3A_202 : memref<40xi32, #tpu.memory_space<hbm>>) target(%arg11 : memref<40xi32, #tpu.memory_space<vmem>>) target_semaphore(%run_scoped3A : memref<!tpu.dma_semaphore, #tpu.memory_space<semaphore_mem>>)
      %dma_wait3A_203 = tpu.memref_slice %arg9[%add3A_122] : memref<10240xi32, #tpu.memory_space<hbm>> -> memref<40xi32, #tpu.memory_space<hbm>>
      %dma_wait3A_204 = tpu.memref_slice %arg9[%add3A_122] : memref<10240xi32, #tpu.memory_space<hbm>> -> memref<40xi32, #tpu.memory_space<hbm>>
      tpu.wait_dma2 semaphore(%run_scoped3A : memref<!tpu.dma_semaphore, #tpu.memory_space<semaphore_mem>>) src(%dma_wait3A_204 : memref<40xi32, #tpu.memory_space<hbm>>) dst(%arg11 : memref<40xi32, #tpu.memory_space<vmem>>)
      tpu.yield
    }) : () -> ()
    %dma_start3A_123 = arith.constant 0 : i32
    %dma_start3A_124 = arith.constant 0 : i32
    %dma_start3A_125 = tpu.memref_slice %arg18[%dma_start3A_123, %dma_start3A_124] : memref<10240x144xf32, #tpu.memory_space<vmem_shared>> -> memref<10240x144xf32, #tpu.memory_space<vmem_shared>>
    tpu.enqueue_indirect_dma source(%dma_start3A_125 : memref<10240x144xf32, #tpu.memory_space<vmem_shared>>) target(%arg17 : memref<40x144xf32, #tpu.memory_space<vmem>>) offsets(%arg11 : memref<40xi32, #tpu.memory_space<vmem>>) semaphore(%arg19 : memref<!tpu.dma_semaphore, #tpu.memory_space<semaphore_mem>>)
    %dma_wait3A_126 = arith.constant 0 : i32
    %dma_wait3A_127 = arith.constant 0 : i32
    %dma_wait3A_128 = tpu.memref_slice %arg18[%dma_wait3A_126, %dma_wait3A_127] : memref<10240x144xf32, #tpu.memory_space<vmem_shared>> -> memref<10240x144xf32, #tpu.memory_space<vmem_shared>>
    tpu.wait_indirect_dma semaphore(%arg19 : memref<!tpu.dma_semaphore, #tpu.memory_space<semaphore_mem>>) src(%dma_wait3A_128 : memref<10240x144xf32, #tpu.memory_space<vmem_shared>>) dst(%arg17 : memref<40x144xf32, #tpu.memory_space<vmem>>)
    %add3A_129 = arith.constant 320 : i32
    %add3A_130 = arith.addi %mul3A_2, %add3A_129 : i32
    "tpu.region"() ({
      %run_scoped3A = tpu.sem_alloc : memref<!tpu.dma_semaphore, #tpu.memory_space<semaphore_mem>>
      %dma_start3A_201 = arith.constant 0 : i32
      %dma_start3A_202 = tpu.memref_slice %arg10[%arg0, %add3A_130, %dma_start3A_201] : memref<2x10240x144xf32, #tpu.memory_space<hbm>> -> memref<1x40x144xf32, #tpu.memory_space<hbm>>
      %dma_start3A_203 = tpu.memref_squeeze %dma_start3A_202 : memref<1x40x144xf32, #tpu.memory_space<hbm>> -> memref<40x144xf32, #tpu.memory_space<hbm>>
      %dma_start3A_204 = arith.constant 0 : i32
      %dma_start3A_205 = tpu.memref_slice %arg10[%arg0, %add3A_130, %dma_start3A_204] : memref<2x10240x144xf32, #tpu.memory_space<hbm>> -> memref<1x40x144xf32, #tpu.memory_space<hbm>>
      %dma_start3A_206 = tpu.memref_squeeze %dma_start3A_205 : memref<1x40x144xf32, #tpu.memory_space<hbm>> -> memref<40x144xf32, #tpu.memory_space<hbm>>
      tpu.enqueue_dma source(%arg17 : memref<40x144xf32, #tpu.memory_space<vmem>>) target(%dma_start3A_206 : memref<40x144xf32, #tpu.memory_space<hbm>>) target_semaphore(%run_scoped3A : memref<!tpu.dma_semaphore, #tpu.memory_space<semaphore_mem>>)
      %dma_wait3A_207 = arith.constant 0 : i32
      %dma_wait3A_208 = tpu.memref_slice %arg10[%arg0, %add3A_130, %dma_wait3A_207] : memref<2x10240x144xf32, #tpu.memory_space<hbm>> -> memref<1x40x144xf32, #tpu.memory_space<hbm>>
      %dma_wait3A_209 = tpu.memref_squeeze %dma_wait3A_208 : memref<1x40x144xf32, #tpu.memory_space<hbm>> -> memref<40x144xf32, #tpu.memory_space<hbm>>
      %dma_wait3A_210 = arith.constant 0 : i32
      %dma_wait3A_211 = tpu.memref_slice %arg10[%arg0, %add3A_130, %dma_wait3A_210] : memref<2x10240x144xf32, #tpu.memory_space<hbm>> -> memref<1x40x144xf32, #tpu.memory_space<hbm>>
      %dma_wait3A_212 = tpu.memref_squeeze %dma_wait3A_211 : memref<1x40x144xf32, #tpu.memory_space<hbm>> -> memref<40x144xf32, #tpu.memory_space<hbm>>
      tpu.wait_dma2 semaphore(%run_scoped3A : memref<!tpu.dma_semaphore, #tpu.memory_space<semaphore_mem>>) src(%arg17 : memref<40x144xf32, #tpu.memory_space<vmem>>) dst(%dma_wait3A_212 : memref<40x144xf32, #tpu.memory_space<hbm>>)
      tpu.yield
    }) : () -> ()
    %add3A_131 = arith.constant 360 : i32
    %add3A_132 = arith.addi %mul3A_2, %add3A_131 : i32
    "tpu.region"() ({
      %run_scoped3A = tpu.sem_alloc : memref<!tpu.dma_semaphore, #tpu.memory_space<semaphore_mem>>
      %dma_start3A_201 = tpu.memref_slice %arg9[%add3A_132] : memref<10240xi32, #tpu.memory_space<hbm>> -> memref<40xi32, #tpu.memory_space<hbm>>
      %dma_start3A_202 = tpu.memref_slice %arg9[%add3A_132] : memref<10240xi32, #tpu.memory_space<hbm>> -> memref<40xi32, #tpu.memory_space<hbm>>
      tpu.enqueue_dma source(%dma_start3A_202 : memref<40xi32, #tpu.memory_space<hbm>>) target(%arg11 : memref<40xi32, #tpu.memory_space<vmem>>) target_semaphore(%run_scoped3A : memref<!tpu.dma_semaphore, #tpu.memory_space<semaphore_mem>>)
      %dma_wait3A_203 = tpu.memref_slice %arg9[%add3A_132] : memref<10240xi32, #tpu.memory_space<hbm>> -> memref<40xi32, #tpu.memory_space<hbm>>
      %dma_wait3A_204 = tpu.memref_slice %arg9[%add3A_132] : memref<10240xi32, #tpu.memory_space<hbm>> -> memref<40xi32, #tpu.memory_space<hbm>>
      tpu.wait_dma2 semaphore(%run_scoped3A : memref<!tpu.dma_semaphore, #tpu.memory_space<semaphore_mem>>) src(%dma_wait3A_204 : memref<40xi32, #tpu.memory_space<hbm>>) dst(%arg11 : memref<40xi32, #tpu.memory_space<vmem>>)
      tpu.yield
    }) : () -> ()
    %dma_start3A_133 = arith.constant 0 : i32
    %dma_start3A_134 = arith.constant 0 : i32
    %dma_start3A_135 = tpu.memref_slice %arg18[%dma_start3A_133, %dma_start3A_134] : memref<10240x144xf32, #tpu.memory_space<vmem_shared>> -> memref<10240x144xf32, #tpu.memory_space<vmem_shared>>
    tpu.enqueue_indirect_dma source(%dma_start3A_135 : memref<10240x144xf32, #tpu.memory_space<vmem_shared>>) target(%arg17 : memref<40x144xf32, #tpu.memory_space<vmem>>) offsets(%arg11 : memref<40xi32, #tpu.memory_space<vmem>>) semaphore(%arg19 : memref<!tpu.dma_semaphore, #tpu.memory_space<semaphore_mem>>)
    %dma_wait3A_136 = arith.constant 0 : i32
    %dma_wait3A_137 = arith.constant 0 : i32
    %dma_wait3A_138 = tpu.memref_slice %arg18[%dma_wait3A_136, %dma_wait3A_137] : memref<10240x144xf32, #tpu.memory_space<vmem_shared>> -> memref<10240x144xf32, #tpu.memory_space<vmem_shared>>
    tpu.wait_indirect_dma semaphore(%arg19 : memref<!tpu.dma_semaphore, #tpu.memory_space<semaphore_mem>>) src(%dma_wait3A_138 : memref<10240x144xf32, #tpu.memory_space<vmem_shared>>) dst(%arg17 : memref<40x144xf32, #tpu.memory_space<vmem>>)
    %add3A_139 = arith.constant 360 : i32
    %add3A_140 = arith.addi %mul3A_2, %add3A_139 : i32
    "tpu.region"() ({
      %run_scoped3A = tpu.sem_alloc : memref<!tpu.dma_semaphore, #tpu.memory_space<semaphore_mem>>
      %dma_start3A_201 = arith.constant 0 : i32
      %dma_start3A_202 = tpu.memref_slice %arg10[%arg0, %add3A_140, %dma_start3A_201] : memref<2x10240x144xf32, #tpu.memory_space<hbm>> -> memref<1x40x144xf32, #tpu.memory_space<hbm>>
      %dma_start3A_203 = tpu.memref_squeeze %dma_start3A_202 : memref<1x40x144xf32, #tpu.memory_space<hbm>> -> memref<40x144xf32, #tpu.memory_space<hbm>>
      %dma_start3A_204 = arith.constant 0 : i32
      %dma_start3A_205 = tpu.memref_slice %arg10[%arg0, %add3A_140, %dma_start3A_204] : memref<2x10240x144xf32, #tpu.memory_space<hbm>> -> memref<1x40x144xf32, #tpu.memory_space<hbm>>
      %dma_start3A_206 = tpu.memref_squeeze %dma_start3A_205 : memref<1x40x144xf32, #tpu.memory_space<hbm>> -> memref<40x144xf32, #tpu.memory_space<hbm>>
      tpu.enqueue_dma source(%arg17 : memref<40x144xf32, #tpu.memory_space<vmem>>) target(%dma_start3A_206 : memref<40x144xf32, #tpu.memory_space<hbm>>) target_semaphore(%run_scoped3A : memref<!tpu.dma_semaphore, #tpu.memory_space<semaphore_mem>>)
      %dma_wait3A_207 = arith.constant 0 : i32
      %dma_wait3A_208 = tpu.memref_slice %arg10[%arg0, %add3A_140, %dma_wait3A_207] : memref<2x10240x144xf32, #tpu.memory_space<hbm>> -> memref<1x40x144xf32, #tpu.memory_space<hbm>>
      %dma_wait3A_209 = tpu.memref_squeeze %dma_wait3A_208 : memref<1x40x144xf32, #tpu.memory_space<hbm>> -> memref<40x144xf32, #tpu.memory_space<hbm>>
      %dma_wait3A_210 = arith.constant 0 : i32
      %dma_wait3A_211 = tpu.memref_slice %arg10[%arg0, %add3A_140, %dma_wait3A_210] : memref<2x10240x144xf32, #tpu.memory_space<hbm>> -> memref<1x40x144xf32, #tpu.memory_space<hbm>>
      %dma_wait3A_212 = tpu.memref_squeeze %dma_wait3A_211 : memref<1x40x144xf32, #tpu.memory_space<hbm>> -> memref<40x144xf32, #tpu.memory_space<hbm>>
      tpu.wait_dma2 semaphore(%run_scoped3A : memref<!tpu.dma_semaphore, #tpu.memory_space<semaphore_mem>>) src(%arg17 : memref<40x144xf32, #tpu.memory_space<vmem>>) dst(%dma_wait3A_212 : memref<40x144xf32, #tpu.memory_space<hbm>>)
      tpu.yield
    }) : () -> ()
    %add3A_141 = arith.constant 400 : i32
    %add3A_142 = arith.addi %mul3A_2, %add3A_141 : i32
    "tpu.region"() ({
      %run_scoped3A = tpu.sem_alloc : memref<!tpu.dma_semaphore, #tpu.memory_space<semaphore_mem>>
      %dma_start3A_201 = tpu.memref_slice %arg9[%add3A_142] : memref<10240xi32, #tpu.memory_space<hbm>> -> memref<40xi32, #tpu.memory_space<hbm>>
      %dma_start3A_202 = tpu.memref_slice %arg9[%add3A_142] : memref<10240xi32, #tpu.memory_space<hbm>> -> memref<40xi32, #tpu.memory_space<hbm>>
      tpu.enqueue_dma source(%dma_start3A_202 : memref<40xi32, #tpu.memory_space<hbm>>) target(%arg11 : memref<40xi32, #tpu.memory_space<vmem>>) target_semaphore(%run_scoped3A : memref<!tpu.dma_semaphore, #tpu.memory_space<semaphore_mem>>)
      %dma_wait3A_203 = tpu.memref_slice %arg9[%add3A_142] : memref<10240xi32, #tpu.memory_space<hbm>> -> memref<40xi32, #tpu.memory_space<hbm>>
      %dma_wait3A_204 = tpu.memref_slice %arg9[%add3A_142] : memref<10240xi32, #tpu.memory_space<hbm>> -> memref<40xi32, #tpu.memory_space<hbm>>
      tpu.wait_dma2 semaphore(%run_scoped3A : memref<!tpu.dma_semaphore, #tpu.memory_space<semaphore_mem>>) src(%dma_wait3A_204 : memref<40xi32, #tpu.memory_space<hbm>>) dst(%arg11 : memref<40xi32, #tpu.memory_space<vmem>>)
      tpu.yield
    }) : () -> ()
    %dma_start3A_143 = arith.constant 0 : i32
    %dma_start3A_144 = arith.constant 0 : i32
    %dma_start3A_145 = tpu.memref_slice %arg18[%dma_start3A_143, %dma_start3A_144] : memref<10240x144xf32, #tpu.memory_space<vmem_shared>> -> memref<10240x144xf32, #tpu.memory_space<vmem_shared>>
    tpu.enqueue_indirect_dma source(%dma_start3A_145 : memref<10240x144xf32, #tpu.memory_space<vmem_shared>>) target(%arg17 : memref<40x144xf32, #tpu.memory_space<vmem>>) offsets(%arg11 : memref<40xi32, #tpu.memory_space<vmem>>) semaphore(%arg19 : memref<!tpu.dma_semaphore, #tpu.memory_space<semaphore_mem>>)
    %dma_wait3A_146 = arith.constant 0 : i32
    %dma_wait3A_147 = arith.constant 0 : i32
    %dma_wait3A_148 = tpu.memref_slice %arg18[%dma_wait3A_146, %dma_wait3A_147] : memref<10240x144xf32, #tpu.memory_space<vmem_shared>> -> memref<10240x144xf32, #tpu.memory_space<vmem_shared>>
    tpu.wait_indirect_dma semaphore(%arg19 : memref<!tpu.dma_semaphore, #tpu.memory_space<semaphore_mem>>) src(%dma_wait3A_148 : memref<10240x144xf32, #tpu.memory_space<vmem_shared>>) dst(%arg17 : memref<40x144xf32, #tpu.memory_space<vmem>>)
    %add3A_149 = arith.constant 400 : i32
    %add3A_150 = arith.addi %mul3A_2, %add3A_149 : i32
    "tpu.region"() ({
      %run_scoped3A = tpu.sem_alloc : memref<!tpu.dma_semaphore, #tpu.memory_space<semaphore_mem>>
      %dma_start3A_201 = arith.constant 0 : i32
      %dma_start3A_202 = tpu.memref_slice %arg10[%arg0, %add3A_150, %dma_start3A_201] : memref<2x10240x144xf32, #tpu.memory_space<hbm>> -> memref<1x40x144xf32, #tpu.memory_space<hbm>>
      %dma_start3A_203 = tpu.memref_squeeze %dma_start3A_202 : memref<1x40x144xf32, #tpu.memory_space<hbm>> -> memref<40x144xf32, #tpu.memory_space<hbm>>
      %dma_start3A_204 = arith.constant 0 : i32
      %dma_start3A_205 = tpu.memref_slice %arg10[%arg0, %add3A_150, %dma_start3A_204] : memref<2x10240x144xf32, #tpu.memory_space<hbm>> -> memref<1x40x144xf32, #tpu.memory_space<hbm>>
      %dma_start3A_206 = tpu.memref_squeeze %dma_start3A_205 : memref<1x40x144xf32, #tpu.memory_space<hbm>> -> memref<40x144xf32, #tpu.memory_space<hbm>>
      tpu.enqueue_dma source(%arg17 : memref<40x144xf32, #tpu.memory_space<vmem>>) target(%dma_start3A_206 : memref<40x144xf32, #tpu.memory_space<hbm>>) target_semaphore(%run_scoped3A : memref<!tpu.dma_semaphore, #tpu.memory_space<semaphore_mem>>)
      %dma_wait3A_207 = arith.constant 0 : i32
      %dma_wait3A_208 = tpu.memref_slice %arg10[%arg0, %add3A_150, %dma_wait3A_207] : memref<2x10240x144xf32, #tpu.memory_space<hbm>> -> memref<1x40x144xf32, #tpu.memory_space<hbm>>
      %dma_wait3A_209 = tpu.memref_squeeze %dma_wait3A_208 : memref<1x40x144xf32, #tpu.memory_space<hbm>> -> memref<40x144xf32, #tpu.memory_space<hbm>>
      %dma_wait3A_210 = arith.constant 0 : i32
      %dma_wait3A_211 = tpu.memref_slice %arg10[%arg0, %add3A_150, %dma_wait3A_210] : memref<2x10240x144xf32, #tpu.memory_space<hbm>> -> memref<1x40x144xf32, #tpu.memory_space<hbm>>
      %dma_wait3A_212 = tpu.memref_squeeze %dma_wait3A_211 : memref<1x40x144xf32, #tpu.memory_space<hbm>> -> memref<40x144xf32, #tpu.memory_space<hbm>>
      tpu.wait_dma2 semaphore(%run_scoped3A : memref<!tpu.dma_semaphore, #tpu.memory_space<semaphore_mem>>) src(%arg17 : memref<40x144xf32, #tpu.memory_space<vmem>>) dst(%dma_wait3A_212 : memref<40x144xf32, #tpu.memory_space<hbm>>)
      tpu.yield
    }) : () -> ()
    %add3A_151 = arith.constant 440 : i32
    %add3A_152 = arith.addi %mul3A_2, %add3A_151 : i32
    "tpu.region"() ({
      %run_scoped3A = tpu.sem_alloc : memref<!tpu.dma_semaphore, #tpu.memory_space<semaphore_mem>>
      %dma_start3A_201 = tpu.memref_slice %arg9[%add3A_152] : memref<10240xi32, #tpu.memory_space<hbm>> -> memref<40xi32, #tpu.memory_space<hbm>>
      %dma_start3A_202 = tpu.memref_slice %arg9[%add3A_152] : memref<10240xi32, #tpu.memory_space<hbm>> -> memref<40xi32, #tpu.memory_space<hbm>>
      tpu.enqueue_dma source(%dma_start3A_202 : memref<40xi32, #tpu.memory_space<hbm>>) target(%arg11 : memref<40xi32, #tpu.memory_space<vmem>>) target_semaphore(%run_scoped3A : memref<!tpu.dma_semaphore, #tpu.memory_space<semaphore_mem>>)
      %dma_wait3A_203 = tpu.memref_slice %arg9[%add3A_152] : memref<10240xi32, #tpu.memory_space<hbm>> -> memref<40xi32, #tpu.memory_space<hbm>>
      %dma_wait3A_204 = tpu.memref_slice %arg9[%add3A_152] : memref<10240xi32, #tpu.memory_space<hbm>> -> memref<40xi32, #tpu.memory_space<hbm>>
      tpu.wait_dma2 semaphore(%run_scoped3A : memref<!tpu.dma_semaphore, #tpu.memory_space<semaphore_mem>>) src(%dma_wait3A_204 : memref<40xi32, #tpu.memory_space<hbm>>) dst(%arg11 : memref<40xi32, #tpu.memory_space<vmem>>)
      tpu.yield
    }) : () -> ()
    %dma_start3A_153 = arith.constant 0 : i32
    %dma_start3A_154 = arith.constant 0 : i32
    %dma_start3A_155 = tpu.memref_slice %arg18[%dma_start3A_153, %dma_start3A_154] : memref<10240x144xf32, #tpu.memory_space<vmem_shared>> -> memref<10240x144xf32, #tpu.memory_space<vmem_shared>>
    tpu.enqueue_indirect_dma source(%dma_start3A_155 : memref<10240x144xf32, #tpu.memory_space<vmem_shared>>) target(%arg17 : memref<40x144xf32, #tpu.memory_space<vmem>>) offsets(%arg11 : memref<40xi32, #tpu.memory_space<vmem>>) semaphore(%arg19 : memref<!tpu.dma_semaphore, #tpu.memory_space<semaphore_mem>>)
    %dma_wait3A_156 = arith.constant 0 : i32
    %dma_wait3A_157 = arith.constant 0 : i32
    %dma_wait3A_158 = tpu.memref_slice %arg18[%dma_wait3A_156, %dma_wait3A_157] : memref<10240x144xf32, #tpu.memory_space<vmem_shared>> -> memref<10240x144xf32, #tpu.memory_space<vmem_shared>>
    tpu.wait_indirect_dma semaphore(%arg19 : memref<!tpu.dma_semaphore, #tpu.memory_space<semaphore_mem>>) src(%dma_wait3A_158 : memref<10240x144xf32, #tpu.memory_space<vmem_shared>>) dst(%arg17 : memref<40x144xf32, #tpu.memory_space<vmem>>)
    %add3A_159 = arith.constant 440 : i32
    %add3A_160 = arith.addi %mul3A_2, %add3A_159 : i32
    "tpu.region"() ({
      %run_scoped3A = tpu.sem_alloc : memref<!tpu.dma_semaphore, #tpu.memory_space<semaphore_mem>>
      %dma_start3A_201 = arith.constant 0 : i32
      %dma_start3A_202 = tpu.memref_slice %arg10[%arg0, %add3A_160, %dma_start3A_201] : memref<2x10240x144xf32, #tpu.memory_space<hbm>> -> memref<1x40x144xf32, #tpu.memory_space<hbm>>
      %dma_start3A_203 = tpu.memref_squeeze %dma_start3A_202 : memref<1x40x144xf32, #tpu.memory_space<hbm>> -> memref<40x144xf32, #tpu.memory_space<hbm>>
      %dma_start3A_204 = arith.constant 0 : i32
      %dma_start3A_205 = tpu.memref_slice %arg10[%arg0, %add3A_160, %dma_start3A_204] : memref<2x10240x144xf32, #tpu.memory_space<hbm>> -> memref<1x40x144xf32, #tpu.memory_space<hbm>>
      %dma_start3A_206 = tpu.memref_squeeze %dma_start3A_205 : memref<1x40x144xf32, #tpu.memory_space<hbm>> -> memref<40x144xf32, #tpu.memory_space<hbm>>
      tpu.enqueue_dma source(%arg17 : memref<40x144xf32, #tpu.memory_space<vmem>>) target(%dma_start3A_206 : memref<40x144xf32, #tpu.memory_space<hbm>>) target_semaphore(%run_scoped3A : memref<!tpu.dma_semaphore, #tpu.memory_space<semaphore_mem>>)
      %dma_wait3A_207 = arith.constant 0 : i32
      %dma_wait3A_208 = tpu.memref_slice %arg10[%arg0, %add3A_160, %dma_wait3A_207] : memref<2x10240x144xf32, #tpu.memory_space<hbm>> -> memref<1x40x144xf32, #tpu.memory_space<hbm>>
      %dma_wait3A_209 = tpu.memref_squeeze %dma_wait3A_208 : memref<1x40x144xf32, #tpu.memory_space<hbm>> -> memref<40x144xf32, #tpu.memory_space<hbm>>
      %dma_wait3A_210 = arith.constant 0 : i32
      %dma_wait3A_211 = tpu.memref_slice %arg10[%arg0, %add3A_160, %dma_wait3A_210] : memref<2x10240x144xf32, #tpu.memory_space<hbm>> -> memref<1x40x144xf32, #tpu.memory_space<hbm>>
      %dma_wait3A_212 = tpu.memref_squeeze %dma_wait3A_211 : memref<1x40x144xf32, #tpu.memory_space<hbm>> -> memref<40x144xf32, #tpu.memory_space<hbm>>
      tpu.wait_dma2 semaphore(%run_scoped3A : memref<!tpu.dma_semaphore, #tpu.memory_space<semaphore_mem>>) src(%arg17 : memref<40x144xf32, #tpu.memory_space<vmem>>) dst(%dma_wait3A_212 : memref<40x144xf32, #tpu.memory_space<hbm>>)
      tpu.yield
    }) : () -> ()
    %add3A_161 = arith.constant 480 : i32
    %add3A_162 = arith.addi %mul3A_2, %add3A_161 : i32
    "tpu.region"() ({
      %run_scoped3A = tpu.sem_alloc : memref<!tpu.dma_semaphore, #tpu.memory_space<semaphore_mem>>
      %dma_start3A_201 = tpu.memref_slice %arg9[%add3A_162] : memref<10240xi32, #tpu.memory_space<hbm>> -> memref<40xi32, #tpu.memory_space<hbm>>
      %dma_start3A_202 = tpu.memref_slice %arg9[%add3A_162] : memref<10240xi32, #tpu.memory_space<hbm>> -> memref<40xi32, #tpu.memory_space<hbm>>
      tpu.enqueue_dma source(%dma_start3A_202 : memref<40xi32, #tpu.memory_space<hbm>>) target(%arg11 : memref<40xi32, #tpu.memory_space<vmem>>) target_semaphore(%run_scoped3A : memref<!tpu.dma_semaphore, #tpu.memory_space<semaphore_mem>>)
      %dma_wait3A_203 = tpu.memref_slice %arg9[%add3A_162] : memref<10240xi32, #tpu.memory_space<hbm>> -> memref<40xi32, #tpu.memory_space<hbm>>
      %dma_wait3A_204 = tpu.memref_slice %arg9[%add3A_162] : memref<10240xi32, #tpu.memory_space<hbm>> -> memref<40xi32, #tpu.memory_space<hbm>>
      tpu.wait_dma2 semaphore(%run_scoped3A : memref<!tpu.dma_semaphore, #tpu.memory_space<semaphore_mem>>) src(%dma_wait3A_204 : memref<40xi32, #tpu.memory_space<hbm>>) dst(%arg11 : memref<40xi32, #tpu.memory_space<vmem>>)
      tpu.yield
    }) : () -> ()
    %dma_start3A_163 = arith.constant 0 : i32
    %dma_start3A_164 = arith.constant 0 : i32
    %dma_start3A_165 = tpu.memref_slice %arg18[%dma_start3A_163, %dma_start3A_164] : memref<10240x144xf32, #tpu.memory_space<vmem_shared>> -> memref<10240x144xf32, #tpu.memory_space<vmem_shared>>
    tpu.enqueue_indirect_dma source(%dma_start3A_165 : memref<10240x144xf32, #tpu.memory_space<vmem_shared>>) target(%arg17 : memref<40x144xf32, #tpu.memory_space<vmem>>) offsets(%arg11 : memref<40xi32, #tpu.memory_space<vmem>>) semaphore(%arg19 : memref<!tpu.dma_semaphore, #tpu.memory_space<semaphore_mem>>)
    %dma_wait3A_166 = arith.constant 0 : i32
    %dma_wait3A_167 = arith.constant 0 : i32
    %dma_wait3A_168 = tpu.memref_slice %arg18[%dma_wait3A_166, %dma_wait3A_167] : memref<10240x144xf32, #tpu.memory_space<vmem_shared>> -> memref<10240x144xf32, #tpu.memory_space<vmem_shared>>
    tpu.wait_indirect_dma semaphore(%arg19 : memref<!tpu.dma_semaphore, #tpu.memory_space<semaphore_mem>>) src(%dma_wait3A_168 : memref<10240x144xf32, #tpu.memory_space<vmem_shared>>) dst(%arg17 : memref<40x144xf32, #tpu.memory_space<vmem>>)
    %add3A_169 = arith.constant 480 : i32
    %add3A_170 = arith.addi %mul3A_2, %add3A_169 : i32
    "tpu.region"() ({
      %run_scoped3A = tpu.sem_alloc : memref<!tpu.dma_semaphore, #tpu.memory_space<semaphore_mem>>
      %dma_start3A_201 = arith.constant 0 : i32
      %dma_start3A_202 = tpu.memref_slice %arg10[%arg0, %add3A_170, %dma_start3A_201] : memref<2x10240x144xf32, #tpu.memory_space<hbm>> -> memref<1x40x144xf32, #tpu.memory_space<hbm>>
      %dma_start3A_203 = tpu.memref_squeeze %dma_start3A_202 : memref<1x40x144xf32, #tpu.memory_space<hbm>> -> memref<40x144xf32, #tpu.memory_space<hbm>>
      %dma_start3A_204 = arith.constant 0 : i32
      %dma_start3A_205 = tpu.memref_slice %arg10[%arg0, %add3A_170, %dma_start3A_204] : memref<2x10240x144xf32, #tpu.memory_space<hbm>> -> memref<1x40x144xf32, #tpu.memory_space<hbm>>
      %dma_start3A_206 = tpu.memref_squeeze %dma_start3A_205 : memref<1x40x144xf32, #tpu.memory_space<hbm>> -> memref<40x144xf32, #tpu.memory_space<hbm>>
      tpu.enqueue_dma source(%arg17 : memref<40x144xf32, #tpu.memory_space<vmem>>) target(%dma_start3A_206 : memref<40x144xf32, #tpu.memory_space<hbm>>) target_semaphore(%run_scoped3A : memref<!tpu.dma_semaphore, #tpu.memory_space<semaphore_mem>>)
      %dma_wait3A_207 = arith.constant 0 : i32
      %dma_wait3A_208 = tpu.memref_slice %arg10[%arg0, %add3A_170, %dma_wait3A_207] : memref<2x10240x144xf32, #tpu.memory_space<hbm>> -> memref<1x40x144xf32, #tpu.memory_space<hbm>>
      %dma_wait3A_209 = tpu.memref_squeeze %dma_wait3A_208 : memref<1x40x144xf32, #tpu.memory_space<hbm>> -> memref<40x144xf32, #tpu.memory_space<hbm>>
      %dma_wait3A_210 = arith.constant 0 : i32
      %dma_wait3A_211 = tpu.memref_slice %arg10[%arg0, %add3A_170, %dma_wait3A_210] : memref<2x10240x144xf32, #tpu.memory_space<hbm>> -> memref<1x40x144xf32, #tpu.memory_space<hbm>>
      %dma_wait3A_212 = tpu.memref_squeeze %dma_wait3A_211 : memref<1x40x144xf32, #tpu.memory_space<hbm>> -> memref<40x144xf32, #tpu.memory_space<hbm>>
      tpu.wait_dma2 semaphore(%run_scoped3A : memref<!tpu.dma_semaphore, #tpu.memory_space<semaphore_mem>>) src(%arg17 : memref<40x144xf32, #tpu.memory_space<vmem>>) dst(%dma_wait3A_212 : memref<40x144xf32, #tpu.memory_space<hbm>>)
      tpu.yield
    }) : () -> ()
    %add3A_171 = arith.constant 520 : i32
    %add3A_172 = arith.addi %mul3A_2, %add3A_171 : i32
    "tpu.region"() ({
      %run_scoped3A = tpu.sem_alloc : memref<!tpu.dma_semaphore, #tpu.memory_space<semaphore_mem>>
      %dma_start3A_201 = tpu.memref_slice %arg9[%add3A_172] : memref<10240xi32, #tpu.memory_space<hbm>> -> memref<40xi32, #tpu.memory_space<hbm>>
      %dma_start3A_202 = tpu.memref_slice %arg9[%add3A_172] : memref<10240xi32, #tpu.memory_space<hbm>> -> memref<40xi32, #tpu.memory_space<hbm>>
      tpu.enqueue_dma source(%dma_start3A_202 : memref<40xi32, #tpu.memory_space<hbm>>) target(%arg11 : memref<40xi32, #tpu.memory_space<vmem>>) target_semaphore(%run_scoped3A : memref<!tpu.dma_semaphore, #tpu.memory_space<semaphore_mem>>)
      %dma_wait3A_203 = tpu.memref_slice %arg9[%add3A_172] : memref<10240xi32, #tpu.memory_space<hbm>> -> memref<40xi32, #tpu.memory_space<hbm>>
      %dma_wait3A_204 = tpu.memref_slice %arg9[%add3A_172] : memref<10240xi32, #tpu.memory_space<hbm>> -> memref<40xi32, #tpu.memory_space<hbm>>
      tpu.wait_dma2 semaphore(%run_scoped3A : memref<!tpu.dma_semaphore, #tpu.memory_space<semaphore_mem>>) src(%dma_wait3A_204 : memref<40xi32, #tpu.memory_space<hbm>>) dst(%arg11 : memref<40xi32, #tpu.memory_space<vmem>>)
      tpu.yield
    }) : () -> ()
    %dma_start3A_173 = arith.constant 0 : i32
    %dma_start3A_174 = arith.constant 0 : i32
    %dma_start3A_175 = tpu.memref_slice %arg18[%dma_start3A_173, %dma_start3A_174] : memref<10240x144xf32, #tpu.memory_space<vmem_shared>> -> memref<10240x144xf32, #tpu.memory_space<vmem_shared>>
    tpu.enqueue_indirect_dma source(%dma_start3A_175 : memref<10240x144xf32, #tpu.memory_space<vmem_shared>>) target(%arg17 : memref<40x144xf32, #tpu.memory_space<vmem>>) offsets(%arg11 : memref<40xi32, #tpu.memory_space<vmem>>) semaphore(%arg19 : memref<!tpu.dma_semaphore, #tpu.memory_space<semaphore_mem>>)
    %dma_wait3A_176 = arith.constant 0 : i32
    %dma_wait3A_177 = arith.constant 0 : i32
    %dma_wait3A_178 = tpu.memref_slice %arg18[%dma_wait3A_176, %dma_wait3A_177] : memref<10240x144xf32, #tpu.memory_space<vmem_shared>> -> memref<10240x144xf32, #tpu.memory_space<vmem_shared>>
    tpu.wait_indirect_dma semaphore(%arg19 : memref<!tpu.dma_semaphore, #tpu.memory_space<semaphore_mem>>) src(%dma_wait3A_178 : memref<10240x144xf32, #tpu.memory_space<vmem_shared>>) dst(%arg17 : memref<40x144xf32, #tpu.memory_space<vmem>>)
    %add3A_179 = arith.constant 520 : i32
    %add3A_180 = arith.addi %mul3A_2, %add3A_179 : i32
    "tpu.region"() ({
      %run_scoped3A = tpu.sem_alloc : memref<!tpu.dma_semaphore, #tpu.memory_space<semaphore_mem>>
      %dma_start3A_201 = arith.constant 0 : i32
      %dma_start3A_202 = tpu.memref_slice %arg10[%arg0, %add3A_180, %dma_start3A_201] : memref<2x10240x144xf32, #tpu.memory_space<hbm>> -> memref<1x40x144xf32, #tpu.memory_space<hbm>>
      %dma_start3A_203 = tpu.memref_squeeze %dma_start3A_202 : memref<1x40x144xf32, #tpu.memory_space<hbm>> -> memref<40x144xf32, #tpu.memory_space<hbm>>
      %dma_start3A_204 = arith.constant 0 : i32
      %dma_start3A_205 = tpu.memref_slice %arg10[%arg0, %add3A_180, %dma_start3A_204] : memref<2x10240x144xf32, #tpu.memory_space<hbm>> -> memref<1x40x144xf32, #tpu.memory_space<hbm>>
      %dma_start3A_206 = tpu.memref_squeeze %dma_start3A_205 : memref<1x40x144xf32, #tpu.memory_space<hbm>> -> memref<40x144xf32, #tpu.memory_space<hbm>>
      tpu.enqueue_dma source(%arg17 : memref<40x144xf32, #tpu.memory_space<vmem>>) target(%dma_start3A_206 : memref<40x144xf32, #tpu.memory_space<hbm>>) target_semaphore(%run_scoped3A : memref<!tpu.dma_semaphore, #tpu.memory_space<semaphore_mem>>)
      %dma_wait3A_207 = arith.constant 0 : i32
      %dma_wait3A_208 = tpu.memref_slice %arg10[%arg0, %add3A_180, %dma_wait3A_207] : memref<2x10240x144xf32, #tpu.memory_space<hbm>> -> memref<1x40x144xf32, #tpu.memory_space<hbm>>
      %dma_wait3A_209 = tpu.memref_squeeze %dma_wait3A_208 : memref<1x40x144xf32, #tpu.memory_space<hbm>> -> memref<40x144xf32, #tpu.memory_space<hbm>>
      %dma_wait3A_210 = arith.constant 0 : i32
      %dma_wait3A_211 = tpu.memref_slice %arg10[%arg0, %add3A_180, %dma_wait3A_210] : memref<2x10240x144xf32, #tpu.memory_space<hbm>> -> memref<1x40x144xf32, #tpu.memory_space<hbm>>
      %dma_wait3A_212 = tpu.memref_squeeze %dma_wait3A_211 : memref<1x40x144xf32, #tpu.memory_space<hbm>> -> memref<40x144xf32, #tpu.memory_space<hbm>>
      tpu.wait_dma2 semaphore(%run_scoped3A : memref<!tpu.dma_semaphore, #tpu.memory_space<semaphore_mem>>) src(%arg17 : memref<40x144xf32, #tpu.memory_space<vmem>>) dst(%dma_wait3A_212 : memref<40x144xf32, #tpu.memory_space<hbm>>)
      tpu.yield
    }) : () -> ()
    %add3A_181 = arith.constant 560 : i32
    %add3A_182 = arith.addi %mul3A_2, %add3A_181 : i32
    "tpu.region"() ({
      %run_scoped3A = tpu.sem_alloc : memref<!tpu.dma_semaphore, #tpu.memory_space<semaphore_mem>>
      %dma_start3A_201 = tpu.memref_slice %arg9[%add3A_182] : memref<10240xi32, #tpu.memory_space<hbm>> -> memref<40xi32, #tpu.memory_space<hbm>>
      %dma_start3A_202 = tpu.memref_slice %arg9[%add3A_182] : memref<10240xi32, #tpu.memory_space<hbm>> -> memref<40xi32, #tpu.memory_space<hbm>>
      tpu.enqueue_dma source(%dma_start3A_202 : memref<40xi32, #tpu.memory_space<hbm>>) target(%arg11 : memref<40xi32, #tpu.memory_space<vmem>>) target_semaphore(%run_scoped3A : memref<!tpu.dma_semaphore, #tpu.memory_space<semaphore_mem>>)
      %dma_wait3A_203 = tpu.memref_slice %arg9[%add3A_182] : memref<10240xi32, #tpu.memory_space<hbm>> -> memref<40xi32, #tpu.memory_space<hbm>>
      %dma_wait3A_204 = tpu.memref_slice %arg9[%add3A_182] : memref<10240xi32, #tpu.memory_space<hbm>> -> memref<40xi32, #tpu.memory_space<hbm>>
      tpu.wait_dma2 semaphore(%run_scoped3A : memref<!tpu.dma_semaphore, #tpu.memory_space<semaphore_mem>>) src(%dma_wait3A_204 : memref<40xi32, #tpu.memory_space<hbm>>) dst(%arg11 : memref<40xi32, #tpu.memory_space<vmem>>)
      tpu.yield
    }) : () -> ()
    %dma_start3A_183 = arith.constant 0 : i32
    %dma_start3A_184 = arith.constant 0 : i32
    %dma_start3A_185 = tpu.memref_slice %arg18[%dma_start3A_183, %dma_start3A_184] : memref<10240x144xf32, #tpu.memory_space<vmem_shared>> -> memref<10240x144xf32, #tpu.memory_space<vmem_shared>>
    tpu.enqueue_indirect_dma source(%dma_start3A_185 : memref<10240x144xf32, #tpu.memory_space<vmem_shared>>) target(%arg17 : memref<40x144xf32, #tpu.memory_space<vmem>>) offsets(%arg11 : memref<40xi32, #tpu.memory_space<vmem>>) semaphore(%arg19 : memref<!tpu.dma_semaphore, #tpu.memory_space<semaphore_mem>>)
    %dma_wait3A_186 = arith.constant 0 : i32
    %dma_wait3A_187 = arith.constant 0 : i32
    %dma_wait3A_188 = tpu.memref_slice %arg18[%dma_wait3A_186, %dma_wait3A_187] : memref<10240x144xf32, #tpu.memory_space<vmem_shared>> -> memref<10240x144xf32, #tpu.memory_space<vmem_shared>>
    tpu.wait_indirect_dma semaphore(%arg19 : memref<!tpu.dma_semaphore, #tpu.memory_space<semaphore_mem>>) src(%dma_wait3A_188 : memref<10240x144xf32, #tpu.memory_space<vmem_shared>>) dst(%arg17 : memref<40x144xf32, #tpu.memory_space<vmem>>)
    %add3A_189 = arith.constant 560 : i32
    %add3A_190 = arith.addi %mul3A_2, %add3A_189 : i32
    "tpu.region"() ({
      %run_scoped3A = tpu.sem_alloc : memref<!tpu.dma_semaphore, #tpu.memory_space<semaphore_mem>>
      %dma_start3A_201 = arith.constant 0 : i32
      %dma_start3A_202 = tpu.memref_slice %arg10[%arg0, %add3A_190, %dma_start3A_201] : memref<2x10240x144xf32, #tpu.memory_space<hbm>> -> memref<1x40x144xf32, #tpu.memory_space<hbm>>
      %dma_start3A_203 = tpu.memref_squeeze %dma_start3A_202 : memref<1x40x144xf32, #tpu.memory_space<hbm>> -> memref<40x144xf32, #tpu.memory_space<hbm>>
      %dma_start3A_204 = arith.constant 0 : i32
      %dma_start3A_205 = tpu.memref_slice %arg10[%arg0, %add3A_190, %dma_start3A_204] : memref<2x10240x144xf32, #tpu.memory_space<hbm>> -> memref<1x40x144xf32, #tpu.memory_space<hbm>>
      %dma_start3A_206 = tpu.memref_squeeze %dma_start3A_205 : memref<1x40x144xf32, #tpu.memory_space<hbm>> -> memref<40x144xf32, #tpu.memory_space<hbm>>
      tpu.enqueue_dma source(%arg17 : memref<40x144xf32, #tpu.memory_space<vmem>>) target(%dma_start3A_206 : memref<40x144xf32, #tpu.memory_space<hbm>>) target_semaphore(%run_scoped3A : memref<!tpu.dma_semaphore, #tpu.memory_space<semaphore_mem>>)
      %dma_wait3A_207 = arith.constant 0 : i32
      %dma_wait3A_208 = tpu.memref_slice %arg10[%arg0, %add3A_190, %dma_wait3A_207] : memref<2x10240x144xf32, #tpu.memory_space<hbm>> -> memref<1x40x144xf32, #tpu.memory_space<hbm>>
      %dma_wait3A_209 = tpu.memref_squeeze %dma_wait3A_208 : memref<1x40x144xf32, #tpu.memory_space<hbm>> -> memref<40x144xf32, #tpu.memory_space<hbm>>
      %dma_wait3A_210 = arith.constant 0 : i32
      %dma_wait3A_211 = tpu.memref_slice %arg10[%arg0, %add3A_190, %dma_wait3A_210] : memref<2x10240x144xf32, #tpu.memory_space<hbm>> -> memref<1x40x144xf32, #tpu.memory_space<hbm>>
      %dma_wait3A_212 = tpu.memref_squeeze %dma_wait3A_211 : memref<1x40x144xf32, #tpu.memory_space<hbm>> -> memref<40x144xf32, #tpu.memory_space<hbm>>
      tpu.wait_dma2 semaphore(%run_scoped3A : memref<!tpu.dma_semaphore, #tpu.memory_space<semaphore_mem>>) src(%arg17 : memref<40x144xf32, #tpu.memory_space<vmem>>) dst(%dma_wait3A_212 : memref<40x144xf32, #tpu.memory_space<hbm>>)
      tpu.yield
    }) : () -> ()
    %add3A_191 = arith.constant 600 : i32
    %add3A_192 = arith.addi %mul3A_2, %add3A_191 : i32
    "tpu.region"() ({
      %run_scoped3A = tpu.sem_alloc : memref<!tpu.dma_semaphore, #tpu.memory_space<semaphore_mem>>
      %dma_start3A_201 = tpu.memref_slice %arg9[%add3A_192] : memref<10240xi32, #tpu.memory_space<hbm>> -> memref<40xi32, #tpu.memory_space<hbm>>
      %dma_start3A_202 = tpu.memref_slice %arg9[%add3A_192] : memref<10240xi32, #tpu.memory_space<hbm>> -> memref<40xi32, #tpu.memory_space<hbm>>
      tpu.enqueue_dma source(%dma_start3A_202 : memref<40xi32, #tpu.memory_space<hbm>>) target(%arg11 : memref<40xi32, #tpu.memory_space<vmem>>) target_semaphore(%run_scoped3A : memref<!tpu.dma_semaphore, #tpu.memory_space<semaphore_mem>>)
      %dma_wait3A_203 = tpu.memref_slice %arg9[%add3A_192] : memref<10240xi32, #tpu.memory_space<hbm>> -> memref<40xi32, #tpu.memory_space<hbm>>
      %dma_wait3A_204 = tpu.memref_slice %arg9[%add3A_192] : memref<10240xi32, #tpu.memory_space<hbm>> -> memref<40xi32, #tpu.memory_space<hbm>>
      tpu.wait_dma2 semaphore(%run_scoped3A : memref<!tpu.dma_semaphore, #tpu.memory_space<semaphore_mem>>) src(%dma_wait3A_204 : memref<40xi32, #tpu.memory_space<hbm>>) dst(%arg11 : memref<40xi32, #tpu.memory_space<vmem>>)
      tpu.yield
    }) : () -> ()
    %dma_start3A_193 = arith.constant 0 : i32
    %dma_start3A_194 = arith.constant 0 : i32
    %dma_start3A_195 = tpu.memref_slice %arg18[%dma_start3A_193, %dma_start3A_194] : memref<10240x144xf32, #tpu.memory_space<vmem_shared>> -> memref<10240x144xf32, #tpu.memory_space<vmem_shared>>
    tpu.enqueue_indirect_dma source(%dma_start3A_195 : memref<10240x144xf32, #tpu.memory_space<vmem_shared>>) target(%arg17 : memref<40x144xf32, #tpu.memory_space<vmem>>) offsets(%arg11 : memref<40xi32, #tpu.memory_space<vmem>>) semaphore(%arg19 : memref<!tpu.dma_semaphore, #tpu.memory_space<semaphore_mem>>)
    %dma_wait3A_196 = arith.constant 0 : i32
    %dma_wait3A_197 = arith.constant 0 : i32
    %dma_wait3A_198 = tpu.memref_slice %arg18[%dma_wait3A_196, %dma_wait3A_197] : memref<10240x144xf32, #tpu.memory_space<vmem_shared>> -> memref<10240x144xf32, #tpu.memory_space<vmem_shared>>
    tpu.wait_indirect_dma semaphore(%arg19 : memref<!tpu.dma_semaphore, #tpu.memory_space<semaphore_mem>>) src(%dma_wait3A_198 : memref<10240x144xf32, #tpu.memory_space<vmem_shared>>) dst(%arg17 : memref<40x144xf32, #tpu.memory_space<vmem>>)
    %add3A_199 = arith.constant 600 : i32
    %add3A_200 = arith.addi %mul3A_2, %add3A_199 : i32
    "tpu.region"() ({
      %run_scoped3A = tpu.sem_alloc : memref<!tpu.dma_semaphore, #tpu.memory_space<semaphore_mem>>
      %dma_start3A_201 = arith.constant 0 : i32
      %dma_start3A_202 = tpu.memref_slice %arg10[%arg0, %add3A_200, %dma_start3A_201] : memref<2x10240x144xf32, #tpu.memory_space<hbm>> -> memref<1x40x144xf32, #tpu.memory_space<hbm>>
      %dma_start3A_203 = tpu.memref_squeeze %dma_start3A_202 : memref<1x40x144xf32, #tpu.memory_space<hbm>> -> memref<40x144xf32, #tpu.memory_space<hbm>>
      %dma_start3A_204 = arith.constant 0 : i32
      %dma_start3A_205 = tpu.memref_slice %arg10[%arg0, %add3A_200, %dma_start3A_204] : memref<2x10240x144xf32, #tpu.memory_space<hbm>> -> memref<1x40x144xf32, #tpu.memory_space<hbm>>
      %dma_start3A_206 = tpu.memref_squeeze %dma_start3A_205 : memref<1x40x144xf32, #tpu.memory_space<hbm>> -> memref<40x144xf32, #tpu.memory_space<hbm>>
      tpu.enqueue_dma source(%arg17 : memref<40x144xf32, #tpu.memory_space<vmem>>) target(%dma_start3A_206 : memref<40x144xf32, #tpu.memory_space<hbm>>) target_semaphore(%run_scoped3A : memref<!tpu.dma_semaphore, #tpu.memory_space<semaphore_mem>>)
      %dma_wait3A_207 = arith.constant 0 : i32
      %dma_wait3A_208 = tpu.memref_slice %arg10[%arg0, %add3A_200, %dma_wait3A_207] : memref<2x10240x144xf32, #tpu.memory_space<hbm>> -> memref<1x40x144xf32, #tpu.memory_space<hbm>>
      %dma_wait3A_209 = tpu.memref_squeeze %dma_wait3A_208 : memref<1x40x144xf32, #tpu.memory_space<hbm>> -> memref<40x144xf32, #tpu.memory_space<hbm>>
      %dma_wait3A_210 = arith.constant 0 : i32
      %dma_wait3A_211 = tpu.memref_slice %arg10[%arg0, %add3A_200, %dma_wait3A_210] : memref<2x10240x144xf32, #tpu.memory_space<hbm>> -> memref<1x40x144xf32, #tpu.memory_space<hbm>>
      %dma_wait3A_212 = tpu.memref_squeeze %dma_wait3A_211 : memref<1x40x144xf32, #tpu.memory_space<hbm>> -> memref<40x144xf32, #tpu.memory_space<hbm>>
      tpu.wait_dma2 semaphore(%run_scoped3A : memref<!tpu.dma_semaphore, #tpu.memory_space<semaphore_mem>>) src(%arg17 : memref<40x144xf32, #tpu.memory_space<vmem>>) dst(%dma_wait3A_212 : memref<40x144xf32, #tpu.memory_space<hbm>>)
      tpu.yield
    }) : () -> ()
    return
  }
}

module attributes {stable_mosaic.version = 14 : i64} {
  func.func @body(%arg0: i32, %arg1: memref<2x1280x144xf32, #tpu.memory_space<vmem>>, %arg2: memref<16x128xf32, #tpu.memory_space<vmem>>, %arg3: memref<1280x128xf32, #tpu.memory_space<vmem>>) attributes {dimension_semantics = [#tpu.dimension_semantics<arbitrary>], iteration_bounds = array<i64: 8>, scalar_prefetch = 0 : i64, scratch_operands = 0 : i64, tpu.core_type = #tpu.core_type<tc>, window_params = [{transform_indices = @transform_0, window_bounds = array<i64: 2, 1280, 144>}, {pipeline_mode = #tpu.pipeline_mode<synchronous>, transform_indices = @transform_1, window_bounds = array<i64: 16, 128>}, {transform_indices = @transform_2, window_bounds = array<i64: 1280, 128>}]} {
    %get3A = arith.constant 0 : index
    %get3A_0 = arith.constant 0 : index
    %get3A_1 = arith.constant 0 : index
    %get3A_2 = vector.load %arg1[%get3A, %get3A_0, %get3A_1] : memref<2x1280x144xf32, #tpu.memory_space<vmem>>, vector<1x1280x128xf32>
    %get3A_3 = vector.shape_cast %get3A_2 : vector<1x1280x128xf32> to vector<1280x128xf32>
    %get3A_4 = arith.constant 1 : index
    %get3A_5 = arith.constant 0 : index
    %get3A_6 = arith.constant 0 : index
    %get3A_7 = vector.load %arg1[%get3A_4, %get3A_5, %get3A_6] : memref<2x1280x144xf32, #tpu.memory_space<vmem>>, vector<1x1280x128xf32>
    %get3A_8 = vector.shape_cast %get3A_7 : vector<1x1280x128xf32> to vector<1280x128xf32>
    %add3A = arith.addf %get3A_3, %get3A_8 : vector<1280x128xf32>
    %get3A_9 = arith.constant 0 : index
    %get3A_10 = arith.constant 0 : index
    %get3A_11 = arith.constant 128 : index
    %get3A_12 = vector.load %arg1[%get3A_9, %get3A_10, %get3A_11] : memref<2x1280x144xf32, #tpu.memory_space<vmem>>, vector<1x1280x16xf32>
    %get3A_13 = vector.shape_cast %get3A_12 : vector<1x1280x16xf32> to vector<1280x16xf32>
    %get3A_14 = arith.constant 1 : index
    %get3A_15 = arith.constant 0 : index
    %get3A_16 = arith.constant 128 : index
    %get3A_17 = vector.load %arg1[%get3A_14, %get3A_15, %get3A_16] : memref<2x1280x144xf32, #tpu.memory_space<vmem>>, vector<1x1280x16xf32>
    %get3A_18 = vector.shape_cast %get3A_17 : vector<1x1280x16xf32> to vector<1280x16xf32>
    %add3A_19 = arith.addf %get3A_13, %get3A_18 : vector<1280x16xf32>
    %get3A_20 = arith.constant 0 : index
    %get3A_21 = arith.constant 0 : index
    %get3A_22 = vector.load %arg2[%get3A_20, %get3A_21] : memref<16x128xf32, #tpu.memory_space<vmem>>, vector<16x128xf32>
    %dot_general3A = arith.constant dense<0.000000e+00> : vector<1280x128xf32>
    %dot_general3A_23 = tpu.matmul %add3A_19, %get3A_22, %dot_general3A {dimension_numbers = #tpu.dot_dimension_numbers<[1], [0], [0], [1], [0, 0, 1, 1], [], []>, transpose_lhs_hint = false} : vector<1280x16xf32>, vector<16x128xf32>, vector<1280x128xf32> -> vector<1280x128xf32>
    %gt3A = arith.constant 0.000000e+00 : f32
    %gt3A_24 = vector.broadcast %gt3A : f32 to vector<1280x128xf32>
    %gt3A_25 = arith.cmpf ogt, %dot_general3A_23, %gt3A_24 : vector<1280x128xf32>
    %div3A = arith.divf %add3A, %dot_general3A_23 : vector<1280x128xf32>
    %jit3A = arith.constant 0.000000e+00 : f64
    %convert_element_type3A = arith.truncf %jit3A : f64 to f32
    %broadcast_in_dim3A = vector.broadcast %convert_element_type3A : f32 to vector<1280x128xf32>
    %select_n3A = arith.select %gt3A_25, %div3A, %broadcast_in_dim3A : vector<1280x128xi1>, vector<1280x128xf32>
    %swap3A = arith.constant 0 : index
    %swap3A_26 = arith.constant 0 : index
    %swap3A_27 = vector.load %arg3[%swap3A, %swap3A_26] : memref<1280x128xf32, #tpu.memory_space<vmem>>, vector<1280x128xf32>
    tpu.vector_store %arg3[%swap3A, %swap3A_26], %select_n3A {strides = array<i32>} : memref<1280x128xf32, #tpu.memory_space<vmem>>, vector<1280x128xf32>,
    return
  }
  func.func @transform_0(%arg0: i32) -> (i32, i32, i32) {
    %c0_i32 = arith.constant 0 : i32
    %c0_i32_0 = arith.constant 0 : i32
    %c0_i32_1 = arith.constant 0 : i32
    return %c0_i32, %arg0, %c0_i32_0 : i32, i32, i32
  }
  func.func @transform_1(%arg0: i32) -> (i32, i32) {
    %c0_i32 = arith.constant 0 : i32
    %c0_i32_0 = arith.constant 0 : i32
    %c0_i32_1 = arith.constant 0 : i32
    return %c0_i32, %c0_i32_0 : i32, i32
  }
  func.func @transform_2(%arg0: i32) -> (i32, i32) {
    %c0_i32 = arith.constant 0 : i32
    %c0_i32_0 = arith.constant 0 : i32
    return %arg0, %c0_i32 : i32, i32
  }
}

</mosaic_0001>

<sc_bundles>
// kernel: kernel.4.cloned.1.call-start
scs
__scs_entry_jumppad:
0x0: {  	(pc) =	sbr.rel $0x88, $3  }
0x1: {  	(tag) =	ssettag $0x0;
	lr =	simm.s32 $0x1  }
0x2: {  	[smem:$0x3F9A] =	sst lr;
	_ =	strace $0xD0000000  }
0x3: {  	_ = 	snop  }
0x4: {  	_ = 	snop  }
0x5: {  	_ = 	snop  }
0x6: {  	_ = 	snop  }
0x7: {  	_ = 	snop  }
__scs_overlays_trampoline_lowered:
0x8: {  	[smem:$0x3FA9] =	sst s0  }
0x9: {  	[smem:$0x3FAA] =	sst s1  }
0xa: {  	[smem:$0x3FAB] =	sst s2  }
0xb: {  	[smem:$0x3FAC] =	sst s3  }
0xc: {  	[smem:$0x3FAD] =	sst s4  }
0xd: {  	[smem:$0x3FAE] =	sst s5  }
0xe: {  	[smem:$0x3FAF] =	sst s6  }
0xf: {  	[smem:$0x3FB0] =	sst s7  }
0x10: {  	[smem:$0x3FB1] =	sst s8  }
0x11: {  	[smem:$0x3FB2] =	sst s9;
	s0 =	simm.s32 @!p0 $0x0  }
0x12: {  	s1 =	sld [smem:$0x3F98];
	s0 =	simm.s32 @p0 $0x1  }
0x13: {  	[smem:$0x3FB3] =	sst s0;
	s0 =	simm.s32 @!p1 $0x0  }
0x14: {  	s2 =	sld [smem:$0x3F97];
	s0 =	simm.s32 @p1 $0x1  }
0x15: {  	[smem:$0x3FB4] =	sst s0;
	s0 =	simm.s32 @!p2 $0x0  }
0x16: {  	s3 =	sld [smem:$0x3FDB];
	s0 =	simm.s32 @p2 $0x1  }
0x17: {  	s4 =	simm.s32 $0x1BF5;
	[smem:$0x3FB6] =	sst s0  }
0x18: {  	s0 =	sld [smem:$0x3F99];
	_ =	swait.ge [sflag:s4], $0x0  }
0x19: {  	s7 =	sld [smem:$0x3F9A]  }
0x1a: {  	s8 =	sadd.s32 $0xFFFFE003, lr  }
0x1b: {  	s9 =	sadd.s32 $0xFFFFFEF7, lr;
	s5 =	simm.s32 $0xFFFFFFFF;
	p2 =	slt.u32 s8, $0xFFFFF086  }
0x1c: {  	p1 =	slt.u32 s9, $0xF7A;
	s5 =	simm.s32 @!p2 $0x0  }
0x1d: {  	s5 =	simm.s32 @p1 $0x1;
	p0 =	seq.s32 s7, s2  }
0x1e: {  	s7 =	smul.u32 @!p0 $0xF7A, s2;
	p2 =	seq.s32 @!p0 s5, $0x0  }
0x1f: {  	s9 =	smul.u32 $0xF7A, s1;
	s8 =	simm.s32 @!p0 $0x1BF5;
	p2 =	por !p2, p0  }
0x20: {  	[sflag:s8] =	ssyncset.s32 @!p0 $0xFFFFF086;
	s6 =	sadd.s32 @!p0 s3, s7;
	s7 =	simm.s32 @!p0 $0x108  }
0x21: {  	s3 =	sadd.s32 s3, s9;
	s6 =	sadd.s32 @!p0 $0x88, s6;
	s7 =	simm.s32 @p2 $0x1082  }
0x22: {  	[simem:s7], [sflag:s8] =	dma.local @!p0 [hbm:s6], $0xF7A  }
0x23: {  	s9 =	sor.u32 $0xD0000000, s2;
	s6 =	simm.s32 $0x108;
	_ =	swait.ge @!p0 [sflag:s8], $0x0  }
0x24: {  	s3 =	sadd.s32 $0x88, s3;
	s6 =	simm.s32 @!p1 $0x1082;
	[sflag:s4] =	ssyncset.s32 $0xFFFFF086  }
0x25: {  	[simem:s6], [sflag:s4] =	dma.local [hbm:s3], $0xF7A  }
0x26: {  	[smem:$0x3F9A] =	sst s1;
	(tag) =	ssettag s2;
	_ =	strace s9  }
0x27: {  	s1 =	sld [smem:$0x3FAA]  }
0x28: {  	s2 =	sld [smem:$0x3FAB]  }
0x29: {  	s4 =	sld [smem:$0x3FAD]  }
0x2a: {  	p0 =	seq.s32 s5, $0x0;
	s5 =	sld [smem:$0x3FAE]  }
0x2b: {  	s6 =	sld [smem:$0x3FAF]  }
0x2c: {  	s7 =	sld [smem:$0x3FB0]  }
0x2d: {  	s3 =	simm.s32 $0x108;
	s8 =	sld [smem:$0x3FB1]  }
0x2e: {  	s3 =	simm.s32 @!p0 $0x1082;
	s9 =	sld [smem:$0x3FB2]  }
0x2f: {  	lr =	sadd.s32 s0, s3;
	s0 =	sld [smem:$0x3FA9]  }
0x30: {  	s3 =	sld [smem:$0x3FAC]  }
0x31: {  	[smem:$0x3FB5] =	sst s10  }
0x32: {  	s10 =	sld [smem:$0x3FB3];
	_ =	sdelay $0x3  }
0x33: {  	p0 =	seq.s32 s10, $0x1;
	s10 =	sld [smem:$0x3FB5];
	_ =	sdelay $0x3  }
0x34: {  	[smem:$0x3FB5] =	sst s10  }
0x35: {  	s10 =	sld [smem:$0x3FB4];
	_ =	sdelay $0x3  }
0x36: {  	p1 =	seq.s32 s10, $0x1;
	s10 =	sld [smem:$0x3FB5];
	_ =	sdelay $0x3  }
0x37: {  	[smem:$0x3FB5] =	sst s10  }
0x38: {  	s10 =	sld [smem:$0x3FB6]  }
0x39: {  	_ = 	snop;
	(pc) =	sbr.ind lr, $3  }
0x3a: {  	_ = 	snop  }
0x3b: {  	_ = 	snop  }
0x3c: {  	p2 =	seq.s32 s10, $0x1;
	s10 =	sld [smem:$0x3FB5]  }
0x3d: {  	_ =	shalt  }
0x3e: {  	_ =	shalt  }
0x3f: {  	_ =	shalt  }
0x40: {  	_ =	shalt  }
0x41: {  	_ =	shalt  }
0x42: {  	_ =	shalt  }
0x43: {  	_ =	shalt  }
0x44: {  	_ =	shalt  }
0x45: {  	_ =	shalt  }
0x46: {  	_ =	shalt  }
0x47: {  	_ =	shalt  }
0x48: {  	_ =	shalt  }
0x49: {  	_ =	shalt  }
0x4a: {  	_ =	shalt  }
0x4b: {  	_ =	shalt  }
0x4c: {  	_ =	shalt  }
0x4d: {  	_ =	shalt  }
0x4e: {  	_ =	shalt  }
0x4f: {  	_ =	shalt  }
0x50: {  	_ =	shalt  }
0x51: {  	_ =	shalt  }
0x52: {  	_ =	shalt  }
0x53: {  	_ =	shalt  }
0x54: {  	_ =	shalt  }
0x55: {  	_ =	shalt  }
0x56: {  	_ =	shalt  }
0x57: {  	_ =	shalt  }
0x58: {  	_ =	shalt  }
0x59: {  	_ =	shalt  }
0x5a: {  	_ =	shalt  }
0x5b: {  	_ =	shalt  }
0x5c: {  	_ =	shalt  }
0x5d: {  	_ =	shalt  }
0x5e: {  	_ =	shalt  }
0x5f: {  	_ =	shalt  }
0x60: {  	_ =	shalt  }
0x61: {  	_ =	shalt  }
0x62: {  	_ =	shalt  }
0x63: {  	_ =	shalt  }
0x64: {  	_ =	shalt  }
0x65: {  	_ =	shalt  }
0x66: {  	_ =	shalt  }
0x67: {  	_ =	shalt  }
0x68: {  	_ =	shalt  }
0x69: {  	_ =	shalt  }
0x6a: {  	_ =	shalt  }
0x6b: {  	_ =	shalt  }
0x6c: {  	_ =	shalt  }
0x6d: {  	_ =	shalt  }
0x6e: {  	_ =	shalt  }
0x6f: {  	_ =	shalt  }
0x70: {  	_ =	shalt  }
0x71: {  	_ =	shalt  }
0x72: {  	_ =	shalt  }
0x73: {  	_ =	shalt  }
0x74: {  	_ =	shalt  }
0x75: {  	_ =	shalt  }
0x76: {  	_ =	shalt  }
0x77: {  	_ =	shalt  }
0x78: {  	_ =	shalt  }
0x79: {  	_ =	shalt  }
0x7a: {  	_ =	shalt  }
0x7b: {  	_ =	shalt  }
0x7c: {  	_ =	shalt  }
0x7d: {  	_ =	shalt  }
0x7e: {  	_ =	shalt  }
0x7f: {  	_ =	shalt  }
0x80: {  	_ =	shalt  }
0x81: {  	_ =	shalt  }
0x82: {  	_ =	shalt  }
0x83: {  	_ =	shalt  }
0x84: {  	_ =	shalt  }
0x85: {  	_ =	shalt  }
0x86: {  	_ =	shalt  }
0x87: {  	_ =	shalt  }
.Lfunc_end0:
.L_simem_size_0:
called_computation.2_lowered:
.L_overlay_start_0:
0x88: {  	s2 =	sld [smem:$0x3FD9]  }
0x89: {  	s3 =	sld [smem:$0x3FFE];
	_ =	sdelay $0x1  }
0x8a: {  	s1 =	srdreg.scid  }
0x8b: {  	s0 =	sand.u32 $0x1, s1  }
0x8c: {  	s14 =	sshll.u32 s0, $0xA;
	s2 =	sadd.s32 s3, s2  }
0x8d: {  	s2 =	sadd.s32 s2, s14  }
0x8e: {  	[smem:$0x3FC1] =	sst s2  }
0x8f: {  	_ = 	snop  }
0x90: {  	s2 =	sld [smem:$0x3FD0];
	_ =	sdelay $0x2  }
0x91: {  	s15 =	simm.s32 $0xB;
	s4 =	simm.s32 $0x10  }
0x92: {  	[smem:s4], [sflag:s15] =	dma.local [hbm:s2], $0x1  }
0x93: {  	_ =	swait.eq [sflag:s15], $0x1  }
0x94: {  	[sflag:s15] =	ssyncset.done $0x0  }
0x95: {  	s16 =	sld [smem:$0x10];
	[sflag:s15] =	ssyncadd.s32 $0xFFFFFFFF  }
0x96: {  	s17 =	sld [smem:$0x11];
	(tm) =	ssettm $0x1  }
0x97: {  	s18 =	sld [smem:$0x3FFB];
	_ =	sdelay $0x3  }
0x98: {  	_ =	strace s18  }
0x99: {  	s4 =	sld [smem:$0x3FFC];
	_ =	sdelay $0x3  }
0x9a: {  	_ =	strace s4  }
0x9b: {  	s4 =	sld [smem:$0x3FFD];
	_ =	sdelay $0x3  }
0x9c: {  	_ =	strace s4  }
0x9d: {  	_ =	strace $0x8FFFFFFF  }
0x9e: {  	s19 =	sld [smem:$0x3FDB];
	_ =	sdelay $0x1  }
0x9f: {  	s5 =	simm.s32 $_scs_section_size  }
0xa0: {  	s6 =	simm.s32 $_size__tile_overlayer_lowered;
	s7 =	simm.s32 $_tile_overlayer_lowered  }
0xa1: {  	s22 =	simm.s32 $0x1BFF;
	s21 =	sshll.u32 s7, $0x1;
	s4 =	sadd.s32 s5, s19  }
0xa2: {  	s8 =	simm.s32 $0x0;
	s20 =	sshll.u32 s6, $0x1;
	s6 =	sadd.s32 s21, s4  }
0xa3: {  	[timem:s8], [sflag:s22] =	dma.local [hbm:s6], s20  }
0xa4: {  	_ =	swait.ge [sflag:s22], s20  }
0xa5: {  	s5 =	ssub.s32 $0x0, s20;
	[sflag:s22] =	ssyncset.done $0x0  }
0xa6: {  	[sflag:s22] =	ssyncadd.s32 s5;
	_ =	sdelay $0x1  }
0xa7: {  	s23 =	simm.s32 $0x1B8B  }
0xa8: {  	_ =	swait.ge [sflag:s23], $0x1  }
0xa9: {  	[sflag:s23] =	ssyncset.done $0x0  }
0xaa: {  	s25 =	simm.s32 $0x1B8E;
	s24 =	sld [smem:$0x3FFE];
	[sflag:s23] =	ssyncadd.s32 $0xFFFFFFFF  }
0xab: {  	s26 =	simm.s32 $execute0_lowered;
	[smem:$0x3FD2] =	sst s25  }
0xac: {  	s6 =	sshll.u32 s26, $0x1;
	_ =	strace $0x8000004C;
	[dreg:$0x1] =	wrdreg $0xFFFFFFFF  }
0xad: {  	s28 =	simm.s32 $_size_execute0_lowered;
	s4 =	sadd.s32 s4, s6;
	[dreg:$0x0] =	wrdreg $0x0  }
0xae: {  	s6 =	sshll.u32 s28, $0x1;
	[dreg:$0x2] =	wrdreg s4  }
0xaf: {  	[dreg:$0x3] =	wrdreg s6  }
0xb0: {  	[dreg:$0x4] =	wrdreg $0xC0  }
0xb1: {  	_ =	task [dreg:s8], $0x5FFFF  }
0xb2: {  	[dreg:$0x1] =	wrdreg $0xFFFFFFFF  }
0xb3: {  	[dreg:$0x0] =	wrdreg $0x60  }
0xb4: {  	[dreg:$0x2] =	wrdreg s24  }
0xb5: {  	[dreg:$0x3] =	wrdreg s17  }
0xb6: {  	[dreg:$0x4] =	wrdreg s16  }
0xb7: {  	[dreg:$0x5] =	wrdreg $0x52A80  }
0xb8: {  	[dreg:$0x6] =	wrdreg $0x9  }
0xb9: {  	_ =	task.clear_ibuf [dreg:s8], $0x7FFFF;
	_ =	strace $0x9000004C  }
0xba: {  	s29 =	simm.s32 $0x9;
	_ =	strace $0x8000004E  }
0xbb: {  	_ =	swait.ge [sflag:s29], $0x1  }
0xbc: {  	[sflag:s29] =	ssyncadd.s32 $0xFFFFFFFF  }
0xbd: {  	_ =	strace $0x9000004E  }
0xbe: {  	_ =	sfence  }
0xbf: {  	s30 =	sld [smem:$0x0];
	_ =	sdelay $0x2  }
0xc0: {  	s31 =	sshll.u32 s1, $0xD;
	s1 =	sshrl.u32 s1, $0x2  }
0xc1: {  	s3 =	sand.u32 $0x4000, s31;
	s1 =	sadd.s32 s1, s30  }
0xc2: {  	s0 =	sor.u32 s3, s0;
	s1 =	sshll.u32 s1, $0x11  }
0xc3: {  	s0 =	sor.u32 s1, s0  }
0xc4: {  	s0 =	sadd.s32 $0x8F2B, s0  }
0xc5: {  	[sflag:s0] =	ssyncadd.remote.s32 $0x1  }
0xc6: {  	_ =	sfence.sel $0xFFFF  }
0xc7: {  	[dreg:$0x0] =	wrdreg $0xFFFFFFFF;
	(pc) =	sbr.abs _section_cstart, $3  }
0xc8: {  	[dreg:$0x1] =	wrdreg $0xFFFFFFFF  }
0xc9: {  	_ =	task.clear_ibuf [dreg:s8], $0x2FFFF;
	_ =	strace $0x9FFFFFFF  }
0xca: {  	(tm) =	ssettm $0x7FFFFFFF  }
0xcb: {  	_ =	shalt  }
tec
execute0_lowered:
.L_overlay_start_1:
0x0: {  	(tag) =	ssettag $0x1  }
0x1: {  	s1 =	rddreg [dreg:$0x0]  }
0x2: {  	s0 =	srdreg.scid;
	s4 =	rddreg [dreg:$0x3]  }
0x3: {  	s3 =	stileid.u32;
	s5 =	simm.s32 $0x0;
	s0 =	sand.u32 $0x1, s0  }
0x4: {  	s7 =	smul.u32 $0x280, s3;
	s8 =	sadd.s32 $0x256E600, s1;
	[smem:$0x7FF] =	sst s5  }
0x5: {  	s30 =	sshll.u32 s3, $0x1;
	s2 =	ssub.s32 $0x2, s0;
	_ =	strace $0x8000004D  }
0x6: {  	s6 =	sshrl.u32 s2, $0x1;
	s9 =	sshrl.u32 s7, $0x3;
	s31 =	sor.u32 $0x28, s7  }
0x7: {  	s11 =	sor.u32 $0x50, s7;
	s12 =	sor.u32 $0x78, s7;
	s21 =	sadd.s32 $0xA0, s7  }
0x8: {  	s14 =	sadd.s32 $0xC8, s7;
	s15 =	sadd.s32 $0x118, s7;
	s25 =	sadd.s32 $0x168, s7  }
0x9: {  	s26 =	sadd.s32 $0x1B8, s7;
	s2 =	ssub.s32 s2, s6;
	s6 =	sor.u32 s0, s30  }
0xa: {  	s16 =	sadd.s32 s8, s9;
	s10 =	sshrl.u32 s31, $0x3;
	s0 =	smul.u32 $0x168000, s0  }
0xb: {  	s20 =	sshrl.u32 s11, $0x3;
	s13 =	sshrl.u32 s12, $0x3;
	s9 =	smul.u32 $0x90, s31  }
0xc: {  	s22 =	sshrl.u32 s21, $0x3;
	s23 =	sshrl.u32 s14, $0x3;
	s11 =	smul.u32 $0x90, s11  }
0xd: {  	s24 =	sshrl.u32 s15, $0x3;
	s29 =	sshrl.u32 s26, $0x3;
	s12 =	smul.u32 $0x90, s12  }
0xe: {  	s30 =	sadd.s32 $0x208, s7;
	s7 =	sadd.s32 $0x258, s7;
	s31 =	smul.u32 $0x16800, s3  }
0xf: {  	s14 =	smul.u32 $0x90, s21;
	s17 =	sadd.s32 s8, s10;
	s18 =	sadd.s32 s8, s20  }
0x10: {  	s19 =	sadd.s32 s8, s13;
	s20 =	sadd.s32 s8, s22;
	[dreg:$0x5] =	wrdreg s16  }
0x11: {  	s22 =	sadd.s32 s8, s23;
	s23 =	sadd.s32 s8, s24;
	[dreg:$0x6] =	wrdreg s17  }
0x12: {  	s13 =	sshrl.u32 s25, $0x3;
	s25 =	sadd.s32 s8, s29;
	[dreg:$0x7] =	wrdreg s18  }
0x13: {  	s7 =	sshrl.u32 s7, $0x3;
	s24 =	sadd.s32 s8, s13;
	[dreg:$0x8] =	wrdreg s19  }
0x14: {  	s13 =	sshrl.u32 s30, $0x3;
	s3 =	sadd.s32 s8, s7;
	[dreg:$0x9] =	wrdreg s20  }
0x15: {  	s9 =	sadd.s32 s0, s9;
	s15 =	sadd.s32 s0, s11;
	[dreg:$0xa] =	wrdreg s22  }
0x16: {  	s21 =	sadd.s32 s0, s12;
	s7 =	sadd.s32 $0x256F000, s1;
	[dreg:$0xb] =	wrdreg s23  }
0x17: {  	[dreg:$0xd] =	wrdreg s25;
	s26 =	sadd.s32 s8, s13;
	s8 =	sadd.s32 s31, s0  }
0x18: {  	s0 =	sadd.s32 s0, s14;
	s9 =	sshrl.u32 s9, $0x3;
	[dreg:$0xc] =	wrdreg s24  }
0x19: {  	s30 =	sshrl.u32 s15, $0x3;
	s31 =	sshrl.u32 s21, $0x3;
	[dreg:$0xf] =	wrdreg s3  }
0x1a: {  	s29 =	sshrl.u32 s8, $0x3;
	s9 =	sadd.s32 s7, s9;
	s0 =	sshrl.u32 s0, $0x3  }
0x1b: {  	s10 =	sadd.s32 $0x8700, s8;
	s11 =	sadd.s32 $0x9D80, s8;
	[dreg:$0xe] =	wrdreg s26  }
0x1c: {  	s15 =	sadd.s32 $0xB400, s8;
	s12 =	sadd.s32 s7, s29;
	[dreg:$0x11] =	wrdreg s9  }
0x1d: {  	s21 =	sadd.s32 $0xCA80, s8;
	s9 =	sadd.s32 s7, s30;
	[dreg:$0x10] =	wrdreg s12  }
0x1e: {  	s0 =	sadd.s32 s7, s0;
	s13 =	sshrl.u32 s11, $0x3;
	[dreg:$0x12] =	wrdreg s9  }
0x1f: {  	s29 =	sadd.s32 $0xE100, s8;
	s9 =	sadd.s32 s7, s31;
	[dreg:$0x14] =	wrdreg s0  }
0x20: {  	s14 =	sadd.s32 s7, s13;
	s31 =	sshrl.u32 s29, $0x3;
	[dreg:$0x13] =	wrdreg s9  }
0x21: {  	s12 =	sshrl.u32 s10, $0x3;
	[dreg:$0x17] =	wrdreg s14;
	s10 =	sadd.s32 s7, s31  }
0x22: {  	s30 =	sshrl.u32 s21, $0x3;
	s31 =	sadd.s32 $0x27DF600, s1;
	[dreg:$0x1a] =	wrdreg s10  }
0x23: {  	s9 =	sadd.s32 $0x7080, s8;
	[dreg:$0x1e] =	wrdreg s31;
	s31 =	smax.u32 s2, $0x1  }
0x24: {  	s0 =	sshrl.u32 s9, $0x3;
	s2 =	sadd.s32 $0x28, s16;
	[smem:$0x7F8] =	sst s31  }
0x25: {  	s11 =	sadd.s32 $0xF780, s8;
	s0 =	sadd.s32 s7, s0;
	[smem:$0x7FA] =	sst s2  }
0x26: {  	s13 =	sadd.s32 $0x12480, s8;
	[dreg:$0x15] =	wrdreg s0;
	s0 =	sadd.s32 s7, s12  }
0x27: {  	s29 =	sadd.s32 $0x13B00, s8;
	s12 =	sadd.s32 $0x10E00, s8;
	[dreg:$0x16] =	wrdreg s0  }
0x28: {  	s0 =	sshrl.u32 s15, $0x3;
	s14 =	sshrl.u32 s12, $0x3;
	s12 =	sadd.s32 $0x26A6E00, s1  }
0x29: {  	s15 =	sshrl.u32 s13, $0x3;
	s13 =	sadd.s32 $0x21C4E00, s1;
	[smem:$0x7F1] =	sst s12  }
0x2a: {  	s8 =	sadd.s32 $0x15180, s8;
	s0 =	sadd.s32 s7, s0;
	[smem:$0x7F2] =	sst s13  }
0x2b: {  	s8 =	sshrl.u32 s8, $0x3;
	s21 =	sadd.s32 s7, s15;
	[dreg:$0x18] =	wrdreg s0  }
0x2c: {  	s15 =	sadd.s32 s7, s8;
	[dreg:$0x1d] =	wrdreg s21  }
0x2d: {  	s8 =	sadd.s32 $0x46, s16;
	[smem:$0x7F4] =	sst s15  }
0x2e: {  	s0 =	sadd.s32 s7, s30;
	[smem:$0x7FD] =	sst s8  }
0x2f: {  	s30 =	sshrl.u32 s29, $0x3;
	s21 =	sadd.s32 $0x256EC00, s1;
	[dreg:$0x19] =	wrdreg s0  }
0x30: {  	s29 =	smul.u32 $0x4E200, s6;
	s10 =	sadd.s32 s7, s30;
	[smem:$0x7F5] =	sst s21  }
0x31: {  	s0 =	sshrl.u32 s11, $0x3;
	s11 =	sadd.s32 $0x15C4E00, s1;
	[dreg:$0x1f] =	wrdreg s10  }
0x32: {  	[smem:$0x7F0] =	sst s11  }
0x33: {  	s28 =	simm.s32 $0x28;
	s1 =	sadd.s32 $0x1E, s16;
	[smem:$0x7F6] =	sst s29  }
0x34: {  	s30 =	smul.u32 $0xEA600, s6;
	s0 =	sadd.s32 s7, s0;
	[smem:$0x7F9] =	sst s1  }
0x35: {  	s9 =	simm.s32 $0x3C28;
	s12 =	simm.s32 $0x4;
	[dreg:$0x1b] =	wrdreg s0  }
0x36: {  	s13 =	simm.s32 $0x5;
	s0 =	sadd.s32 s7, s14;
	[smem:$0x7F7] =	sst s30  }
0x37: {  	s14 =	smul.u32 $0x2710, s6;
	s6 =	sadd.s32 $0x32, s16;
	[dreg:$0x1c] =	wrdreg s0  }
0x38: {  	v0 =	vlaneseq.u32;
	s15 =	simm.s32 $0x2;
	s7 =	sadd.s32 $0x3C, s16;
	[smem:$0x7FB] =	sst s6  }
0x39: {  	vm0 =	vmmov $0xff;
	vm1 =	vcmask $0x2F20;
	vm2 =	vcmask $0x3F20;
	s21 =	simm.s32 $0x7;
	s10 =	simm.s32 $0x1;
	[smem:$0x7FC] =	sst s7  }
0x3a: {  	vm3 =	vcmask $0x3F10;
	vm4 =	vmmov $0xfff;
	vm5 =	vmmov $0xf;
	s11 =	simm.s32 $0x0;
	[smem:$0x7F3] =	sst s14;
	s14 =	simm.s32 $0x6  }
.LBB2_1:
0x3b: {  	s0 =	sld [smem:$0x7F5];
	_ =	sdelay $0x1  }
0x3c: {  	[smem:$0x7EF] =	sst s11  }
0x3d: {  	[tilespmem:s9], [sflag:$0x7] =	stream.linear.gather [hbm4b:s0+s5], $0x1680, $0x38;
	[tilespmem:$0x1BAA8] =	vst v63  }
0x3e: {  	_ =	swait.ge [sflag:s21], $0x1680  }
0x3f: {  	[sflag:s21] =	ssyncset.done $0x0  }
0x40: {  	[sflag:s21] =	ssyncadd.s32 $0xFFFFE980  }
0x41: {  	[tilespmem:s5], [sflag:$0x7] =	stream.linear.gather [hbm4b:s16+s5], $0x28, $0x38;
	[tilespmem:$0x1BAA8] =	vst v63  }
0x42: {  	_ =	swait.ge [sflag:s21], $0x28  }
0x43: {  	[sflag:s21] =	ssyncset.done $0x0  }
0x44: {  	[sflag:s21] =	ssyncadd.s32 $0xFFFFFFD8  }
0x45: {  	[spmem:s4] =	stream.indirect.scatter [tilespmem:s9], [sflag:$0x7], $0x90, s5, s28, $0xb8;
	[tilespmem:$0x1BAA8] =	vst v63  }
0x46: {  	_ =	swait.ge [sflag:s21], $0x1680  }
0x47: {  	[sflag:s21] =	ssyncset.done $0x0  }
0x48: {  	[sflag:s21] =	ssyncadd.s32 $0xFFFFE980  }
0x49: {  	[tilespmem:s5], [sflag:$0x7] =	stream.linear.gather [hbm4b:s17+s5], $0x28, $0x38;
	[tilespmem:$0x1BAA8] =	vst v63  }
0x4a: {  	_ =	swait.ge [sflag:s21], $0x28  }
0x4b: {  	[sflag:s21] =	ssyncset.done $0x0  }
0x4c: {  	[sflag:s21] =	ssyncadd.s32 $0xFFFFFFD8  }
0x4d: {  	[spmem:s4] =	stream.indirect.scatter [tilespmem:s9], [sflag:$0x7], $0x90, s5, s28, $0xb8;
	[tilespmem:$0x1BAA8] =	vst v63  }
0x4e: {  	_ =	swait.ge [sflag:s21], $0x1680  }
0x4f: {  	[sflag:s21] =	ssyncset.done $0x0  }
0x50: {  	[sflag:s21] =	ssyncadd.s32 $0xFFFFE980  }
0x51: {  	[tilespmem:s5], [sflag:$0x7] =	stream.linear.gather [hbm4b:s18+s5], $0x28, $0x38;
	[tilespmem:$0x1BAA8] =	vst v63  }
0x52: {  	_ =	swait.ge [sflag:s21], $0x28  }
0x53: {  	[sflag:s21] =	ssyncset.done $0x0  }
0x54: {  	[sflag:s21] =	ssyncadd.s32 $0xFFFFFFD8  }
0x55: {  	[spmem:s4] =	stream.indirect.scatter [tilespmem:s9], [sflag:$0x7], $0x90, s5, s28, $0xb8;
	[tilespmem:$0x1BAA8] =	vst v63  }
0x56: {  	_ =	swait.ge [sflag:s21], $0x1680  }
0x57: {  	[sflag:s21] =	ssyncset.done $0x0  }
0x58: {  	[sflag:s21] =	ssyncadd.s32 $0xFFFFE980  }
0x59: {  	[tilespmem:s5], [sflag:$0x7] =	stream.linear.gather [hbm4b:s19+s5], $0x28, $0x38;
	[tilespmem:$0x1BAA8] =	vst v63  }
0x5a: {  	_ =	swait.ge [sflag:s21], $0x28  }
0x5b: {  	[sflag:s21] =	ssyncset.done $0x0  }
0x5c: {  	[sflag:s21] =	ssyncadd.s32 $0xFFFFFFD8  }
0x5d: {  	[spmem:s4] =	stream.indirect.scatter [tilespmem:s9], [sflag:$0x7], $0x90, s5, s28, $0xb8;
	[tilespmem:$0x1BAA8] =	vst v63  }
0x5e: {  	_ =	swait.ge [sflag:s21], $0x1680  }
0x5f: {  	[sflag:s21] =	ssyncset.done $0x0  }
0x60: {  	[sflag:s21] =	ssyncadd.s32 $0xFFFFE980  }
0x61: {  	[tilespmem:s5], [sflag:$0x7] =	stream.linear.gather [hbm4b:s20+s5], $0x28, $0x38;
	[tilespmem:$0x1BAA8] =	vst v63  }
0x62: {  	_ =	swait.ge [sflag:s21], $0x28  }
0x63: {  	[sflag:s21] =	ssyncset.done $0x0  }
0x64: {  	[sflag:s21] =	ssyncadd.s32 $0xFFFFFFD8  }
0x65: {  	[spmem:s4] =	stream.indirect.scatter [tilespmem:s9], [sflag:$0x7], $0x90, s5, s28, $0xb8;
	[tilespmem:$0x1BAA8] =	vst v63  }
0x66: {  	_ =	swait.ge [sflag:s21], $0x1680  }
0x67: {  	[sflag:s21] =	ssyncset.done $0x0  }
0x68: {  	[sflag:s21] =	ssyncadd.s32 $0xFFFFE980  }
0x69: {  	[tilespmem:s5], [sflag:$0x7] =	stream.linear.gather [hbm4b:s22+s5], $0x28, $0x38;
	[tilespmem:$0x1BAA8] =	vst v63  }
0x6a: {  	_ =	swait.ge [sflag:s21], $0x28  }
0x6b: {  	[sflag:s21] =	ssyncset.done $0x0  }
0x6c: {  	[sflag:s21] =	ssyncadd.s32 $0xFFFFFFD8  }
0x6d: {  	[spmem:s4] =	stream.indirect.scatter [tilespmem:s9], [sflag:$0x7], $0x90, s5, s28, $0xb8;
	[tilespmem:$0x1BAA8] =	vst v63  }
0x6e: {  	_ =	swait.ge [sflag:s21], $0x1680  }
0x6f: {  	[sflag:s21] =	ssyncset.done $0x0  }
0x70: {  	[sflag:s21] =	ssyncadd.s32 $0xFFFFE980  }
0x71: {  	[tilespmem:s5], [sflag:$0x7] =	stream.linear.gather [hbm4b:s1+s5], $0x28, $0x38;
	[tilespmem:$0x1BAA8] =	vst v63  }
0x72: {  	_ =	swait.ge [sflag:s21], $0x28  }
0x73: {  	[sflag:s21] =	ssyncset.done $0x0  }
0x74: {  	[sflag:s21] =	ssyncadd.s32 $0xFFFFFFD8  }
0x75: {  	[spmem:s4] =	stream.indirect.scatter [tilespmem:s9], [sflag:$0x7], $0x90, s5, s28, $0xb8;
	[tilespmem:$0x1BAA8] =	vst v63  }
0x76: {  	_ =	swait.ge [sflag:s21], $0x1680  }
0x77: {  	[sflag:s21] =	ssyncset.done $0x0  }
0x78: {  	[sflag:s21] =	ssyncadd.s32 $0xFFFFE980  }
0x79: {  	[tilespmem:s5], [sflag:$0x7] =	stream.linear.gather [hbm4b:s23+s5], $0x28, $0x38;
	[tilespmem:$0x1BAA8] =	vst v63  }
0x7a: {  	_ =	swait.ge [sflag:s21], $0x28  }
0x7b: {  	[sflag:s21] =	ssyncset.done $0x0  }
0x7c: {  	[sflag:s21] =	ssyncadd.s32 $0xFFFFFFD8  }
0x7d: {  	[spmem:s4] =	stream.indirect.scatter [tilespmem:s9], [sflag:$0x7], $0x90, s5, s28, $0xb8;
	[tilespmem:$0x1BAA8] =	vst v63  }
0x7e: {  	_ =	swait.ge [sflag:s21], $0x1680  }
0x7f: {  	[sflag:s21] =	ssyncset.done $0x0  }
0x80: {  	[sflag:s21] =	ssyncadd.s32 $0xFFFFE980  }
0x81: {  	[tilespmem:s5], [sflag:$0x7] =	stream.linear.gather [hbm4b:s2+s5], $0x28, $0x38;
	[tilespmem:$0x1BAA8] =	vst v63  }
0x82: {  	_ =	swait.ge [sflag:s21], $0x28  }
0x83: {  	[sflag:s21] =	ssyncset.done $0x0  }
0x84: {  	[sflag:s21] =	ssyncadd.s32 $0xFFFFFFD8  }
0x85: {  	[spmem:s4] =	stream.indirect.scatter [tilespmem:s9], [sflag:$0x7], $0x90, s5, s28, $0xb8;
	[tilespmem:$0x1BAA8] =	vst v63  }
0x86: {  	_ =	swait.ge [sflag:s21], $0x1680  }
0x87: {  	[sflag:s21] =	ssyncset.done $0x0  }
0x88: {  	[sflag:s21] =	ssyncadd.s32 $0xFFFFE980  }
0x89: {  	[tilespmem:s5], [sflag:$0x7] =	stream.linear.gather [hbm4b:s24+s5], $0x28, $0x38;
	[tilespmem:$0x1BAA8] =	vst v63  }
0x8a: {  	_ =	swait.ge [sflag:s21], $0x28  }
0x8b: {  	[sflag:s21] =	ssyncset.done $0x0  }
0x8c: {  	[sflag:s21] =	ssyncadd.s32 $0xFFFFFFD8  }
0x8d: {  	[spmem:s4] =	stream.indirect.scatter [tilespmem:s9], [sflag:$0x7], $0x90, s5, s28, $0xb8;
	[tilespmem:$0x1BAA8] =	vst v63  }
0x8e: {  	_ =	swait.ge [sflag:s21], $0x1680  }
0x8f: {  	[sflag:s21] =	ssyncset.done $0x0  }
0x90: {  	[sflag:s21] =	ssyncadd.s32 $0xFFFFE980  }
0x91: {  	[tilespmem:s5], [sflag:$0x7] =	stream.linear.gather [hbm4b:s6+s5], $0x28, $0x38;
	[tilespmem:$0x1BAA8] =	vst v63  }
0x92: {  	_ =	swait.ge [sflag:s21], $0x28  }
0x93: {  	[sflag:s21] =	ssyncset.done $0x0  }
0x94: {  	[sflag:s21] =	ssyncadd.s32 $0xFFFFFFD8  }
0x95: {  	[spmem:s4] =	stream.indirect.scatter [tilespmem:s9], [sflag:$0x7], $0x90, s5, s28, $0xb8;
	[tilespmem:$0x1BAA8] =	vst v63  }
0x96: {  	_ =	swait.ge [sflag:s21], $0x1680  }
0x97: {  	[sflag:s21] =	ssyncset.done $0x0  }
0x98: {  	[sflag:s21] =	ssyncadd.s32 $0xFFFFE980  }
0x99: {  	[tilespmem:s5], [sflag:$0x7] =	stream.linear.gather [hbm4b:s25+s5], $0x28, $0x38;
	[tilespmem:$0x1BAA8] =	vst v63  }
0x9a: {  	_ =	swait.ge [sflag:s21], $0x28  }
0x9b: {  	[sflag:s21] =	ssyncset.done $0x0  }
0x9c: {  	[sflag:s21] =	ssyncadd.s32 $0xFFFFFFD8  }
0x9d: {  	[spmem:s4] =	stream.indirect.scatter [tilespmem:s9], [sflag:$0x7], $0x90, s5, s28, $0xb8;
	[tilespmem:$0x1BAA8] =	vst v63  }
0x9e: {  	_ =	swait.ge [sflag:s21], $0x1680  }
0x9f: {  	[sflag:s21] =	ssyncset.done $0x0  }
0xa0: {  	[sflag:s21] =	ssyncadd.s32 $0xFFFFE980  }
0xa1: {  	[tilespmem:s5], [sflag:$0x7] =	stream.linear.gather [hbm4b:s7+s5], $0x28, $0x38;
	[tilespmem:$0x1BAA8] =	vst v63  }
0xa2: {  	_ =	swait.ge [sflag:s21], $0x28  }
0xa3: {  	[sflag:s21] =	ssyncset.done $0x0  }
0xa4: {  	[sflag:s21] =	ssyncadd.s32 $0xFFFFFFD8  }
0xa5: {  	[spmem:s4] =	stream.indirect.scatter [tilespmem:s9], [sflag:$0x7], $0x90, s5, s28, $0xb8;
	[tilespmem:$0x1BAA8] =	vst v63  }
0xa6: {  	_ =	swait.ge [sflag:s21], $0x1680  }
0xa7: {  	[sflag:s21] =	ssyncset.done $0x0  }
0xa8: {  	[sflag:s21] =	ssyncadd.s32 $0xFFFFE980  }
0xa9: {  	[tilespmem:s5], [sflag:$0x7] =	stream.linear.gather [hbm4b:s26+s5], $0x28, $0x38;
	[tilespmem:$0x1BAA8] =	vst v63  }
0xaa: {  	_ =	swait.ge [sflag:s21], $0x28  }
0xab: {  	[sflag:s21] =	ssyncset.done $0x0  }
0xac: {  	[sflag:s21] =	ssyncadd.s32 $0xFFFFFFD8  }
0xad: {  	[spmem:s4] =	stream.indirect.scatter [tilespmem:s9], [sflag:$0x7], $0x90, s5, s28, $0xb8;
	[tilespmem:$0x1BAA8] =	vst v63  }
0xae: {  	_ =	swait.ge [sflag:s21], $0x1680  }
0xaf: {  	[sflag:s21] =	ssyncset.done $0x0  }
0xb0: {  	[sflag:s21] =	ssyncadd.s32 $0xFFFFE980  }
0xb1: {  	[tilespmem:s5], [sflag:$0x7] =	stream.linear.gather [hbm4b:s8+s5], $0x28, $0x38;
	[tilespmem:$0x1BAA8] =	vst v63  }
0xb2: {  	_ =	swait.ge [sflag:s21], $0x28  }
0xb3: {  	[sflag:s21] =	ssyncset.done $0x0  }
0xb4: {  	[sflag:s21] =	ssyncadd.s32 $0xFFFFFFD8  }
0xb5: {  	[spmem:s4] =	stream.indirect.scatter [tilespmem:s9], [sflag:$0x7], $0x90, s5, s28, $0xb8;
	[tilespmem:$0x1BAA8] =	vst v63  }
0xb6: {  	_ =	swait.ge [sflag:s21], $0x1680  }
0xb7: {  	[sflag:s21] =	ssyncset.done $0x0  }
0xb8: {  	[sflag:s21] =	ssyncadd.s32 $0xFFFFE980  }
0xb9: {  	[tilespmem:s5], [sflag:$0x7] =	stream.linear.gather [hbm4b:s3+s5], $0x28, $0x38;
	[tilespmem:$0x1BAA8] =	vst v63  }
0xba: {  	_ =	swait.ge [sflag:s21], $0x28  }
0xbb: {  	[sflag:s21] =	ssyncset.done $0x0  }
0xbc: {  	[sflag:s21] =	ssyncadd.s32 $0xFFFFFFD8  }
0xbd: {  	[spmem:s4] =	stream.indirect.scatter [tilespmem:s9], [sflag:$0x7], $0x90, s5, s28, $0xb8;
	[tilespmem:$0x1BAA8] =	vst v63  }
0xbe: {  	_ =	swait.ge [sflag:s21], $0x1680  }
0xbf: {  	[sflag:s21] =	ssyncset.done $0x0  }
0xc0: {  	[sflag:s21] =	ssyncadd.s32 $0xFFFFE980  }
0xc1: {  	s6 =	simm.s32 $0x0;
	[bflag:$0x0] =	sbarrier.arrive $0xFFFF  }
.LBB2_2:
0xc2: {  	s0 =	sld [smem:$0x7F3]  }
0xc3: {  	s2 =	smul.u32 $0x28, s6;
	s25 =	rddreg [dreg:$0x2]  }
0xc4: {  	s11 =	smov.u32 s4;
	s26 =	sld [smem:$0x7F6]  }
0xc5: {  	s16 =	smul.u32 $0x500, s6;
	s1 =	rddreg [dreg:$0x1e];
	s2 =	sadd.s32 s0, s2  }
0xc6: {  	s4 =	simm.s32 $0x1428;
	s7 =	sld [smem:$0x7F7];
	s2 =	sshrl.u32 s2, $0x3  }
0xc7: {  	s0 =	sadd.s32 s26, s16;
	s26 =	smul.u32 $0xF00, s6;
	s2 =	sadd.s32 s25, s2  }
0xc8: {  	[tilespmem:s5], [sflag:$0x1] =	stream.linear.gather [hbm4b:s2+s5], $0x28, $0x38;
	[tilespmem:$0x1BAA8] =	vst v63  }
0xc9: {  	s9 =	sld [smem:$0x7F0];
	s8 =	sadd.s32 s7, s26;
	s2 =	sshrl.u32 s0, $0x3  }
0xca: {  	s19 =	sld [smem:$0x7F1];
	s16 =	sshrl.u32 s8, $0x3;
	s3 =	sadd.s32 s1, s2  }
0xcb: {  	[tilespmem:s4], [sflag:$0x3] =	stream.linear.gather [hbm4b:s3+s5], $0x500, $0x38;
	[tilespmem:$0x1BAA8] =	vst v63  }
0xcc: {  	s18 =	simm.s32 $0x1928;
	s22 =	sld [smem:$0x7F2];
	s17 =	sadd.s32 s9, s16  }
0xcd: {  	[tilespmem:s18], [sflag:$0x4] =	stream.linear.gather [hbm4b:s17+s5], $0xF00, $0x38;
	[tilespmem:$0x1BAA8] =	vst v63  }
0xce: {  	s20 =	simm.s32 $0x2828;
	s2 =	sadd.s32 s19, s2  }
0xcf: {  	[tilespmem:s20], [sflag:$0x5] =	stream.linear.gather [hbm4b:s2+s5], $0x500, $0x38;
	[tilespmem:$0x1BAA8] =	vst v63  }
0xd0: {  	s24 =	simm.s32 $0x2D28;
	s23 =	sadd.s32 s22, s16  }
0xd1: {  	[tilespmem:s24], [sflag:$0x6] =	stream.linear.gather [hbm4b:s23+s5], $0xF00, $0x38;
	[tilespmem:$0x1BAA8] =	vst v63  }
0xd2: {  	_ =	swait.ge [sflag:s10], $0x28  }
0xd3: {  	[sflag:s10] =	ssyncset.done $0x0  }
0xd4: {  	[sflag:s10] =	ssyncadd.s32 $0xFFFFFFD8  }
0xd5: {  	s26 =	simm.s32 $0x3;
	s25 =	rddreg [dreg:$0x1]  }
0xd6: {  	[tilespmem:s28], [sflag:$0x2] =	stream.indirect.gather [hbm4b:s25+s28], $0x80, s5, s28, $0xb8;
	[tilespmem:$0x1BAA8] =	vst v63  }
0xd7: {  	_ =	swait.ge [sflag:s26], $0x500  }
0xd8: {  	[sflag:s26] =	ssyncset.done $0x0  }
0xd9: {  	[sflag:s26] =	ssyncadd.s32 $0xFFFFFB00  }
0xda: {  	_ =	swait.ge [sflag:s12], $0xF00  }
0xdb: {  	[sflag:s12] =	ssyncset.done $0x0  }
0xdc: {  	[sflag:s12] =	ssyncadd.s32 $0xFFFFF100  }
0xdd: {  	_ =	swait.ge [sflag:s13], $0x500  }
0xde: {  	[sflag:s13] =	ssyncset.done $0x0  }
0xdf: {  	[sflag:s13] =	ssyncadd.s32 $0xFFFFFB00  }
0xe0: {  	_ =	swait.ge [sflag:s14], $0xF00  }
0xe1: {  	[sflag:s14] =	ssyncset.done $0x0  }
0xe2: {  	s29 =	simm.s32 $0x19E8;
	[sflag:s14] =	ssyncadd.s32 $0xFFFFF100  }
0xe3: {  	s30 =	simm.s32 $0x2868;
	s31 =	simm.s32 $0x1468;
	_ =	swait.ge [sflag:s15], $0x1400  }
0xe4: {  	s16 =	simm.s32 $0x128;
	s2 =	simm.s32 $0x3D48;
	[sflag:s15] =	ssyncset.done $0x0  }
0xe5: {  	s28 =	simm.s32 $0x2DE8;
	s26 =	simm.s32 $0xFFFFFFFC;
	[sflag:s15] =	ssyncadd.s32 $0xFFFFEC00  }
.LBB2_3:
0xe6: {  	v1 =	vld [tilespmem:s31+$0xFFFFFFC0]  }
0xe7: {  	v2 =	vld [tilespmem:s16+$0xFFFFFF00];
	_ =	sdelay $0x2  }
0xe8: {  	v3 =	vld [tilespmem:s31+$0xFFFFFFD0]  }
0xe9: {  	v4 =	vld [tilespmem:s16+$0xFFFFFF10]  }
0xea: {  	v1 =	vmul.f32 v2, v1;
	_ =	sdelay $0x1  }
0xeb: {  	v2 =	vld [tilespmem:s16+$0xFFFFFF20];
	(xrf2) =	vadd.scan.msk.f32 $0xffff, v1  }
0xec: {  	v1 =	vld [tilespmem:s29+$0xFFFFFF40]  }
0xed: {  	v36 =	vld [tilespmem:s29+$0xFFFFFF50];
	v3 =	vmul.f32 v4, v3  }
0xee: {  	v5 =	vld [tilespmem:s16+$0xFFFFFF30]  }
0xef: {  	v6 =	vld [tilespmem:s16+$0xFFFFFF40];
	(xrf2) =	vadd.scan.msk.f32 $0xffff, v3  }
0xf0: {  	v3 =	vld [tilespmem:s29+$0xFFFFFF60]  }
0xf1: {  	v7 =	vld [tilespmem:s16+$0xFFFFFF50];
	v1 =	vmul.f32 v2, v1  }
0xf2: {  	v2 =	vld [tilespmem:s29+$0xFFFFFF70]  }
0xf3: {  	v37 =	vld [tilespmem:s29+$0xFFFFFF80];
	(xrf2) =	vadd.scan.msk.f32 $0xffff, v1;
	v1 =	vmul.f32 v5, v36  }
0xf4: {  	v38 =	vld [tilespmem:s16+$0xFFFFFF60]  }
0xf5: {  	v8, _, _ =	vpop (xrf2);
	(xrf2) =	vadd.scan.msk.f32 $0xffff, v1;
	v1 =	vmul.f32 v6, v3  }
0xf6: {  	(v2sf) =	vpush v8, $0x3  }
0xf7: {  	(v2sf) =	vpush v8, $0x7;
	(xrf2) =	vadd.scan.msk.f32 $0xffff, v1;
	v1 =	vmul.f32 v7, v2  }
0xf8: {  	(v2sf) =	vpush v8, $0xB  }
0xf9: {  	v2, _, _ =	vpop (xrf2);
	(v2sf) =	vpush v8, $0xF;
	(xrf2) =	vadd.scan.msk.f32 $0xffff, v1;
	v1 =	vmul.f32 v38, v37  }
0xfa: {  	(v2sf) =	vpush v2, $0x3  }
0xfb: {  	(v2sf) =	vpush v2, $0x7;
	(xrf2) =	vadd.scan.msk.f32 $0xffff, v1  }
0xfc: {  	(v2sf) =	vpush v2, $0xB  }
0xfd: {  	(v2sf) =	vpush v2, $0xF;
	v1, _, _ =	vpop (xrf2)  }
0xfe: {  	(v2sf) =	vpush v1, $0xF  }
0xff: {  	v2, _, _ =	vpop (xrf2)  }
0x100: {  	(v2sf) =	vpush v2, $0xF  }
0x101: {  	v3, _, _ =	vpop (xrf2)  }
0x102: {  	(v2sf) =	vpush v3, $0xF  }
0x103: {  	v39, _, _ =	vpop (xrf2)  }
0x104: {  	v40 =	vld [tilespmem:s29+$0xFFFFFF90];
	(v2sf) =	vpush v39, $0xF  }
0x105: {  	v42 =	vld [tilespmem:s16+$0xFFFFFF70];
	s3 =	spop (v2sf);
	v41, _, _ =	vpop (xrf2)  }
0x106: {  	s25 =	spop (v2sf);
	(v2sf) =	vpush v41, $0xF  }
0x107: {  	s7 =	spop (v2sf);
	(v2sf) =	vpush v1, $0xB  }
0x108: {  	s8 =	spop (v2sf);
	(v2sf) =	vpush v2, $0x7  }
0x109: {  	s9 =	spop (v2sf)  }
0x10a: {  	v1 =	vmul.f32 v42, v40;
	s4 =	spop (v2sf)  }
0x10b: {  	s0 =	spop (v2sf);
	(v2sf) =	vpush v3, $0x3  }
0x10c: {  	s17 =	ssub.f32 s25, s3;
	(xrf2) =	vadd.scan.msk.f32 $0xffff, v1;
	s18 =	spop (v2sf)  }
0x10d: {  	s25 =	ssub.f32 s7, s25;
	s19 =	spop (v2sf)  }
0x10e: {  	s19 =	sadd.f32 $0.0e+00, s19  }
0x10f: {  	s7 =	ssub.f32 s8, s7;
	s24 =	spop (v2sf)  }
0x110: {  	s8 =	sadd.f32 s24, s19  }
0x111: {  	s20 =	ssub.f32 s4, s9;
	(v2sf) =	vpush v39, $0xB;
	s23 =	spop (v2sf)  }
0x112: {  	(v2sf) =	vpush v41, $0x7;
	s23 =	sadd.f32 s23, s8  }
0x113: {  	s4 =	ssub.f32 s0, s4;
	s24 =	spop (v2sf)  }
0x114: {  	s24 =	sadd.f32 s24, s23  }
0x115: {  	s0 =	ssub.f32 s18, s0;
	s1 =	spop (v2sf)  }
0x116: {  	v1, _, _ =	vpop (xrf2);
	s18 =	sadd.f32 s1, s24;
	s1 =	spop (v2sf)  }
0x117: {  	(v2sf) =	vpush v1, $0x3;
	s1 =	sadd.f32 $0.0e+00, s1;
	s22 =	spop (v2sf)  }
0x118: {  	(v2sf) =	vpush v1, $0xF;
	s19 =	sadd.f32 s22, s19  }
0x119: {  	s3 =	sadd.f32 s1, s3  }
0x11a: {  	s1 =	ssub.f32 s19, s1;
	s22 =	spop (v2sf)  }
0x11b: {  	s8 =	sadd.f32 s22, s8  }
0x11c: {  	s1 =	sadd.f32 s1, s17  }
0x11d: {  	s22 =	ssub.f32 s8, s19  }
0x11e: {  	s8 =	ssub.f32 s23, s8  }
0x11f: {  	s17 =	sadd.f32 s22, s25  }
0x120: {  	s19 =	spop (v2sf);
	s7 =	sadd.f32 s8, s7  }
0x121: {  	s8 =	sadd.f32 s19, s23;
	s22 =	spop (v2sf)  }
0x122: {  	s19 =	sadd.f32 s22, s24  }
0x123: {  	s25 =	ssub.f32 s8, s23  }
0x124: {  	s8 =	ssub.f32 s19, s8  }
0x125: {  	s9 =	sadd.f32 s25, s9  }
0x126: {  	vm6 =	veq.s32 v0, $0x0;
	v1 =	vmov s3;
	s23 =	spop (v2sf);
	s8 =	sadd.f32 s8, s20  }
0x127: {  	vm7 =	veq.s32 v0, $0x1;
	v1 =	vnsel vm6, $0x0, v1;
	s24 =	sadd.f32 s23, s18;
	s25 =	spop (v2sf)  }
0x128: {  	vm8 =	veq.s32 v0, $0x2;
	v1 =	vsel vm7, s1, v1;
	s18 =	sadd.f32 s25, s18  }
0x129: {  	vm9 =	veq.s32 v0, $0x3;
	v1 =	vsel vm8, s17, v1;
	s20 =	ssub.f32 s24, s19  }
0x12a: {  	vm10 =	veq.s32 v0, $0x4;
	v1 =	vsel vm9, s7, v1;
	s3 =	ssub.f32 s18, s24  }
0x12b: {  	vm11 =	veq.s32 v0, $0x5;
	v1 =	vsel vm10, s9, v1;
	s1 =	sadd.f32 s20, s4  }
0x12c: {  	vm12 =	veq.s32 v0, $0x6;
	v1 =	vsel vm11, s8, v1;
	s0 =	sadd.f32 s3, s0  }
0x12d: {  	vm13 =	veq.s32 v0, $0x7;
	v1 =	vsel vm12, s1, v1  }
0x12e: {  	v1 =	vsel vm13, s0, v1  }
0x12f: {  	v1 =	vmul.f32 $1.442695020e+00, v1;
	_ =	sdelay $0x1  }
0x130: {  	(erf) = vpow2.f32 v1;
	_ =	sdelay $0x8  }
0x131: {  	v1 =	vpop (erf)  }
0x132: {  	v43 =	vld [tilespmem:s30+$0xFFFFFFC0];
	v2 =	vbroadcast v1, $0x2;
	v3 =	vbroadcast v1, $0x3  }
0x133: {  	v44 =	vbroadcast v1, $0x1  }
0x134: {  	v46 =	vbroadcast v1, $0x0;
	v45 =	vsel vm1, v2, v3  }
0x135: {  	v6 =	vsel vm2, v45, v44  }
0x136: {  	v6 =	vsel vm3, v6, v46  }
0x137: {  	v4 =	vmul.f32 v6, v43;
	_ =	sdelay $0x1  }
0x138: {  	[tilespmem:s2+$0xFFFFFEE0] =	vst v4  }
0x139: {  	v47 =	vbroadcast v1, $0x6;
	v48 =	vbroadcast v1, $0x7;
	v49 =	vld [tilespmem:s30+$0xFFFFFFD0]  }
0x13a: {  	v9 =	vbroadcast v1, $0x5  }
0x13b: {  	v11 =	vbroadcast v1, $0x4;
	v10 =	vsel vm1, v47, v48  }
0x13c: {  	v10 =	vsel vm2, v10, v9  }
0x13d: {  	v10 =	vsel vm3, v10, v11  }
0x13e: {  	v8 =	vmul.f32 v10, v49;
	_ =	sdelay $0x1  }
0x13f: {  	[tilespmem:s2+$0xFFFFFEF0] =	vst v8  }
0x140: {  	v8 =	vld [tilespmem:s28+$0xFFFFFF40];
	_ =	sdelay $0x3  }
0x141: {  	v7 =	vsel vm4, v46, v44  }
0x142: {  	v7 =	vmul.f32 v7, v8;
	_ =	sdelay $0x1  }
0x143: {  	[tilespmem:s2+$0xFFFFFF00] =	vst v7  }
0x144: {  	v7 =	vld [tilespmem:s28+$0xFFFFFF50];
	_ =	sdelay $0x3  }
0x145: {  	v5 =	vsel vm0, v44, v2  }
0x146: {  	v5 =	vmul.f32 v5, v7;
	_ =	sdelay $0x1  }
0x147: {  	[tilespmem:s2+$0xFFFFFF10] =	vst v5  }
0x148: {  	v5 =	vld [tilespmem:s28+$0xFFFFFF60];
	_ =	sdelay $0x3  }
0x149: {  	v2 =	vsel vm5, v2, v3  }
0x14a: {  	v2 =	vmul.f32 v2, v5;
	_ =	sdelay $0x1  }
0x14b: {  	[tilespmem:s2+$0xFFFFFF20] =	vst v2  }
0x14c: {  	v2 =	vld [tilespmem:s28+$0xFFFFFF70];
	_ =	sdelay $0x3  }
0x14d: {  	v3 =	vsel vm4, v11, v9  }
0x14e: {  	v2 =	vmul.f32 v3, v2;
	_ =	sdelay $0x1  }
0x14f: {  	[tilespmem:s2+$0xFFFFFF30] =	vst v2  }
0x150: {  	v2 =	vld [tilespmem:s28+$0xFFFFFF80];
	_ =	sdelay $0x3  }
0x151: {  	v3 =	vsel vm0, v9, v47  }
0x152: {  	v2 =	vmul.f32 v3, v2;
	_ =	sdelay $0x1  }
0x153: {  	[tilespmem:s2+$0xFFFFFF40] =	vst v2  }
0x154: {  	v2 =	vld [tilespmem:s28+$0xFFFFFF90];
	_ =	sdelay $0x3  }
0x155: {  	v3 =	vsel vm5, v47, v48  }
0x156: {  	v1 =	vnsel vm0, $0x0, v1;
	v2 =	vmul.f32 v2, v3  }
0x157: {  	[tilespmem:s2+$0xFFFFFF60] =	vst v1  }
0x158: {  	[tilespmem:s2+$0xFFFFFF50] =	vst v2  }
0x159: {  	v1 =	vld [tilespmem:s31+$0xFFFFFFE0]  }
0x15a: {  	v2 =	vld [tilespmem:s16+$0xFFFFFF80];
	_ =	sdelay $0x2  }
0x15b: {  	v3 =	vld [tilespmem:s31+$0xFFFFFFF0]  }
0x15c: {  	v50 =	vld [tilespmem:s16+$0xFFFFFF90]  }
0x15d: {  	v1 =	vmul.f32 v2, v1;
	_ =	sdelay $0x1  }
0x15e: {  	v2 =	vld [tilespmem:s16+$0xFFFFFFA0];
	(xrf2) =	vadd.scan.msk.f32 $0xffff, v1  }
0x15f: {  	v1 =	vld [tilespmem:s29+$0xFFFFFFA0]  }
0x160: {  	v51 =	vld [tilespmem:s29+$0xFFFFFFB0];
	v3 =	vmul.f32 v50, v3  }
0x161: {  	v52 =	vld [tilespmem:s16+$0xFFFFFFB0]  }
0x162: {  	v53 =	vld [tilespmem:s16+$0xFFFFFFC0];
	(xrf2) =	vadd.scan.msk.f32 $0xffff, v3  }
0x163: {  	v3 =	vld [tilespmem:s29+$0xFFFFFFC0]  }
0x164: {  	v54 =	vld [tilespmem:s16+$0xFFFFFFD0];
	v1 =	vmul.f32 v2, v1  }
0x165: {  	v2 =	vld [tilespmem:s29+$0xFFFFFFD0]  }
0x166: {  	v55 =	vld [tilespmem:s29+$0xFFFFFFE0];
	(xrf2) =	vadd.scan.msk.f32 $0xffff, v1;
	v1 =	vmul.f32 v52, v51  }
0x167: {  	v56 =	vld [tilespmem:s16+$0xFFFFFFE0]  }
0x168: {  	(xrf2) =	vadd.scan.msk.f32 $0xffff, v1;
	v1 =	vmul.f32 v53, v3;
	v57, _, _ =	vpop (xrf2)  }
0x169: {  	(v2sf) =	vpush v57, $0x3  }
0x16a: {  	(xrf2) =	vadd.scan.msk.f32 $0xffff, v1;
	v1 =	vmul.f32 v54, v2;
	(v2sf) =	vpush v57, $0x7  }
0x16b: {  	(v2sf) =	vpush v57, $0xB  }
0x16c: {  	v2, _, _ =	vpop (xrf2);
	(xrf2) =	vadd.scan.msk.f32 $0xffff, v1;
	v1 =	vmul.f32 v56, v55;
	(v2sf) =	vpush v57, $0xF  }
0x16d: {  	(v2sf) =	vpush v2, $0x3  }
0x16e: {  	(xrf2) =	vadd.scan.msk.f32 $0xffff, v1;
	(v2sf) =	vpush v2, $0x7  }
0x16f: {  	(v2sf) =	vpush v2, $0xB  }
0x170: {  	v1, _, _ =	vpop (xrf2);
	(v2sf) =	vpush v2, $0xF  }
0x171: {  	(v2sf) =	vpush v1, $0xF  }
0x172: {  	v2, _, _ =	vpop (xrf2)  }
0x173: {  	(v2sf) =	vpush v2, $0xF  }
0x174: {  	v3, _, _ =	vpop (xrf2)  }
0x175: {  	(v2sf) =	vpush v3, $0xF  }
0x176: {  	v58, _, _ =	vpop (xrf2)  }
0x177: {  	v59 =	vld [tilespmem:s29+$0xFFFFFFF0];
	(v2sf) =	vpush v58, $0xF  }
0x178: {  	v61 =	vld [tilespmem:s16+$0xFFFFFFF0];
	v60, _, _ =	vpop (xrf2);
	s0 =	spop (v2sf)  }
0x179: {  	s22 =	spop (v2sf);
	(v2sf) =	vpush v60, $0xF  }
0x17a: {  	s23 =	spop (v2sf);
	(v2sf) =	vpush v1, $0xB  }
0x17b: {  	s24 =	spop (v2sf);
	(v2sf) =	vpush v2, $0x7  }
0x17c: {  	s7 =	spop (v2sf)  }
0x17d: {  	v1 =	vmul.f32 v61, v59;
	s25 =	spop (v2sf)  }
0x17e: {  	s9 =	spop (v2sf);
	(v2sf) =	vpush v3, $0x3  }
0x17f: {  	s17 =	ssub.f32 s22, s0;
	(xrf2) =	vadd.scan.msk.f32 $0xffff, v1;
	s18 =	spop (v2sf)  }
0x180: {  	s1 =	ssub.f32 s23, s22;
	s22 =	spop (v2sf)  }
0x181: {  	s19 =	sadd.f32 $0.0e+00, s22  }
0x182: {  	s3 =	ssub.f32 s24, s23;
	s23 =	spop (v2sf)  }
0x183: {  	s4 =	sadd.f32 s23, s19  }
0x184: {  	s20 =	ssub.f32 s25, s7;
	(v2sf) =	vpush v58, $0xB;
	s24 =	spop (v2sf)  }
0x185: {  	(v2sf) =	vpush v60, $0x7;
	s22 =	sadd.f32 s24, s4  }
0x186: {  	s8 =	ssub.f32 s9, s25;
	s25 =	spop (v2sf)  }
0x187: {  	s23 =	sadd.f32 s25, s22  }
0x188: {  	s9 =	ssub.f32 s18, s9;
	s24 =	spop (v2sf)  }
0x189: {  	v1, _, _ =	vpop (xrf2);
	s18 =	sadd.f32 s24, s23;
	s25 =	spop (v2sf)  }
0x18a: {  	(v2sf) =	vpush v1, $0x3;
	s24 =	sadd.f32 $0.0e+00, s25;
	s25 =	spop (v2sf)  }
0x18b: {  	(v2sf) =	vpush v1, $0xF;
	s19 =	sadd.f32 s25, s19  }
0x18c: {  	s0 =	sadd.f32 s24, s0  }
0x18d: {  	s24 =	ssub.f32 s19, s24;
	s25 =	spop (v2sf)  }
0x18e: {  	s4 =	sadd.f32 s25, s4  }
0x18f: {  	s17 =	sadd.f32 s24, s17  }
0x190: {  	s19 =	ssub.f32 s4, s19  }
0x191: {  	s4 =	ssub.f32 s22, s4  }
0x192: {  	s1 =	sadd.f32 s19, s1  }
0x193: {  	s24 =	spop (v2sf);
	s3 =	sadd.f32 s4, s3  }
0x194: {  	s25 =	spop (v2sf);
	s4 =	sadd.f32 s24, s22  }
0x195: {  	s19 =	sadd.f32 s25, s23  }
0x196: {  	s22 =	ssub.f32 s4, s22  }
0x197: {  	s4 =	ssub.f32 s19, s4  }
0x198: {  	s7 =	sadd.f32 s22, s7  }
0x199: {  	v1 =	vmov s0;
	s4 =	sadd.f32 s4, s20;
	s23 =	spop (v2sf)  }
0x19a: {  	v1 =	vnsel vm6, $0x0, v1;
	s24 =	sadd.f32 s23, s18;
	s25 =	spop (v2sf)  }
0x19b: {  	v1 =	vsel vm7, s17, v1;
	s18 =	sadd.f32 s25, s18  }
0x19c: {  	v1 =	vsel vm8, s1, v1;
	s19 =	ssub.f32 s24, s19  }
0x19d: {  	v1 =	vsel vm9, s3, v1;
	s0 =	ssub.f32 s18, s24  }
0x19e: {  	v1 =	vsel vm10, s7, v1;
	s20 =	sadd.f32 s19, s8  }
0x19f: {  	v1 =	vsel vm11, s4, v1;
	s0 =	sadd.f32 s0, s9  }
0x1a0: {  	v1 =	vsel vm12, s20, v1  }
0x1a1: {  	v1 =	vsel vm13, s0, v1  }
0x1a2: {  	v1 =	vmul.f32 $1.442695020e+00, v1;
	_ =	sdelay $0x1  }
0x1a3: {  	(erf) = vpow2.f32 v1;
	_ =	sdelay $0x8  }
0x1a4: {  	v1 =	vpop (erf)  }
0x1a5: {  	v62 =	vld [tilespmem:s30+$0xFFFFFFE0];
	v2 =	vbroadcast v1, $0x2;
	v3 =	vbroadcast v1, $0x3  }
0x1a6: {  	v63 =	vbroadcast v1, $0x1  }
0x1a7: {  	v13 =	vbroadcast v1, $0x0;
	v12 =	vsel vm1, v2, v3  }
0x1a8: {  	v6 =	vsel vm2, v12, v63  }
0x1a9: {  	v6 =	vsel vm3, v6, v13  }
0x1aa: {  	v4 =	vmul.f32 v6, v62;
	_ =	sdelay $0x1  }
0x1ab: {  	[tilespmem:s2+$0xFFFFFF70] =	vst v4  }
0x1ac: {  	v14 =	vbroadcast v1, $0x6;
	v15 =	vbroadcast v1, $0x7;
	v16 =	vld [tilespmem:s30+$0xFFFFFFF0]  }
0x1ad: {  	v17 =	vbroadcast v1, $0x5  }
0x1ae: {  	v19 =	vbroadcast v1, $0x4;
	v18 =	vsel vm1, v14, v15  }
0x1af: {  	v10 =	vsel vm2, v18, v17  }
0x1b0: {  	v10 =	vsel vm3, v10, v19  }
0x1b1: {  	v8 =	vmul.f32 v10, v16;
	_ =	sdelay $0x1  }
0x1b2: {  	[tilespmem:s2+$0xFFFFFF80] =	vst v8  }
0x1b3: {  	v8 =	vld [tilespmem:s28+$0xFFFFFFA0];
	_ =	sdelay $0x3  }
0x1b4: {  	v7 =	vsel vm4, v13, v63  }
0x1b5: {  	v7 =	vmul.f32 v7, v8;
	_ =	sdelay $0x1  }
0x1b6: {  	[tilespmem:s2+$0xFFFFFF90] =	vst v7  }
0x1b7: {  	v7 =	vld [tilespmem:s28+$0xFFFFFFB0];
	_ =	sdelay $0x3  }
0x1b8: {  	v5 =	vsel vm0, v63, v2  }
0x1b9: {  	v5 =	vmul.f32 v5, v7;
	_ =	sdelay $0x1  }
0x1ba: {  	[tilespmem:s2+$0xFFFFFFA0] =	vst v5  }
0x1bb: {  	v5 =	vld [tilespmem:s28+$0xFFFFFFC0];
	_ =	sdelay $0x3  }
0x1bc: {  	v2 =	vsel vm5, v2, v3  }
0x1bd: {  	v2 =	vmul.f32 v2, v5;
	_ =	sdelay $0x1  }
0x1be: {  	[tilespmem:s2+$0xFFFFFFB0] =	vst v2  }
0x1bf: {  	v2 =	vld [tilespmem:s28+$0xFFFFFFD0];
	_ =	sdelay $0x3  }
0x1c0: {  	v3 =	vsel vm4, v19, v17  }
0x1c1: {  	v2 =	vmul.f32 v3, v2;
	_ =	sdelay $0x1  }
0x1c2: {  	[tilespmem:s2+$0xFFFFFFC0] =	vst v2  }
0x1c3: {  	v2 =	vld [tilespmem:s28+$0xFFFFFFE0];
	_ =	sdelay $0x3  }
0x1c4: {  	v3 =	vsel vm0, v17, v14  }
0x1c5: {  	v2 =	vmul.f32 v3, v2;
	_ =	sdelay $0x1  }
0x1c6: {  	[tilespmem:s2+$0xFFFFFFD0] =	vst v2  }
0x1c7: {  	v2 =	vld [tilespmem:s28+$0xFFFFFFF0];
	_ =	sdelay $0x3  }
0x1c8: {  	v3 =	vsel vm5, v14, v15  }
0x1c9: {  	v1 =	vnsel vm0, $0x0, v1;
	v2 =	vmul.f32 v2, v3  }
0x1ca: {  	[tilespmem:s2+$0xFFFFFFF0] =	vst v1  }
0x1cb: {  	[tilespmem:s2+$0xFFFFFFE0] =	vst v2  }
0x1cc: {  	v1 =	vld [tilespmem:s31+$0x0]  }
0x1cd: {  	v2 =	vld [tilespmem:s16+$0x0];
	_ =	sdelay $0x2  }
0x1ce: {  	v3 =	vld [tilespmem:s31+$0x10]  }
0x1cf: {  	v20 =	vld [tilespmem:s16+$0x10]  }
0x1d0: {  	v1 =	vmul.f32 v2, v1;
	_ =	sdelay $0x1  }
0x1d1: {  	v2 =	vld [tilespmem:s16+$0x20];
	(xrf2) =	vadd.scan.msk.f32 $0xffff, v1  }
0x1d2: {  	v1 =	vld [tilespmem:s29+$0x0]  }
0x1d3: {  	v21 =	vld [tilespmem:s29+$0x10];
	v3 =	vmul.f32 v20, v3  }
0x1d4: {  	v22 =	vld [tilespmem:s16+$0x30]  }
0x1d5: {  	v23 =	vld [tilespmem:s16+$0x40];
	(xrf2) =	vadd.scan.msk.f32 $0xffff, v3  }
0x1d6: {  	v3 =	vld [tilespmem:s29+$0x20]  }
0x1d7: {  	v24 =	vld [tilespmem:s16+$0x50];
	v1 =	vmul.f32 v2, v1  }
0x1d8: {  	v2 =	vld [tilespmem:s29+$0x30]  }
0x1d9: {  	v25 =	vld [tilespmem:s29+$0x40];
	(xrf2) =	vadd.scan.msk.f32 $0xffff, v1;
	v1 =	vmul.f32 v22, v21  }
0x1da: {  	v26 =	vld [tilespmem:s16+$0x60]  }
0x1db: {  	(xrf2) =	vadd.scan.msk.f32 $0xffff, v1;
	v1 =	vmul.f32 v23, v3;
	v27, _, _ =	vpop (xrf2)  }
0x1dc: {  	(v2sf) =	vpush v27, $0x3  }
0x1dd: {  	(xrf2) =	vadd.scan.msk.f32 $0xffff, v1;
	v1 =	vmul.f32 v24, v2;
	(v2sf) =	vpush v27, $0x7  }
0x1de: {  	(v2sf) =	vpush v27, $0xB  }
0x1df: {  	v2, _, _ =	vpop (xrf2);
	(xrf2) =	vadd.scan.msk.f32 $0xffff, v1;
	v1 =	vmul.f32 v26, v25;
	(v2sf) =	vpush v27, $0xF  }
0x1e0: {  	(v2sf) =	vpush v2, $0x3  }
0x1e1: {  	(xrf2) =	vadd.scan.msk.f32 $0xffff, v1;
	(v2sf) =	vpush v2, $0x7  }
0x1e2: {  	(v2sf) =	vpush v2, $0xB  }
0x1e3: {  	v1, _, _ =	vpop (xrf2);
	(v2sf) =	vpush v2, $0xF  }
0x1e4: {  	(v2sf) =	vpush v1, $0xF  }
0x1e5: {  	v2, _, _ =	vpop (xrf2)  }
0x1e6: {  	(v2sf) =	vpush v2, $0xF  }
0x1e7: {  	v3, _, _ =	vpop (xrf2)  }
0x1e8: {  	(v2sf) =	vpush v3, $0xF  }
0x1e9: {  	v28, _, _ =	vpop (xrf2)  }
0x1ea: {  	v29 =	vld [tilespmem:s29+$0x50];
	(v2sf) =	vpush v28, $0xF  }
0x1eb: {  	v31 =	vld [tilespmem:s16+$0x70];
	v30, _, _ =	vpop (xrf2);
	s0 =	spop (v2sf)  }
0x1ec: {  	s22 =	spop (v2sf);
	(v2sf) =	vpush v30, $0xF  }
0x1ed: {  	s23 =	spop (v2sf);
	(v2sf) =	vpush v1, $0xB  }
0x1ee: {  	s24 =	spop (v2sf);
	(v2sf) =	vpush v2, $0x7  }
0x1ef: {  	s7 =	spop (v2sf)  }
0x1f0: {  	v1 =	vmul.f32 v31, v29;
	s25 =	spop (v2sf)  }
0x1f1: {  	s9 =	spop (v2sf);
	(v2sf) =	vpush v3, $0x3  }
0x1f2: {  	s17 =	ssub.f32 s22, s0;
	(xrf2) =	vadd.scan.msk.f32 $0xffff, v1;
	s18 =	spop (v2sf)  }
0x1f3: {  	s1 =	ssub.f32 s23, s22;
	s22 =	spop (v2sf)  }
0x1f4: {  	s19 =	sadd.f32 $0.0e+00, s22  }
0x1f5: {  	s3 =	ssub.f32 s24, s23;
	s23 =	spop (v2sf)  }
0x1f6: {  	s4 =	sadd.f32 s23, s19  }
0x1f7: {  	s20 =	ssub.f32 s25, s7;
	(v2sf) =	vpush v28, $0xB;
	s24 =	spop (v2sf)  }
0x1f8: {  	(v2sf) =	vpush v30, $0x7;
	s22 =	sadd.f32 s24, s4  }
0x1f9: {  	s8 =	ssub.f32 s9, s25;
	s25 =	spop (v2sf)  }
0x1fa: {  	s23 =	sadd.f32 s25, s22  }
0x1fb: {  	s9 =	ssub.f32 s18, s9;
	s24 =	spop (v2sf)  }
0x1fc: {  	v1, _, _ =	vpop (xrf2);
	s18 =	sadd.f32 s24, s23;
	s25 =	spop (v2sf)  }
0x1fd: {  	(v2sf) =	vpush v1, $0x3;
	s24 =	sadd.f32 $0.0e+00, s25;
	s25 =	spop (v2sf)  }
0x1fe: {  	(v2sf) =	vpush v1, $0xF;
	s19 =	sadd.f32 s25, s19  }
0x1ff: {  	s0 =	sadd.f32 s24, s0  }
0x200: {  	s24 =	ssub.f32 s19, s24;
	s25 =	spop (v2sf)  }
0x201: {  	s4 =	sadd.f32 s25, s4  }
0x202: {  	s17 =	sadd.f32 s24, s17  }
0x203: {  	s19 =	ssub.f32 s4, s19  }
0x204: {  	s4 =	ssub.f32 s22, s4  }
0x205: {  	s1 =	sadd.f32 s19, s1  }
0x206: {  	s24 =	spop (v2sf);
	s3 =	sadd.f32 s4, s3  }
0x207: {  	s25 =	spop (v2sf);
	s4 =	sadd.f32 s24, s22  }
0x208: {  	s19 =	sadd.f32 s25, s23  }
0x209: {  	s22 =	ssub.f32 s4, s22  }
0x20a: {  	s4 =	ssub.f32 s19, s4  }
0x20b: {  	s7 =	sadd.f32 s22, s7  }
0x20c: {  	v1 =	vmov s0;
	s4 =	sadd.f32 s4, s20;
	s23 =	spop (v2sf)  }
0x20d: {  	v1 =	vnsel vm6, $0x0, v1;
	s24 =	sadd.f32 s23, s18;
	s25 =	spop (v2sf)  }
0x20e: {  	v1 =	vsel vm7, s17, v1;
	s18 =	sadd.f32 s25, s18  }
0x20f: {  	v1 =	vsel vm8, s1, v1;
	s19 =	ssub.f32 s24, s19  }
0x210: {  	v1 =	vsel vm9, s3, v1;
	s0 =	ssub.f32 s18, s24  }
0x211: {  	v1 =	vsel vm10, s7, v1;
	s20 =	sadd.f32 s19, s8  }
0x212: {  	v1 =	vsel vm11, s4, v1;
	s0 =	sadd.f32 s0, s9  }
0x213: {  	v1 =	vsel vm12, s20, v1  }
0x214: {  	v1 =	vsel vm13, s0, v1  }
0x215: {  	v1 =	vmul.f32 $1.442695020e+00, v1;
	_ =	sdelay $0x1  }
0x216: {  	(erf) = vpow2.f32 v1;
	_ =	sdelay $0x8  }
0x217: {  	v1 =	vpop (erf)  }
0x218: {  	v32 =	vld [tilespmem:s30+$0x0];
	v2 =	vbroadcast v1, $0x2;
	v3 =	vbroadcast v1, $0x3  }
0x219: {  	v33 =	vbroadcast v1, $0x1  }
0x21a: {  	v35 =	vbroadcast v1, $0x0;
	v34 =	vsel vm1, v2, v3  }
0x21b: {  	v6 =	vsel vm2, v34, v33  }
0x21c: {  	v6 =	vsel vm3, v6, v35  }
0x21d: {  	v4 =	vmul.f32 v6, v32;
	_ =	sdelay $0x1  }
0x21e: {  	[tilespmem:s2+$0x0] =	vst v4  }
0x21f: {  	v36 =	vbroadcast v1, $0x6;
	v37 =	vbroadcast v1, $0x7;
	v38 =	vld [tilespmem:s30+$0x10]  }
0x220: {  	v39 =	vbroadcast v1, $0x5  }
0x221: {  	v41 =	vbroadcast v1, $0x4;
	v40 =	vsel vm1, v36, v37  }
0x222: {  	v10 =	vsel vm2, v40, v39  }
0x223: {  	v10 =	vsel vm3, v10, v41  }
0x224: {  	v8 =	vmul.f32 v10, v38;
	_ =	sdelay $0x1  }
0x225: {  	[tilespmem:s2+$0x10] =	vst v8  }
0x226: {  	v8 =	vld [tilespmem:s28+$0x0];
	_ =	sdelay $0x3  }
0x227: {  	v7 =	vsel vm4, v35, v33  }
0x228: {  	v7 =	vmul.f32 v7, v8;
	_ =	sdelay $0x1  }
0x229: {  	[tilespmem:s2+$0x20] =	vst v7  }
0x22a: {  	v7 =	vld [tilespmem:s28+$0x10];
	_ =	sdelay $0x3  }
0x22b: {  	v5 =	vsel vm0, v33, v2  }
0x22c: {  	v5 =	vmul.f32 v5, v7;
	_ =	sdelay $0x1  }
0x22d: {  	[tilespmem:s2+$0x30] =	vst v5  }
0x22e: {  	v5 =	vld [tilespmem:s28+$0x20];
	_ =	sdelay $0x3  }
0x22f: {  	v2 =	vsel vm5, v2, v3  }
0x230: {  	v2 =	vmul.f32 v2, v5;
	_ =	sdelay $0x1  }
0x231: {  	[tilespmem:s2+$0x40] =	vst v2  }
0x232: {  	v2 =	vld [tilespmem:s28+$0x30];
	_ =	sdelay $0x3  }
0x233: {  	v3 =	vsel vm4, v41, v39  }
0x234: {  	v2 =	vmul.f32 v3, v2;
	_ =	sdelay $0x1  }
0x235: {  	[tilespmem:s2+$0x50] =	vst v2  }
0x236: {  	v2 =	vld [tilespmem:s28+$0x40];
	_ =	sdelay $0x3  }
0x237: {  	v3 =	vsel vm0, v39, v36  }
0x238: {  	v2 =	vmul.f32 v3, v2;
	_ =	sdelay $0x1  }
0x239: {  	[tilespmem:s2+$0x60] =	vst v2  }
0x23a: {  	v2 =	vld [tilespmem:s28+$0x50];
	_ =	sdelay $0x3  }
0x23b: {  	v3 =	vsel vm5, v36, v37  }
0x23c: {  	v1 =	vnsel vm0, $0x0, v1;
	v2 =	vmul.f32 v2, v3  }
0x23d: {  	[tilespmem:s2+$0x80] =	vst v1  }
0x23e: {  	[tilespmem:s2+$0x70] =	vst v2  }
0x23f: {  	v1 =	vld [tilespmem:s31+$0x20]  }
0x240: {  	v2 =	vld [tilespmem:s16+$0x80];
	_ =	sdelay $0x2  }
0x241: {  	v3 =	vld [tilespmem:s31+$0x30]  }
0x242: {  	v42 =	vld [tilespmem:s16+$0x90]  }
0x243: {  	v1 =	vmul.f32 v2, v1;
	_ =	sdelay $0x1  }
0x244: {  	v2 =	vld [tilespmem:s16+$0xA0];
	(xrf2) =	vadd.scan.msk.f32 $0xffff, v1  }
0x245: {  	v1 =	vld [tilespmem:s29+$0x60]  }
0x246: {  	v43 =	vld [tilespmem:s29+$0x70];
	v3 =	vmul.f32 v42, v3  }
0x247: {  	v44 =	vld [tilespmem:s16+$0xB0]  }
0x248: {  	v45 =	vld [tilespmem:s16+$0xC0];
	(xrf2) =	vadd.scan.msk.f32 $0xffff, v3  }
0x249: {  	v3 =	vld [tilespmem:s29+$0x80]  }
0x24a: {  	v46 =	vld [tilespmem:s16+$0xD0];
	v1 =	vmul.f32 v2, v1  }
0x24b: {  	v2 =	vld [tilespmem:s29+$0x90]  }
0x24c: {  	v47 =	vld [tilespmem:s29+$0xA0];
	(xrf2) =	vadd.scan.msk.f32 $0xffff, v1;
	v1 =	vmul.f32 v44, v43  }
0x24d: {  	v48 =	vld [tilespmem:s16+$0xE0]  }
0x24e: {  	(xrf2) =	vadd.scan.msk.f32 $0xffff, v1;
	v1 =	vmul.f32 v45, v3;
	v49, _, _ =	vpop (xrf2)  }
0x24f: {  	(v2sf) =	vpush v49, $0x3  }
0x250: {  	(xrf2) =	vadd.scan.msk.f32 $0xffff, v1;
	v1 =	vmul.f32 v46, v2;
	(v2sf) =	vpush v49, $0x7  }
0x251: {  	(v2sf) =	vpush v49, $0xB  }
0x252: {  	v2, _, _ =	vpop (xrf2);
	(xrf2) =	vadd.scan.msk.f32 $0xffff, v1;
	v1 =	vmul.f32 v48, v47;
	(v2sf) =	vpush v49, $0xF  }
0x253: {  	(v2sf) =	vpush v2, $0x3  }
0x254: {  	(xrf2) =	vadd.scan.msk.f32 $0xffff, v1;
	(v2sf) =	vpush v2, $0x7  }
0x255: {  	(v2sf) =	vpush v2, $0xB  }
0x256: {  	v1, _, _ =	vpop (xrf2);
	(v2sf) =	vpush v2, $0xF  }
0x257: {  	(v2sf) =	vpush v1, $0xF  }
0x258: {  	v2, _, _ =	vpop (xrf2)  }
0x259: {  	(v2sf) =	vpush v2, $0xF  }
0x25a: {  	v3, _, _ =	vpop (xrf2)  }
0x25b: {  	(v2sf) =	vpush v3, $0xF  }
0x25c: {  	v50, _, _ =	vpop (xrf2)  }
0x25d: {  	v51 =	vld [tilespmem:s29+$0xB0];
	(v2sf) =	vpush v50, $0xF  }
0x25e: {  	v53 =	vld [tilespmem:s16+$0xF0];
	v52, _, _ =	vpop (xrf2);
	s0 =	spop (v2sf)  }
0x25f: {  	(v2sf) =	vpush v52, $0xF;
	s22 =	spop (v2sf)  }
0x260: {  	(v2sf) =	vpush v1, $0xB;
	s23 =	spop (v2sf)  }
0x261: {  	(v2sf) =	vpush v2, $0x7;
	s24 =	spop (v2sf)  }
0x262: {  	s7 =	spop (v2sf)  }
0x263: {  	v1 =	vmul.f32 v53, v51;
	(v2sf) =	vpush v3, $0x3;
	s25 =	spop (v2sf)  }
0x264: {  	s9 =	spop (v2sf)  }
0x265: {  	s18 =	ssub.f32 s22, s0;
	(xrf2) =	vadd.scan.msk.f32 $0xffff, v1;
	s17 =	spop (v2sf)  }
0x266: {  	s1 =	ssub.f32 s23, s22;
	s20 =	spop (v2sf)  }
0x267: {  	s19 =	sadd.f32 $0.0e+00, s20  }
0x268: {  	s3 =	ssub.f32 s24, s23;
	s22 =	spop (v2sf)  }
0x269: {  	s4 =	sadd.f32 s22, s19  }
0x26a: {  	(v2sf) =	vpush v50, $0xB;
	s8 =	ssub.f32 s9, s25;
	s23 =	spop (v2sf)  }
0x26b: {  	(v2sf) =	vpush v52, $0x7;
	s22 =	sadd.f32 s23, s4  }
0x26c: {  	s9 =	ssub.f32 s17, s9;
	s24 =	spop (v2sf)  }
0x26d: {  	s23 =	sadd.f32 s24, s22  }
0x26e: {  	s20 =	ssub.f32 s25, s7;
	s25 =	spop (v2sf)  }
0x26f: {  	v1, _, _ =	vpop (xrf2);
	s17 =	sadd.f32 s25, s23;
	s25 =	spop (v2sf)  }
0x270: {  	(v2sf) =	vpush v1, $0x3;
	s24 =	sadd.f32 $0.0e+00, s25;
	s25 =	spop (v2sf)  }
0x271: {  	(v2sf) =	vpush v1, $0xF;
	s19 =	sadd.f32 s25, s19  }
0x272: {  	s25 =	spop (v2sf);
	s0 =	sadd.f32 s24, s0  }
0x273: {  	s4 =	sadd.f32 s25, s4  }
0x274: {  	s24 =	ssub.f32 s19, s24  }
0x275: {  	s19 =	ssub.f32 s4, s19  }
0x276: {  	s4 =	ssub.f32 s22, s4  }
0x277: {  	s18 =	sadd.f32 s24, s18  }
0x278: {  	s1 =	sadd.f32 s19, s1  }
0x279: {  	s25 =	spop (v2sf);
	s3 =	sadd.f32 s4, s3  }
0x27a: {  	s24 =	spop (v2sf);
	s19 =	sadd.f32 s25, s22  }
0x27b: {  	s4 =	sadd.f32 s24, s23  }
0x27c: {  	s22 =	ssub.f32 s19, s22  }
0x27d: {  	s19 =	ssub.f32 s4, s19  }
0x27e: {  	s7 =	sadd.f32 s22, s7  }
0x27f: {  	v1 =	vmov s0;
	s19 =	sadd.f32 s19, s20;
	s25 =	spop (v2sf)  }
0x280: {  	v1 =	vnsel vm6, $0x0, v1;
	s23 =	sadd.f32 s25, s17;
	s24 =	spop (v2sf)  }
0x281: {  	v1 =	vsel vm7, s18, v1;
	s17 =	sadd.f32 s24, s17  }
0x282: {  	v1 =	vsel vm8, s1, v1;
	s4 =	ssub.f32 s23, s4  }
0x283: {  	v1 =	vsel vm9, s3, v1;
	s0 =	ssub.f32 s17, s23  }
0x284: {  	v1 =	vsel vm10, s7, v1;
	s25 =	sadd.f32 s4, s8  }
0x285: {  	v1 =	vsel vm11, s19, v1;
	s0 =	sadd.f32 s0, s9  }
0x286: {  	v1 =	vsel vm12, s25, v1  }
0x287: {  	v1 =	vsel vm13, s0, v1  }
0x288: {  	v1 =	vmul.f32 $1.442695020e+00, v1;
	_ =	sdelay $0x1  }
0x289: {  	(erf) = vpow2.f32 v1;
	_ =	sdelay $0x8  }
0x28a: {  	v1 =	vpop (erf)  }
0x28b: {  	v54 =	vld [tilespmem:s30+$0x20];
	v2 =	vbroadcast v1, $0x2;
	v3 =	vbroadcast v1, $0x3  }
0x28c: {  	v55 =	vbroadcast v1, $0x1  }
0x28d: {  	v57 =	vbroadcast v1, $0x0;
	v56 =	vsel vm1, v2, v3  }
0x28e: {  	v6 =	vsel vm2, v56, v55  }
0x28f: {  	v6 =	vsel vm3, v6, v57  }
0x290: {  	v4 =	vmul.f32 v6, v54;
	_ =	sdelay $0x1  }
0x291: {  	[tilespmem:s2+$0x90] =	vst v4  }
0x292: {  	v58 =	vbroadcast v1, $0x6;
	v59 =	vbroadcast v1, $0x7;
	v60 =	vld [tilespmem:s30+$0x30]  }
0x293: {  	v61 =	vbroadcast v1, $0x5  }
0x294: {  	v63 =	vbroadcast v1, $0x4;
	v62 =	vsel vm1, v58, v59  }
0x295: {  	v10 =	vsel vm2, v62, v61  }
0x296: {  	v10 =	vsel vm3, v10, v63  }
0x297: {  	v8 =	vmul.f32 v10, v60;
	_ =	sdelay $0x1  }
0x298: {  	[tilespmem:s2+$0xA0] =	vst v8  }
0x299: {  	v8 =	vld [tilespmem:s28+$0x60];
	_ =	sdelay $0x3  }
0x29a: {  	v7 =	vsel vm4, v57, v55  }
0x29b: {  	v7 =	vmul.f32 v7, v8;
	_ =	sdelay $0x1  }
0x29c: {  	[tilespmem:s2+$0xB0] =	vst v7  }
0x29d: {  	v7 =	vld [tilespmem:s28+$0x70];
	_ =	sdelay $0x3  }
0x29e: {  	v5 =	vsel vm0, v55, v2  }
0x29f: {  	v5 =	vmul.f32 v5, v7;
	_ =	sdelay $0x1  }
0x2a0: {  	[tilespmem:s2+$0xC0] =	vst v5  }
0x2a1: {  	v5 =	vld [tilespmem:s28+$0x80];
	_ =	sdelay $0x3  }
0x2a2: {  	v2 =	vsel vm5, v2, v3  }
0x2a3: {  	v2 =	vmul.f32 v2, v5;
	_ =	sdelay $0x1  }
0x2a4: {  	[tilespmem:s2+$0xD0] =	vst v2  }
0x2a5: {  	v2 =	vld [tilespmem:s28+$0x90];
	_ =	sdelay $0x3  }
0x2a6: {  	v3 =	vsel vm4, v63, v61  }
0x2a7: {  	v2 =	vmul.f32 v3, v2;
	_ =	sdelay $0x1  }
0x2a8: {  	[tilespmem:s2+$0xE0] =	vst v2  }
0x2a9: {  	v2 =	vld [tilespmem:s28+$0xA0];
	_ =	sdelay $0x3  }
0x2aa: {  	v3 =	vsel vm0, v61, v58  }
0x2ab: {  	v2 =	vmul.f32 v3, v2;
	_ =	sdelay $0x1  }
0x2ac: {  	[tilespmem:s2+$0xF0] =	vst v2  }
0x2ad: {  	v2 =	vld [tilespmem:s28+$0xB0]  }
0x2ae: {  	s26 =	sadd.s32 $0x4, s26  }
0x2af: {  	p0 =	slt.u32 s26, $0x24  }
.Ltmp0:
0x2b0: {  	_ = 	snop;
	(pc) =	sbr.rel @p0 .LBB2_3-.Ltmp0, $4  }
0x2b1: {  	v3 =	vsel vm5, v58, v59  }
0x2b2: {  	v1 =	vnsel vm0, $0x0, v1;
	v2 =	vmul.f32 v2, v3  }
0x2b3: {  	s31 =	sadd.s32 $0x80, s31;
	s16 =	sadd.s32 $0x200, s16;
	s29 =	sadd.s32 $0x180, s29;
	[tilespmem:s2+$0x110] =	vst v1  }
0x2b4: {  	s30 =	sadd.s32 $0x80, s30;
	s28 =	sadd.s32 $0x180, s28;
	[tilespmem:s2+$0x100] =	vst v2;
	s2 =	sadd.s32 $0x240, s2  }
0x2b5: {  	s6 =	sadd.s32 $0x1, s6  }
0x2b6: {  	p0 =	sne.s32 s6, $0xFA  }
.Ltmp1:
0x2b7: {  	s9 =	simm.s32 $0x3C28;
	s28 =	simm.s32 $0x28;
	(pc) =	sbr.rel @p0 .LBB2_2-.Ltmp1, $4  }
0x2b8: {  	[spmem:s11] =	stream.indirect.scatter.add.f32 [tilespmem:s9], [sflag:$0x7], $0x90, s5, s28, $0xb8;
	[tilespmem:$0x1BAA8] =	vst v63  }
0x2b9: {  	_ =	swait.ge [sflag:s21], $0x1680  }
0x2ba: {  	[sflag:s21] =	ssyncset.done $0x0  }
0x2bb: {  	s4 =	smov.u32 s11;
	[sflag:s21] =	ssyncadd.s32 $0xFFFFE980  }
0x2bc: {  	[bflag:$0x0] =	sbarrier.arrive $0xFFFF  }
0x2bd: {  	s16 =	rddreg [dreg:$0x5]  }
0x2be: {  	[tilespmem:s5], [sflag:$0x7] =	stream.linear.gather [hbm4b:s16+s5], $0x28, $0x38;
	[tilespmem:$0x1BAA8] =	vst v63  }
0x2bf: {  	_ =	swait.ge [sflag:s21], $0x28  }
0x2c0: {  	[sflag:s21] =	ssyncset.done $0x0  }
0x2c1: {  	[sflag:s21] =	ssyncadd.s32 $0xFFFFFFD8  }
0x2c2: {  	[tilespmem:s9], [sflag:$0x1] =	stream.indirect.gather [spmem:s4], $0x90, s5, s28, $0xb8;
	[tilespmem:$0x1BAA8] =	vst v63  }
0x2c3: {  	_ =	swait.ge [sflag:s10], $0x1680  }
0x2c4: {  	[sflag:s10] =	ssyncset.done $0x0  }
0x2c5: {  	s0 =	rddreg [dreg:$0x10];
	[sflag:s10] =	ssyncadd.s32 $0xFFFFE980  }
0x2c6: {  	[hbm4b:s0+s5] =	stream.linear.scatter [tilespmem:s9], [sflag:$0x7], $0x1680, $0x38;
	[tilespmem:$0x1BAA8] =	vst v63  }
0x2c7: {  	_ =	swait.ge [sflag:s21], $0x1680  }
0x2c8: {  	[sflag:s21] =	ssyncset.done $0x0  }
0x2c9: {  	s17 =	rddreg [dreg:$0x6];
	[sflag:s21] =	ssyncadd.s32 $0xFFFFE980  }
0x2ca: {  	[tilespmem:s5], [sflag:$0x7] =	stream.linear.gather [hbm4b:s17+s5], $0x28, $0x38;
	[tilespmem:$0x1BAA8] =	vst v63  }
0x2cb: {  	_ =	swait.ge [sflag:s21], $0x28  }
0x2cc: {  	[sflag:s21] =	ssyncset.done $0x0  }
0x2cd: {  	[sflag:s21] =	ssyncadd.s32 $0xFFFFFFD8  }
0x2ce: {  	[tilespmem:s9], [sflag:$0x1] =	stream.indirect.gather [spmem:s4], $0x90, s5, s28, $0xb8;
	[tilespmem:$0x1BAA8] =	vst v63  }
0x2cf: {  	_ =	swait.ge [sflag:s10], $0x1680  }
0x2d0: {  	[sflag:s10] =	ssyncset.done $0x0  }
0x2d1: {  	s20 =	rddreg [dreg:$0x11];
	[sflag:s10] =	ssyncadd.s32 $0xFFFFE980  }
0x2d2: {  	[hbm4b:s20+s5] =	stream.linear.scatter [tilespmem:s9], [sflag:$0x7], $0x1680, $0x38;
	[tilespmem:$0x1BAA8] =	vst v63  }
0x2d3: {  	_ =	swait.ge [sflag:s21], $0x1680  }
0x2d4: {  	[sflag:s21] =	ssyncset.done $0x0  }
0x2d5: {  	s18 =	rddreg [dreg:$0x7];
	[sflag:s21] =	ssyncadd.s32 $0xFFFFE980  }
0x2d6: {  	[tilespmem:s5], [sflag:$0x7] =	stream.linear.gather [hbm4b:s18+s5], $0x28, $0x38;
	[tilespmem:$0x1BAA8] =	vst v63  }
0x2d7: {  	_ =	swait.ge [sflag:s21], $0x28  }
0x2d8: {  	[sflag:s21] =	ssyncset.done $0x0  }
0x2d9: {  	[sflag:s21] =	ssyncadd.s32 $0xFFFFFFD8  }
0x2da: {  	[tilespmem:s9], [sflag:$0x1] =	stream.indirect.gather [spmem:s4], $0x90, s5, s28, $0xb8;
	[tilespmem:$0x1BAA8] =	vst v63  }
0x2db: {  	_ =	swait.ge [sflag:s10], $0x1680  }
0x2dc: {  	[sflag:s10] =	ssyncset.done $0x0  }
0x2dd: {  	s22 =	rddreg [dreg:$0x12];
	[sflag:s10] =	ssyncadd.s32 $0xFFFFE980  }
0x2de: {  	[hbm4b:s22+s5] =	stream.linear.scatter [tilespmem:s9], [sflag:$0x7], $0x1680, $0x38;
	[tilespmem:$0x1BAA8] =	vst v63  }
0x2df: {  	_ =	swait.ge [sflag:s21], $0x1680  }
0x2e0: {  	[sflag:s21] =	ssyncset.done $0x0  }
0x2e1: {  	s19 =	rddreg [dreg:$0x8];
	[sflag:s21] =	ssyncadd.s32 $0xFFFFE980  }
0x2e2: {  	[tilespmem:s5], [sflag:$0x7] =	stream.linear.gather [hbm4b:s19+s5], $0x28, $0x38;
	[tilespmem:$0x1BAA8] =	vst v63  }
0x2e3: {  	_ =	swait.ge [sflag:s21], $0x28  }
0x2e4: {  	[sflag:s21] =	ssyncset.done $0x0  }
0x2e5: {  	[sflag:s21] =	ssyncadd.s32 $0xFFFFFFD8  }
0x2e6: {  	[tilespmem:s9], [sflag:$0x1] =	stream.indirect.gather [spmem:s4], $0x90, s5, s28, $0xb8;
	[tilespmem:$0x1BAA8] =	vst v63  }
0x2e7: {  	_ =	swait.ge [sflag:s10], $0x1680  }
0x2e8: {  	[sflag:s10] =	ssyncset.done $0x0  }
0x2e9: {  	s23 =	rddreg [dreg:$0x13];
	[sflag:s10] =	ssyncadd.s32 $0xFFFFE980  }
0x2ea: {  	[hbm4b:s23+s5] =	stream.linear.scatter [tilespmem:s9], [sflag:$0x7], $0x1680, $0x38;
	[tilespmem:$0x1BAA8] =	vst v63  }
0x2eb: {  	_ =	swait.ge [sflag:s21], $0x1680  }
0x2ec: {  	[sflag:s21] =	ssyncset.done $0x0  }
0x2ed: {  	s20 =	rddreg [dreg:$0x9];
	[sflag:s21] =	ssyncadd.s32 $0xFFFFE980  }
0x2ee: {  	[tilespmem:s5], [sflag:$0x7] =	stream.linear.gather [hbm4b:s20+s5], $0x28, $0x38;
	[tilespmem:$0x1BAA8] =	vst v63  }
0x2ef: {  	_ =	swait.ge [sflag:s21], $0x28  }
0x2f0: {  	[sflag:s21] =	ssyncset.done $0x0  }
0x2f1: {  	[sflag:s21] =	ssyncadd.s32 $0xFFFFFFD8  }
0x2f2: {  	[tilespmem:s9], [sflag:$0x1] =	stream.indirect.gather [spmem:s4], $0x90, s5, s28, $0xb8;
	[tilespmem:$0x1BAA8] =	vst v63  }
0x2f3: {  	_ =	swait.ge [sflag:s10], $0x1680  }
0x2f4: {  	[sflag:s10] =	ssyncset.done $0x0  }
0x2f5: {  	s24 =	rddreg [dreg:$0x14];
	[sflag:s10] =	ssyncadd.s32 $0xFFFFE980  }
0x2f6: {  	[hbm4b:s24+s5] =	stream.linear.scatter [tilespmem:s9], [sflag:$0x7], $0x1680, $0x38;
	[tilespmem:$0x1BAA8] =	vst v63  }
0x2f7: {  	_ =	swait.ge [sflag:s21], $0x1680  }
0x2f8: {  	[sflag:s21] =	ssyncset.done $0x0  }
0x2f9: {  	s22 =	rddreg [dreg:$0xa];
	[sflag:s21] =	ssyncadd.s32 $0xFFFFE980  }
0x2fa: {  	[tilespmem:s5], [sflag:$0x7] =	stream.linear.gather [hbm4b:s22+s5], $0x28, $0x38;
	[tilespmem:$0x1BAA8] =	vst v63  }
0x2fb: {  	_ =	swait.ge [sflag:s21], $0x28  }
0x2fc: {  	[sflag:s21] =	ssyncset.done $0x0  }
0x2fd: {  	[sflag:s21] =	ssyncadd.s32 $0xFFFFFFD8  }
0x2fe: {  	[tilespmem:s9], [sflag:$0x1] =	stream.indirect.gather [spmem:s4], $0x90, s5, s28, $0xb8;
	[tilespmem:$0x1BAA8] =	vst v63  }
0x2ff: {  	_ =	swait.ge [sflag:s10], $0x1680  }
0x300: {  	[sflag:s10] =	ssyncset.done $0x0  }
0x301: {  	s25 =	rddreg [dreg:$0x15];
	[sflag:s10] =	ssyncadd.s32 $0xFFFFE980  }
0x302: {  	[hbm4b:s25+s5] =	stream.linear.scatter [tilespmem:s9], [sflag:$0x7], $0x1680, $0x38;
	[tilespmem:$0x1BAA8] =	vst v63  }
0x303: {  	_ =	swait.ge [sflag:s21], $0x1680  }
0x304: {  	s1 =	sld [smem:$0x7F9]  }
0x305: {  	[sflag:s21] =	ssyncset.done $0x0  }
0x306: {  	[sflag:s21] =	ssyncadd.s32 $0xFFFFE980  }
0x307: {  	[tilespmem:s5], [sflag:$0x7] =	stream.linear.gather [hbm4b:s1+s5], $0x28, $0x38;
	[tilespmem:$0x1BAA8] =	vst v63  }
0x308: {  	_ =	swait.ge [sflag:s21], $0x28  }
0x309: {  	[sflag:s21] =	ssyncset.done $0x0  }
0x30a: {  	[sflag:s21] =	ssyncadd.s32 $0xFFFFFFD8  }
0x30b: {  	[tilespmem:s9], [sflag:$0x1] =	stream.indirect.gather [spmem:s4], $0x90, s5, s28, $0xb8;
	[tilespmem:$0x1BAA8] =	vst v63  }
0x30c: {  	_ =	swait.ge [sflag:s10], $0x1680  }
0x30d: {  	[sflag:s10] =	ssyncset.done $0x0  }
0x30e: {  	s26 =	rddreg [dreg:$0x16];
	[sflag:s10] =	ssyncadd.s32 $0xFFFFE980  }
0x30f: {  	[hbm4b:s26+s5] =	stream.linear.scatter [tilespmem:s9], [sflag:$0x7], $0x1680, $0x38;
	[tilespmem:$0x1BAA8] =	vst v63  }
0x310: {  	_ =	swait.ge [sflag:s21], $0x1680  }
0x311: {  	[sflag:s21] =	ssyncset.done $0x0  }
0x312: {  	s23 =	rddreg [dreg:$0xb];
	[sflag:s21] =	ssyncadd.s32 $0xFFFFE980  }
0x313: {  	[tilespmem:s5], [sflag:$0x7] =	stream.linear.gather [hbm4b:s23+s5], $0x28, $0x38;
	[tilespmem:$0x1BAA8] =	vst v63  }
0x314: {  	_ =	swait.ge [sflag:s21], $0x28  }
0x315: {  	[sflag:s21] =	ssyncset.done $0x0  }
0x316: {  	[sflag:s21] =	ssyncadd.s32 $0xFFFFFFD8  }
0x317: {  	[tilespmem:s9], [sflag:$0x1] =	stream.indirect.gather [spmem:s4], $0x90, s5, s28, $0xb8;
	[tilespmem:$0x1BAA8] =	vst v63  }
0x318: {  	_ =	swait.ge [sflag:s10], $0x1680  }
0x319: {  	[sflag:s10] =	ssyncset.done $0x0  }
0x31a: {  	s29 =	rddreg [dreg:$0x17];
	[sflag:s10] =	ssyncadd.s32 $0xFFFFE980  }
0x31b: {  	[hbm4b:s29+s5] =	stream.linear.scatter [tilespmem:s9], [sflag:$0x7], $0x1680, $0x38;
	[tilespmem:$0x1BAA8] =	vst v63  }
0x31c: {  	_ =	swait.ge [sflag:s21], $0x1680  }
0x31d: {  	s2 =	sld [smem:$0x7FA]  }
0x31e: {  	[sflag:s21] =	ssyncset.done $0x0  }
0x31f: {  	[sflag:s21] =	ssyncadd.s32 $0xFFFFE980  }
0x320: {  	[tilespmem:s5], [sflag:$0x7] =	stream.linear.gather [hbm4b:s2+s5], $0x28, $0x38;
	[tilespmem:$0x1BAA8] =	vst v63  }
0x321: {  	_ =	swait.ge [sflag:s21], $0x28  }
0x322: {  	[sflag:s21] =	ssyncset.done $0x0  }
0x323: {  	[sflag:s21] =	ssyncadd.s32 $0xFFFFFFD8  }
0x324: {  	[tilespmem:s9], [sflag:$0x1] =	stream.indirect.gather [spmem:s4], $0x90, s5, s28, $0xb8;
	[tilespmem:$0x1BAA8] =	vst v63  }
0x325: {  	_ =	swait.ge [sflag:s10], $0x1680  }
0x326: {  	[sflag:s10] =	ssyncset.done $0x0  }
0x327: {  	s30 =	rddreg [dreg:$0x18];
	[sflag:s10] =	ssyncadd.s32 $0xFFFFE980  }
0x328: {  	[hbm4b:s30+s5] =	stream.linear.scatter [tilespmem:s9], [sflag:$0x7], $0x1680, $0x38;
	[tilespmem:$0x1BAA8] =	vst v63  }
0x329: {  	_ =	swait.ge [sflag:s21], $0x1680  }
0x32a: {  	[sflag:s21] =	ssyncset.done $0x0  }
0x32b: {  	s24 =	rddreg [dreg:$0xc];
	[sflag:s21] =	ssyncadd.s32 $0xFFFFE980  }
0x32c: {  	[tilespmem:s5], [sflag:$0x7] =	stream.linear.gather [hbm4b:s24+s5], $0x28, $0x38;
	[tilespmem:$0x1BAA8] =	vst v63  }
0x32d: {  	_ =	swait.ge [sflag:s21], $0x28  }
0x32e: {  	[sflag:s21] =	ssyncset.done $0x0  }
0x32f: {  	[sflag:s21] =	ssyncadd.s32 $0xFFFFFFD8  }
0x330: {  	[tilespmem:s9], [sflag:$0x1] =	stream.indirect.gather [spmem:s4], $0x90, s5, s28, $0xb8;
	[tilespmem:$0x1BAA8] =	vst v63  }
0x331: {  	_ =	swait.ge [sflag:s10], $0x1680  }
0x332: {  	[sflag:s10] =	ssyncset.done $0x0  }
0x333: {  	s31 =	rddreg [dreg:$0x19];
	[sflag:s10] =	ssyncadd.s32 $0xFFFFE980  }
0x334: {  	[hbm4b:s31+s5] =	stream.linear.scatter [tilespmem:s9], [sflag:$0x7], $0x1680, $0x38;
	[tilespmem:$0x1BAA8] =	vst v63  }
0x335: {  	_ =	swait.ge [sflag:s21], $0x1680  }
0x336: {  	s6 =	sld [smem:$0x7FB]  }
0x337: {  	[sflag:s21] =	ssyncset.done $0x0  }
0x338: {  	[sflag:s21] =	ssyncadd.s32 $0xFFFFE980  }
0x339: {  	[tilespmem:s5], [sflag:$0x7] =	stream.linear.gather [hbm4b:s6+s5], $0x28, $0x38;
	[tilespmem:$0x1BAA8] =	vst v63  }
0x33a: {  	_ =	swait.ge [sflag:s21], $0x28  }
0x33b: {  	[sflag:s21] =	ssyncset.done $0x0  }
0x33c: {  	[sflag:s21] =	ssyncadd.s32 $0xFFFFFFD8  }
0x33d: {  	[tilespmem:s9], [sflag:$0x1] =	stream.indirect.gather [spmem:s4], $0x90, s5, s28, $0xb8;
	[tilespmem:$0x1BAA8] =	vst v63  }
0x33e: {  	_ =	swait.ge [sflag:s10], $0x1680  }
0x33f: {  	[sflag:s10] =	ssyncset.done $0x0  }
0x340: {  	s3 =	rddreg [dreg:$0x1a];
	[sflag:s10] =	ssyncadd.s32 $0xFFFFE980  }
0x341: {  	[hbm4b:s3+s5] =	stream.linear.scatter [tilespmem:s9], [sflag:$0x7], $0x1680, $0x38;
	[tilespmem:$0x1BAA8] =	vst v63  }
0x342: {  	_ =	swait.ge [sflag:s21], $0x1680  }
0x343: {  	[sflag:s21] =	ssyncset.done $0x0  }
0x344: {  	s25 =	rddreg [dreg:$0xd];
	[sflag:s21] =	ssyncadd.s32 $0xFFFFE980  }
0x345: {  	[tilespmem:s5], [sflag:$0x7] =	stream.linear.gather [hbm4b:s25+s5], $0x28, $0x38;
	[tilespmem:$0x1BAA8] =	vst v63  }
0x346: {  	_ =	swait.ge [sflag:s21], $0x28  }
0x347: {  	[sflag:s21] =	ssyncset.done $0x0  }
0x348: {  	[sflag:s21] =	ssyncadd.s32 $0xFFFFFFD8  }
0x349: {  	[tilespmem:s9], [sflag:$0x1] =	stream.indirect.gather [spmem:s4], $0x90, s5, s28, $0xb8;
	[tilespmem:$0x1BAA8] =	vst v63  }
0x34a: {  	_ =	swait.ge [sflag:s10], $0x1680  }
0x34b: {  	[sflag:s10] =	ssyncset.done $0x0  }
0x34c: {  	s7 =	rddreg [dreg:$0x1b];
	[sflag:s10] =	ssyncadd.s32 $0xFFFFE980  }
0x34d: {  	[hbm4b:s7+s5] =	stream.linear.scatter [tilespmem:s9], [sflag:$0x7], $0x1680, $0x38;
	[tilespmem:$0x1BAA8] =	vst v63  }
0x34e: {  	_ =	swait.ge [sflag:s21], $0x1680  }
0x34f: {  	s7 =	sld [smem:$0x7FC]  }
0x350: {  	[sflag:s21] =	ssyncset.done $0x0  }
0x351: {  	[sflag:s21] =	ssyncadd.s32 $0xFFFFE980  }
0x352: {  	[tilespmem:s5], [sflag:$0x7] =	stream.linear.gather [hbm4b:s7+s5], $0x28, $0x38;
	[tilespmem:$0x1BAA8] =	vst v63  }
0x353: {  	_ =	swait.ge [sflag:s21], $0x28  }
0x354: {  	[sflag:s21] =	ssyncset.done $0x0  }
0x355: {  	[sflag:s21] =	ssyncadd.s32 $0xFFFFFFD8  }
0x356: {  	[tilespmem:s9], [sflag:$0x1] =	stream.indirect.gather [spmem:s4], $0x90, s5, s28, $0xb8;
	[tilespmem:$0x1BAA8] =	vst v63  }
0x357: {  	_ =	swait.ge [sflag:s10], $0x1680  }
0x358: {  	[sflag:s10] =	ssyncset.done $0x0  }
0x359: {  	s8 =	rddreg [dreg:$0x1c];
	[sflag:s10] =	ssyncadd.s32 $0xFFFFE980  }
0x35a: {  	[hbm4b:s8+s5] =	stream.linear.scatter [tilespmem:s9], [sflag:$0x7], $0x1680, $0x38;
	[tilespmem:$0x1BAA8] =	vst v63  }
0x35b: {  	_ =	swait.ge [sflag:s21], $0x1680  }
0x35c: {  	[sflag:s21] =	ssyncset.done $0x0  }
0x35d: {  	s26 =	rddreg [dreg:$0xe];
	[sflag:s21] =	ssyncadd.s32 $0xFFFFE980  }
0x35e: {  	[tilespmem:s5], [sflag:$0x7] =	stream.linear.gather [hbm4b:s26+s5], $0x28, $0x38;
	[tilespmem:$0x1BAA8] =	vst v63  }
0x35f: {  	_ =	swait.ge [sflag:s21], $0x28  }
0x360: {  	[sflag:s21] =	ssyncset.done $0x0  }
0x361: {  	[sflag:s21] =	ssyncadd.s32 $0xFFFFFFD8  }
0x362: {  	[tilespmem:s9], [sflag:$0x1] =	stream.indirect.gather [spmem:s4], $0x90, s5, s28, $0xb8;
	[tilespmem:$0x1BAA8] =	vst v63  }
0x363: {  	_ =	swait.ge [sflag:s10], $0x1680  }
0x364: {  	[sflag:s10] =	ssyncset.done $0x0  }
0x365: {  	s11 =	rddreg [dreg:$0x1d];
	[sflag:s10] =	ssyncadd.s32 $0xFFFFE980  }
0x366: {  	[hbm4b:s11+s5] =	stream.linear.scatter [tilespmem:s9], [sflag:$0x7], $0x1680, $0x38;
	[tilespmem:$0x1BAA8] =	vst v63  }
0x367: {  	_ =	swait.ge [sflag:s21], $0x1680  }
0x368: {  	s8 =	sld [smem:$0x7FD]  }
0x369: {  	[sflag:s21] =	ssyncset.done $0x0  }
0x36a: {  	[sflag:s21] =	ssyncadd.s32 $0xFFFFE980  }
0x36b: {  	[tilespmem:s5], [sflag:$0x7] =	stream.linear.gather [hbm4b:s8+s5], $0x28, $0x38;
	[tilespmem:$0x1BAA8] =	vst v63  }
0x36c: {  	_ =	swait.ge [sflag:s21], $0x28  }
0x36d: {  	[sflag:s21] =	ssyncset.done $0x0  }
0x36e: {  	[sflag:s21] =	ssyncadd.s32 $0xFFFFFFD8  }
0x36f: {  	[tilespmem:s9], [sflag:$0x1] =	stream.indirect.gather [spmem:s4], $0x90, s5, s28, $0xb8;
	[tilespmem:$0x1BAA8] =	vst v63  }
0x370: {  	_ =	swait.ge [sflag:s10], $0x1680  }
0x371: {  	[sflag:s10] =	ssyncset.done $0x0  }
0x372: {  	s29 =	rddreg [dreg:$0x1f];
	[sflag:s10] =	ssyncadd.s32 $0xFFFFE980  }
0x373: {  	[hbm4b:s29+s5] =	stream.linear.scatter [tilespmem:s9], [sflag:$0x7], $0x1680, $0x38;
	[tilespmem:$0x1BAA8] =	vst v63  }
0x374: {  	_ =	swait.ge [sflag:s21], $0x1680  }
0x375: {  	[sflag:s21] =	ssyncset.done $0x0  }
0x376: {  	s3 =	rddreg [dreg:$0xf];
	[sflag:s21] =	ssyncadd.s32 $0xFFFFE980  }
0x377: {  	[tilespmem:s5], [sflag:$0x7] =	stream.linear.gather [hbm4b:s3+s5], $0x28, $0x38;
	[tilespmem:$0x1BAA8] =	vst v63  }
0x378: {  	_ =	swait.ge [sflag:s21], $0x28  }
0x379: {  	[sflag:s21] =	ssyncset.done $0x0  }
0x37a: {  	[sflag:s21] =	ssyncadd.s32 $0xFFFFFFD8  }
0x37b: {  	[tilespmem:s9], [sflag:$0x1] =	stream.indirect.gather [spmem:s4], $0x90, s5, s28, $0xb8;
	[tilespmem:$0x1BAA8] =	vst v63  }
0x37c: {  	_ =	swait.ge [sflag:s10], $0x1680  }
0x37d: {  	s30 =	sld [smem:$0x7F4]  }
0x37e: {  	[sflag:s10] =	ssyncset.done $0x0  }
0x37f: {  	[sflag:s10] =	ssyncadd.s32 $0xFFFFE980  }
0x380: {  	[hbm4b:s30+s5] =	stream.linear.scatter [tilespmem:s9], [sflag:$0x7], $0x1680, $0x38;
	[tilespmem:$0x1BAA8] =	vst v63  }
0x381: {  	_ =	swait.ge [sflag:s21], $0x1680  }
0x382: {  	s11 =	sld [smem:$0x7EF]  }
0x383: {  	s31 =	sld [smem:$0x7F8];
	_ =	sdelay $0x1  }
0x384: {  	s11 =	sadd.s32 $0x1, s11  }
0x385: {  	p0 =	sne.s32 s11, s31  }
.Ltmp2:
0x386: {  	_ = 	snop;
	(pc) =	sbr.rel @p0 .LBB2_1-.Ltmp2, $3  }
0x387: {  	_ =	sdelay $0x1  }
0x388: {  	[sflag:s21] =	ssyncset.done $0x0  }
0x389: {  	[sflag:s21] =	ssyncadd.s32 $0xFFFFE980  }
0x38a: {  	_ =	sfence.sel $0x180000  }
0x38b: {  	[bflag:$0x0] =	sbarrier.arrive $0xFFFF  }
0x38c: {  	_ =	strace $0x9000004D  }
0x38d: {  	s0 =	stileid.u32;
	[bflag:$0x2] =	sbarrier.arrive $0xFFFF  }
0x38e: {  	p0 =	sne.s32 s0, $0x0;
	s0 =	rddreg [dreg:$0x4]  }
0x38f: {  	s0 =	sadd.s32 @!p0 $0x100000, s0  }
0x390: {  	[sflag:s0] =	ssyncadd.tile.s32 @!p0 $0x1;
	_ =	shalt  }
.Lfunc_end2:
_tile_overlayer_lowered:
.L_overlay_start_2:
0x391: {  	(tag) =	ssettag $0x2  }
0x392: {  	s0 =	rddreg [dreg:$0x0];
	s2 =	stileid.u32  }
0x393: {  	s1 =	rddreg [dreg:$0x1];
	p0 =	sne.s32 s2, $0x0  }
0x394: {  	s3 =	rddreg [dreg:$0x2];
	[bflag:$0x3] =	sbarrier.arrive $0xFFFF;
	s2 =	simm.s32 @!p0 $0x1C07  }
0x395: {  	[timem:s3], [sflag:s2] =	dma.local @!p0 [hbm:s0], s1  }
0x396: {  	s0 =	simm.s32 @!p0 $0x7  }
0x397: {  	_ =	swait.ge @!p0 [sflag:s0], s1  }
0x398: {  	s1 =	ssub.s32 @!p0 $0x0, s1;
	[sflag:s0] =	ssyncset.done @!p0 $0x0  }
0x399: {  	[sflag:s0] =	ssyncadd.s32 @!p0 s1  }
0x39a: {  	[bflag:$0x3] =	sbarrier.arrive $0xFFFF  }
0x39b: {  	_ =	shalt  }

// kernel: sparse-core-data-format-call.1.cloned.1.call-start
scs
called_computation.1_lowered:
.L_overlay_start_0:
0x0: {  	s2 =	sld [smem:$0x3FD9]  }
0x1: {  	s3 =	sld [smem:$0x3FFE];
	_ =	sdelay $0x1  }
0x2: {  	s1 =	srdreg.scid  }
0x3: {  	s0 =	sand.u32 $0x1, s1  }
0x4: {  	s18 =	sshll.u32 s0, $0xA;
	s2 =	sadd.s32 s3, s2  }
0x5: {  	s2 =	sadd.s32 s2, s18  }
0x6: {  	[smem:$0x3FC1] =	sst s2  }
0x7: {  	_ = 	snop  }
0x8: {  	(tm) =	ssettm $0x1  }
0x9: {  	s19 =	sld [smem:$0x3FFB];
	_ =	sdelay $0x3  }
0xa: {  	_ =	strace s19  }
0xb: {  	s2 =	sld [smem:$0x3FFC];
	_ =	sdelay $0x3  }
0xc: {  	_ =	strace s2  }
0xd: {  	s2 =	sld [smem:$0x3FFD];
	_ =	sdelay $0x3  }
0xe: {  	_ =	strace s2  }
0xf: {  	_ =	strace $0x8FFFFFFF  }
0x10: {  	s20 =	sld [smem:$0x3FDB];
	_ =	sdelay $0x1  }
0x11: {  	s21 =	simm.s32 $_scs_section_size  }
0x12: {  	s4 =	simm.s32 $_size__tile_overlayer_lowered;
	s5 =	simm.s32 $_tile_overlayer_lowered  }
0x13: {  	s6 =	simm.s32 $0x1BFF;
	s22 =	sshll.u32 s5, $0x1;
	s3 =	sadd.s32 s21, s20  }
0x14: {  	s23 =	simm.s32 $0x0;
	s4 =	sshll.u32 s4, $0x1;
	s5 =	sadd.s32 s22, s3  }
0x15: {  	[timem:s23], [sflag:s6] =	dma.local [hbm:s5], s4  }
0x16: {  	_ =	swait.ge [sflag:s6], s4  }
0x17: {  	s4 =	ssub.s32 $0x0, s4;
	[sflag:s6] =	ssyncset.done $0x0  }
0x18: {  	[sflag:s6] =	ssyncadd.s32 s4;
	_ =	sdelay $0x1  }
0x19: {  	s24 =	simm.s32 $0x1B8B  }
0x1a: {  	_ =	swait.ge [sflag:s24], $0x1  }
0x1b: {  	[sflag:s24] =	ssyncset.done $0x0  }
0x1c: {  	[sflag:s24] =	ssyncadd.s32 $0xFFFFFFFF  }
0x1d: {  	s4 =	sld [smem:$0x0]  }
0x1e: {  	s5 =	sand.u32 $0xFFFFFFFE, s1  }
0x1f: {  	p0 =	sne.s32 s1, s5  }
0x20: {  	s5 =	sshll.u32 @p0 s5, $0xE  }
0x21: {  	s5 =	sadd.s32 @p0 $0x11B8D, s5;
	s6 =	sshll.u32 @p0 s4, $0x11  }
0x22: {  	s5 =	sor.u32 @p0 s6, s5  }
0x23: {  	[sflag:s5] =	ssyncadd.remote.s32 @p0 $0x1;
	_ =	sdelay $0x1  }
0x24: {  	s5 =	simm.s32 @p0 $0x1B8D  }
0x25: {  	_ =	swait.eq @p0 [sflag:s5], $0x1  }
0x26: {  	[sflag:s5] =	ssyncadd.s32 @p0 $0xFFFFFFFF  }
0x27: {  	s6 =	sshll.u32 @!p0 s1, $0xE  }
0x28: {  	s6 =	sor.u32 @!p0 $0x4000, s6;
	s5 =	simm.s32 @!p0 $0x1B8D  }
0x29: {  	s4 =	sshll.u32 @!p0 s4, $0x11;
	s6 =	sadd.s32 @!p0 $0x11B8D, s6;
	_ =	swait.eq @!p0 [sflag:s5], $0x1  }
0x2a: {  	s4 =	sor.u32 @!p0 s4, s6;
	[sflag:s5] =	ssyncadd.s32 @!p0 $0xFFFFFFFF  }
0x2b: {  	s26 =	simm.s32 $0x1B8E;
	s25 =	sld [smem:$0x3FFE];
	[sflag:s4] =	ssyncadd.remote.s32 @!p0 $0x1  }
0x2c: {  	s27 =	simm.s32 $execute0_lowered;
	[smem:$0x3FD2] =	sst s26  }
0x2d: {  	s5 =	sshll.u32 s27, $0x1;
	_ =	strace $0x80000049;
	[dreg:$0x1] =	wrdreg $0xFFFFFFFF  }
0x2e: {  	s28 =	simm.s32 $_size_execute0_lowered;
	s3 =	sadd.s32 s3, s5;
	[dreg:$0x0] =	wrdreg $0x0  }
0x2f: {  	s5 =	sshll.u32 s28, $0x1;
	[dreg:$0x2] =	wrdreg s3  }
0x30: {  	[dreg:$0x3] =	wrdreg s5  }
0x31: {  	[dreg:$0x4] =	wrdreg $0xC0  }
0x32: {  	_ =	task [dreg:s23], $0x5FFFF  }
0x33: {  	[dreg:$0x1] =	wrdreg $0xFFFFFFFF  }
0x34: {  	[dreg:$0x0] =	wrdreg $0x60  }
0x35: {  	[dreg:$0x2] =	wrdreg s25  }
0x36: {  	[dreg:$0x3] =	wrdreg $0xA  }
0x37: {  	_ =	task.clear_ibuf [dreg:s23], $0x4FFFF;
	_ =	strace $0x90000049  }
0x38: {  	s29 =	simm.s32 $0xA;
	_ =	strace $0x8000004B  }
0x39: {  	_ =	swait.ge [sflag:s29], $0x1  }
0x3a: {  	[sflag:s29] =	ssyncadd.s32 $0xFFFFFFFF  }
0x3b: {  	_ =	strace $0x9000004B  }
0x3c: {  	_ =	sfence  }
0x3d: {  	s30 =	sld [smem:$0x0];
	_ =	sdelay $0x2  }
0x3e: {  	s31 =	sshll.u32 s1, $0xD;
	s1 =	sshrl.u32 s1, $0x2  }
0x3f: {  	s4 =	sand.u32 $0x4000, s31;
	s1 =	sadd.s32 s1, s30  }
0x40: {  	s0 =	sor.u32 s4, s0;
	s1 =	sshll.u32 s1, $0x11  }
0x41: {  	s0 =	sor.u32 s1, s0  }
0x42: {  	s0 =	sadd.s32 $0x8F2B, s0  }
0x43: {  	[sflag:s0] =	ssyncadd.remote.s32 $0x1  }
0x44: {  	_ =	sfence.sel $0xFFFF  }
0x45: {  	[dreg:$0x0] =	wrdreg $0xFFFFFFFF;
	(pc) =	sbr.abs _section_cstart, $3  }
0x46: {  	[dreg:$0x1] =	wrdreg $0xFFFFFFFF  }
0x47: {  	_ =	task.clear_ibuf [dreg:s23], $0x2FFFF;
	_ =	strace $0x9FFFFFFF  }
0x48: {  	(tm) =	ssettm $0x7FFFFFFF  }
0x49: {  	_ =	shalt  }
tec
execute0_lowered:
.L_overlay_start_1:
0x0: {  	(tag) =	ssettag $0x1  }
0x1: {  	s0 =	rddreg [dreg:$0x0]  }
0x2: {  	_ =	strace $0x8000004A;
	s30 =	srdreg.scid;
	s2 =	stileid.u32  }
0x3: {  	s1 =	simm.s32 $0x1;
	s31 =	simm.s32 $0x2;
	s13 =	simm.s32 $0x0  }
0x4: {  	p0 =	por $0x0, $0x0;
	s15 =	simm.s32 $0x0;
	s14 =	simm.s32 $0x0  }
0x5: {  	s6 =	simm.s32 $0x0;
	s8 =	simm.s32 $0x0;
	s5 =	sadd.s32 $0x15C4E00, s0  }
.Ltmp0:
0x6: {  	s9 =	simm.s32 $0x0;
	s0 =	sadd.s32 $0x10E2E00, s0;
	(pc) =	sbr.rel .LBB1_1-.Ltmp0, $4  }
0x7: {  	s10 =	simm.s32 $0x0;
	[dreg:$0x3] =	wrdreg s0;
	s0 =	sshll.u32 s30, $0x4  }
0x8: {  	s12 =	simm.s32 $0x0;
	s7 =	simm.s32 $0x0;
	s0 =	sand.u32 $0x10, s0  }
0x9: {  	[sflag:s1] =	ssyncpa.u1 $0x0;
	[dreg:$0x2] =	wrdreg s5;
	s16 =	sor.u32 s2, s0  }
0xa: {  	[sflag:s31] =	ssyncpa.u1 $0x0;
	s11 =	smov.u32 s16;
	[dreg:$0x4] =	wrdreg s16  }
.LBB1_13:
0xb: {  	p1 =	sgt.s32 s9, $0x0  }
0xc: {  	s0 =	smov.u32 s9;
	s1 =	sshrl.u32 s9, $0x4;
	s2 =	rddreg [dreg:$0x5]  }
0xd: {  	s3 =	smov.u32 s6;
	s28 =	smul.u32 $0x27100, s8;
	s29 =	sshrl.u32 s9, $0x3  }
0xe: {  	s5 =	smul.u32 $0x280, s6;
	s16 =	rddreg [dreg:$0x3];
	s0 =	simm.s32 @!p1 $0x0  }
0xf: {  	s30 =	smul.u32 $0x2040, s19;
	s1 =	sand.u32 $0x1FFFFF8, s1;
	s0 =	sadd.s32 s0, s2  }
0x10: {  	p1 =	sgt.s32 s6, $0xF9;
	s24 =	smulhi.u32 $0x6666667, s1;
	s4 =	ssub.s32 $0x80, s0  }
0x11: {  	s31 =	sand.u32 $0x7, s9;
	s3 =	simm.s32 @!p1 $0xF9;
	s4 =	smul.u32 $0x28, s4  }
0x12: {  	s3 =	sadd.s32 s18, s3;
	p1 =	sgt.s32 s0, $0x7F;
	s25 =	smul.u32 $0x28, s24  }
0x13: {  	s26 =	sadd.s32 $0xFFFFFF07, s3;
	s2 =	ssub.s32 $0xFA, s3;
	s4 =	simm.s32 @p1 $0x0  }
0x14: {  	s3 =	sand.u32 $0xF, s29;
	p1 =	sgt.s32 s26, $0x0;
	s27 =	smul.u32 s17, s4  }
0x15: {  	s0 =	ssub.s32 s1, s25;
	s2 =	simm.s32 @p1 $0x0;
	s4 =	sadd.s32 s16, s28  }
0x16: {  	s1 =	sor.u32 $0x4000, s30;
	s3 =	sadd.s32 s3, s4;
	s2 =	smul.u32 s2, s27  }
0x17: {  	s0 =	sshll.u32 s0, $0x4;
	s16 =	rddreg [dreg:$0x4];
	s3 =	sadd.s32 s5, s3  }
0x18: {  	s5 =	rddreg [dreg:$0x2];
	s0 =	sadd.s32 s0, s3;
	s2 =	sand.u32 $0x3FFFFFF8, s2  }
0x19: {  	[hbm4b:s0+s31] =	stream.linear.scatter [tilespmem:s1], [sflag:$0x2], s2, $0x20;
	[tilespmem:$0x8080] =	vst v63  }
.LBB1_14:
0x1a: {  	p1 =	slt.u32 s7, $0x2  }
0x1b: {  	p2 =	sgt.s32 @!p1 s15, $0x1F  }
0x1c: {  	s0 =	smov.u32 s15;
	s1 =	sshra.s32 @!p1 s15, $0x1F;
	p2 =	por !p2, p1  }
0x1d: {  	s2 =	smov.u32 s13;
	s1 =	sand.u32 @!p1 s1, s15;
	s0 =	simm.s32 @p2 $0x1F  }
0x1e: {  	p3 =	sgt.s32 @!p1 s13, $0xF9;
	s3 =	sshra.s32 @!p1 s13, $0x1F;
	s0 =	ssub.s32 @!p1 s0, s1  }
0x1f: {  	p3 =	por !p3, p1;
	s3 =	sand.u32 @!p1 s3, s13;
	s1 =	sadd.s32 @!p1 $0xFFFFFFE1, s0  }
0x20: {  	s2 =	simm.s32 @p3 $0xF9;
	p2 =	sgt.s32 @!p1 s1, $0x0;
	s1 =	ssub.s32 @!p1 $0x0, s14  }
0x21: {  	s2 =	ssub.s32 @!p1 s2, s3;
	s1 =	smin.u32 @!p1 s14, s1  }
0x22: {  	s0 =	ssub.s32 @!p1 $0x20, s0;
	s3 =	sadd.s32 @!p1 $0xFFFFFF07, s2;
	s4 =	ssub.s32 @!p1 $0x80, s1  }
0x23: {  	p2 =	por !p2, p1;
	p3 =	sgt.s32 @!p1 s1, $0x7F;
	s1 =	smul.u32 @!p1 $0x28, s4  }
0x24: {  	s2 =	ssub.s32 @!p1 $0xFA, s2;
	s0 =	simm.s32 @!p2 $0x0;
	p2 =	por !p3, p1  }
0x25: {  	p3 =	sgt.s32 @!p1 s3, $0x0;
	s3 =	sadd.s32 $0x20, s11;
	s1 =	simm.s32 @!p2 $0x0  }
0x26: {  	p2 =	por !p3, p1;
	s0 =	smul.u32 @!p1 s0, s1;
	s1 =	sadd.s32 $0x1, s10  }
0x27: {  	s4 =	smov.u32 s11;
	s2 =	simm.s32 @!p2 $0x0;
	p2 =	sgt.s32 s1, $0xF9  }
0x28: {  	s0 =	smul.u32 @!p1 s2, s0;
	s4 =	smov.u32 @p2 s3  }
0x29: {  	s2 =	sadd.s32 $0x80, s12;
	s3 =	smov.u32 s12;
	p3 =	sgt.s32 s4, $0x1F  }
0x2a: {  	s7 =	sadd.s32 $0x1, s7;
	p0 =	por !p0, !p0;
	s3 =	smov.u32 @p3 s2  }
0x2b: {  	s13 =	smov.u32 s6;
	s1 =	simm.s32 @p2 $0x0;
	p2 =	sgt.s32 s3, $0x5F  }
0x2c: {  	s15 =	smov.u32 s8;
	s3 =	simm.s32 @p2 $0x0;
	p2 =	sne.s32 s7, $0xFC  }
.Ltmp1:
0x2d: {  	s6 =	smov.u32 s10;
	s8 =	smov.u32 s11;
	(pc) =	sbr.rel @!p2 .LBB1_15-.Ltmp1, $4  }
0x2e: {  	s14 =	smov.u32 s9;
	s0 =	sand.u32 @!p1 $0x3FFFFFF8, s0;
	s2 =	simm.s32 @!p1 $0x2  }
0x2f: {  	s9 =	smov.u32 s12;
	s10 =	smov.u32 s1;
	_ =	swait.ge @!p1 [sflag:s2], s0  }
0x30: {  	s4 =	smov.u32 @p3 s16;
	s0 =	ssub.s32 @!p1 $0x0, s0;
	[sflag:s2] =	ssyncset.done @!p1 $0x0  }
0x31: {  	s11 =	smov.u32 s4;
	[sflag:s2] =	ssyncadd.s32 @!p1 s0;
	s12 =	smov.u32 s3  }
.LBB1_1:
0x32: {  	p1 =	sgt.u32 s7, $0xF9;
	s0 =	smov.u32 s12  }
0x33: {  	s3 =	smov.u32 s11;
	p2 =	sgt.s32 @!p1 s12, $0xFFFFFFE0;
	s1 =	sxor.u32 @!p1 $0xFFFFFFFF, s7  }
0x34: {  	s2 =	sshra.s32 @!p1 s12, $0x1F;
	s4 =	sshra.s32 @!p1 s11, $0x1F;
	p2 =	por !p2, p1  }
0x35: {  	s2 =	sand.u32 @!p1 s2, s12;
	s0 =	simm.s32 @p2 $0xFFFFFFE0;
	p2 =	sgt.s32 @!p1 s11, $0x1F  }
0x36: {  	s4 =	sand.u32 @!p1 s4, s11;
	s1 =	sshll.u32 @!p1 s1, $0xD;
	p2 =	por !p2, p1  }
0x37: {  	s1 =	sand.u32 @!p1 $0x2000, s1;
	s0 =	ssub.s32 @!p1 s0, s2;
	s3 =	simm.s32 @p2 $0x1F  }
0x38: {  	p2 =	sgt.s32 @!p1 s10, $0xFF;
	s0 =	sadd.s32 @!p1 $0x20, s0;
	s2 =	ssub.s32 @!p1 s3, s4  }
0x39: {  	p2 =	por !p2, p1;
	s4 =	smov.u32 s10;
	s3 =	sadd.s32 @!p1 $0xFFFFFFE1, s2  }
0x3a: {  	s4 =	simm.s32 @p2 $0xFF;
	p3 =	sgt.s32 @!p1 s3, $0x0;
	s3 =	sshra.s32 @!p1 s10, $0x1F  }
0x3b: {  	p2 =	sgt.s32 @!p1 s0, $0x7F;
	s0 =	sshll.u32 @!p1 s0, $0x6;
	s3 =	sand.u32 @!p1 s3, s10  }
0x3c: {  	s2 =	ssub.s32 @!p1 $0x20, s2;
	s0 =	ssub.s32 @!p1 $0x2000, s0;
	s3 =	ssub.s32 @!p1 s4, s3  }
0x3d: {  	p2 =	por !p2, p1;
	p3 =	por !p3, p1;
	s4 =	sadd.s32 @!p1 $0xFFFFFF01, s3  }
0x3e: {  	s0 =	simm.s32 @!p2 $0x0;
	s2 =	simm.s32 @!p3 $0x0;
	p3 =	sgt.s32 @!p1 s4, $0x0  }
0x3f: {  	s3 =	ssub.s32 @!p1 $0x100, s3;
	s0 =	smul.u32 @!p1 s2, s0;
	p2 =	por !p3, p1  }
0x40: {  	s2 =	sshll.u32 @!p1 s12, $0x11;
	s4 =	sshll.u32 @!p1 s10, $0x4;
	s3 =	simm.s32 @!p2 $0x0  }
0x41: {  	s2 =	sadd.s32 @!p1 s5, s2;
	s0 =	smul.u32 @!p1 s3, s0;
	s3 =	sshll.u32 @!p1 s11, $0xC  }
0x42: {  	s4 =	sand.u32 @!p1 $0xFF0, s4;
	s2 =	sadd.s32 @!p1 s3, s2;
	s3 =	simm.s32 @!p1 $0x40  }
0x43: {  	s0 =	sand.u32 @!p1 $0x3FFFFFC0, s0;
	s2 =	sadd.s32 @!p1 s4, s2;
	s4 =	simm.s32 @!p1 $0x100000  }
0x44: {  	[tilespmem:s1], [sflag:$0x1] =	stream.strided.gather @!p1 [hbm4b:s2+s3], s0, s4, s3, $0x38;
	[tilespmem:$0x8080] =	vst v63  }
0x45: {  	p1 =	seq.s32 s7, $0x0  }
0x46: {  	p2 =	seq.s32 @!p1 s7, $0xFB  }
0x47: {  	p1 =	por p1, p2  }
.Ltmp2:
0x48: {  	_ = 	snop;
	(pc) =	sbr.rel @p1 .LBB1_14-.Ltmp2, $1  }
0x49: {  	_ =	sdelay $0x3  }
0x4a: {  	s0 =	ssub.s32 $0x0, s9;
	s1 =	sshra.s32 s9, $0x1F  }
0x4b: {  	p1 =	sgt.s32 s9, $0xFFFFFFE0;
	s2 =	smov.u32 s9;
	s28 =	sshra.s32 s8, $0x1F  }
0x4c: {  	s29 =	ssub.s32 $0x0, s6;
	s3 =	sshra.s32 s6, $0x1F;
	p2 =	sgt.s32 s6, $0xFF  }
0x4d: {  	s4 =	smov.u32 s6;
	s0 =	sand.u32 s0, s1;
	s2 =	simm.s32 @!p1 $0xFFFFFFE0  }
0x4e: {  	p1 =	sgt.s32 s8, $0x1F;
	s1 =	smov.u32 s8;
	s18 =	sand.u32 s29, s3  }
0x4f: {  	s4 =	simm.s32 @!p2 $0xFF;
	s3 =	sadd.s32 $0x1, s8;
	[dreg:$0x5] =	wrdreg s0  }
0x50: {  	s0 =	sadd.s32 s0, s2;
	s1 =	simm.s32 @!p1 $0x1F;
	s2 =	sand.u32 s28, s8  }
0x51: {  	s0 =	sadd.s32 $0x20, s0;
	s1 =	ssub.s32 s1, s2;
	s2 =	sadd.s32 s18, s4  }
0x52: {  	p1 =	sgt.s32 s0, $0x7F;
	s5 =	sadd.s32 $0xFFFFFFE1, s1;
	s0 =	sshll.u32 s0, $0x6  }
0x53: {  	s17 =	ssub.s32 $0x20, s1;
	s30 =	sadd.s32 $0xFFFFFF01, s2;
	s1 =	ssub.s32 $0x100, s2  }
0x54: {  	s2 =	sadd.s32 $0x80, s9;
	p2 =	sgt.s32 s5, $0x0;
	s0 =	ssub.s32 $0x2000, s0  }
0x55: {  	s17 =	simm.s32 @p2 $0x0;
	s0 =	simm.s32 @p1 $0x0;
	p1 =	slt.s32 s2, $0x60  }
0x56: {  	p2 =	sgt.s32 s30, $0x0;
	s0 =	smul.u32 s17, s0;
	s2 =	simm.s32 @!p1 $0x60  }
0x57: {  	s1 =	simm.s32 @p2 $0x0;
	p1 =	slt.s32 s3, $0x20;
	s20 =	ssub.s32 s2, s9  }
0x58: {  	s3 =	simm.s32 @!p1 $0x20;
	s0 =	smul.u32 s1, s0;
	s1 =	sadd.s32 $0x1, s6  }
0x59: {  	s21 =	ssub.s32 s3, s8;
	p1 =	slt.s32 s20, $0x1;
	p2 =	slt.s32 s1, $0xFA  }
0x5a: {  	s1 =	simm.s32 @!p2 $0xFA;
	p2 =	slt.s32 @!p1 s21, $0x1  }
0x5b: {  	s22 =	ssub.s32 s1, s6;
	p2 =	por p1, p2  }
0x5c: {  	p3 =	slt.s32 @!p2 s22, $0x1  }
0x5d: {  	p2 =	por p2, p3  }
.Ltmp3:
0x5e: {  	_ = 	snop;
	(pc) =	sbr.rel @p2 .LBB1_13-.Ltmp3, $4  }
0x5f: {  	s31 =	simm.s32 $0x1;
	s0 =	sand.u32 $0x3FFFFFC0, s0  }
0x60: {  	_ =	swait.ge [sflag:s31], s0  }
0x61: {  	s0 =	ssub.s32 $0x0, s0;
	[sflag:s31] =	ssyncset.done $0x0  }
0x62: {  	s19 =	sand.u32 $0x1, s7;
	[sflag:s31] =	ssyncadd.s32 s0  }
0x63: {  	s0 =	simm.s32 $0x1  }
.Ltmp4:
0x64: {  	s0 =	simm.s32 @!p0 $0x0;
	(pc) =	sbr.rel .LBB1_4-.Ltmp4, $4  }
0x65: {  	s0 =	smul.u32 $0x8100, s0  }
0x66: {  	s23 =	sshll.u32 @!p1 s19, $0xD  }
0x67: {  	s25 =	simm.s32 $0x0;
	s26 =	simm.s32 $0x800;
	s0 =	sshrl.u32 s0, $0x2  }
0x68: {  	s27 =	simm.s32 $0x0;
	s28 =	simm.s32 $0x0;
	s24 =	sor.u32 $0x4000, s0  }
.LBB1_12:
0x69: {  	s28 =	sadd.s32 $0x1, s28  }
0x6a: {  	p1 =	sne.s32 s28, s20  }
.Ltmp5:
0x6b: {  	_ = 	snop;
	(pc) =	sbr.rel @!p1 .LBB1_13-.Ltmp5, $2  }
0x6c: {  	_ =	sdelay $0x2  }
0x6d: {  	s27 =	sadd.s32 $0x8, s27;
	s25 =	sadd.s32 $0x1, s25;
	s26 =	sadd.s32 $0x8, s26  }
.LBB1_4:
0x6e: {  	s0 =	sshrl.u32 s27, $0xA  }
0x6f: {  	s1 =	sshrl.u32 s26, $0xA;
	s2 =	sshrl.u32 s28, $0x4;
	s0 =	sand.u32 $0x7, s0  }
0x70: {  	s1 =	sand.u32 $0x7, s1;
	s2 =	sand.u32 $0x38, s2;
	s0 =	smul.u32 $0x1020, s0  }
0x71: {  	s1 =	smul.u32 $0x1020, s1;
	s2 =	sxor.u32 $0x20, s2  }
0x72: {  	s3 =	sshll.u32 s25, $0x2;
	s2 =	smul.u32 $0x204, s2  }
0x73: {  	s30 =	simm.s32 $0x0;
	s3 =	sand.u32 $0x1FC, s3  }
0x74: {  	s0 =	sadd.s32 s3, s0;
	s1 =	sadd.s32 s3, s1;
	s2 =	sadd.s32 s3, s2  }
0x75: {  	s0 =	sshrl.u32 s0, $0x2;
	s29 =	sshrl.u32 s1, $0x2;
	s31 =	sshrl.u32 s2, $0x2  }
0x76: {  	s3 =	sadd.s32 s0, s24;
	s4 =	sadd.s32 s29, s24;
	s1 =	sadd.s32 s31, s24  }
.LBB1_5:
0x77: {  	s0 =	sadd.s32 s28, s30  }
0x78: {  	s0 =	sshll.u32 s0, $0x8  }
0x79: {  	s0 =	sshra.s32 s0, $0x2  }
0x7a: {  	s0 =	sadd.s32 s0, s23  }
0x7b: {  	v0 =	vmov s0;
	_ =	sdelay $0x1  }
0x7c: {  	p2 =	sne.s32 s22, $0x1  }
.Ltmp6:
0x7d: {  	s31 =	simm.s32 $0x0;
	(pc) =	sbr.rel @!p2 .LBB1_6-.Ltmp6, $4  }
0x7e: {  	s2 =	sand.u32 $0x1C0, s31  }
0x7f: {  	v3 =	vld.idx.msk [tilespmem:v0+s2+$0x20 ss:$0x1], $0xffff  }
0x80: {  	v5 =	vld.idx.msk [tilespmem:v0+s2+$0x0 ss:$0x1], $0xffff  }
0x81: {  	p1 =	por $0x0, $0x0;
	s0 =	sadd.s32 $0xFFFFFFFF, s22;
	v6 =	vld.idx.msk [tilespmem:v0+s2+$0x10 ss:$0x1], $0xffff;
	s2 =	simm.s32 $0x40  }
0x82: {  	_ =	sdelay $0x1  }
0x83: {  	p2 =	sne.s32 s0, $0x1  }
.Ltmp7:
0x84: {  	s5 =	sand.u32 $0x1C0, s2;
	(pc) =	sbr.rel @!p2 .LBB1_8-.Ltmp7, $4  }
0x85: {  	v1 =	vld.idx.msk [tilespmem:v0+s5+$0x20 ss:$0x1], $0xffff  }
0x86: {  	v4 =	vld.idx.msk [tilespmem:v0+s5+$0x0 ss:$0x1], $0xffff;
	[tilespmem:s1+$0x0 ss:$0x81] =	vst.msk $0xffff, v3  }
0x87: {  	s2 =	sadd.s32 $0xFFFFFFFF, s0;
	s29 =	sadd.s32 $0x2040, s1;
	p1 =	por $0x1, $0x1;
	v2 =	vld.idx.msk [tilespmem:v0+s5+$0x10 ss:$0x1], $0xffff;
	[tilespmem:s3+$0x0 ss:$0x81] =	vst.msk $0xffff, v5  }
0x88: {  	s0 =	smov.u32 s3;
	s31 =	smov.u32 s4;
	s5 =	simm.s32 $0x80;
	[tilespmem:s4+$0x0 ss:$0x81] =	vst.msk $0xffff, v6  }
.LBB1_9:
0x89: {  	s16 =	sand.u32 $0x1C0, s5;
	p2 =	sne.s32 s2, $0x1;
	s2 =	sadd.s32 $0xFFFFFFFF, s2  }
.Ltmp8:
0x8a: {  	s0 =	sadd.s32 $0x2040, s0;
	[tilespmem:s29+$0x0 ss:$0x81] =	vst.msk $0xffff, v1;
	v1 =	vld.idx.msk [tilespmem:v0+s16+$0x20 ss:$0x1], $0xffff;
	(pc) =	sbr.rel @p2 .LBB1_9-.Ltmp8, $3  }
0x8b: {  	s31 =	sadd.s32 $0x2040, s31;
	[tilespmem:s0+$0x0 ss:$0x81] =	vst.msk $0xffff, v4;
	v4 =	vld.idx.msk [tilespmem:v0+s16+$0x0 ss:$0x1], $0xffff  }
0x8c: {  	[tilespmem:s31+$0x0 ss:$0x81] =	vst.msk $0xffff, v2;
	v2 =	vld.idx.msk [tilespmem:v0+s16+$0x10 ss:$0x1], $0xffff;
	_ =	sdelay $0x1  }
0x8d: {  	s5 =	sadd.s32 $0x40, s5;
	s29 =	sadd.s32 $0x2040, s29  }
0x8e: {  	_ =	sdelay $0x1  }
0x8f: {  	v3 =	vmov v1;
	v5 =	vmov v4;
	v6 =	vmov v2  }
.LBB1_11:
0x90: {  	s0 =	sadd.s32 @p1 $0x2040, s0;
	s2 =	sadd.s32 $0x2040, s3  }
0x91: {  	s30 =	sadd.s32 $0x1, s30;
	s3 =	smov.u32 @p1 s0;
	s0 =	sadd.s32 @p1 $0x2040, s31  }
0x92: {  	s5 =	sadd.s32 $0x2040, s4;
	s4 =	smov.u32 @p1 s0;
	p1 =	sne.s32 s30, s21  }
.Ltmp9:
0x93: {  	_ = 	snop;
	(pc) =	sbr.rel @p1 .LBB1_5-.Ltmp9, $4  }
.Ltmp10:
0x94: {  	_ = 	snop;
	(pc) =	sbr.rel @!p1 .LBB1_12-.Ltmp10, $4  }
0x95: {  	[tilespmem:s29+$0x0 ss:$0x81] =	vst.msk $0xffff, v3  }
0x96: {  	[tilespmem:s3+$0x0 ss:$0x81] =	vst.msk $0xffff, v5  }
0x97: {  	s1 =	sadd.s32 $0x2040, s1;
	s3 =	smov.u32 s2;
	[tilespmem:s4+$0x0 ss:$0x81] =	vst.msk $0xffff, v6;
	s4 =	smov.u32 s5  }
0x98: {  	_ = 	snop  }
.LBB1_6:
.Ltmp11:
0x99: {  	(pc) =	sbr.rel .LBB1_11-.Ltmp11, $2  }
0x9a: {  	_ =	sdelay $0x2  }
0x9b: {  	s29 =	smov.u32 s1;
	s0 =	smov.u32 s3;
	s31 =	smov.u32 s4  }
.LBB1_8:
.Ltmp12:
0x9c: {  	(pc) =	sbr.rel .LBB1_11-.Ltmp12, $2  }
0x9d: {  	_ =	sdelay $0x2  }
0x9e: {  	s0 =	smov.u32 s3;
	s31 =	smov.u32 s4;
	v3 =	vmov v1;
	v5 =	vmov v4;
	v6 =	vmov v2  }
.LBB1_15:
0x9f: {  	_ =	sfence.sel $0x180000  }
0xa0: {  	s0 =	simm.s32 $0x1;
	[bflag:$0x0] =	sbarrier.arrive $0xFFFF  }
0xa1: {  	s30 =	simm.s32 $0x2;
	[sflag:s0] =	ssyncpa.u1 $0x1  }
0xa2: {  	[sflag:s30] =	ssyncpa.u1 $0x1  }
0xa3: {  	_ =	strace $0x9000004A  }
0xa4: {  	s31 =	stileid.u32;
	[bflag:$0x2] =	sbarrier.arrive $0xFFFF  }
0xa5: {  	p0 =	sne.s32 s31, $0x0;
	s0 =	rddreg [dreg:$0x1]  }
0xa6: {  	s0 =	sadd.s32 @!p0 $0x100000, s0  }
0xa7: {  	[sflag:s0] =	ssyncadd.tile.s32 @!p0 $0x1;
	_ =	shalt  }
.Lfunc_end1:
_tile_overlayer_lowered:
.L_overlay_start_2:
0xa8: {  	(tag) =	ssettag $0x2  }
0xa9: {  	s0 =	rddreg [dreg:$0x0];
	s2 =	stileid.u32  }
0xaa: {  	s1 =	rddreg [dreg:$0x1];
	p0 =	sne.s32 s2, $0x0  }
0xab: {  	s3 =	rddreg [dreg:$0x2];
	[bflag:$0x3] =	sbarrier.arrive $0xFFFF;
	s2 =	simm.s32 @!p0 $0x1C01  }
0xac: {  	[timem:s3], [sflag:s2] =	dma.local @!p0 [hbm:s0], s1  }
0xad: {  	s0 =	simm.s32 @!p0 $0x1  }
0xae: {  	_ =	swait.ge @!p0 [sflag:s0], s1  }
0xaf: {  	s1 =	ssub.s32 @!p0 $0x0, s1;
	[sflag:s0] =	ssyncset.done @!p0 $0x0  }
0xb0: {  	[sflag:s0] =	ssyncadd.s32 @!p0 s1  }
0xb1: {  	[bflag:$0x3] =	sbarrier.arrive $0xFFFF  }
0xb2: {  	_ =	shalt  }

// kernel: sparse-core-data-format-call.cloned.1.call-start
scs
called_computation_lowered:
.L_overlay_start_0:
0x0: {  	s1 =	sld [smem:$0x3FD9]  }
0x1: {  	s2 =	sld [smem:$0x3FFE];
	_ =	sdelay $0x1  }
0x2: {  	s3 =	srdreg.scid  }
0x3: {  	s0 =	sand.u32 $0x1, s3  }
0x4: {  	s17 =	sshll.u32 s0, $0xA;
	s1 =	sadd.s32 s2, s1  }
0x5: {  	s1 =	sadd.s32 s1, s17  }
0x6: {  	[smem:$0x3FC1] =	sst s1  }
0x7: {  	_ = 	snop  }
0x8: {  	(tm) =	ssettm $0x1  }
0x9: {  	s18 =	sld [smem:$0x3FFB];
	_ =	sdelay $0x3  }
0xa: {  	_ =	strace s18  }
0xb: {  	s1 =	sld [smem:$0x3FFC];
	_ =	sdelay $0x3  }
0xc: {  	_ =	strace s1  }
0xd: {  	s1 =	sld [smem:$0x3FFD];
	_ =	sdelay $0x3  }
0xe: {  	_ =	strace s1  }
0xf: {  	_ =	strace $0x8FFFFFFF  }
0x10: {  	s19 =	sld [smem:$0x3FDB];
	_ =	sdelay $0x1  }
0x11: {  	s20 =	simm.s32 $_scs_section_size  }
0x12: {  	s4 =	simm.s32 $_size__tile_overlayer_lowered;
	s5 =	simm.s32 $_tile_overlayer_lowered  }
0x13: {  	s23 =	simm.s32 $0x1BFF;
	s22 =	sshll.u32 s5, $0x1;
	s1 =	sadd.s32 s20, s19  }
0x14: {  	s6 =	simm.s32 $0x0;
	s21 =	sshll.u32 s4, $0x1;
	s4 =	sadd.s32 s22, s1  }
0x15: {  	[timem:s6], [sflag:s23] =	dma.local [hbm:s4], s21  }
0x16: {  	_ =	swait.ge [sflag:s23], s21  }
0x17: {  	s2 =	ssub.s32 $0x0, s21;
	[sflag:s23] =	ssyncset.done $0x0  }
0x18: {  	[sflag:s23] =	ssyncadd.s32 s2;
	_ =	sdelay $0x1  }
0x19: {  	s24 =	simm.s32 $0x1B8B  }
0x1a: {  	_ =	swait.ge [sflag:s24], $0x1  }
0x1b: {  	[sflag:s24] =	ssyncset.done $0x0  }
0x1c: {  	s26 =	simm.s32 $0x1B8E;
	s25 =	sld [smem:$0x3FFE];
	[sflag:s24] =	ssyncadd.s32 $0xFFFFFFFF  }
0x1d: {  	s27 =	simm.s32 $execute0_lowered;
	[smem:$0x3FD2] =	sst s26  }
0x1e: {  	s4 =	sshll.u32 s27, $0x1;
	_ =	strace $0x80000046;
	[dreg:$0x1] =	wrdreg $0xFFFFFFFF  }
0x1f: {  	s28 =	simm.s32 $_size_execute0_lowered;
	s1 =	sadd.s32 s1, s4;
	[dreg:$0x0] =	wrdreg $0x0  }
0x20: {  	s4 =	sshll.u32 s28, $0x1;
	[dreg:$0x2] =	wrdreg s1  }
0x21: {  	[dreg:$0x3] =	wrdreg s4  }
0x22: {  	[dreg:$0x4] =	wrdreg $0xC0  }
0x23: {  	_ =	task [dreg:s6], $0x5FFFF  }
0x24: {  	[dreg:$0x1] =	wrdreg $0xFFFFFFFF  }
0x25: {  	[dreg:$0x0] =	wrdreg $0x60  }
0x26: {  	[dreg:$0x2] =	wrdreg s25  }
0x27: {  	[dreg:$0x3] =	wrdreg $0x9  }
0x28: {  	_ =	task.clear_ibuf [dreg:s6], $0x4FFFF;
	_ =	strace $0x90000046  }
0x29: {  	s29 =	simm.s32 $0x9;
	_ =	strace $0x80000048  }
0x2a: {  	_ =	swait.ge [sflag:s29], $0x1  }
0x2b: {  	[sflag:s29] =	ssyncadd.s32 $0xFFFFFFFF  }
0x2c: {  	_ =	strace $0x90000048  }
0x2d: {  	_ =	sfence  }
0x2e: {  	s30 =	sld [smem:$0x0];
	_ =	sdelay $0x2  }
0x2f: {  	s31 =	sshll.u32 s3, $0xD;
	s3 =	sshrl.u32 s3, $0x2  }
0x30: {  	s2 =	sand.u32 $0x4000, s31;
	s1 =	sadd.s32 s3, s30  }
0x31: {  	s0 =	sor.u32 s2, s0;
	s1 =	sshll.u32 s1, $0x11  }
0x32: {  	s0 =	sor.u32 s1, s0  }
0x33: {  	s0 =	sadd.s32 $0x8F2B, s0  }
0x34: {  	[sflag:s0] =	ssyncadd.remote.s32 $0x1  }
0x35: {  	_ =	sfence.sel $0xFFFF  }
0x36: {  	[dreg:$0x0] =	wrdreg $0xFFFFFFFF;
	(pc) =	sbr.abs _section_cstart, $3  }
0x37: {  	[dreg:$0x1] =	wrdreg $0xFFFFFFFF  }
0x38: {  	_ =	task.clear_ibuf [dreg:s6], $0x2FFFF;
	_ =	strace $0x9FFFFFFF  }
0x39: {  	(tm) =	ssettm $0x7FFFFFFF  }
tec
execute0_lowered:
.L_overlay_start_1:
0x0: {  	(tag) =	ssettag $0x1  }
0x1: {  	s0 =	rddreg [dreg:$0x0]  }
0x2: {  	_ =	strace $0x80000047;
	s30 =	srdreg.scid;
	s2 =	stileid.u32  }
0x3: {  	s1 =	simm.s32 $0x1;
	s31 =	simm.s32 $0x2;
	s13 =	simm.s32 $0x0  }
0x4: {  	p0 =	por $0x0, $0x0;
	s15 =	simm.s32 $0x0;
	s14 =	simm.s32 $0x0  }
0x5: {  	s6 =	simm.s32 $0x0;
	s8 =	simm.s32 $0x0;
	s9 =	simm.s32 $0x0  }
.Ltmp0:
0x6: {  	s5 =	sadd.s32 $0x4E2E00, s0;
	s0 =	sadd.s32 $0xE00, s0;
	(pc) =	sbr.rel .LBB1_1-.Ltmp0, $4  }
0x7: {  	s10 =	simm.s32 $0x0;
	[dreg:$0x3] =	wrdreg s0;
	s0 =	sshll.u32 s30, $0x4  }
0x8: {  	s12 =	simm.s32 $0x0;
	s7 =	simm.s32 $0x0;
	s0 =	sand.u32 $0x10, s0  }
0x9: {  	[sflag:s1] =	ssyncpa.u1 $0x0;
	[dreg:$0x2] =	wrdreg s5;
	s16 =	sor.u32 s2, s0  }
0xa: {  	[sflag:s31] =	ssyncpa.u1 $0x0;
	s11 =	smov.u32 s16;
	[dreg:$0x4] =	wrdreg s16  }
.LBB1_13:
0xb: {  	p1 =	sgt.s32 s9, $0x0  }
0xc: {  	s0 =	smov.u32 s9;
	s1 =	sshrl.u32 s9, $0x4;
	s2 =	rddreg [dreg:$0x5]  }
0xd: {  	s3 =	smov.u32 s6;
	s28 =	smul.u32 $0x27100, s8;
	s29 =	sshrl.u32 s9, $0x3  }
0xe: {  	s5 =	smul.u32 $0x280, s6;
	s16 =	rddreg [dreg:$0x3];
	s0 =	simm.s32 @!p1 $0x0  }
0xf: {  	s30 =	smul.u32 $0x2040, s19;
	s1 =	sand.u32 $0x1FFFFF8, s1;
	s0 =	sadd.s32 s0, s2  }
0x10: {  	p1 =	sgt.s32 s6, $0xF9;
	s24 =	smulhi.u32 $0x6666667, s1;
	s4 =	ssub.s32 $0x80, s0  }
0x11: {  	s31 =	sand.u32 $0x7, s9;
	s3 =	simm.s32 @!p1 $0xF9;
	s4 =	smul.u32 $0x28, s4  }
0x12: {  	s3 =	sadd.s32 s18, s3;
	p1 =	sgt.s32 s0, $0x7F;
	s25 =	smul.u32 $0x28, s24  }
0x13: {  	s26 =	sadd.s32 $0xFFFFFF07, s3;
	s2 =	ssub.s32 $0xFA, s3;
	s4 =	simm.s32 @p1 $0x0  }
0x14: {  	s3 =	sand.u32 $0xF, s29;
	p1 =	sgt.s32 s26, $0x0;
	s27 =	smul.u32 s17, s4  }
0x15: {  	s0 =	ssub.s32 s1, s25;
	s2 =	simm.s32 @p1 $0x0;
	s4 =	sadd.s32 s16, s28  }
0x16: {  	s1 =	sor.u32 $0x4000, s30;
	s3 =	sadd.s32 s3, s4;
	s2 =	smul.u32 s2, s27  }
0x17: {  	s0 =	sshll.u32 s0, $0x4;
	s16 =	rddreg [dreg:$0x4];
	s3 =	sadd.s32 s5, s3  }
0x18: {  	s5 =	rddreg [dreg:$0x2];
	s0 =	sadd.s32 s0, s3;
	s2 =	sand.u32 $0x3FFFFFF8, s2  }
0x19: {  	[hbm4b:s0+s31] =	stream.linear.scatter [tilespmem:s1], [sflag:$0x2], s2, $0x20;
	[tilespmem:$0x8080] =	vst v63  }
.LBB1_14:
0x1a: {  	p1 =	slt.u32 s7, $0x2  }
0x1b: {  	p2 =	sgt.s32 @!p1 s15, $0x1F  }
0x1c: {  	s0 =	smov.u32 s15;
	s1 =	sshra.s32 @!p1 s15, $0x1F;
	p2 =	por !p2, p1  }
0x1d: {  	s2 =	smov.u32 s13;
	s1 =	sand.u32 @!p1 s1, s15;
	s0 =	simm.s32 @p2 $0x1F  }
0x1e: {  	p3 =	sgt.s32 @!p1 s13, $0xF9;
	s3 =	sshra.s32 @!p1 s13, $0x1F;
	s0 =	ssub.s32 @!p1 s0, s1  }
0x1f: {  	p3 =	por !p3, p1;
	s3 =	sand.u32 @!p1 s3, s13;
	s1 =	sadd.s32 @!p1 $0xFFFFFFE1, s0  }
0x20: {  	s2 =	simm.s32 @p3 $0xF9;
	p2 =	sgt.s32 @!p1 s1, $0x0;
	s1 =	ssub.s32 @!p1 $0x0, s14  }
0x21: {  	s2 =	ssub.s32 @!p1 s2, s3;
	s1 =	smin.u32 @!p1 s14, s1  }
0x22: {  	s0 =	ssub.s32 @!p1 $0x20, s0;
	s3 =	sadd.s32 @!p1 $0xFFFFFF07, s2;
	s4 =	ssub.s32 @!p1 $0x80, s1  }
0x23: {  	p2 =	por !p2, p1;
	p3 =	sgt.s32 @!p1 s1, $0x7F;
	s1 =	smul.u32 @!p1 $0x28, s4  }
0x24: {  	s2 =	ssub.s32 @!p1 $0xFA, s2;
	s0 =	simm.s32 @!p2 $0x0;
	p2 =	por !p3, p1  }
0x25: {  	p3 =	sgt.s32 @!p1 s3, $0x0;
	s3 =	sadd.s32 $0x20, s11;
	s1 =	simm.s32 @!p2 $0x0  }
0x26: {  	p2 =	por !p3, p1;
	s0 =	smul.u32 @!p1 s0, s1;
	s1 =	sadd.s32 $0x1, s10  }
0x27: {  	s4 =	smov.u32 s11;
	s2 =	simm.s32 @!p2 $0x0;
	p2 =	sgt.s32 s1, $0xF9  }
0x28: {  	s0 =	smul.u32 @!p1 s2, s0;
	s4 =	smov.u32 @p2 s3  }
0x29: {  	s2 =	sadd.s32 $0x80, s12;
	s3 =	smov.u32 s12;
	p3 =	sgt.s32 s4, $0x1F  }
0x2a: {  	s7 =	sadd.s32 $0x1, s7;
	p0 =	por !p0, !p0;
	s3 =	smov.u32 @p3 s2  }
0x2b: {  	s13 =	smov.u32 s6;
	s1 =	simm.s32 @p2 $0x0;
	p2 =	sgt.s32 s3, $0x5F  }
0x2c: {  	s15 =	smov.u32 s8;
	s3 =	simm.s32 @p2 $0x0;
	p2 =	sne.s32 s7, $0xFC  }
.Ltmp1:
0x2d: {  	s6 =	smov.u32 s10;
	s8 =	smov.u32 s11;
	(pc) =	sbr.rel @!p2 .LBB1_15-.Ltmp1, $4  }
0x2e: {  	s14 =	smov.u32 s9;
	s0 =	sand.u32 @!p1 $0x3FFFFFF8, s0;
	s2 =	simm.s32 @!p1 $0x2  }
0x2f: {  	s9 =	smov.u32 s12;
	s10 =	smov.u32 s1;
	_ =	swait.ge @!p1 [sflag:s2], s0  }
0x30: {  	s4 =	smov.u32 @p3 s16;
	s0 =	ssub.s32 @!p1 $0x0, s0;
	[sflag:s2] =	ssyncset.done @!p1 $0x0  }
0x31: {  	s11 =	smov.u32 s4;
	[sflag:s2] =	ssyncadd.s32 @!p1 s0;
	s12 =	smov.u32 s3  }
.LBB1_1:
0x32: {  	p1 =	sgt.u32 s7, $0xF9;
	s0 =	smov.u32 s12  }
0x33: {  	s3 =	smov.u32 s11;
	p2 =	sgt.s32 @!p1 s12, $0xFFFFFFE0;
	s1 =	sxor.u32 @!p1 $0xFFFFFFFF, s7  }
0x34: {  	s2 =	sshra.s32 @!p1 s12, $0x1F;
	s4 =	sshra.s32 @!p1 s11, $0x1F;
	p2 =	por !p2, p1  }
0x35: {  	s2 =	sand.u32 @!p1 s2, s12;
	s0 =	simm.s32 @p2 $0xFFFFFFE0;
	p2 =	sgt.s32 @!p1 s11, $0x1F  }
0x36: {  	s4 =	sand.u32 @!p1 s4, s11;
	s1 =	sshll.u32 @!p1 s1, $0xD;
	p2 =	por !p2, p1  }
0x37: {  	s1 =	sand.u32 @!p1 $0x2000, s1;
	s0 =	ssub.s32 @!p1 s0, s2;
	s3 =	simm.s32 @p2 $0x1F  }
0x38: {  	p2 =	sgt.s32 @!p1 s10, $0xFF;
	s0 =	sadd.s32 @!p1 $0x20, s0;
	s2 =	ssub.s32 @!p1 s3, s4  }
0x39: {  	p2 =	por !p2, p1;
	s4 =	smov.u32 s10;
	s3 =	sadd.s32 @!p1 $0xFFFFFFE1, s2  }
0x3a: {  	s4 =	simm.s32 @p2 $0xFF;
	p3 =	sgt.s32 @!p1 s3, $0x0;
	s3 =	sshra.s32 @!p1 s10, $0x1F  }
0x3b: {  	p2 =	sgt.s32 @!p1 s0, $0x7F;
	s0 =	sshll.u32 @!p1 s0, $0x6;
	s3 =	sand.u32 @!p1 s3, s10  }
0x3c: {  	s2 =	ssub.s32 @!p1 $0x20, s2;
	s0 =	ssub.s32 @!p1 $0x2000, s0;
	s3 =	ssub.s32 @!p1 s4, s3  }
0x3d: {  	p2 =	por !p2, p1;
	p3 =	por !p3, p1;
	s4 =	sadd.s32 @!p1 $0xFFFFFF01, s3  }
0x3e: {  	s0 =	simm.s32 @!p2 $0x0;
	s2 =	simm.s32 @!p3 $0x0;
	p3 =	sgt.s32 @!p1 s4, $0x0  }
0x3f: {  	s3 =	ssub.s32 @!p1 $0x100, s3;
	s0 =	smul.u32 @!p1 s2, s0;
	p2 =	por !p3, p1  }
0x40: {  	s2 =	sshll.u32 @!p1 s12, $0x11;
	s4 =	sshll.u32 @!p1 s10, $0x4;
	s3 =	simm.s32 @!p2 $0x0  }
0x41: {  	s2 =	sadd.s32 @!p1 s5, s2;
	s0 =	smul.u32 @!p1 s3, s0;
	s3 =	sshll.u32 @!p1 s11, $0xC  }
0x42: {  	s4 =	sand.u32 @!p1 $0xFF0, s4;
	s2 =	sadd.s32 @!p1 s3, s2;
	s3 =	simm.s32 @!p1 $0x40  }
0x43: {  	s0 =	sand.u32 @!p1 $0x3FFFFFC0, s0;
	s2 =	sadd.s32 @!p1 s4, s2;
	s4 =	simm.s32 @!p1 $0x100000  }
0x44: {  	[tilespmem:s1], [sflag:$0x1] =	stream.strided.gather @!p1 [hbm4b:s2+s3], s0, s4, s3, $0x38;
	[tilespmem:$0x8080] =	vst v63  }
0x45: {  	p1 =	seq.s32 s7, $0x0  }
0x46: {  	p2 =	seq.s32 @!p1 s7, $0xFB  }
0x47: {  	p1 =	por p1, p2  }
.Ltmp2:
0x48: {  	_ = 	snop;
	(pc) =	sbr.rel @p1 .LBB1_14-.Ltmp2, $1  }
0x49: {  	_ =	sdelay $0x3  }
0x4a: {  	s0 =	ssub.s32 $0x0, s9;
	s1 =	sshra.s32 s9, $0x1F  }
0x4b: {  	p1 =	sgt.s32 s9, $0xFFFFFFE0;
	s2 =	smov.u32 s9;
	s28 =	sshra.s32 s8, $0x1F  }
0x4c: {  	s29 =	ssub.s32 $0x0, s6;
	s3 =	sshra.s32 s6, $0x1F;
	p2 =	sgt.s32 s6, $0xFF  }
0x4d: {  	s4 =	smov.u32 s6;
	s0 =	sand.u32 s0, s1;
	s2 =	simm.s32 @!p1 $0xFFFFFFE0  }
0x4e: {  	p1 =	sgt.s32 s8, $0x1F;
	s1 =	smov.u32 s8;
	s18 =	sand.u32 s29, s3  }
0x4f: {  	s4 =	simm.s32 @!p2 $0xFF;
	s3 =	sadd.s32 $0x1, s8;
	[dreg:$0x5] =	wrdreg s0  }
0x50: {  	s0 =	sadd.s32 s0, s2;
	s1 =	simm.s32 @!p1 $0x1F;
	s2 =	sand.u32 s28, s8  }
0x51: {  	s0 =	sadd.s32 $0x20, s0;
	s1 =	ssub.s32 s1, s2;
	s2 =	sadd.s32 s18, s4  }
0x52: {  	p1 =	sgt.s32 s0, $0x7F;
	s5 =	sadd.s32 $0xFFFFFFE1, s1;
	s0 =	sshll.u32 s0, $0x6  }
0x53: {  	s17 =	ssub.s32 $0x20, s1;
	s30 =	sadd.s32 $0xFFFFFF01, s2;
	s1 =	ssub.s32 $0x100, s2  }
0x54: {  	s2 =	sadd.s32 $0x80, s9;
	p2 =	sgt.s32 s5, $0x0;
	s0 =	ssub.s32 $0x2000, s0  }
0x55: {  	s17 =	simm.s32 @p2 $0x0;
	s0 =	simm.s32 @p1 $0x0;
	p1 =	slt.s32 s2, $0x60  }
0x56: {  	p2 =	sgt.s32 s30, $0x0;
	s0 =	smul.u32 s17, s0;
	s2 =	simm.s32 @!p1 $0x60  }
0x57: {  	s1 =	simm.s32 @p2 $0x0;
	p1 =	slt.s32 s3, $0x20;
	s20 =	ssub.s32 s2, s9  }
0x58: {  	s3 =	simm.s32 @!p1 $0x20;
	s0 =	smul.u32 s1, s0;
	s1 =	sadd.s32 $0x1, s6  }
0x59: {  	s21 =	ssub.s32 s3, s8;
	p1 =	slt.s32 s20, $0x1;
	p2 =	slt.s32 s1, $0xFA  }
0x5a: {  	s1 =	simm.s32 @!p2 $0xFA;
	p2 =	slt.s32 @!p1 s21, $0x1  }
0x5b: {  	s22 =	ssub.s32 s1, s6;
	p2 =	por p1, p2  }
0x5c: {  	p3 =	slt.s32 @!p2 s22, $0x1  }
0x5d: {  	p2 =	por p2, p3  }
.Ltmp3:
0x5e: {  	_ = 	snop;
	(pc) =	sbr.rel @p2 .LBB1_13-.Ltmp3, $4  }
0x5f: {  	s31 =	simm.s32 $0x1;
	s0 =	sand.u32 $0x3FFFFFC0, s0  }
0x60: {  	_ =	swait.ge [sflag:s31], s0  }
0x61: {  	s0 =	ssub.s32 $0x0, s0;
	[sflag:s31] =	ssyncset.done $0x0  }
0x62: {  	s19 =	sand.u32 $0x1, s7;
	[sflag:s31] =	ssyncadd.s32 s0  }
0x63: {  	s0 =	simm.s32 $0x1  }
.Ltmp4:
0x64: {  	s0 =	simm.s32 @!p0 $0x0;
	(pc) =	sbr.rel .LBB1_4-.Ltmp4, $4  }
0x65: {  	s0 =	smul.u32 $0x8100, s0  }
0x66: {  	s23 =	sshll.u32 @!p1 s19, $0xD  }
0x67: {  	s25 =	simm.s32 $0x0;
	s26 =	simm.s32 $0x800;
	s0 =	sshrl.u32 s0, $0x2  }
0x68: {  	s27 =	simm.s32 $0x0;
	s28 =	simm.s32 $0x0;
	s24 =	sor.u32 $0x4000, s0  }
.LBB1_12:
0x69: {  	s28 =	sadd.s32 $0x1, s28  }
0x6a: {  	p1 =	sne.s32 s28, s20  }
.Ltmp5:
0x6b: {  	_ = 	snop;
	(pc) =	sbr.rel @!p1 .LBB1_13-.Ltmp5, $2  }
0x6c: {  	_ =	sdelay $0x2  }
0x6d: {  	s27 =	sadd.s32 $0x8, s27;
	s25 =	sadd.s32 $0x1, s25;
	s26 =	sadd.s32 $0x8, s26  }
.LBB1_4:
0x6e: {  	s0 =	sshrl.u32 s27, $0xA  }
0x6f: {  	s1 =	sshrl.u32 s26, $0xA;
	s2 =	sshrl.u32 s28, $0x4;
	s0 =	sand.u32 $0x7, s0  }
0x70: {  	s1 =	sand.u32 $0x7, s1;
	s2 =	sand.u32 $0x38, s2;
	s0 =	smul.u32 $0x1020, s0  }
0x71: {  	s1 =	smul.u32 $0x1020, s1;
	s2 =	sxor.u32 $0x20, s2  }
0x72: {  	s3 =	sshll.u32 s25, $0x2;
	s2 =	smul.u32 $0x204, s2  }
0x73: {  	s30 =	simm.s32 $0x0;
	s3 =	sand.u32 $0x1FC, s3  }
0x74: {  	s0 =	sadd.s32 s3, s0;
	s1 =	sadd.s32 s3, s1;
	s2 =	sadd.s32 s3, s2  }
0x75: {  	s0 =	sshrl.u32 s0, $0x2;
	s29 =	sshrl.u32 s1, $0x2;
	s31 =	sshrl.u32 s2, $0x2  }
0x76: {  	s3 =	sadd.s32 s0, s24;
	s4 =	sadd.s32 s29, s24;
	s1 =	sadd.s32 s31, s24  }
.LBB1_5:
0x77: {  	s0 =	sadd.s32 s28, s30  }
0x78: {  	s0 =	sshll.u32 s0, $0x8  }
0x79: {  	s0 =	sshra.s32 s0, $0x2  }
0x7a: {  	s0 =	sadd.s32 s0, s23  }
0x7b: {  	v0 =	vmov s0;
	_ =	sdelay $0x1  }
0x7c: {  	p2 =	sne.s32 s22, $0x1  }
.Ltmp6:
0x7d: {  	s31 =	simm.s32 $0x0;
	(pc) =	sbr.rel @!p2 .LBB1_6-.Ltmp6, $4  }
0x7e: {  	s2 =	sand.u32 $0x1C0, s31  }
0x7f: {  	v3 =	vld.idx.msk [tilespmem:v0+s2+$0x20 ss:$0x1], $0xffff  }
0x80: {  	v5 =	vld.idx.msk [tilespmem:v0+s2+$0x0 ss:$0x1], $0xffff  }
0x81: {  	p1 =	por $0x0, $0x0;
	s0 =	sadd.s32 $0xFFFFFFFF, s22;
	v6 =	vld.idx.msk [tilespmem:v0+s2+$0x10 ss:$0x1], $0xffff;
	s2 =	simm.s32 $0x40  }
0x82: {  	_ =	sdelay $0x1  }
0x83: {  	p2 =	sne.s32 s0, $0x1  }
.Ltmp7:
0x84: {  	s5 =	sand.u32 $0x1C0, s2;
	(pc) =	sbr.rel @!p2 .LBB1_8-.Ltmp7, $4  }
0x85: {  	v1 =	vld.idx.msk [tilespmem:v0+s5+$0x20 ss:$0x1], $0xffff  }
0x86: {  	v4 =	vld.idx.msk [tilespmem:v0+s5+$0x0 ss:$0x1], $0xffff;
	[tilespmem:s1+$0x0 ss:$0x81] =	vst.msk $0xffff, v3  }
0x87: {  	s2 =	sadd.s32 $0xFFFFFFFF, s0;
	s29 =	sadd.s32 $0x2040, s1;
	p1 =	por $0x1, $0x1;
	v2 =	vld.idx.msk [tilespmem:v0+s5+$0x10 ss:$0x1], $0xffff;
	[tilespmem:s3+$0x0 ss:$0x81] =	vst.msk $0xffff, v5  }
0x88: {  	s0 =	smov.u32 s3;
	s31 =	smov.u32 s4;
	s5 =	simm.s32 $0x80;
	[tilespmem:s4+$0x0 ss:$0x81] =	vst.msk $0xffff, v6  }
.LBB1_9:
0x89: {  	s16 =	sand.u32 $0x1C0, s5;
	p2 =	sne.s32 s2, $0x1;
	s2 =	sadd.s32 $0xFFFFFFFF, s2  }
.Ltmp8:
0x8a: {  	s0 =	sadd.s32 $0x2040, s0;
	[tilespmem:s29+$0x0 ss:$0x81] =	vst.msk $0xffff, v1;
	v1 =	vld.idx.msk [tilespmem:v0+s16+$0x20 ss:$0x1], $0xffff;
	(pc) =	sbr.rel @p2 .LBB1_9-.Ltmp8, $3  }
0x8b: {  	s31 =	sadd.s32 $0x2040, s31;
	[tilespmem:s0+$0x0 ss:$0x81] =	vst.msk $0xffff, v4;
	v4 =	vld.idx.msk [tilespmem:v0+s16+$0x0 ss:$0x1], $0xffff  }
0x8c: {  	[tilespmem:s31+$0x0 ss:$0x81] =	vst.msk $0xffff, v2;
	v2 =	vld.idx.msk [tilespmem:v0+s16+$0x10 ss:$0x1], $0xffff;
	_ =	sdelay $0x1  }
0x8d: {  	s5 =	sadd.s32 $0x40, s5;
	s29 =	sadd.s32 $0x2040, s29  }
0x8e: {  	_ =	sdelay $0x1  }
0x8f: {  	v3 =	vmov v1;
	v5 =	vmov v4;
	v6 =	vmov v2  }
.LBB1_11:
0x90: {  	s0 =	sadd.s32 @p1 $0x2040, s0;
	s2 =	sadd.s32 $0x2040, s3  }
0x91: {  	s30 =	sadd.s32 $0x1, s30;
	s3 =	smov.u32 @p1 s0;
	s0 =	sadd.s32 @p1 $0x2040, s31  }
0x92: {  	s5 =	sadd.s32 $0x2040, s4;
	s4 =	smov.u32 @p1 s0;
	p1 =	sne.s32 s30, s21  }
.Ltmp9:
0x93: {  	_ = 	snop;
	(pc) =	sbr.rel @p1 .LBB1_5-.Ltmp9, $4  }
.Ltmp10:
0x94: {  	_ = 	snop;
	(pc) =	sbr.rel @!p1 .LBB1_12-.Ltmp10, $4  }
0x95: {  	[tilespmem:s29+$0x0 ss:$0x81] =	vst.msk $0xffff, v3  }
0x96: {  	[tilespmem:s3+$0x0 ss:$0x81] =	vst.msk $0xffff, v5  }
0x97: {  	s1 =	sadd.s32 $0x2040, s1;
	s3 =	smov.u32 s2;
	[tilespmem:s4+$0x0 ss:$0x81] =	vst.msk $0xffff, v6;
	s4 =	smov.u32 s5  }
0x98: {  	_ = 	snop  }
.LBB1_6:
.Ltmp11:
0x99: {  	(pc) =	sbr.rel .LBB1_11-.Ltmp11, $2  }
0x9a: {  	_ =	sdelay $0x2  }
0x9b: {  	s29 =	smov.u32 s1;
	s0 =	smov.u32 s3;
	s31 =	smov.u32 s4  }
.LBB1_8:
.Ltmp12:
0x9c: {  	(pc) =	sbr.rel .LBB1_11-.Ltmp12, $2  }
0x9d: {  	_ =	sdelay $0x2  }
0x9e: {  	s0 =	smov.u32 s3;
	s31 =	smov.u32 s4;
	v3 =	vmov v1;
	v5 =	vmov v4;
	v6 =	vmov v2  }
.LBB1_15:
0x9f: {  	_ =	sfence.sel $0x180000  }
0xa0: {  	s0 =	simm.s32 $0x1;
	[bflag:$0x0] =	sbarrier.arrive $0xFFFF  }
0xa1: {  	s30 =	simm.s32 $0x2;
	[sflag:s0] =	ssyncpa.u1 $0x1  }
0xa2: {  	[sflag:s30] =	ssyncpa.u1 $0x1  }
0xa3: {  	_ =	strace $0x90000047  }
0xa4: {  	s31 =	stileid.u32;
	[bflag:$0x2] =	sbarrier.arrive $0xFFFF  }
0xa5: {  	p0 =	sne.s32 s31, $0x0;
	s0 =	rddreg [dreg:$0x1]  }
0xa6: {  	s0 =	sadd.s32 @!p0 $0x100000, s0  }
0xa7: {  	[sflag:s0] =	ssyncadd.tile.s32 @!p0 $0x1;
	_ =	shalt  }
.Lfunc_end1:
_tile_overlayer_lowered:
.L_overlay_start_2:
0xa8: {  	(tag) =	ssettag $0x2  }
0xa9: {  	s0 =	rddreg [dreg:$0x0];
	s2 =	stileid.u32  }
0xaa: {  	s1 =	rddreg [dreg:$0x1];
	p0 =	sne.s32 s2, $0x0  }
0xab: {  	s3 =	rddreg [dreg:$0x2];
	[bflag:$0x3] =	sbarrier.arrive $0xFFFF;
	s2 =	simm.s32 @!p0 $0x1C01  }
0xac: {  	[timem:s3], [sflag:s2] =	dma.local @!p0 [hbm:s0], s1  }
0xad: {  	s0 =	simm.s32 @!p0 $0x1  }
0xae: {  	_ =	swait.ge @!p0 [sflag:s0], s1  }
0xaf: {  	s1 =	ssub.s32 @!p0 $0x0, s1;
	[sflag:s0] =	ssyncset.done @!p0 $0x0  }
0xb0: {  	[sflag:s0] =	ssyncadd.s32 @!p0 s1  }
0xb1: {  	[bflag:$0x3] =	sbarrier.arrive $0xFFFF  }
0xb2: {  	_ =	shalt  }

</sc_bundles>
